<compile_context>
chip_gen: v7x
topology: tpu7x:2x2x1
jax: 0.10.2.dev20260603
libtpu: 0.0.44.dev20260713+nightly
codegen_flags: <defaults>
</compile_context>

<pallas_src>
import jax
import jax.numpy as jnp
from jax import lax
from jax.experimental import pallas as pl
from jax.experimental.pallas import tpu as pltpu
from jax.experimental.pallas import tpu_sc as plsc

V = 8192
N = 8192
NC, NS, L = 2, 16, 16
NW = NC * NS
RPW = N // NW
RB = 4
NCHUNK = RPW // RB
_UNROLL = 16
_NVEC = V // L



def _sc_body(table_hbm, idx2_hbm, tgt_hbm,
             logits_hbm, part_hbm, svec_hbm,
             buf0, buf1, idx2_v, tgt_v, acc_v, svec_v,
             gsem0, gsem1, ssem0, ssem1):
    cid = lax.axis_index("c")
    sid = lax.axis_index("s")
    wid = sid * NC + cid
    base = wid * RPW

    pltpu.sync_copy(idx2_hbm.at[pl.ds(wid * NCHUNK, NCHUNK)], idx2_v)
    pltpu.sync_copy(tgt_hbm.at[pl.ds(base, RPW)], tgt_v)

    bufs = (buf0, buf1)
    gsems = (gsem0, gsem1)
    ssems = (ssem0, ssem1)
    lanes = lax.iota(jnp.int32, L)

    def start_gather(c, b):
        pltpu.async_copy(table_hbm.at[idx2_v.at[c]], bufs[b], gsems[b])

    def wait_gather(c, b):
        pltpu.make_async_copy(
            table_hbm.at[idx2_v.at[c]], bufs[b], gsems[b]).wait()

    def drain_scatter(b):
        pltpu.make_async_copy(
            bufs[b], logits_hbm.at[pl.ds(base, RB)], ssems[b]).wait()

    start_gather(0, 0)

    def body(g, tvec):
        tgt16 = tgt_v[pl.ds(g * L, L)]
        for k in range(4):
            c = g * 4 + k
            b = k % 2
            wait_gather(c, b)
            if k < 3:
                start_gather(c + 1, 1 - b)
            else:
                pl.when(g <= NCHUNK // 4 - 2)(
                    lambda: start_gather(c + 1, 1 - b))
            pltpu.async_copy(
                bufs[b], logits_hbm.at[pl.ds(base + c * RB, RB)], ssems[b])
            for r in range(RB):
                j = k * RB + r
                racc = jnp.zeros((L,), jnp.float32)

                def sbody(q, racc, _b=b, _r=r):
                    for u in range(_UNROLL):
                        off = pl.multiple_of(q * (_UNROLL * L) + u * L, L)
                        racc = racc + jnp.exp(bufs[_b][_r, pl.ds(off, L)])
                    return racc

                racc = lax.fori_loop(0, _NVEC // _UNROLL, sbody, racc)
                svec_v[pl.ds(g * (L * L) + j * L, L)] = racc
                t = tgt16[j]
                t_al = pl.multiple_of(t & ~(L - 1), L)
                v16 = bufs[b][r, pl.ds(t_al, L)]
                tvec = tvec + jnp.where(lanes == (t & (L - 1)), v16, 0.0)
            drain_scatter(b)
        return tvec

    tvec = lax.fori_loop(0, NCHUNK // 4, body, jnp.zeros((L,), jnp.float32))

    acc_v[...] = tvec
    pltpu.sync_copy(acc_v, part_hbm.at[pl.ds(wid * L, L)])
    pltpu.sync_copy(svec_v, svec_hbm.at[pl.ds(base * L, RPW * L)])


_sc_gather = pl.kernel(
    _sc_body,
    out_type=[
        jax.ShapeDtypeStruct((N, V), jnp.float32),
        jax.ShapeDtypeStruct((NW * L,), jnp.float32),
        jax.ShapeDtypeStruct((N * L,), jnp.float32),
    ],
    mesh=plsc.VectorSubcoreMesh(core_axis_name="c", subcore_axis_name="s"),
    compiler_params=pltpu.CompilerParams(use_tc_tiling_on_sc=True),
    scratch_types=[
        pltpu.VMEM((RB, V), jnp.float32),
        pltpu.VMEM((RB, V), jnp.float32),
        pltpu.VMEM((NCHUNK, RB), jnp.int32),
        pltpu.VMEM((RPW,), jnp.int32),
        pltpu.VMEM((L,), jnp.float32),
        pltpu.VMEM((RPW * L,), jnp.float32),
        pltpu.SemaphoreType.DMA,
        pltpu.SemaphoreType.DMA,
        pltpu.SemaphoreType.DMA,
        pltpu.SemaphoreType.DMA,
    ],
)



def _fin_body(s_ref, pt_ref, o_ref):
    x = s_ref[...]
    sel = (lax.broadcasted_iota(jnp.int32, (128, 8), 0) // L ==
           lax.broadcasted_iota(jnp.int32, (128, 8), 1)).astype(jnp.float32)
    stok = jax.lax.dot(x, sel, precision=jax.lax.Precision.HIGHEST)
    o_ref[0, 0] = (jnp.sum(jnp.log(stok)) - jnp.sum(pt_ref[...])) * (1.0 / N)


def _finalize(svec, part_t):
    return pl.pallas_call(
        _fin_body,
        out_shape=jax.ShapeDtypeStruct((1, 1), jnp.float32),
        out_specs=pl.BlockSpec(memory_space=pltpu.SMEM),
    )(svec.reshape(N * L // 128, 128), part_t)



def kernel(idx, targets, table):
    B, T = idx.shape
    idxf = idx.reshape(N).astype(jnp.int32)
    idx2 = idxf.reshape(N // RB, RB)
    tgtf = targets.reshape(N).astype(jnp.int32)
    logits, part_t, svec = _sc_gather(table, idx2, tgtf)
    loss = _finalize(svec, part_t)[0, 0]
    return logits.reshape(B, T, V), loss

# --- scband reference (transcript-rebuilt; emitter-appended) ---
"""Pipeline reference for scband-bigram-language-model-41300405518453 (READ-ONLY COPY).

The authoritative reference and input builder live on the scoring server;
editing this copy changes nothing except your own understanding.
"""

import jax, jax.numpy as jnp
import numpy as np

VOCAB = 8192
B, T = 4, 2048

def setup_inputs(seed: int = 0) -> dict:
    key = jax.random.key(seed)
    k1, k2, k3 = jax.random.split(key, 3)
    idx = jax.random.randint(k1, (B, T), 0, VOCAB, dtype=jnp.int64)
    targets = jax.random.randint(k2, (B, T), 0, VOCAB, dtype=jnp.int64)
    table = jax.random.normal(k3, (VOCAB, VOCAB), dtype=jnp.float32) * 0.02
    return {"idx": idx, "targets": targets, "table": table}

def reference(idx, targets, table):
    # logits = token_embedding_table(idx): gather rows of the (vocab, vocab) table
    logits = jnp.take(table, idx, axis=0)  # (B, T, VOCAB)
    # cross_entropy(logits.view(B*T, C), targets.view(B*T)) with mean reduction
    logp = jax.nn.log_softmax(logits, axis=-1)
    nll = -jnp.take_along_axis(logp, targets[..., None], axis=-1).squeeze(-1)  # (B, T)
    loss = jnp.mean(nll)
    return (logits, loss)

if __name__ == "__main__":
    import jax
    _d = setup_inputs()
    print(jax.jit(kernel)(*tuple(_d.values())))

</pallas_src>

<mosaic_0001>
#map = affine_map<(d0, d1) -> (0, 0)>
#map1 = affine_map<(d0, d1) -> (0)>
module attributes {stable_mosaic.version = 14 : i64} {
  func.func @_sc_body(%arg0: i32, %arg1: i32, %arg2: memref<8192x8192xf32, #tpu.memory_space<hbm>>, %arg3: memref<2048x4xi32, #tpu.memory_space<hbm>>, %arg4: memref<8192xi32, #tpu.memory_space<hbm>>, %arg5: memref<8192x8192xf32, #tpu.memory_space<hbm>>, %arg6: memref<512xf32, #tpu.memory_space<hbm>>, %arg7: memref<131072xf32, #tpu.memory_space<hbm>>, %arg8: memref<4x8192xf32, #tpu.memory_space<vmem>>, %arg9: memref<4x8192xf32, #tpu.memory_space<vmem>>, %arg10: memref<64x4xi32, #tpu.memory_space<vmem>>, %arg11: memref<256xi32, #tpu.memory_space<vmem>>, %arg12: memref<16xf32, #tpu.memory_space<vmem>>, %arg13: memref<4096xf32, #tpu.memory_space<vmem>>, %arg14: memref<!tpu.dma_semaphore, #tpu.memory_space<semaphore_mem>>, %arg15: memref<!tpu.dma_semaphore, #tpu.memory_space<semaphore_mem>>, %arg16: memref<!tpu.dma_semaphore, #tpu.memory_space<semaphore_mem>>, %arg17: memref<!tpu.dma_semaphore, #tpu.memory_space<semaphore_mem>>) attributes {dimension_semantics = [#tpu.dimension_semantics<core_parallel>, #tpu.dimension_semantics<subcore_parallel>], iteration_bounds = array<i64: 2, 16>, scalar_prefetch = 0 : i64, scratch_operands = 10 : i64, tpu.core_type = #tpu.core_type<sc_vector_subcore>, window_params = [{transform_indices = #map}, {transform_indices = #map}, {transform_indices = #map1}, {transform_indices = #map}, {transform_indices = #map1}, {transform_indices = #map1}]} {
    %mul3A = arith.constant 2 : i32
    %mul3A_0 = arith.muli %arg1, %mul3A : i32
    %add3A = arith.addi %mul3A_0, %arg0 : i32
    %mul3A_1 = arith.constant 256 : i32
    %mul3A_2 = arith.muli %add3A, %mul3A_1 : i32
    %mul3A_3 = arith.constant 64 : i32
    %mul3A_4 = arith.muli %add3A, %mul3A_3 : i32
    "tpu.region"() ({
      %run_scoped3A = tpu.sem_alloc : memref<!tpu.dma_semaphore, #tpu.memory_space<semaphore_mem>>
      %dma_start3A_24 = arith.constant 0 : i32
      %dma_start3A_25 = tpu.memref_slice %arg3[%mul3A_4, %dma_start3A_24] : memref<2048x4xi32, #tpu.memory_space<hbm>> -> memref<64x4xi32, #tpu.memory_space<hbm>>
      %dma_start3A_26 = arith.constant 0 : i32
      %dma_start3A_27 = tpu.memref_slice %arg3[%mul3A_4, %dma_start3A_26] : memref<2048x4xi32, #tpu.memory_space<hbm>> -> memref<64x4xi32, #tpu.memory_space<hbm>>
      tpu.enqueue_dma source(%dma_start3A_27 : memref<64x4xi32, #tpu.memory_space<hbm>>) target(%arg10 : memref<64x4xi32, #tpu.memory_space<vmem>>) target_semaphore(%run_scoped3A : memref<!tpu.dma_semaphore, #tpu.memory_space<semaphore_mem>>)
      %dma_wait3A = arith.constant 0 : i32
      %dma_wait3A_28 = tpu.memref_slice %arg3[%mul3A_4, %dma_wait3A] : memref<2048x4xi32, #tpu.memory_space<hbm>> -> memref<64x4xi32, #tpu.memory_space<hbm>>
      %dma_wait3A_29 = arith.constant 0 : i32
      %dma_wait3A_30 = tpu.memref_slice %arg3[%mul3A_4, %dma_wait3A_29] : memref<2048x4xi32, #tpu.memory_space<hbm>> -> memref<64x4xi32, #tpu.memory_space<hbm>>
      tpu.wait_dma2 semaphore(%run_scoped3A : memref<!tpu.dma_semaphore, #tpu.memory_space<semaphore_mem>>) src(%dma_wait3A_30 : memref<64x4xi32, #tpu.memory_space<hbm>>) dst(%arg10 : memref<64x4xi32, #tpu.memory_space<vmem>>)
      tpu.yield
    }) : () -> ()
    "tpu.region"() ({
      %run_scoped3A = tpu.sem_alloc : memref<!tpu.dma_semaphore, #tpu.memory_space<semaphore_mem>>
      %dma_start3A_24 = tpu.memref_slice %arg4[%mul3A_2] : memref<8192xi32, #tpu.memory_space<hbm>> -> memref<256xi32, #tpu.memory_space<hbm>>
      %dma_start3A_25 = tpu.memref_slice %arg4[%mul3A_2] : memref<8192xi32, #tpu.memory_space<hbm>> -> memref<256xi32, #tpu.memory_space<hbm>>
      tpu.enqueue_dma source(%dma_start3A_25 : memref<256xi32, #tpu.memory_space<hbm>>) target(%arg11 : memref<256xi32, #tpu.memory_space<vmem>>) target_semaphore(%run_scoped3A : memref<!tpu.dma_semaphore, #tpu.memory_space<semaphore_mem>>)
      %dma_wait3A = tpu.memref_slice %arg4[%mul3A_2] : memref<8192xi32, #tpu.memory_space<hbm>> -> memref<256xi32, #tpu.memory_space<hbm>>
      %dma_wait3A_26 = tpu.memref_slice %arg4[%mul3A_2] : memref<8192xi32, #tpu.memory_space<hbm>> -> memref<256xi32, #tpu.memory_space<hbm>>
      tpu.wait_dma2 semaphore(%run_scoped3A : memref<!tpu.dma_semaphore, #tpu.memory_space<semaphore_mem>>) src(%dma_wait3A_26 : memref<256xi32, #tpu.memory_space<hbm>>) dst(%arg11 : memref<256xi32, #tpu.memory_space<vmem>>)
      tpu.yield
    }) : () -> ()
    %iota3A = tpu.iota {dimensions = array<i32: 0>} : vector<16xi32>
    %dma_start3A = arith.constant 0 : i32
    %dma_start3A_5 = arith.constant 0 : i32
    %dma_start3A_6 = tpu.memref_slice %arg10[%dma_start3A, %dma_start3A_5] : memref<64x4xi32, #tpu.memory_space<vmem>> -> memref<1x4xi32, #tpu.memory_space<vmem>>
    %dma_start3A_7 = tpu.memref_squeeze %dma_start3A_6 : memref<1x4xi32, #tpu.memory_space<vmem>> -> memref<4xi32, #tpu.memory_space<vmem>>
    %dma_start3A_8 = arith.constant 0 : i32
    %dma_start3A_9 = arith.constant 0 : i32
    %dma_start3A_10 = tpu.memref_slice %arg2[%dma_start3A_8, %dma_start3A_9] : memref<8192x8192xf32, #tpu.memory_space<hbm>> -> memref<8192x8192xf32, #tpu.memory_space<hbm>>
    tpu.enqueue_indirect_dma source(%dma_start3A_10 : memref<8192x8192xf32, #tpu.memory_space<hbm>>) target(%arg8 : memref<4x8192xf32, #tpu.memory_space<vmem>>) offsets(%dma_start3A_7 : memref<4xi32, #tpu.memory_space<vmem>>) semaphore(%arg14 : memref<!tpu.dma_semaphore, #tpu.memory_space<semaphore_mem>>)
    %broadcast_in_dim3A = arith.constant 0.000000e+00 : f32
    %broadcast_in_dim3A_11 = vector.broadcast %broadcast_in_dim3A : f32 to vector<16xf32>
    %scan3A = arith.constant 0 : i32
    %scan3A_12 = arith.constant 16 : i32
    %scan3A_13 = arith.addi %scan3A, %scan3A_12 : i32
    %scan3A_14 = arith.constant 1 : i32
    %scan3A_15 = scf.for %scan3A_24 = %scan3A to %scan3A_13 step %scan3A_14 iter_args(%scan3A_25 = %broadcast_in_dim3A_11) -> (vector<16xf32>)  : i32 {
      %mul3A_26 = arith.constant 16 : i32
      %mul3A_27 = arith.muli %scan3A_24, %mul3A_26 : i32
      %get3A = arith.index_cast %mul3A_27 : i32 to index
      %get3A_28 = tpu.vector_load %arg11[%get3A] {strides = array<i32>} : memref<256xi32, #tpu.memory_space<vmem>>, vector<16xi32>,
      %get3A_29 = vector.shape_cast %get3A_28 : vector<16xi32> to vector<16xi32>
      %mul3A_30 = arith.constant 4 : i32
      %mul3A_31 = arith.muli %scan3A_24, %mul3A_30 : i32
      %add3A_32 = arith.constant 0 : i32
      %add3A_33 = arith.addi %mul3A_31, %add3A_32 : i32
      %dma_wait3A = arith.constant 0 : i32
      %dma_wait3A_34 = tpu.memref_slice %arg10[%add3A_33, %dma_wait3A] : memref<64x4xi32, #tpu.memory_space<vmem>> -> memref<1x4xi32, #tpu.memory_space<vmem>>
      %dma_wait3A_35 = tpu.memref_squeeze %dma_wait3A_34 : memref<1x4xi32, #tpu.memory_space<vmem>> -> memref<4xi32, #tpu.memory_space<vmem>>
      %dma_wait3A_36 = arith.constant 0 : i32
      %dma_wait3A_37 = arith.constant 0 : i32
      %dma_wait3A_38 = tpu.memref_slice %arg2[%dma_wait3A_36, %dma_wait3A_37] : memref<8192x8192xf32, #tpu.memory_space<hbm>> -> memref<8192x8192xf32, #tpu.memory_space<hbm>>
      tpu.wait_indirect_dma semaphore(%arg14 : memref<!tpu.dma_semaphore, #tpu.memory_space<semaphore_mem>>) src(%dma_wait3A_38 : memref<8192x8192xf32, #tpu.memory_space<hbm>>) dst(%arg8 : memref<4x8192xf32, #tpu.memory_space<vmem>>)
      %add3A_39 = arith.constant 1 : i32
      %add3A_40 = arith.addi %add3A_33, %add3A_39 : i32
      %dma_start3A_41 = arith.constant 0 : i32
      %dma_start3A_42 = tpu.memref_slice %arg10[%add3A_40, %dma_start3A_41] : memref<64x4xi32, #tpu.memory_space<vmem>> -> memref<1x4xi32, #tpu.memory_space<vmem>>
      %dma_start3A_43 = tpu.memref_squeeze %dma_start3A_42 : memref<1x4xi32, #tpu.memory_space<vmem>> -> memref<4xi32, #tpu.memory_space<vmem>>
      %dma_start3A_44 = arith.constant 0 : i32
      %dma_start3A_45 = arith.constant 0 : i32
      %dma_start3A_46 = tpu.memref_slice %arg2[%dma_start3A_44, %dma_start3A_45] : memref<8192x8192xf32, #tpu.memory_space<hbm>> -> memref<8192x8192xf32, #tpu.memory_space<hbm>>
      tpu.enqueue_indirect_dma source(%dma_start3A_46 : memref<8192x8192xf32, #tpu.memory_space<hbm>>) target(%arg9 : memref<4x8192xf32, #tpu.memory_space<vmem>>) offsets(%dma_start3A_43 : memref<4xi32, #tpu.memory_space<vmem>>) semaphore(%arg15 : memref<!tpu.dma_semaphore, #tpu.memory_space<semaphore_mem>>)
      %mul3A_47 = arith.constant 4 : i32
      %mul3A_48 = arith.muli %add3A_33, %mul3A_47 : i32
      %add3A_49 = arith.addi %mul3A_2, %mul3A_48 : i32
      %dma_start3A_50 = arith.constant 0 : i32
      %dma_start3A_51 = tpu.memref_slice %arg5[%add3A_49, %dma_start3A_50] : memref<8192x8192xf32, #tpu.memory_space<hbm>> -> memref<4x8192xf32, #tpu.memory_space<hbm>>
      %dma_start3A_52 = arith.constant 0 : i32
      %dma_start3A_53 = tpu.memref_slice %arg5[%add3A_49, %dma_start3A_52] : memref<8192x8192xf32, #tpu.memory_space<hbm>> -> memref<4x8192xf32, #tpu.memory_space<hbm>>
      tpu.enqueue_dma source(%arg8 : memref<4x8192xf32, #tpu.memory_space<vmem>>) target(%dma_start3A_53 : memref<4x8192xf32, #tpu.memory_space<hbm>>) target_semaphore(%arg16 : memref<!tpu.dma_semaphore, #tpu.memory_space<semaphore_mem>>)
      %broadcast_in_dim3A_54 = arith.constant 0.000000e+00 : f32
      %broadcast_in_dim3A_55 = vector.broadcast %broadcast_in_dim3A_54 : f32 to vector<16xf32>
      %scan3A_56 = arith.constant 0 : i32
      %scan3A_57 = arith.constant 32 : i32
      %scan3A_58 = arith.addi %scan3A_56, %scan3A_57 : i32
      %scan3A_59 = arith.constant 1 : i32
      %scan3A_60 = scf.for %scan3A_676 = %scan3A_56 to %scan3A_58 step %scan3A_59 iter_args(%scan3A_677 = %broadcast_in_dim3A_55) -> (vector<16xf32>)  : i32 {
        %mul3A_678 = arith.constant 256 : i32
        %mul3A_679 = arith.muli %scan3A_676, %mul3A_678 : i32
        %add3A_680 = arith.constant 0 : i32
        %add3A_681 = arith.addi %mul3A_679, %add3A_680 : i32
        %multiple_of3A_682 = tpu.assume_multiple %add3A_681, 16 : i32
        %get3A_683 = arith.constant 0 : i32
        %get3A_684 = arith.index_cast %get3A_683 : i32 to index
        %get3A_685 = arith.index_cast %multiple_of3A_682 : i32 to index
        %get3A_686 = tpu.vector_load %arg8[%get3A_684, %get3A_685] {strides = array<i32>} : memref<4x8192xf32, #tpu.memory_space<vmem>>, vector<1x16xf32>,
        %get3A_687 = vector.shape_cast %get3A_686 : vector<1x16xf32> to vector<16xf32>
        %exp3A = math.exp %get3A_687 : vector<16xf32>
        %add3A_688 = arith.addf %scan3A_677, %exp3A : vector<16xf32>
        %mul3A_689 = arith.constant 256 : i32
        %mul3A_690 = arith.muli %scan3A_676, %mul3A_689 : i32
        %add3A_691 = arith.constant 16 : i32
        %add3A_692 = arith.addi %mul3A_690, %add3A_691 : i32
        %multiple_of3A_693 = tpu.assume_multiple %add3A_692, 16 : i32
        %get3A_694 = arith.constant 0 : i32
        %get3A_695 = arith.index_cast %get3A_694 : i32 to index
        %get3A_696 = arith.index_cast %multiple_of3A_693 : i32 to index
        %get3A_697 = tpu.vector_load %arg8[%get3A_695, %get3A_696] {strides = array<i32>} : memref<4x8192xf32, #tpu.memory_space<vmem>>, vector<1x16xf32>,
        %get3A_698 = vector.shape_cast %get3A_697 : vector<1x16xf32> to vector<16xf32>
        %exp3A_699 = math.exp %get3A_698 : vector<16xf32>
        %add3A_700 = arith.addf %add3A_688, %exp3A_699 : vector<16xf32>
        %mul3A_701 = arith.constant 256 : i32
        %mul3A_702 = arith.muli %scan3A_676, %mul3A_701 : i32
        %add3A_703 = arith.constant 32 : i32
        %add3A_704 = arith.addi %mul3A_702, %add3A_703 : i32
        %multiple_of3A_705 = tpu.assume_multiple %add3A_704, 16 : i32
        %get3A_706 = arith.constant 0 : i32
        %get3A_707 = arith.index_cast %get3A_706 : i32 to index
        %get3A_708 = arith.index_cast %multiple_of3A_705 : i32 to index
        %get3A_709 = tpu.vector_load %arg8[%get3A_707, %get3A_708] {strides = array<i32>} : memref<4x8192xf32, #tpu.memory_space<vmem>>, vector<1x16xf32>,
        %get3A_710 = vector.shape_cast %get3A_709 : vector<1x16xf32> to vector<16xf32>
        %exp3A_711 = math.exp %get3A_710 : vector<16xf32>
        %add3A_712 = arith.addf %add3A_700, %exp3A_711 : vector<16xf32>
        %mul3A_713 = arith.constant 256 : i32
        %mul3A_714 = arith.muli %scan3A_676, %mul3A_713 : i32
        %add3A_715 = arith.constant 48 : i32
        %add3A_716 = arith.addi %mul3A_714, %add3A_715 : i32
        %multiple_of3A_717 = tpu.assume_multiple %add3A_716, 16 : i32
        %get3A_718 = arith.constant 0 : i32
        %get3A_719 = arith.index_cast %get3A_718 : i32 to index
        %get3A_720 = arith.index_cast %multiple_of3A_717 : i32 to index
        %get3A_721 = tpu.vector_load %arg8[%get3A_719, %get3A_720] {strides = array<i32>} : memref<4x8192xf32, #tpu.memory_space<vmem>>, vector<1x16xf32>,
        %get3A_722 = vector.shape_cast %get3A_721 : vector<1x16xf32> to vector<16xf32>
        %exp3A_723 = math.exp %get3A_722 : vector<16xf32>
        %add3A_724 = arith.addf %add3A_712, %exp3A_723 : vector<16xf32>
        %mul3A_725 = arith.constant 256 : i32
        %mul3A_726 = arith.muli %scan3A_676, %mul3A_725 : i32
        %add3A_727 = arith.constant 64 : i32
        %add3A_728 = arith.addi %mul3A_726, %add3A_727 : i32
        %multiple_of3A_729 = tpu.assume_multiple %add3A_728, 16 : i32
        %get3A_730 = arith.constant 0 : i32
        %get3A_731 = arith.index_cast %get3A_730 : i32 to index
        %get3A_732 = arith.index_cast %multiple_of3A_729 : i32 to index
        %get3A_733 = tpu.vector_load %arg8[%get3A_731, %get3A_732] {strides = array<i32>} : memref<4x8192xf32, #tpu.memory_space<vmem>>, vector<1x16xf32>,
        %get3A_734 = vector.shape_cast %get3A_733 : vector<1x16xf32> to vector<16xf32>
        %exp3A_735 = math.exp %get3A_734 : vector<16xf32>
        %add3A_736 = arith.addf %add3A_724, %exp3A_735 : vector<16xf32>
        %mul3A_737 = arith.constant 256 : i32
        %mul3A_738 = arith.muli %scan3A_676, %mul3A_737 : i32
        %add3A_739 = arith.constant 80 : i32
        %add3A_740 = arith.addi %mul3A_738, %add3A_739 : i32
        %multiple_of3A_741 = tpu.assume_multiple %add3A_740, 16 : i32
        %get3A_742 = arith.constant 0 : i32
        %get3A_743 = arith.index_cast %get3A_742 : i32 to index
        %get3A_744 = arith.index_cast %multiple_of3A_741 : i32 to index
        %get3A_745 = tpu.vector_load %arg8[%get3A_743, %get3A_744] {strides = array<i32>} : memref<4x8192xf32, #tpu.memory_space<vmem>>, vector<1x16xf32>,
        %get3A_746 = vector.shape_cast %get3A_745 : vector<1x16xf32> to vector<16xf32>
        %exp3A_747 = math.exp %get3A_746 : vector<16xf32>
        %add3A_748 = arith.addf %add3A_736, %exp3A_747 : vector<16xf32>
        %mul3A_749 = arith.constant 256 : i32
        %mul3A_750 = arith.muli %scan3A_676, %mul3A_749 : i32
        %add3A_751 = arith.constant 96 : i32
        %add3A_752 = arith.addi %mul3A_750, %add3A_751 : i32
        %multiple_of3A_753 = tpu.assume_multiple %add3A_752, 16 : i32
        %get3A_754 = arith.constant 0 : i32
        %get3A_755 = arith.index_cast %get3A_754 : i32 to index
        %get3A_756 = arith.index_cast %multiple_of3A_753 : i32 to index
        %get3A_757 = tpu.vector_load %arg8[%get3A_755, %get3A_756] {strides = array<i32>} : memref<4x8192xf32, #tpu.memory_space<vmem>>, vector<1x16xf32>,
        %get3A_758 = vector.shape_cast %get3A_757 : vector<1x16xf32> to vector<16xf32>
        %exp3A_759 = math.exp %get3A_758 : vector<16xf32>
        %add3A_760 = arith.addf %add3A_748, %exp3A_759 : vector<16xf32>
        %mul3A_761 = arith.constant 256 : i32
        %mul3A_762 = arith.muli %scan3A_676, %mul3A_761 : i32
        %add3A_763 = arith.constant 112 : i32
        %add3A_764 = arith.addi %mul3A_762, %add3A_763 : i32
        %multiple_of3A_765 = tpu.assume_multiple %add3A_764, 16 : i32
        %get3A_766 = arith.constant 0 : i32
        %get3A_767 = arith.index_cast %get3A_766 : i32 to index
        %get3A_768 = arith.index_cast %multiple_of3A_765 : i32 to index
        %get3A_769 = tpu.vector_load %arg8[%get3A_767, %get3A_768] {strides = array<i32>} : memref<4x8192xf32, #tpu.memory_space<vmem>>, vector<1x16xf32>,
        %get3A_770 = vector.shape_cast %get3A_769 : vector<1x16xf32> to vector<16xf32>
        %exp3A_771 = math.exp %get3A_770 : vector<16xf32>
        %add3A_772 = arith.addf %add3A_760, %exp3A_771 : vector<16xf32>
        %mul3A_773 = arith.constant 256 : i32
        %mul3A_774 = arith.muli %scan3A_676, %mul3A_773 : i32
        %add3A_775 = arith.constant 128 : i32
        %add3A_776 = arith.addi %mul3A_774, %add3A_775 : i32
        %multiple_of3A_777 = tpu.assume_multiple %add3A_776, 16 : i32
        %get3A_778 = arith.constant 0 : i32
        %get3A_779 = arith.index_cast %get3A_778 : i32 to index
        %get3A_780 = arith.index_cast %multiple_of3A_777 : i32 to index
        %get3A_781 = tpu.vector_load %arg8[%get3A_779, %get3A_780] {strides = array<i32>} : memref<4x8192xf32, #tpu.memory_space<vmem>>, vector<1x16xf32>,
        %get3A_782 = vector.shape_cast %get3A_781 : vector<1x16xf32> to vector<16xf32>
        %exp3A_783 = math.exp %get3A_782 : vector<16xf32>
        %add3A_784 = arith.addf %add3A_772, %exp3A_783 : vector<16xf32>
        %mul3A_785 = arith.constant 256 : i32
        %mul3A_786 = arith.muli %scan3A_676, %mul3A_785 : i32
        %add3A_787 = arith.constant 144 : i32
        %add3A_788 = arith.addi %mul3A_786, %add3A_787 : i32
        %multiple_of3A_789 = tpu.assume_multiple %add3A_788, 16 : i32
        %get3A_790 = arith.constant 0 : i32
        %get3A_791 = arith.index_cast %get3A_790 : i32 to index
        %get3A_792 = arith.index_cast %multiple_of3A_789 : i32 to index
        %get3A_793 = tpu.vector_load %arg8[%get3A_791, %get3A_792] {strides = array<i32>} : memref<4x8192xf32, #tpu.memory_space<vmem>>, vector<1x16xf32>,
        %get3A_794 = vector.shape_cast %get3A_793 : vector<1x16xf32> to vector<16xf32>
        %exp3A_795 = math.exp %get3A_794 : vector<16xf32>
        %add3A_796 = arith.addf %add3A_784, %exp3A_795 : vector<16xf32>
        %mul3A_797 = arith.constant 256 : i32
        %mul3A_798 = arith.muli %scan3A_676, %mul3A_797 : i32
        %add3A_799 = arith.constant 160 : i32
        %add3A_800 = arith.addi %mul3A_798, %add3A_799 : i32
        %multiple_of3A_801 = tpu.assume_multiple %add3A_800, 16 : i32
        %get3A_802 = arith.constant 0 : i32
        %get3A_803 = arith.index_cast %get3A_802 : i32 to index
        %get3A_804 = arith.index_cast %multiple_of3A_801 : i32 to index
        %get3A_805 = tpu.vector_load %arg8[%get3A_803, %get3A_804] {strides = array<i32>} : memref<4x8192xf32, #tpu.memory_space<vmem>>, vector<1x16xf32>,
        %get3A_806 = vector.shape_cast %get3A_805 : vector<1x16xf32> to vector<16xf32>
        %exp3A_807 = math.exp %get3A_806 : vector<16xf32>
        %add3A_808 = arith.addf %add3A_796, %exp3A_807 : vector<16xf32>
        %mul3A_809 = arith.constant 256 : i32
        %mul3A_810 = arith.muli %scan3A_676, %mul3A_809 : i32
        %add3A_811 = arith.constant 176 : i32
        %add3A_812 = arith.addi %mul3A_810, %add3A_811 : i32
        %multiple_of3A_813 = tpu.assume_multiple %add3A_812, 16 : i32
        %get3A_814 = arith.constant 0 : i32
        %get3A_815 = arith.index_cast %get3A_814 : i32 to index
        %get3A_816 = arith.index_cast %multiple_of3A_813 : i32 to index
        %get3A_817 = tpu.vector_load %arg8[%get3A_815, %get3A_816] {strides = array<i32>} : memref<4x8192xf32, #tpu.memory_space<vmem>>, vector<1x16xf32>,
        %get3A_818 = vector.shape_cast %get3A_817 : vector<1x16xf32> to vector<16xf32>
        %exp3A_819 = math.exp %get3A_818 : vector<16xf32>
        %add3A_820 = arith.addf %add3A_808, %exp3A_819 : vector<16xf32>
        %mul3A_821 = arith.constant 256 : i32
        %mul3A_822 = arith.muli %scan3A_676, %mul3A_821 : i32
        %add3A_823 = arith.constant 192 : i32
        %add3A_824 = arith.addi %mul3A_822, %add3A_823 : i32
        %multiple_of3A_825 = tpu.assume_multiple %add3A_824, 16 : i32
        %get3A_826 = arith.constant 0 : i32
        %get3A_827 = arith.index_cast %get3A_826 : i32 to index
        %get3A_828 = arith.index_cast %multiple_of3A_825 : i32 to index
        %get3A_829 = tpu.vector_load %arg8[%get3A_827, %get3A_828] {strides = array<i32>} : memref<4x8192xf32, #tpu.memory_space<vmem>>, vector<1x16xf32>,
        %get3A_830 = vector.shape_cast %get3A_829 : vector<1x16xf32> to vector<16xf32>
        %exp3A_831 = math.exp %get3A_830 : vector<16xf32>
        %add3A_832 = arith.addf %add3A_820, %exp3A_831 : vector<16xf32>
        %mul3A_833 = arith.constant 256 : i32
        %mul3A_834 = arith.muli %scan3A_676, %mul3A_833 : i32
        %add3A_835 = arith.constant 208 : i32
        %add3A_836 = arith.addi %mul3A_834, %add3A_835 : i32
        %multiple_of3A_837 = tpu.assume_multiple %add3A_836, 16 : i32
        %get3A_838 = arith.constant 0 : i32
        %get3A_839 = arith.index_cast %get3A_838 : i32 to index
        %get3A_840 = arith.index_cast %multiple_of3A_837 : i32 to index
        %get3A_841 = tpu.vector_load %arg8[%get3A_839, %get3A_840] {strides = array<i32>} : memref<4x8192xf32, #tpu.memory_space<vmem>>, vector<1x16xf32>,
        %get3A_842 = vector.shape_cast %get3A_841 : vector<1x16xf32> to vector<16xf32>
        %exp3A_843 = math.exp %get3A_842 : vector<16xf32>
        %add3A_844 = arith.addf %add3A_832, %exp3A_843 : vector<16xf32>
        %mul3A_845 = arith.constant 256 : i32
        %mul3A_846 = arith.muli %scan3A_676, %mul3A_845 : i32
        %add3A_847 = arith.constant 224 : i32
        %add3A_848 = arith.addi %mul3A_846, %add3A_847 : i32
        %multiple_of3A_849 = tpu.assume_multiple %add3A_848, 16 : i32
        %get3A_850 = arith.constant 0 : i32
        %get3A_851 = arith.index_cast %get3A_850 : i32 to index
        %get3A_852 = arith.index_cast %multiple_of3A_849 : i32 to index
        %get3A_853 = tpu.vector_load %arg8[%get3A_851, %get3A_852] {strides = array<i32>} : memref<4x8192xf32, #tpu.memory_space<vmem>>, vector<1x16xf32>,
        %get3A_854 = vector.shape_cast %get3A_853 : vector<1x16xf32> to vector<16xf32>
        %exp3A_855 = math.exp %get3A_854 : vector<16xf32>
        %add3A_856 = arith.addf %add3A_844, %exp3A_855 : vector<16xf32>
        %mul3A_857 = arith.constant 256 : i32
        %mul3A_858 = arith.muli %scan3A_676, %mul3A_857 : i32
        %add3A_859 = arith.constant 240 : i32
        %add3A_860 = arith.addi %mul3A_858, %add3A_859 : i32
        %multiple_of3A_861 = tpu.assume_multiple %add3A_860, 16 : i32
        %get3A_862 = arith.constant 0 : i32
        %get3A_863 = arith.index_cast %get3A_862 : i32 to index
        %get3A_864 = arith.index_cast %multiple_of3A_861 : i32 to index
        %get3A_865 = tpu.vector_load %arg8[%get3A_863, %get3A_864] {strides = array<i32>} : memref<4x8192xf32, #tpu.memory_space<vmem>>, vector<1x16xf32>,
        %get3A_866 = vector.shape_cast %get3A_865 : vector<1x16xf32> to vector<16xf32>
        %exp3A_867 = math.exp %get3A_866 : vector<16xf32>
        %add3A_868 = arith.addf %add3A_856, %exp3A_867 : vector<16xf32>
        scf.yield %add3A_868 : vector<16xf32>
      }
      %scan3A_61 = arith.constant 32 : i32
      %mul3A_62 = arith.constant 256 : i32
      %mul3A_63 = arith.muli %scan3A_24, %mul3A_62 : i32
      %add3A_64 = arith.constant 0 : i32
      %add3A_65 = arith.addi %mul3A_63, %add3A_64 : i32
      %swap3A_66 = arith.index_cast %add3A_65 : i32 to index
      %swap3A_67 = tpu.vector_load %arg13[%swap3A_66] {strides = array<i32>} : memref<4096xf32, #tpu.memory_space<vmem>>, vector<16xf32>,
      %swap3A_68 = vector.shape_cast %swap3A_67 : vector<16xf32> to vector<16xf32>
      %swap3A_69 = vector.shape_cast %scan3A_60 : vector<16xf32> to vector<16xf32>
      tpu.vector_store %arg13[%swap3A_66], %swap3A_69 {strides = array<i32>} : memref<4096xf32, #tpu.memory_space<vmem>>, vector<16xf32>,
      %slice3A = vector.extract_strided_slice %get3A_29 {offsets = [0], sizes = [1], strides = [1]} : vector<16xi32> to vector<1xi32>
      %squeeze3A = vector.extract %slice3A[0] : i32 from vector<1xi32>
      %and3A = arith.constant -16 : i32
      %and3A_70 = arith.andi %squeeze3A, %and3A : i32
      %multiple_of3A = tpu.assume_multiple %and3A_70, 16 : i32
      %get3A_71 = arith.constant 0 : i32
      %get3A_72 = arith.index_cast %get3A_71 : i32 to index
      %get3A_73 = arith.index_cast %multiple_of3A : i32 to index
      %get3A_74 = tpu.vector_load %arg8[%get3A_72, %get3A_73] {strides = array<i32>} : memref<4x8192xf32, #tpu.memory_space<vmem>>, vector<1x16xf32>,
      %get3A_75 = vector.shape_cast %get3A_74 : vector<1x16xf32> to vector<16xf32>
      %and3A_76 = arith.constant 15 : i32
      %and3A_77 = arith.andi %squeeze3A, %and3A_76 : i32
      %eq3A = vector.broadcast %and3A_77 : i32 to vector<16xi32>
      %eq3A_78 = arith.cmpi eq, %iota3A, %eq3A : vector<16xi32>
      %jit3A = arith.constant 0.000000e+00 : f32
      %broadcast_in_dim3A_79 = vector.broadcast %jit3A : f32 to vector<16xf32>
      %select_n3A = arith.select %eq3A_78, %get3A_75, %broadcast_in_dim3A_79 : vector<16xi1>, vector<16xf32>
      %add3A_80 = arith.addf %scan3A_25, %select_n3A : vector<16xf32>
      %broadcast_in_dim3A_81 = arith.constant 0.000000e+00 : f32
      %broadcast_in_dim3A_82 = vector.broadcast %broadcast_in_dim3A_81 : f32 to vector<16xf32>
      %scan3A_83 = arith.constant 0 : i32
      %scan3A_84 = arith.constant 32 : i32
      %scan3A_85 = arith.addi %scan3A_83, %scan3A_84 : i32
      %scan3A_86 = arith.constant 1 : i32
      %scan3A_87 = scf.for %scan3A_676 = %scan3A_83 to %scan3A_85 step %scan3A_86 iter_args(%scan3A_677 = %broadcast_in_dim3A_82) -> (vector<16xf32>)  : i32 {
        %mul3A_678 = arith.constant 256 : i32
        %mul3A_679 = arith.muli %scan3A_676, %mul3A_678 : i32
        %add3A_680 = arith.constant 0 : i32
        %add3A_681 = arith.addi %mul3A_679, %add3A_680 : i32
        %multiple_of3A_682 = tpu.assume_multiple %add3A_681, 16 : i32
        %get3A_683 = arith.constant 1 : i32
        %get3A_684 = arith.index_cast %get3A_683 : i32 to index
        %get3A_685 = arith.index_cast %multiple_of3A_682 : i32 to index
        %get3A_686 = tpu.vector_load %arg8[%get3A_684, %get3A_685] {strides = array<i32>} : memref<4x8192xf32, #tpu.memory_space<vmem>>, vector<1x16xf32>,
        %get3A_687 = vector.shape_cast %get3A_686 : vector<1x16xf32> to vector<16xf32>
        %exp3A = math.exp %get3A_687 : vector<16xf32>
        %add3A_688 = arith.addf %scan3A_677, %exp3A : vector<16xf32>
        %mul3A_689 = arith.constant 256 : i32
        %mul3A_690 = arith.muli %scan3A_676, %mul3A_689 : i32
        %add3A_691 = arith.constant 16 : i32
        %add3A_692 = arith.addi %mul3A_690, %add3A_691 : i32
        %multiple_of3A_693 = tpu.assume_multiple %add3A_692, 16 : i32
        %get3A_694 = arith.constant 1 : i32
        %get3A_695 = arith.index_cast %get3A_694 : i32 to index
        %get3A_696 = arith.index_cast %multiple_of3A_693 : i32 to index
        %get3A_697 = tpu.vector_load %arg8[%get3A_695, %get3A_696] {strides = array<i32>} : memref<4x8192xf32, #tpu.memory_space<vmem>>, vector<1x16xf32>,
        %get3A_698 = vector.shape_cast %get3A_697 : vector<1x16xf32> to vector<16xf32>
        %exp3A_699 = math.exp %get3A_698 : vector<16xf32>
        %add3A_700 = arith.addf %add3A_688, %exp3A_699 : vector<16xf32>
        %mul3A_701 = arith.constant 256 : i32
        %mul3A_702 = arith.muli %scan3A_676, %mul3A_701 : i32
        %add3A_703 = arith.constant 32 : i32
        %add3A_704 = arith.addi %mul3A_702, %add3A_703 : i32
        %multiple_of3A_705 = tpu.assume_multiple %add3A_704, 16 : i32
        %get3A_706 = arith.constant 1 : i32
        %get3A_707 = arith.index_cast %get3A_706 : i32 to index
        %get3A_708 = arith.index_cast %multiple_of3A_705 : i32 to index
        %get3A_709 = tpu.vector_load %arg8[%get3A_707, %get3A_708] {strides = array<i32>} : memref<4x8192xf32, #tpu.memory_space<vmem>>, vector<1x16xf32>,
        %get3A_710 = vector.shape_cast %get3A_709 : vector<1x16xf32> to vector<16xf32>
        %exp3A_711 = math.exp %get3A_710 : vector<16xf32>
        %add3A_712 = arith.addf %add3A_700, %exp3A_711 : vector<16xf32>
        %mul3A_713 = arith.constant 256 : i32
        %mul3A_714 = arith.muli %scan3A_676, %mul3A_713 : i32
        %add3A_715 = arith.constant 48 : i32
        %add3A_716 = arith.addi %mul3A_714, %add3A_715 : i32
        %multiple_of3A_717 = tpu.assume_multiple %add3A_716, 16 : i32
        %get3A_718 = arith.constant 1 : i32
        %get3A_719 = arith.index_cast %get3A_718 : i32 to index
        %get3A_720 = arith.index_cast %multiple_of3A_717 : i32 to index
        %get3A_721 = tpu.vector_load %arg8[%get3A_719, %get3A_720] {strides = array<i32>} : memref<4x8192xf32, #tpu.memory_space<vmem>>, vector<1x16xf32>,
        %get3A_722 = vector.shape_cast %get3A_721 : vector<1x16xf32> to vector<16xf32>
        %exp3A_723 = math.exp %get3A_722 : vector<16xf32>
        %add3A_724 = arith.addf %add3A_712, %exp3A_723 : vector<16xf32>
        %mul3A_725 = arith.constant 256 : i32
        %mul3A_726 = arith.muli %scan3A_676, %mul3A_725 : i32
        %add3A_727 = arith.constant 64 : i32
        %add3A_728 = arith.addi %mul3A_726, %add3A_727 : i32
        %multiple_of3A_729 = tpu.assume_multiple %add3A_728, 16 : i32
        %get3A_730 = arith.constant 1 : i32
        %get3A_731 = arith.index_cast %get3A_730 : i32 to index
        %get3A_732 = arith.index_cast %multiple_of3A_729 : i32 to index
        %get3A_733 = tpu.vector_load %arg8[%get3A_731, %get3A_732] {strides = array<i32>} : memref<4x8192xf32, #tpu.memory_space<vmem>>, vector<1x16xf32>,
        %get3A_734 = vector.shape_cast %get3A_733 : vector<1x16xf32> to vector<16xf32>
        %exp3A_735 = math.exp %get3A_734 : vector<16xf32>
        %add3A_736 = arith.addf %add3A_724, %exp3A_735 : vector<16xf32>
        %mul3A_737 = arith.constant 256 : i32
        %mul3A_738 = arith.muli %scan3A_676, %mul3A_737 : i32
        %add3A_739 = arith.constant 80 : i32
        %add3A_740 = arith.addi %mul3A_738, %add3A_739 : i32
        %multiple_of3A_741 = tpu.assume_multiple %add3A_740, 16 : i32
        %get3A_742 = arith.constant 1 : i32
        %get3A_743 = arith.index_cast %get3A_742 : i32 to index
        %get3A_744 = arith.index_cast %multiple_of3A_741 : i32 to index
        %get3A_745 = tpu.vector_load %arg8[%get3A_743, %get3A_744] {strides = array<i32>} : memref<4x8192xf32, #tpu.memory_space<vmem>>, vector<1x16xf32>,
        %get3A_746 = vector.shape_cast %get3A_745 : vector<1x16xf32> to vector<16xf32>
        %exp3A_747 = math.exp %get3A_746 : vector<16xf32>
        %add3A_748 = arith.addf %add3A_736, %exp3A_747 : vector<16xf32>
        %mul3A_749 = arith.constant 256 : i32
        %mul3A_750 = arith.muli %scan3A_676, %mul3A_749 : i32
        %add3A_751 = arith.constant 96 : i32
        %add3A_752 = arith.addi %mul3A_750, %add3A_751 : i32
        %multiple_of3A_753 = tpu.assume_multiple %add3A_752, 16 : i32
        %get3A_754 = arith.constant 1 : i32
        %get3A_755 = arith.index_cast %get3A_754 : i32 to index
        %get3A_756 = arith.index_cast %multiple_of3A_753 : i32 to index
        %get3A_757 = tpu.vector_load %arg8[%get3A_755, %get3A_756] {strides = array<i32>} : memref<4x8192xf32, #tpu.memory_space<vmem>>, vector<1x16xf32>,
        %get3A_758 = vector.shape_cast %get3A_757 : vector<1x16xf32> to vector<16xf32>
        %exp3A_759 = math.exp %get3A_758 : vector<16xf32>
        %add3A_760 = arith.addf %add3A_748, %exp3A_759 : vector<16xf32>
        %mul3A_761 = arith.constant 256 : i32
        %mul3A_762 = arith.muli %scan3A_676, %mul3A_761 : i32
        %add3A_763 = arith.constant 112 : i32
        %add3A_764 = arith.addi %mul3A_762, %add3A_763 : i32
        %multiple_of3A_765 = tpu.assume_multiple %add3A_764, 16 : i32
        %get3A_766 = arith.constant 1 : i32
        %get3A_767 = arith.index_cast %get3A_766 : i32 to index
        %get3A_768 = arith.index_cast %multiple_of3A_765 : i32 to index
        %get3A_769 = tpu.vector_load %arg8[%get3A_767, %get3A_768] {strides = array<i32>} : memref<4x8192xf32, #tpu.memory_space<vmem>>, vector<1x16xf32>,
        %get3A_770 = vector.shape_cast %get3A_769 : vector<1x16xf32> to vector<16xf32>
        %exp3A_771 = math.exp %get3A_770 : vector<16xf32>
        %add3A_772 = arith.addf %add3A_760, %exp3A_771 : vector<16xf32>
        %mul3A_773 = arith.constant 256 : i32
        %mul3A_774 = arith.muli %scan3A_676, %mul3A_773 : i32
        %add3A_775 = arith.constant 128 : i32
        %add3A_776 = arith.addi %mul3A_774, %add3A_775 : i32
        %multiple_of3A_777 = tpu.assume_multiple %add3A_776, 16 : i32
        %get3A_778 = arith.constant 1 : i32
        %get3A_779 = arith.index_cast %get3A_778 : i32 to index
        %get3A_780 = arith.index_cast %multiple_of3A_777 : i32 to index
        %get3A_781 = tpu.vector_load %arg8[%get3A_779, %get3A_780] {strides = array<i32>} : memref<4x8192xf32, #tpu.memory_space<vmem>>, vector<1x16xf32>,
        %get3A_782 = vector.shape_cast %get3A_781 : vector<1x16xf32> to vector<16xf32>
        %exp3A_783 = math.exp %get3A_782 : vector<16xf32>
        %add3A_784 = arith.addf %add3A_772, %exp3A_783 : vector<16xf32>
        %mul3A_785 = arith.constant 256 : i32
        %mul3A_786 = arith.muli %scan3A_676, %mul3A_785 : i32
        %add3A_787 = arith.constant 144 : i32
        %add3A_788 = arith.addi %mul3A_786, %add3A_787 : i32
        %multiple_of3A_789 = tpu.assume_multiple %add3A_788, 16 : i32
        %get3A_790 = arith.constant 1 : i32
        %get3A_791 = arith.index_cast %get3A_790 : i32 to index
        %get3A_792 = arith.index_cast %multiple_of3A_789 : i32 to index
        %get3A_793 = tpu.vector_load %arg8[%get3A_791, %get3A_792] {strides = array<i32>} : memref<4x8192xf32, #tpu.memory_space<vmem>>, vector<1x16xf32>,
        %get3A_794 = vector.shape_cast %get3A_793 : vector<1x16xf32> to vector<16xf32>
        %exp3A_795 = math.exp %get3A_794 : vector<16xf32>
        %add3A_796 = arith.addf %add3A_784, %exp3A_795 : vector<16xf32>
        %mul3A_797 = arith.constant 256 : i32
        %mul3A_798 = arith.muli %scan3A_676, %mul3A_797 : i32
        %add3A_799 = arith.constant 160 : i32
        %add3A_800 = arith.addi %mul3A_798, %add3A_799 : i32
        %multiple_of3A_801 = tpu.assume_multiple %add3A_800, 16 : i32
        %get3A_802 = arith.constant 1 : i32
        %get3A_803 = arith.index_cast %get3A_802 : i32 to index
        %get3A_804 = arith.index_cast %multiple_of3A_801 : i32 to index
        %get3A_805 = tpu.vector_load %arg8[%get3A_803, %get3A_804] {strides = array<i32>} : memref<4x8192xf32, #tpu.memory_space<vmem>>, vector<1x16xf32>,
        %get3A_806 = vector.shape_cast %get3A_805 : vector<1x16xf32> to vector<16xf32>
        %exp3A_807 = math.exp %get3A_806 : vector<16xf32>
        %add3A_808 = arith.addf %add3A_796, %exp3A_807 : vector<16xf32>
        %mul3A_809 = arith.constant 256 : i32
        %mul3A_810 = arith.muli %scan3A_676, %mul3A_809 : i32
        %add3A_811 = arith.constant 176 : i32
        %add3A_812 = arith.addi %mul3A_810, %add3A_811 : i32
        %multiple_of3A_813 = tpu.assume_multiple %add3A_812, 16 : i32
        %get3A_814 = arith.constant 1 : i32
        %get3A_815 = arith.index_cast %get3A_814 : i32 to index
        %get3A_816 = arith.index_cast %multiple_of3A_813 : i32 to index
        %get3A_817 = tpu.vector_load %arg8[%get3A_815, %get3A_816] {strides = array<i32>} : memref<4x8192xf32, #tpu.memory_space<vmem>>, vector<1x16xf32>,
        %get3A_818 = vector.shape_cast %get3A_817 : vector<1x16xf32> to vector<16xf32>
        %exp3A_819 = math.exp %get3A_818 : vector<16xf32>
        %add3A_820 = arith.addf %add3A_808, %exp3A_819 : vector<16xf32>
        %mul3A_821 = arith.constant 256 : i32
        %mul3A_822 = arith.muli %scan3A_676, %mul3A_821 : i32
        %add3A_823 = arith.constant 192 : i32
        %add3A_824 = arith.addi %mul3A_822, %add3A_823 : i32
        %multiple_of3A_825 = tpu.assume_multiple %add3A_824, 16 : i32
        %get3A_826 = arith.constant 1 : i32
        %get3A_827 = arith.index_cast %get3A_826 : i32 to index
        %get3A_828 = arith.index_cast %multiple_of3A_825 : i32 to index
        %get3A_829 = tpu.vector_load %arg8[%get3A_827, %get3A_828] {strides = array<i32>} : memref<4x8192xf32, #tpu.memory_space<vmem>>, vector<1x16xf32>,
        %get3A_830 = vector.shape_cast %get3A_829 : vector<1x16xf32> to vector<16xf32>
        %exp3A_831 = math.exp %get3A_830 : vector<16xf32>
        %add3A_832 = arith.addf %add3A_820, %exp3A_831 : vector<16xf32>
        %mul3A_833 = arith.constant 256 : i32
        %mul3A_834 = arith.muli %scan3A_676, %mul3A_833 : i32
        %add3A_835 = arith.constant 208 : i32
        %add3A_836 = arith.addi %mul3A_834, %add3A_835 : i32
        %multiple_of3A_837 = tpu.assume_multiple %add3A_836, 16 : i32
        %get3A_838 = arith.constant 1 : i32
        %get3A_839 = arith.index_cast %get3A_838 : i32 to index
        %get3A_840 = arith.index_cast %multiple_of3A_837 : i32 to index
        %get3A_841 = tpu.vector_load %arg8[%get3A_839, %get3A_840] {strides = array<i32>} : memref<4x8192xf32, #tpu.memory_space<vmem>>, vector<1x16xf32>,
        %get3A_842 = vector.shape_cast %get3A_841 : vector<1x16xf32> to vector<16xf32>
        %exp3A_843 = math.exp %get3A_842 : vector<16xf32>
        %add3A_844 = arith.addf %add3A_832, %exp3A_843 : vector<16xf32>
        %mul3A_845 = arith.constant 256 : i32
        %mul3A_846 = arith.muli %scan3A_676, %mul3A_845 : i32
        %add3A_847 = arith.constant 224 : i32
        %add3A_848 = arith.addi %mul3A_846, %add3A_847 : i32
        %multiple_of3A_849 = tpu.assume_multiple %add3A_848, 16 : i32
        %get3A_850 = arith.constant 1 : i32
        %get3A_851 = arith.index_cast %get3A_850 : i32 to index
        %get3A_852 = arith.index_cast %multiple_of3A_849 : i32 to index
        %get3A_853 = tpu.vector_load %arg8[%get3A_851, %get3A_852] {strides = array<i32>} : memref<4x8192xf32, #tpu.memory_space<vmem>>, vector<1x16xf32>,
        %get3A_854 = vector.shape_cast %get3A_853 : vector<1x16xf32> to vector<16xf32>
        %exp3A_855 = math.exp %get3A_854 : vector<16xf32>
        %add3A_856 = arith.addf %add3A_844, %exp3A_855 : vector<16xf32>
        %mul3A_857 = arith.constant 256 : i32
        %mul3A_858 = arith.muli %scan3A_676, %mul3A_857 : i32
        %add3A_859 = arith.constant 240 : i32
        %add3A_860 = arith.addi %mul3A_858, %add3A_859 : i32
        %multiple_of3A_861 = tpu.assume_multiple %add3A_860, 16 : i32
        %get3A_862 = arith.constant 1 : i32
        %get3A_863 = arith.index_cast %get3A_862 : i32 to index
        %get3A_864 = arith.index_cast %multiple_of3A_861 : i32 to index
        %get3A_865 = tpu.vector_load %arg8[%get3A_863, %get3A_864] {strides = array<i32>} : memref<4x8192xf32, #tpu.memory_space<vmem>>, vector<1x16xf32>,
        %get3A_866 = vector.shape_cast %get3A_865 : vector<1x16xf32> to vector<16xf32>
        %exp3A_867 = math.exp %get3A_866 : vector<16xf32>
        %add3A_868 = arith.addf %add3A_856, %exp3A_867 : vector<16xf32>
        scf.yield %add3A_868 : vector<16xf32>
      }
      %scan3A_88 = arith.constant 32 : i32
      %mul3A_89 = arith.constant 256 : i32
      %mul3A_90 = arith.muli %scan3A_24, %mul3A_89 : i32
      %add3A_91 = arith.constant 16 : i32
      %add3A_92 = arith.addi %mul3A_90, %add3A_91 : i32
      %swap3A_93 = arith.index_cast %add3A_92 : i32 to index
      %swap3A_94 = tpu.vector_load %arg13[%swap3A_93] {strides = array<i32>} : memref<4096xf32, #tpu.memory_space<vmem>>, vector<16xf32>,
      %swap3A_95 = vector.shape_cast %swap3A_94 : vector<16xf32> to vector<16xf32>
      %swap3A_96 = vector.shape_cast %scan3A_87 : vector<16xf32> to vector<16xf32>
      tpu.vector_store %arg13[%swap3A_93], %swap3A_96 {strides = array<i32>} : memref<4096xf32, #tpu.memory_space<vmem>>, vector<16xf32>,
      %slice3A_97 = vector.extract_strided_slice %get3A_29 {offsets = [1], sizes = [1], strides = [1]} : vector<16xi32> to vector<1xi32>
      %squeeze3A_98 = vector.extract %slice3A_97[0] : i32 from vector<1xi32>
      %and3A_99 = arith.constant -16 : i32
      %and3A_100 = arith.andi %squeeze3A_98, %and3A_99 : i32
      %multiple_of3A_101 = tpu.assume_multiple %and3A_100, 16 : i32
      %get3A_102 = arith.constant 1 : i32
      %get3A_103 = arith.index_cast %get3A_102 : i32 to index
      %get3A_104 = arith.index_cast %multiple_of3A_101 : i32 to index
      %get3A_105 = tpu.vector_load %arg8[%get3A_103, %get3A_104] {strides = array<i32>} : memref<4x8192xf32, #tpu.memory_space<vmem>>, vector<1x16xf32>,
      %get3A_106 = vector.shape_cast %get3A_105 : vector<1x16xf32> to vector<16xf32>
      %and3A_107 = arith.constant 15 : i32
      %and3A_108 = arith.andi %squeeze3A_98, %and3A_107 : i32
      %eq3A_109 = vector.broadcast %and3A_108 : i32 to vector<16xi32>
      %eq3A_110 = arith.cmpi eq, %iota3A, %eq3A_109 : vector<16xi32>
      %jit3A_111 = arith.constant 0.000000e+00 : f32
      %broadcast_in_dim3A_112 = vector.broadcast %jit3A_111 : f32 to vector<16xf32>
      %select_n3A_113 = arith.select %eq3A_110, %get3A_106, %broadcast_in_dim3A_112 : vector<16xi1>, vector<16xf32>
      %add3A_114 = arith.addf %add3A_80, %select_n3A_113 : vector<16xf32>
      %broadcast_in_dim3A_115 = arith.constant 0.000000e+00 : f32
      %broadcast_in_dim3A_116 = vector.broadcast %broadcast_in_dim3A_115 : f32 to vector<16xf32>
      %scan3A_117 = arith.constant 0 : i32
      %scan3A_118 = arith.constant 32 : i32
      %scan3A_119 = arith.addi %scan3A_117, %scan3A_118 : i32
      %scan3A_120 = arith.constant 1 : i32
      %scan3A_121 = scf.for %scan3A_676 = %scan3A_117 to %scan3A_119 step %scan3A_120 iter_args(%scan3A_677 = %broadcast_in_dim3A_116) -> (vector<16xf32>)  : i32 {
        %mul3A_678 = arith.constant 256 : i32
        %mul3A_679 = arith.muli %scan3A_676, %mul3A_678 : i32
        %add3A_680 = arith.constant 0 : i32
        %add3A_681 = arith.addi %mul3A_679, %add3A_680 : i32
        %multiple_of3A_682 = tpu.assume_multiple %add3A_681, 16 : i32
        %get3A_683 = arith.constant 2 : i32
        %get3A_684 = arith.index_cast %get3A_683 : i32 to index
        %get3A_685 = arith.index_cast %multiple_of3A_682 : i32 to index
        %get3A_686 = tpu.vector_load %arg8[%get3A_684, %get3A_685] {strides = array<i32>} : memref<4x8192xf32, #tpu.memory_space<vmem>>, vector<1x16xf32>,
        %get3A_687 = vector.shape_cast %get3A_686 : vector<1x16xf32> to vector<16xf32>
        %exp3A = math.exp %get3A_687 : vector<16xf32>
        %add3A_688 = arith.addf %scan3A_677, %exp3A : vector<16xf32>
        %mul3A_689 = arith.constant 256 : i32
        %mul3A_690 = arith.muli %scan3A_676, %mul3A_689 : i32
        %add3A_691 = arith.constant 16 : i32
        %add3A_692 = arith.addi %mul3A_690, %add3A_691 : i32
        %multiple_of3A_693 = tpu.assume_multiple %add3A_692, 16 : i32
        %get3A_694 = arith.constant 2 : i32
        %get3A_695 = arith.index_cast %get3A_694 : i32 to index
        %get3A_696 = arith.index_cast %multiple_of3A_693 : i32 to index
        %get3A_697 = tpu.vector_load %arg8[%get3A_695, %get3A_696] {strides = array<i32>} : memref<4x8192xf32, #tpu.memory_space<vmem>>, vector<1x16xf32>,
        %get3A_698 = vector.shape_cast %get3A_697 : vector<1x16xf32> to vector<16xf32>
        %exp3A_699 = math.exp %get3A_698 : vector<16xf32>
        %add3A_700 = arith.addf %add3A_688, %exp3A_699 : vector<16xf32>
        %mul3A_701 = arith.constant 256 : i32
        %mul3A_702 = arith.muli %scan3A_676, %mul3A_701 : i32
        %add3A_703 = arith.constant 32 : i32
        %add3A_704 = arith.addi %mul3A_702, %add3A_703 : i32
        %multiple_of3A_705 = tpu.assume_multiple %add3A_704, 16 : i32
        %get3A_706 = arith.constant 2 : i32
        %get3A_707 = arith.index_cast %get3A_706 : i32 to index
        %get3A_708 = arith.index_cast %multiple_of3A_705 : i32 to index
        %get3A_709 = tpu.vector_load %arg8[%get3A_707, %get3A_708] {strides = array<i32>} : memref<4x8192xf32, #tpu.memory_space<vmem>>, vector<1x16xf32>,
        %get3A_710 = vector.shape_cast %get3A_709 : vector<1x16xf32> to vector<16xf32>
        %exp3A_711 = math.exp %get3A_710 : vector<16xf32>
        %add3A_712 = arith.addf %add3A_700, %exp3A_711 : vector<16xf32>
        %mul3A_713 = arith.constant 256 : i32
        %mul3A_714 = arith.muli %scan3A_676, %mul3A_713 : i32
        %add3A_715 = arith.constant 48 : i32
        %add3A_716 = arith.addi %mul3A_714, %add3A_715 : i32
        %multiple_of3A_717 = tpu.assume_multiple %add3A_716, 16 : i32
        %get3A_718 = arith.constant 2 : i32
        %get3A_719 = arith.index_cast %get3A_718 : i32 to index
        %get3A_720 = arith.index_cast %multiple_of3A_717 : i32 to index
        %get3A_721 = tpu.vector_load %arg8[%get3A_719, %get3A_720] {strides = array<i32>} : memref<4x8192xf32, #tpu.memory_space<vmem>>, vector<1x16xf32>,
        %get3A_722 = vector.shape_cast %get3A_721 : vector<1x16xf32> to vector<16xf32>
        %exp3A_723 = math.exp %get3A_722 : vector<16xf32>
        %add3A_724 = arith.addf %add3A_712, %exp3A_723 : vector<16xf32>
        %mul3A_725 = arith.constant 256 : i32
        %mul3A_726 = arith.muli %scan3A_676, %mul3A_725 : i32
        %add3A_727 = arith.constant 64 : i32
        %add3A_728 = arith.addi %mul3A_726, %add3A_727 : i32
        %multiple_of3A_729 = tpu.assume_multiple %add3A_728, 16 : i32
        %get3A_730 = arith.constant 2 : i32
        %get3A_731 = arith.index_cast %get3A_730 : i32 to index
        %get3A_732 = arith.index_cast %multiple_of3A_729 : i32 to index
        %get3A_733 = tpu.vector_load %arg8[%get3A_731, %get3A_732] {strides = array<i32>} : memref<4x8192xf32, #tpu.memory_space<vmem>>, vector<1x16xf32>,
        %get3A_734 = vector.shape_cast %get3A_733 : vector<1x16xf32> to vector<16xf32>
        %exp3A_735 = math.exp %get3A_734 : vector<16xf32>
        %add3A_736 = arith.addf %add3A_724, %exp3A_735 : vector<16xf32>
        %mul3A_737 = arith.constant 256 : i32
        %mul3A_738 = arith.muli %scan3A_676, %mul3A_737 : i32
        %add3A_739 = arith.constant 80 : i32
        %add3A_740 = arith.addi %mul3A_738, %add3A_739 : i32
        %multiple_of3A_741 = tpu.assume_multiple %add3A_740, 16 : i32
        %get3A_742 = arith.constant 2 : i32
        %get3A_743 = arith.index_cast %get3A_742 : i32 to index
        %get3A_744 = arith.index_cast %multiple_of3A_741 : i32 to index
        %get3A_745 = tpu.vector_load %arg8[%get3A_743, %get3A_744] {strides = array<i32>} : memref<4x8192xf32, #tpu.memory_space<vmem>>, vector<1x16xf32>,
        %get3A_746 = vector.shape_cast %get3A_745 : vector<1x16xf32> to vector<16xf32>
        %exp3A_747 = math.exp %get3A_746 : vector<16xf32>
        %add3A_748 = arith.addf %add3A_736, %exp3A_747 : vector<16xf32>
        %mul3A_749 = arith.constant 256 : i32
        %mul3A_750 = arith.muli %scan3A_676, %mul3A_749 : i32
        %add3A_751 = arith.constant 96 : i32
        %add3A_752 = arith.addi %mul3A_750, %add3A_751 : i32
        %multiple_of3A_753 = tpu.assume_multiple %add3A_752, 16 : i32
        %get3A_754 = arith.constant 2 : i32
        %get3A_755 = arith.index_cast %get3A_754 : i32 to index
        %get3A_756 = arith.index_cast %multiple_of3A_753 : i32 to index
        %get3A_757 = tpu.vector_load %arg8[%get3A_755, %get3A_756] {strides = array<i32>} : memref<4x8192xf32, #tpu.memory_space<vmem>>, vector<1x16xf32>,
        %get3A_758 = vector.shape_cast %get3A_757 : vector<1x16xf32> to vector<16xf32>
        %exp3A_759 = math.exp %get3A_758 : vector<16xf32>
        %add3A_760 = arith.addf %add3A_748, %exp3A_759 : vector<16xf32>
        %mul3A_761 = arith.constant 256 : i32
        %mul3A_762 = arith.muli %scan3A_676, %mul3A_761 : i32
        %add3A_763 = arith.constant 112 : i32
        %add3A_764 = arith.addi %mul3A_762, %add3A_763 : i32
        %multiple_of3A_765 = tpu.assume_multiple %add3A_764, 16 : i32
        %get3A_766 = arith.constant 2 : i32
        %get3A_767 = arith.index_cast %get3A_766 : i32 to index
        %get3A_768 = arith.index_cast %multiple_of3A_765 : i32 to index
        %get3A_769 = tpu.vector_load %arg8[%get3A_767, %get3A_768] {strides = array<i32>} : memref<4x8192xf32, #tpu.memory_space<vmem>>, vector<1x16xf32>,
        %get3A_770 = vector.shape_cast %get3A_769 : vector<1x16xf32> to vector<16xf32>
        %exp3A_771 = math.exp %get3A_770 : vector<16xf32>
        %add3A_772 = arith.addf %add3A_760, %exp3A_771 : vector<16xf32>
        %mul3A_773 = arith.constant 256 : i32
        %mul3A_774 = arith.muli %scan3A_676, %mul3A_773 : i32
        %add3A_775 = arith.constant 128 : i32
        %add3A_776 = arith.addi %mul3A_774, %add3A_775 : i32
        %multiple_of3A_777 = tpu.assume_multiple %add3A_776, 16 : i32
        %get3A_778 = arith.constant 2 : i32
        %get3A_779 = arith.index_cast %get3A_778 : i32 to index
        %get3A_780 = arith.index_cast %multiple_of3A_777 : i32 to index
        %get3A_781 = tpu.vector_load %arg8[%get3A_779, %get3A_780] {strides = array<i32>} : memref<4x8192xf32, #tpu.memory_space<vmem>>, vector<1x16xf32>,
        %get3A_782 = vector.shape_cast %get3A_781 : vector<1x16xf32> to vector<16xf32>
        %exp3A_783 = math.exp %get3A_782 : vector<16xf32>
        %add3A_784 = arith.addf %add3A_772, %exp3A_783 : vector<16xf32>
        %mul3A_785 = arith.constant 256 : i32
        %mul3A_786 = arith.muli %scan3A_676, %mul3A_785 : i32
        %add3A_787 = arith.constant 144 : i32
        %add3A_788 = arith.addi %mul3A_786, %add3A_787 : i32
        %multiple_of3A_789 = tpu.assume_multiple %add3A_788, 16 : i32
        %get3A_790 = arith.constant 2 : i32
        %get3A_791 = arith.index_cast %get3A_790 : i32 to index
        %get3A_792 = arith.index_cast %multiple_of3A_789 : i32 to index
        %get3A_793 = tpu.vector_load %arg8[%get3A_791, %get3A_792] {strides = array<i32>} : memref<4x8192xf32, #tpu.memory_space<vmem>>, vector<1x16xf32>,
        %get3A_794 = vector.shape_cast %get3A_793 : vector<1x16xf32> to vector<16xf32>
        %exp3A_795 = math.exp %get3A_794 : vector<16xf32>
        %add3A_796 = arith.addf %add3A_784, %exp3A_795 : vector<16xf32>
        %mul3A_797 = arith.constant 256 : i32
        %mul3A_798 = arith.muli %scan3A_676, %mul3A_797 : i32
        %add3A_799 = arith.constant 160 : i32
        %add3A_800 = arith.addi %mul3A_798, %add3A_799 : i32
        %multiple_of3A_801 = tpu.assume_multiple %add3A_800, 16 : i32
        %get3A_802 = arith.constant 2 : i32
        %get3A_803 = arith.index_cast %get3A_802 : i32 to index
        %get3A_804 = arith.index_cast %multiple_of3A_801 : i32 to index
        %get3A_805 = tpu.vector_load %arg8[%get3A_803, %get3A_804] {strides = array<i32>} : memref<4x8192xf32, #tpu.memory_space<vmem>>, vector<1x16xf32>,
        %get3A_806 = vector.shape_cast %get3A_805 : vector<1x16xf32> to vector<16xf32>
        %exp3A_807 = math.exp %get3A_806 : vector<16xf32>
        %add3A_808 = arith.addf %add3A_796, %exp3A_807 : vector<16xf32>
        %mul3A_809 = arith.constant 256 : i32
        %mul3A_810 = arith.muli %scan3A_676, %mul3A_809 : i32
        %add3A_811 = arith.constant 176 : i32
        %add3A_812 = arith.addi %mul3A_810, %add3A_811 : i32
        %multiple_of3A_813 = tpu.assume_multiple %add3A_812, 16 : i32
        %get3A_814 = arith.constant 2 : i32
        %get3A_815 = arith.index_cast %get3A_814 : i32 to index
        %get3A_816 = arith.index_cast %multiple_of3A_813 : i32 to index
        %get3A_817 = tpu.vector_load %arg8[%get3A_815, %get3A_816] {strides = array<i32>} : memref<4x8192xf32, #tpu.memory_space<vmem>>, vector<1x16xf32>,
        %get3A_818 = vector.shape_cast %get3A_817 : vector<1x16xf32> to vector<16xf32>
        %exp3A_819 = math.exp %get3A_818 : vector<16xf32>
        %add3A_820 = arith.addf %add3A_808, %exp3A_819 : vector<16xf32>
        %mul3A_821 = arith.constant 256 : i32
        %mul3A_822 = arith.muli %scan3A_676, %mul3A_821 : i32
        %add3A_823 = arith.constant 192 : i32
        %add3A_824 = arith.addi %mul3A_822, %add3A_823 : i32
        %multiple_of3A_825 = tpu.assume_multiple %add3A_824, 16 : i32
        %get3A_826 = arith.constant 2 : i32
        %get3A_827 = arith.index_cast %get3A_826 : i32 to index
        %get3A_828 = arith.index_cast %multiple_of3A_825 : i32 to index
        %get3A_829 = tpu.vector_load %arg8[%get3A_827, %get3A_828] {strides = array<i32>} : memref<4x8192xf32, #tpu.memory_space<vmem>>, vector<1x16xf32>,
        %get3A_830 = vector.shape_cast %get3A_829 : vector<1x16xf32> to vector<16xf32>
        %exp3A_831 = math.exp %get3A_830 : vector<16xf32>
        %add3A_832 = arith.addf %add3A_820, %exp3A_831 : vector<16xf32>
        %mul3A_833 = arith.constant 256 : i32
        %mul3A_834 = arith.muli %scan3A_676, %mul3A_833 : i32
        %add3A_835 = arith.constant 208 : i32
        %add3A_836 = arith.addi %mul3A_834, %add3A_835 : i32
        %multiple_of3A_837 = tpu.assume_multiple %add3A_836, 16 : i32
        %get3A_838 = arith.constant 2 : i32
        %get3A_839 = arith.index_cast %get3A_838 : i32 to index
        %get3A_840 = arith.index_cast %multiple_of3A_837 : i32 to index
        %get3A_841 = tpu.vector_load %arg8[%get3A_839, %get3A_840] {strides = array<i32>} : memref<4x8192xf32, #tpu.memory_space<vmem>>, vector<1x16xf32>,
        %get3A_842 = vector.shape_cast %get3A_841 : vector<1x16xf32> to vector<16xf32>
        %exp3A_843 = math.exp %get3A_842 : vector<16xf32>
        %add3A_844 = arith.addf %add3A_832, %exp3A_843 : vector<16xf32>
        %mul3A_845 = arith.constant 256 : i32
        %mul3A_846 = arith.muli %scan3A_676, %mul3A_845 : i32
        %add3A_847 = arith.constant 224 : i32
        %add3A_848 = arith.addi %mul3A_846, %add3A_847 : i32
        %multiple_of3A_849 = tpu.assume_multiple %add3A_848, 16 : i32
        %get3A_850 = arith.constant 2 : i32
        %get3A_851 = arith.index_cast %get3A_850 : i32 to index
        %get3A_852 = arith.index_cast %multiple_of3A_849 : i32 to index
        %get3A_853 = tpu.vector_load %arg8[%get3A_851, %get3A_852] {strides = array<i32>} : memref<4x8192xf32, #tpu.memory_space<vmem>>, vector<1x16xf32>,
        %get3A_854 = vector.shape_cast %get3A_853 : vector<1x16xf32> to vector<16xf32>
        %exp3A_855 = math.exp %get3A_854 : vector<16xf32>
        %add3A_856 = arith.addf %add3A_844, %exp3A_855 : vector<16xf32>
        %mul3A_857 = arith.constant 256 : i32
        %mul3A_858 = arith.muli %scan3A_676, %mul3A_857 : i32
        %add3A_859 = arith.constant 240 : i32
        %add3A_860 = arith.addi %mul3A_858, %add3A_859 : i32
        %multiple_of3A_861 = tpu.assume_multiple %add3A_860, 16 : i32
        %get3A_862 = arith.constant 2 : i32
        %get3A_863 = arith.index_cast %get3A_862 : i32 to index
        %get3A_864 = arith.index_cast %multiple_of3A_861 : i32 to index
        %get3A_865 = tpu.vector_load %arg8[%get3A_863, %get3A_864] {strides = array<i32>} : memref<4x8192xf32, #tpu.memory_space<vmem>>, vector<1x16xf32>,
        %get3A_866 = vector.shape_cast %get3A_865 : vector<1x16xf32> to vector<16xf32>
        %exp3A_867 = math.exp %get3A_866 : vector<16xf32>
        %add3A_868 = arith.addf %add3A_856, %exp3A_867 : vector<16xf32>
        scf.yield %add3A_868 : vector<16xf32>
      }
      %scan3A_122 = arith.constant 32 : i32
      %mul3A_123 = arith.constant 256 : i32
      %mul3A_124 = arith.muli %scan3A_24, %mul3A_123 : i32
      %add3A_125 = arith.constant 32 : i32
      %add3A_126 = arith.addi %mul3A_124, %add3A_125 : i32
      %swap3A_127 = arith.index_cast %add3A_126 : i32 to index
      %swap3A_128 = tpu.vector_load %arg13[%swap3A_127] {strides = array<i32>} : memref<4096xf32, #tpu.memory_space<vmem>>, vector<16xf32>,
      %swap3A_129 = vector.shape_cast %swap3A_128 : vector<16xf32> to vector<16xf32>
      %swap3A_130 = vector.shape_cast %scan3A_121 : vector<16xf32> to vector<16xf32>
      tpu.vector_store %arg13[%swap3A_127], %swap3A_130 {strides = array<i32>} : memref<4096xf32, #tpu.memory_space<vmem>>, vector<16xf32>,
      %slice3A_131 = vector.extract_strided_slice %get3A_29 {offsets = [2], sizes = [1], strides = [1]} : vector<16xi32> to vector<1xi32>
      %squeeze3A_132 = vector.extract %slice3A_131[0] : i32 from vector<1xi32>
      %and3A_133 = arith.constant -16 : i32
      %and3A_134 = arith.andi %squeeze3A_132, %and3A_133 : i32
      %multiple_of3A_135 = tpu.assume_multiple %and3A_134, 16 : i32
      %get3A_136 = arith.constant 2 : i32
      %get3A_137 = arith.index_cast %get3A_136 : i32 to index
      %get3A_138 = arith.index_cast %multiple_of3A_135 : i32 to index
      %get3A_139 = tpu.vector_load %arg8[%get3A_137, %get3A_138] {strides = array<i32>} : memref<4x8192xf32, #tpu.memory_space<vmem>>, vector<1x16xf32>,
      %get3A_140 = vector.shape_cast %get3A_139 : vector<1x16xf32> to vector<16xf32>
      %and3A_141 = arith.constant 15 : i32
      %and3A_142 = arith.andi %squeeze3A_132, %and3A_141 : i32
      %eq3A_143 = vector.broadcast %and3A_142 : i32 to vector<16xi32>
      %eq3A_144 = arith.cmpi eq, %iota3A, %eq3A_143 : vector<16xi32>
      %jit3A_145 = arith.constant 0.000000e+00 : f32
      %broadcast_in_dim3A_146 = vector.broadcast %jit3A_145 : f32 to vector<16xf32>
      %select_n3A_147 = arith.select %eq3A_144, %get3A_140, %broadcast_in_dim3A_146 : vector<16xi1>, vector<16xf32>
      %add3A_148 = arith.addf %add3A_114, %select_n3A_147 : vector<16xf32>
      %broadcast_in_dim3A_149 = arith.constant 0.000000e+00 : f32
      %broadcast_in_dim3A_150 = vector.broadcast %broadcast_in_dim3A_149 : f32 to vector<16xf32>
      %scan3A_151 = arith.constant 0 : i32
      %scan3A_152 = arith.constant 32 : i32
      %scan3A_153 = arith.addi %scan3A_151, %scan3A_152 : i32
      %scan3A_154 = arith.constant 1 : i32
      %scan3A_155 = scf.for %scan3A_676 = %scan3A_151 to %scan3A_153 step %scan3A_154 iter_args(%scan3A_677 = %broadcast_in_dim3A_150) -> (vector<16xf32>)  : i32 {
        %mul3A_678 = arith.constant 256 : i32
        %mul3A_679 = arith.muli %scan3A_676, %mul3A_678 : i32
        %add3A_680 = arith.constant 0 : i32
        %add3A_681 = arith.addi %mul3A_679, %add3A_680 : i32
        %multiple_of3A_682 = tpu.assume_multiple %add3A_681, 16 : i32
        %get3A_683 = arith.constant 3 : i32
        %get3A_684 = arith.index_cast %get3A_683 : i32 to index
        %get3A_685 = arith.index_cast %multiple_of3A_682 : i32 to index
        %get3A_686 = tpu.vector_load %arg8[%get3A_684, %get3A_685] {strides = array<i32>} : memref<4x8192xf32, #tpu.memory_space<vmem>>, vector<1x16xf32>,
        %get3A_687 = vector.shape_cast %get3A_686 : vector<1x16xf32> to vector<16xf32>
        %exp3A = math.exp %get3A_687 : vector<16xf32>
        %add3A_688 = arith.addf %scan3A_677, %exp3A : vector<16xf32>
        %mul3A_689 = arith.constant 256 : i32
        %mul3A_690 = arith.muli %scan3A_676, %mul3A_689 : i32
        %add3A_691 = arith.constant 16 : i32
        %add3A_692 = arith.addi %mul3A_690, %add3A_691 : i32
        %multiple_of3A_693 = tpu.assume_multiple %add3A_692, 16 : i32
        %get3A_694 = arith.constant 3 : i32
        %get3A_695 = arith.index_cast %get3A_694 : i32 to index
        %get3A_696 = arith.index_cast %multiple_of3A_693 : i32 to index
        %get3A_697 = tpu.vector_load %arg8[%get3A_695, %get3A_696] {strides = array<i32>} : memref<4x8192xf32, #tpu.memory_space<vmem>>, vector<1x16xf32>,
        %get3A_698 = vector.shape_cast %get3A_697 : vector<1x16xf32> to vector<16xf32>
        %exp3A_699 = math.exp %get3A_698 : vector<16xf32>
        %add3A_700 = arith.addf %add3A_688, %exp3A_699 : vector<16xf32>
        %mul3A_701 = arith.constant 256 : i32
        %mul3A_702 = arith.muli %scan3A_676, %mul3A_701 : i32
        %add3A_703 = arith.constant 32 : i32
        %add3A_704 = arith.addi %mul3A_702, %add3A_703 : i32
        %multiple_of3A_705 = tpu.assume_multiple %add3A_704, 16 : i32
        %get3A_706 = arith.constant 3 : i32
        %get3A_707 = arith.index_cast %get3A_706 : i32 to index
        %get3A_708 = arith.index_cast %multiple_of3A_705 : i32 to index
        %get3A_709 = tpu.vector_load %arg8[%get3A_707, %get3A_708] {strides = array<i32>} : memref<4x8192xf32, #tpu.memory_space<vmem>>, vector<1x16xf32>,
        %get3A_710 = vector.shape_cast %get3A_709 : vector<1x16xf32> to vector<16xf32>
        %exp3A_711 = math.exp %get3A_710 : vector<16xf32>
        %add3A_712 = arith.addf %add3A_700, %exp3A_711 : vector<16xf32>
        %mul3A_713 = arith.constant 256 : i32
        %mul3A_714 = arith.muli %scan3A_676, %mul3A_713 : i32
        %add3A_715 = arith.constant 48 : i32
        %add3A_716 = arith.addi %mul3A_714, %add3A_715 : i32
        %multiple_of3A_717 = tpu.assume_multiple %add3A_716, 16 : i32
        %get3A_718 = arith.constant 3 : i32
        %get3A_719 = arith.index_cast %get3A_718 : i32 to index
        %get3A_720 = arith.index_cast %multiple_of3A_717 : i32 to index
        %get3A_721 = tpu.vector_load %arg8[%get3A_719, %get3A_720] {strides = array<i32>} : memref<4x8192xf32, #tpu.memory_space<vmem>>, vector<1x16xf32>,
        %get3A_722 = vector.shape_cast %get3A_721 : vector<1x16xf32> to vector<16xf32>
        %exp3A_723 = math.exp %get3A_722 : vector<16xf32>
        %add3A_724 = arith.addf %add3A_712, %exp3A_723 : vector<16xf32>
        %mul3A_725 = arith.constant 256 : i32
        %mul3A_726 = arith.muli %scan3A_676, %mul3A_725 : i32
        %add3A_727 = arith.constant 64 : i32
        %add3A_728 = arith.addi %mul3A_726, %add3A_727 : i32
        %multiple_of3A_729 = tpu.assume_multiple %add3A_728, 16 : i32
        %get3A_730 = arith.constant 3 : i32
        %get3A_731 = arith.index_cast %get3A_730 : i32 to index
        %get3A_732 = arith.index_cast %multiple_of3A_729 : i32 to index
        %get3A_733 = tpu.vector_load %arg8[%get3A_731, %get3A_732] {strides = array<i32>} : memref<4x8192xf32, #tpu.memory_space<vmem>>, vector<1x16xf32>,
        %get3A_734 = vector.shape_cast %get3A_733 : vector<1x16xf32> to vector<16xf32>
        %exp3A_735 = math.exp %get3A_734 : vector<16xf32>
        %add3A_736 = arith.addf %add3A_724, %exp3A_735 : vector<16xf32>
        %mul3A_737 = arith.constant 256 : i32
        %mul3A_738 = arith.muli %scan3A_676, %mul3A_737 : i32
        %add3A_739 = arith.constant 80 : i32
        %add3A_740 = arith.addi %mul3A_738, %add3A_739 : i32
        %multiple_of3A_741 = tpu.assume_multiple %add3A_740, 16 : i32
        %get3A_742 = arith.constant 3 : i32
        %get3A_743 = arith.index_cast %get3A_742 : i32 to index
        %get3A_744 = arith.index_cast %multiple_of3A_741 : i32 to index
        %get3A_745 = tpu.vector_load %arg8[%get3A_743, %get3A_744] {strides = array<i32>} : memref<4x8192xf32, #tpu.memory_space<vmem>>, vector<1x16xf32>,
        %get3A_746 = vector.shape_cast %get3A_745 : vector<1x16xf32> to vector<16xf32>
        %exp3A_747 = math.exp %get3A_746 : vector<16xf32>
        %add3A_748 = arith.addf %add3A_736, %exp3A_747 : vector<16xf32>
        %mul3A_749 = arith.constant 256 : i32
        %mul3A_750 = arith.muli %scan3A_676, %mul3A_749 : i32
        %add3A_751 = arith.constant 96 : i32
        %add3A_752 = arith.addi %mul3A_750, %add3A_751 : i32
        %multiple_of3A_753 = tpu.assume_multiple %add3A_752, 16 : i32
        %get3A_754 = arith.constant 3 : i32
        %get3A_755 = arith.index_cast %get3A_754 : i32 to index
        %get3A_756 = arith.index_cast %multiple_of3A_753 : i32 to index
        %get3A_757 = tpu.vector_load %arg8[%get3A_755, %get3A_756] {strides = array<i32>} : memref<4x8192xf32, #tpu.memory_space<vmem>>, vector<1x16xf32>,
        %get3A_758 = vector.shape_cast %get3A_757 : vector<1x16xf32> to vector<16xf32>
        %exp3A_759 = math.exp %get3A_758 : vector<16xf32>
        %add3A_760 = arith.addf %add3A_748, %exp3A_759 : vector<16xf32>
        %mul3A_761 = arith.constant 256 : i32
        %mul3A_762 = arith.muli %scan3A_676, %mul3A_761 : i32
        %add3A_763 = arith.constant 112 : i32
        %add3A_764 = arith.addi %mul3A_762, %add3A_763 : i32
        %multiple_of3A_765 = tpu.assume_multiple %add3A_764, 16 : i32
        %get3A_766 = arith.constant 3 : i32
        %get3A_767 = arith.index_cast %get3A_766 : i32 to index
        %get3A_768 = arith.index_cast %multiple_of3A_765 : i32 to index
        %get3A_769 = tpu.vector_load %arg8[%get3A_767, %get3A_768] {strides = array<i32>} : memref<4x8192xf32, #tpu.memory_space<vmem>>, vector<1x16xf32>,
        %get3A_770 = vector.shape_cast %get3A_769 : vector<1x16xf32> to vector<16xf32>
        %exp3A_771 = math.exp %get3A_770 : vector<16xf32>
        %add3A_772 = arith.addf %add3A_760, %exp3A_771 : vector<16xf32>
        %mul3A_773 = arith.constant 256 : i32
        %mul3A_774 = arith.muli %scan3A_676, %mul3A_773 : i32
        %add3A_775 = arith.constant 128 : i32
        %add3A_776 = arith.addi %mul3A_774, %add3A_775 : i32
        %multiple_of3A_777 = tpu.assume_multiple %add3A_776, 16 : i32
        %get3A_778 = arith.constant 3 : i32
        %get3A_779 = arith.index_cast %get3A_778 : i32 to index
        %get3A_780 = arith.index_cast %multiple_of3A_777 : i32 to index
        %get3A_781 = tpu.vector_load %arg8[%get3A_779, %get3A_780] {strides = array<i32>} : memref<4x8192xf32, #tpu.memory_space<vmem>>, vector<1x16xf32>,
        %get3A_782 = vector.shape_cast %get3A_781 : vector<1x16xf32> to vector<16xf32>
        %exp3A_783 = math.exp %get3A_782 : vector<16xf32>
        %add3A_784 = arith.addf %add3A_772, %exp3A_783 : vector<16xf32>
        %mul3A_785 = arith.constant 256 : i32
        %mul3A_786 = arith.muli %scan3A_676, %mul3A_785 : i32
        %add3A_787 = arith.constant 144 : i32
        %add3A_788 = arith.addi %mul3A_786, %add3A_787 : i32
        %multiple_of3A_789 = tpu.assume_multiple %add3A_788, 16 : i32
        %get3A_790 = arith.constant 3 : i32
        %get3A_791 = arith.index_cast %get3A_790 : i32 to index
        %get3A_792 = arith.index_cast %multiple_of3A_789 : i32 to index
        %get3A_793 = tpu.vector_load %arg8[%get3A_791, %get3A_792] {strides = array<i32>} : memref<4x8192xf32, #tpu.memory_space<vmem>>, vector<1x16xf32>,
        %get3A_794 = vector.shape_cast %get3A_793 : vector<1x16xf32> to vector<16xf32>
        %exp3A_795 = math.exp %get3A_794 : vector<16xf32>
        %add3A_796 = arith.addf %add3A_784, %exp3A_795 : vector<16xf32>
        %mul3A_797 = arith.constant 256 : i32
        %mul3A_798 = arith.muli %scan3A_676, %mul3A_797 : i32
        %add3A_799 = arith.constant 160 : i32
        %add3A_800 = arith.addi %mul3A_798, %add3A_799 : i32
        %multiple_of3A_801 = tpu.assume_multiple %add3A_800, 16 : i32
        %get3A_802 = arith.constant 3 : i32
        %get3A_803 = arith.index_cast %get3A_802 : i32 to index
        %get3A_804 = arith.index_cast %multiple_of3A_801 : i32 to index
        %get3A_805 = tpu.vector_load %arg8[%get3A_803, %get3A_804] {strides = array<i32>} : memref<4x8192xf32, #tpu.memory_space<vmem>>, vector<1x16xf32>,
        %get3A_806 = vector.shape_cast %get3A_805 : vector<1x16xf32> to vector<16xf32>
        %exp3A_807 = math.exp %get3A_806 : vector<16xf32>
        %add3A_808 = arith.addf %add3A_796, %exp3A_807 : vector<16xf32>
        %mul3A_809 = arith.constant 256 : i32
        %mul3A_810 = arith.muli %scan3A_676, %mul3A_809 : i32
        %add3A_811 = arith.constant 176 : i32
        %add3A_812 = arith.addi %mul3A_810, %add3A_811 : i32
        %multiple_of3A_813 = tpu.assume_multiple %add3A_812, 16 : i32
        %get3A_814 = arith.constant 3 : i32
        %get3A_815 = arith.index_cast %get3A_814 : i32 to index
        %get3A_816 = arith.index_cast %multiple_of3A_813 : i32 to index
        %get3A_817 = tpu.vector_load %arg8[%get3A_815, %get3A_816] {strides = array<i32>} : memref<4x8192xf32, #tpu.memory_space<vmem>>, vector<1x16xf32>,
        %get3A_818 = vector.shape_cast %get3A_817 : vector<1x16xf32> to vector<16xf32>
        %exp3A_819 = math.exp %get3A_818 : vector<16xf32>
        %add3A_820 = arith.addf %add3A_808, %exp3A_819 : vector<16xf32>
        %mul3A_821 = arith.constant 256 : i32
        %mul3A_822 = arith.muli %scan3A_676, %mul3A_821 : i32
        %add3A_823 = arith.constant 192 : i32
        %add3A_824 = arith.addi %mul3A_822, %add3A_823 : i32
        %multiple_of3A_825 = tpu.assume_multiple %add3A_824, 16 : i32
        %get3A_826 = arith.constant 3 : i32
        %get3A_827 = arith.index_cast %get3A_826 : i32 to index
        %get3A_828 = arith.index_cast %multiple_of3A_825 : i32 to index
        %get3A_829 = tpu.vector_load %arg8[%get3A_827, %get3A_828] {strides = array<i32>} : memref<4x8192xf32, #tpu.memory_space<vmem>>, vector<1x16xf32>,
        %get3A_830 = vector.shape_cast %get3A_829 : vector<1x16xf32> to vector<16xf32>
        %exp3A_831 = math.exp %get3A_830 : vector<16xf32>
        %add3A_832 = arith.addf %add3A_820, %exp3A_831 : vector<16xf32>
        %mul3A_833 = arith.constant 256 : i32
        %mul3A_834 = arith.muli %scan3A_676, %mul3A_833 : i32
        %add3A_835 = arith.constant 208 : i32
        %add3A_836 = arith.addi %mul3A_834, %add3A_835 : i32
        %multiple_of3A_837 = tpu.assume_multiple %add3A_836, 16 : i32
        %get3A_838 = arith.constant 3 : i32
        %get3A_839 = arith.index_cast %get3A_838 : i32 to index
        %get3A_840 = arith.index_cast %multiple_of3A_837 : i32 to index
        %get3A_841 = tpu.vector_load %arg8[%get3A_839, %get3A_840] {strides = array<i32>} : memref<4x8192xf32, #tpu.memory_space<vmem>>, vector<1x16xf32>,
        %get3A_842 = vector.shape_cast %get3A_841 : vector<1x16xf32> to vector<16xf32>
        %exp3A_843 = math.exp %get3A_842 : vector<16xf32>
        %add3A_844 = arith.addf %add3A_832, %exp3A_843 : vector<16xf32>
        %mul3A_845 = arith.constant 256 : i32
        %mul3A_846 = arith.muli %scan3A_676, %mul3A_845 : i32
        %add3A_847 = arith.constant 224 : i32
        %add3A_848 = arith.addi %mul3A_846, %add3A_847 : i32
        %multiple_of3A_849 = tpu.assume_multiple %add3A_848, 16 : i32
        %get3A_850 = arith.constant 3 : i32
        %get3A_851 = arith.index_cast %get3A_850 : i32 to index
        %get3A_852 = arith.index_cast %multiple_of3A_849 : i32 to index
        %get3A_853 = tpu.vector_load %arg8[%get3A_851, %get3A_852] {strides = array<i32>} : memref<4x8192xf32, #tpu.memory_space<vmem>>, vector<1x16xf32>,
        %get3A_854 = vector.shape_cast %get3A_853 : vector<1x16xf32> to vector<16xf32>
        %exp3A_855 = math.exp %get3A_854 : vector<16xf32>
        %add3A_856 = arith.addf %add3A_844, %exp3A_855 : vector<16xf32>
        %mul3A_857 = arith.constant 256 : i32
        %mul3A_858 = arith.muli %scan3A_676, %mul3A_857 : i32
        %add3A_859 = arith.constant 240 : i32
        %add3A_860 = arith.addi %mul3A_858, %add3A_859 : i32
        %multiple_of3A_861 = tpu.assume_multiple %add3A_860, 16 : i32
        %get3A_862 = arith.constant 3 : i32
        %get3A_863 = arith.index_cast %get3A_862 : i32 to index
        %get3A_864 = arith.index_cast %multiple_of3A_861 : i32 to index
        %get3A_865 = tpu.vector_load %arg8[%get3A_863, %get3A_864] {strides = array<i32>} : memref<4x8192xf32, #tpu.memory_space<vmem>>, vector<1x16xf32>,
        %get3A_866 = vector.shape_cast %get3A_865 : vector<1x16xf32> to vector<16xf32>
        %exp3A_867 = math.exp %get3A_866 : vector<16xf32>
        %add3A_868 = arith.addf %add3A_856, %exp3A_867 : vector<16xf32>
        scf.yield %add3A_868 : vector<16xf32>
      }
      %scan3A_156 = arith.constant 32 : i32
      %mul3A_157 = arith.constant 256 : i32
      %mul3A_158 = arith.muli %scan3A_24, %mul3A_157 : i32
      %add3A_159 = arith.constant 48 : i32
      %add3A_160 = arith.addi %mul3A_158, %add3A_159 : i32
      %swap3A_161 = arith.index_cast %add3A_160 : i32 to index
      %swap3A_162 = tpu.vector_load %arg13[%swap3A_161] {strides = array<i32>} : memref<4096xf32, #tpu.memory_space<vmem>>, vector<16xf32>,
      %swap3A_163 = vector.shape_cast %swap3A_162 : vector<16xf32> to vector<16xf32>
      %swap3A_164 = vector.shape_cast %scan3A_155 : vector<16xf32> to vector<16xf32>
      tpu.vector_store %arg13[%swap3A_161], %swap3A_164 {strides = array<i32>} : memref<4096xf32, #tpu.memory_space<vmem>>, vector<16xf32>,
      %slice3A_165 = vector.extract_strided_slice %get3A_29 {offsets = [3], sizes = [1], strides = [1]} : vector<16xi32> to vector<1xi32>
      %squeeze3A_166 = vector.extract %slice3A_165[0] : i32 from vector<1xi32>
      %and3A_167 = arith.constant -16 : i32
      %and3A_168 = arith.andi %squeeze3A_166, %and3A_167 : i32
      %multiple_of3A_169 = tpu.assume_multiple %and3A_168, 16 : i32
      %get3A_170 = arith.constant 3 : i32
      %get3A_171 = arith.index_cast %get3A_170 : i32 to index
      %get3A_172 = arith.index_cast %multiple_of3A_169 : i32 to index
      %get3A_173 = tpu.vector_load %arg8[%get3A_171, %get3A_172] {strides = array<i32>} : memref<4x8192xf32, #tpu.memory_space<vmem>>, vector<1x16xf32>,
      %get3A_174 = vector.shape_cast %get3A_173 : vector<1x16xf32> to vector<16xf32>
      %and3A_175 = arith.constant 15 : i32
      %and3A_176 = arith.andi %squeeze3A_166, %and3A_175 : i32
      %eq3A_177 = vector.broadcast %and3A_176 : i32 to vector<16xi32>
      %eq3A_178 = arith.cmpi eq, %iota3A, %eq3A_177 : vector<16xi32>
      %jit3A_179 = arith.constant 0.000000e+00 : f32
      %broadcast_in_dim3A_180 = vector.broadcast %jit3A_179 : f32 to vector<16xf32>
      %select_n3A_181 = arith.select %eq3A_178, %get3A_174, %broadcast_in_dim3A_180 : vector<16xi1>, vector<16xf32>
      %add3A_182 = arith.addf %add3A_148, %select_n3A_181 : vector<16xf32>
      %dma_wait3A_183 = arith.constant 0 : i32
      %dma_wait3A_184 = tpu.memref_slice %arg5[%mul3A_2, %dma_wait3A_183] : memref<8192x8192xf32, #tpu.memory_space<hbm>> -> memref<4x8192xf32, #tpu.memory_space<hbm>>
      %dma_wait3A_185 = arith.constant 0 : i32
      %dma_wait3A_186 = tpu.memref_slice %arg5[%mul3A_2, %dma_wait3A_185] : memref<8192x8192xf32, #tpu.memory_space<hbm>> -> memref<4x8192xf32, #tpu.memory_space<hbm>>
      tpu.wait_dma2 semaphore(%arg16 : memref<!tpu.dma_semaphore, #tpu.memory_space<semaphore_mem>>) src(%arg8 : memref<4x8192xf32, #tpu.memory_space<vmem>>) dst(%dma_wait3A_186 : memref<4x8192xf32, #tpu.memory_space<hbm>>)
      %mul3A_187 = arith.constant 4 : i32
      %mul3A_188 = arith.muli %scan3A_24, %mul3A_187 : i32
      %add3A_189 = arith.constant 1 : i32
      %add3A_190 = arith.addi %mul3A_188, %add3A_189 : i32
      %dma_wait3A_191 = arith.constant 0 : i32
      %dma_wait3A_192 = tpu.memref_slice %arg10[%add3A_190, %dma_wait3A_191] : memref<64x4xi32, #tpu.memory_space<vmem>> -> memref<1x4xi32, #tpu.memory_space<vmem>>
      %dma_wait3A_193 = tpu.memref_squeeze %dma_wait3A_192 : memref<1x4xi32, #tpu.memory_space<vmem>> -> memref<4xi32, #tpu.memory_space<vmem>>
      %dma_wait3A_194 = arith.constant 0 : i32
      %dma_wait3A_195 = arith.constant 0 : i32
      %dma_wait3A_196 = tpu.memref_slice %arg2[%dma_wait3A_194, %dma_wait3A_195] : memref<8192x8192xf32, #tpu.memory_space<hbm>> -> memref<8192x8192xf32, #tpu.memory_space<hbm>>
      tpu.wait_indirect_dma semaphore(%arg15 : memref<!tpu.dma_semaphore, #tpu.memory_space<semaphore_mem>>) src(%dma_wait3A_196 : memref<8192x8192xf32, #tpu.memory_space<hbm>>) dst(%arg9 : memref<4x8192xf32, #tpu.memory_space<vmem>>)
      %add3A_197 = arith.constant 1 : i32
      %add3A_198 = arith.addi %add3A_190, %add3A_197 : i32
      %dma_start3A_199 = arith.constant 0 : i32
      %dma_start3A_200 = tpu.memref_slice %arg10[%add3A_198, %dma_start3A_199] : memref<64x4xi32, #tpu.memory_space<vmem>> -> memref<1x4xi32, #tpu.memory_space<vmem>>
      %dma_start3A_201 = tpu.memref_squeeze %dma_start3A_200 : memref<1x4xi32, #tpu.memory_space<vmem>> -> memref<4xi32, #tpu.memory_space<vmem>>
      %dma_start3A_202 = arith.constant 0 : i32
      %dma_start3A_203 = arith.constant 0 : i32
      %dma_start3A_204 = tpu.memref_slice %arg2[%dma_start3A_202, %dma_start3A_203] : memref<8192x8192xf32, #tpu.memory_space<hbm>> -> memref<8192x8192xf32, #tpu.memory_space<hbm>>
      tpu.enqueue_indirect_dma source(%dma_start3A_204 : memref<8192x8192xf32, #tpu.memory_space<hbm>>) target(%arg8 : memref<4x8192xf32, #tpu.memory_space<vmem>>) offsets(%dma_start3A_201 : memref<4xi32, #tpu.memory_space<vmem>>) semaphore(%arg14 : memref<!tpu.dma_semaphore, #tpu.memory_space<semaphore_mem>>)
      %mul3A_205 = arith.constant 4 : i32
      %mul3A_206 = arith.muli %add3A_190, %mul3A_205 : i32
      %add3A_207 = arith.addi %mul3A_2, %mul3A_206 : i32
      %dma_start3A_208 = arith.constant 0 : i32
      %dma_start3A_209 = tpu.memref_slice %arg5[%add3A_207, %dma_start3A_208] : memref<8192x8192xf32, #tpu.memory_space<hbm>> -> memref<4x8192xf32, #tpu.memory_space<hbm>>
      %dma_start3A_210 = arith.constant 0 : i32
      %dma_start3A_211 = tpu.memref_slice %arg5[%add3A_207, %dma_start3A_210] : memref<8192x8192xf32, #tpu.memory_space<hbm>> -> memref<4x8192xf32, #tpu.memory_space<hbm>>
      tpu.enqueue_dma source(%arg9 : memref<4x8192xf32, #tpu.memory_space<vmem>>) target(%dma_start3A_211 : memref<4x8192xf32, #tpu.memory_space<hbm>>) target_semaphore(%arg17 : memref<!tpu.dma_semaphore, #tpu.memory_space<semaphore_mem>>)
      %broadcast_in_dim3A_212 = arith.constant 0.000000e+00 : f32
      %broadcast_in_dim3A_213 = vector.broadcast %broadcast_in_dim3A_212 : f32 to vector<16xf32>
      %scan3A_214 = arith.constant 0 : i32
      %scan3A_215 = arith.constant 32 : i32
      %scan3A_216 = arith.addi %scan3A_214, %scan3A_215 : i32
      %scan3A_217 = arith.constant 1 : i32
      %scan3A_218 = scf.for %scan3A_676 = %scan3A_214 to %scan3A_216 step %scan3A_217 iter_args(%scan3A_677 = %broadcast_in_dim3A_213) -> (vector<16xf32>)  : i32 {
        %mul3A_678 = arith.constant 256 : i32
        %mul3A_679 = arith.muli %scan3A_676, %mul3A_678 : i32
        %add3A_680 = arith.constant 0 : i32
        %add3A_681 = arith.addi %mul3A_679, %add3A_680 : i32
        %multiple_of3A_682 = tpu.assume_multiple %add3A_681, 16 : i32
        %get3A_683 = arith.constant 0 : i32
        %get3A_684 = arith.index_cast %get3A_683 : i32 to index
        %get3A_685 = arith.index_cast %multiple_of3A_682 : i32 to index
        %get3A_686 = tpu.vector_load %arg9[%get3A_684, %get3A_685] {strides = array<i32>} : memref<4x8192xf32, #tpu.memory_space<vmem>>, vector<1x16xf32>,
        %get3A_687 = vector.shape_cast %get3A_686 : vector<1x16xf32> to vector<16xf32>
        %exp3A = math.exp %get3A_687 : vector<16xf32>
        %add3A_688 = arith.addf %scan3A_677, %exp3A : vector<16xf32>
        %mul3A_689 = arith.constant 256 : i32
        %mul3A_690 = arith.muli %scan3A_676, %mul3A_689 : i32
        %add3A_691 = arith.constant 16 : i32
        %add3A_692 = arith.addi %mul3A_690, %add3A_691 : i32
        %multiple_of3A_693 = tpu.assume_multiple %add3A_692, 16 : i32
        %get3A_694 = arith.constant 0 : i32
        %get3A_695 = arith.index_cast %get3A_694 : i32 to index
        %get3A_696 = arith.index_cast %multiple_of3A_693 : i32 to index
        %get3A_697 = tpu.vector_load %arg9[%get3A_695, %get3A_696] {strides = array<i32>} : memref<4x8192xf32, #tpu.memory_space<vmem>>, vector<1x16xf32>,
        %get3A_698 = vector.shape_cast %get3A_697 : vector<1x16xf32> to vector<16xf32>
        %exp3A_699 = math.exp %get3A_698 : vector<16xf32>
        %add3A_700 = arith.addf %add3A_688, %exp3A_699 : vector<16xf32>
        %mul3A_701 = arith.constant 256 : i32
        %mul3A_702 = arith.muli %scan3A_676, %mul3A_701 : i32
        %add3A_703 = arith.constant 32 : i32
        %add3A_704 = arith.addi %mul3A_702, %add3A_703 : i32
        %multiple_of3A_705 = tpu.assume_multiple %add3A_704, 16 : i32
        %get3A_706 = arith.constant 0 : i32
        %get3A_707 = arith.index_cast %get3A_706 : i32 to index
        %get3A_708 = arith.index_cast %multiple_of3A_705 : i32 to index
        %get3A_709 = tpu.vector_load %arg9[%get3A_707, %get3A_708] {strides = array<i32>} : memref<4x8192xf32, #tpu.memory_space<vmem>>, vector<1x16xf32>,
        %get3A_710 = vector.shape_cast %get3A_709 : vector<1x16xf32> to vector<16xf32>
        %exp3A_711 = math.exp %get3A_710 : vector<16xf32>
        %add3A_712 = arith.addf %add3A_700, %exp3A_711 : vector<16xf32>
        %mul3A_713 = arith.constant 256 : i32
        %mul3A_714 = arith.muli %scan3A_676, %mul3A_713 : i32
        %add3A_715 = arith.constant 48 : i32
        %add3A_716 = arith.addi %mul3A_714, %add3A_715 : i32
        %multiple_of3A_717 = tpu.assume_multiple %add3A_716, 16 : i32
        %get3A_718 = arith.constant 0 : i32
        %get3A_719 = arith.index_cast %get3A_718 : i32 to index
        %get3A_720 = arith.index_cast %multiple_of3A_717 : i32 to index
        %get3A_721 = tpu.vector_load %arg9[%get3A_719, %get3A_720] {strides = array<i32>} : memref<4x8192xf32, #tpu.memory_space<vmem>>, vector<1x16xf32>,
        %get3A_722 = vector.shape_cast %get3A_721 : vector<1x16xf32> to vector<16xf32>
        %exp3A_723 = math.exp %get3A_722 : vector<16xf32>
        %add3A_724 = arith.addf %add3A_712, %exp3A_723 : vector<16xf32>
        %mul3A_725 = arith.constant 256 : i32
        %mul3A_726 = arith.muli %scan3A_676, %mul3A_725 : i32
        %add3A_727 = arith.constant 64 : i32
        %add3A_728 = arith.addi %mul3A_726, %add3A_727 : i32
        %multiple_of3A_729 = tpu.assume_multiple %add3A_728, 16 : i32
        %get3A_730 = arith.constant 0 : i32
        %get3A_731 = arith.index_cast %get3A_730 : i32 to index
        %get3A_732 = arith.index_cast %multiple_of3A_729 : i32 to index
        %get3A_733 = tpu.vector_load %arg9[%get3A_731, %get3A_732] {strides = array<i32>} : memref<4x8192xf32, #tpu.memory_space<vmem>>, vector<1x16xf32>,
        %get3A_734 = vector.shape_cast %get3A_733 : vector<1x16xf32> to vector<16xf32>
        %exp3A_735 = math.exp %get3A_734 : vector<16xf32>
        %add3A_736 = arith.addf %add3A_724, %exp3A_735 : vector<16xf32>
        %mul3A_737 = arith.constant 256 : i32
        %mul3A_738 = arith.muli %scan3A_676, %mul3A_737 : i32
        %add3A_739 = arith.constant 80 : i32
        %add3A_740 = arith.addi %mul3A_738, %add3A_739 : i32
        %multiple_of3A_741 = tpu.assume_multiple %add3A_740, 16 : i32
        %get3A_742 = arith.constant 0 : i32
        %get3A_743 = arith.index_cast %get3A_742 : i32 to index
        %get3A_744 = arith.index_cast %multiple_of3A_741 : i32 to index
        %get3A_745 = tpu.vector_load %arg9[%get3A_743, %get3A_744] {strides = array<i32>} : memref<4x8192xf32, #tpu.memory_space<vmem>>, vector<1x16xf32>,
        %get3A_746 = vector.shape_cast %get3A_745 : vector<1x16xf32> to vector<16xf32>
        %exp3A_747 = math.exp %get3A_746 : vector<16xf32>
        %add3A_748 = arith.addf %add3A_736, %exp3A_747 : vector<16xf32>
        %mul3A_749 = arith.constant 256 : i32
        %mul3A_750 = arith.muli %scan3A_676, %mul3A_749 : i32
        %add3A_751 = arith.constant 96 : i32
        %add3A_752 = arith.addi %mul3A_750, %add3A_751 : i32
        %multiple_of3A_753 = tpu.assume_multiple %add3A_752, 16 : i32
        %get3A_754 = arith.constant 0 : i32
        %get3A_755 = arith.index_cast %get3A_754 : i32 to index
        %get3A_756 = arith.index_cast %multiple_of3A_753 : i32 to index
        %get3A_757 = tpu.vector_load %arg9[%get3A_755, %get3A_756] {strides = array<i32>} : memref<4x8192xf32, #tpu.memory_space<vmem>>, vector<1x16xf32>,
        %get3A_758 = vector.shape_cast %get3A_757 : vector<1x16xf32> to vector<16xf32>
        %exp3A_759 = math.exp %get3A_758 : vector<16xf32>
        %add3A_760 = arith.addf %add3A_748, %exp3A_759 : vector<16xf32>
        %mul3A_761 = arith.constant 256 : i32
        %mul3A_762 = arith.muli %scan3A_676, %mul3A_761 : i32
        %add3A_763 = arith.constant 112 : i32
        %add3A_764 = arith.addi %mul3A_762, %add3A_763 : i32
        %multiple_of3A_765 = tpu.assume_multiple %add3A_764, 16 : i32
        %get3A_766 = arith.constant 0 : i32
        %get3A_767 = arith.index_cast %get3A_766 : i32 to index
        %get3A_768 = arith.index_cast %multiple_of3A_765 : i32 to index
        %get3A_769 = tpu.vector_load %arg9[%get3A_767, %get3A_768] {strides = array<i32>} : memref<4x8192xf32, #tpu.memory_space<vmem>>, vector<1x16xf32>,
        %get3A_770 = vector.shape_cast %get3A_769 : vector<1x16xf32> to vector<16xf32>
        %exp3A_771 = math.exp %get3A_770 : vector<16xf32>
        %add3A_772 = arith.addf %add3A_760, %exp3A_771 : vector<16xf32>
        %mul3A_773 = arith.constant 256 : i32
        %mul3A_774 = arith.muli %scan3A_676, %mul3A_773 : i32
        %add3A_775 = arith.constant 128 : i32
        %add3A_776 = arith.addi %mul3A_774, %add3A_775 : i32
        %multiple_of3A_777 = tpu.assume_multiple %add3A_776, 16 : i32
        %get3A_778 = arith.constant 0 : i32
        %get3A_779 = arith.index_cast %get3A_778 : i32 to index
        %get3A_780 = arith.index_cast %multiple_of3A_777 : i32 to index
        %get3A_781 = tpu.vector_load %arg9[%get3A_779, %get3A_780] {strides = array<i32>} : memref<4x8192xf32, #tpu.memory_space<vmem>>, vector<1x16xf32>,
        %get3A_782 = vector.shape_cast %get3A_781 : vector<1x16xf32> to vector<16xf32>
        %exp3A_783 = math.exp %get3A_782 : vector<16xf32>
        %add3A_784 = arith.addf %add3A_772, %exp3A_783 : vector<16xf32>
        %mul3A_785 = arith.constant 256 : i32
        %mul3A_786 = arith.muli %scan3A_676, %mul3A_785 : i32
        %add3A_787 = arith.constant 144 : i32
        %add3A_788 = arith.addi %mul3A_786, %add3A_787 : i32
        %multiple_of3A_789 = tpu.assume_multiple %add3A_788, 16 : i32
        %get3A_790 = arith.constant 0 : i32
        %get3A_791 = arith.index_cast %get3A_790 : i32 to index
        %get3A_792 = arith.index_cast %multiple_of3A_789 : i32 to index
        %get3A_793 = tpu.vector_load %arg9[%get3A_791, %get3A_792] {strides = array<i32>} : memref<4x8192xf32, #tpu.memory_space<vmem>>, vector<1x16xf32>,
        %get3A_794 = vector.shape_cast %get3A_793 : vector<1x16xf32> to vector<16xf32>
        %exp3A_795 = math.exp %get3A_794 : vector<16xf32>
        %add3A_796 = arith.addf %add3A_784, %exp3A_795 : vector<16xf32>
        %mul3A_797 = arith.constant 256 : i32
        %mul3A_798 = arith.muli %scan3A_676, %mul3A_797 : i32
        %add3A_799 = arith.constant 160 : i32
        %add3A_800 = arith.addi %mul3A_798, %add3A_799 : i32
        %multiple_of3A_801 = tpu.assume_multiple %add3A_800, 16 : i32
        %get3A_802 = arith.constant 0 : i32
        %get3A_803 = arith.index_cast %get3A_802 : i32 to index
        %get3A_804 = arith.index_cast %multiple_of3A_801 : i32 to index
        %get3A_805 = tpu.vector_load %arg9[%get3A_803, %get3A_804] {strides = array<i32>} : memref<4x8192xf32, #tpu.memory_space<vmem>>, vector<1x16xf32>,
        %get3A_806 = vector.shape_cast %get3A_805 : vector<1x16xf32> to vector<16xf32>
        %exp3A_807 = math.exp %get3A_806 : vector<16xf32>
        %add3A_808 = arith.addf %add3A_796, %exp3A_807 : vector<16xf32>
        %mul3A_809 = arith.constant 256 : i32
        %mul3A_810 = arith.muli %scan3A_676, %mul3A_809 : i32
        %add3A_811 = arith.constant 176 : i32
        %add3A_812 = arith.addi %mul3A_810, %add3A_811 : i32
        %multiple_of3A_813 = tpu.assume_multiple %add3A_812, 16 : i32
        %get3A_814 = arith.constant 0 : i32
        %get3A_815 = arith.index_cast %get3A_814 : i32 to index
        %get3A_816 = arith.index_cast %multiple_of3A_813 : i32 to index
        %get3A_817 = tpu.vector_load %arg9[%get3A_815, %get3A_816] {strides = array<i32>} : memref<4x8192xf32, #tpu.memory_space<vmem>>, vector<1x16xf32>,
        %get3A_818 = vector.shape_cast %get3A_817 : vector<1x16xf32> to vector<16xf32>
        %exp3A_819 = math.exp %get3A_818 : vector<16xf32>
        %add3A_820 = arith.addf %add3A_808, %exp3A_819 : vector<16xf32>
        %mul3A_821 = arith.constant 256 : i32
        %mul3A_822 = arith.muli %scan3A_676, %mul3A_821 : i32
        %add3A_823 = arith.constant 192 : i32
        %add3A_824 = arith.addi %mul3A_822, %add3A_823 : i32
        %multiple_of3A_825 = tpu.assume_multiple %add3A_824, 16 : i32
        %get3A_826 = arith.constant 0 : i32
        %get3A_827 = arith.index_cast %get3A_826 : i32 to index
        %get3A_828 = arith.index_cast %multiple_of3A_825 : i32 to index
        %get3A_829 = tpu.vector_load %arg9[%get3A_827, %get3A_828] {strides = array<i32>} : memref<4x8192xf32, #tpu.memory_space<vmem>>, vector<1x16xf32>,
        %get3A_830 = vector.shape_cast %get3A_829 : vector<1x16xf32> to vector<16xf32>
        %exp3A_831 = math.exp %get3A_830 : vector<16xf32>
        %add3A_832 = arith.addf %add3A_820, %exp3A_831 : vector<16xf32>
        %mul3A_833 = arith.constant 256 : i32
        %mul3A_834 = arith.muli %scan3A_676, %mul3A_833 : i32
        %add3A_835 = arith.constant 208 : i32
        %add3A_836 = arith.addi %mul3A_834, %add3A_835 : i32
        %multiple_of3A_837 = tpu.assume_multiple %add3A_836, 16 : i32
        %get3A_838 = arith.constant 0 : i32
        %get3A_839 = arith.index_cast %get3A_838 : i32 to index
        %get3A_840 = arith.index_cast %multiple_of3A_837 : i32 to index
        %get3A_841 = tpu.vector_load %arg9[%get3A_839, %get3A_840] {strides = array<i32>} : memref<4x8192xf32, #tpu.memory_space<vmem>>, vector<1x16xf32>,
        %get3A_842 = vector.shape_cast %get3A_841 : vector<1x16xf32> to vector<16xf32>
        %exp3A_843 = math.exp %get3A_842 : vector<16xf32>
        %add3A_844 = arith.addf %add3A_832, %exp3A_843 : vector<16xf32>
        %mul3A_845 = arith.constant 256 : i32
        %mul3A_846 = arith.muli %scan3A_676, %mul3A_845 : i32
        %add3A_847 = arith.constant 224 : i32
        %add3A_848 = arith.addi %mul3A_846, %add3A_847 : i32
        %multiple_of3A_849 = tpu.assume_multiple %add3A_848, 16 : i32
        %get3A_850 = arith.constant 0 : i32
        %get3A_851 = arith.index_cast %get3A_850 : i32 to index
        %get3A_852 = arith.index_cast %multiple_of3A_849 : i32 to index
        %get3A_853 = tpu.vector_load %arg9[%get3A_851, %get3A_852] {strides = array<i32>} : memref<4x8192xf32, #tpu.memory_space<vmem>>, vector<1x16xf32>,
        %get3A_854 = vector.shape_cast %get3A_853 : vector<1x16xf32> to vector<16xf32>
        %exp3A_855 = math.exp %get3A_854 : vector<16xf32>
        %add3A_856 = arith.addf %add3A_844, %exp3A_855 : vector<16xf32>
        %mul3A_857 = arith.constant 256 : i32
        %mul3A_858 = arith.muli %scan3A_676, %mul3A_857 : i32
        %add3A_859 = arith.constant 240 : i32
        %add3A_860 = arith.addi %mul3A_858, %add3A_859 : i32
        %multiple_of3A_861 = tpu.assume_multiple %add3A_860, 16 : i32
        %get3A_862 = arith.constant 0 : i32
        %get3A_863 = arith.index_cast %get3A_862 : i32 to index
        %get3A_864 = arith.index_cast %multiple_of3A_861 : i32 to index
        %get3A_865 = tpu.vector_load %arg9[%get3A_863, %get3A_864] {strides = array<i32>} : memref<4x8192xf32, #tpu.memory_space<vmem>>, vector<1x16xf32>,
        %get3A_866 = vector.shape_cast %get3A_865 : vector<1x16xf32> to vector<16xf32>
        %exp3A_867 = math.exp %get3A_866 : vector<16xf32>
        %add3A_868 = arith.addf %add3A_856, %exp3A_867 : vector<16xf32>
        scf.yield %add3A_868 : vector<16xf32>
      }
      %scan3A_219 = arith.constant 32 : i32
      %mul3A_220 = arith.constant 256 : i32
      %mul3A_221 = arith.muli %scan3A_24, %mul3A_220 : i32
      %add3A_222 = arith.constant 64 : i32
      %add3A_223 = arith.addi %mul3A_221, %add3A_222 : i32
      %swap3A_224 = arith.index_cast %add3A_223 : i32 to index
      %swap3A_225 = tpu.vector_load %arg13[%swap3A_224] {strides = array<i32>} : memref<4096xf32, #tpu.memory_space<vmem>>, vector<16xf32>,
      %swap3A_226 = vector.shape_cast %swap3A_225 : vector<16xf32> to vector<16xf32>
      %swap3A_227 = vector.shape_cast %scan3A_218 : vector<16xf32> to vector<16xf32>
      tpu.vector_store %arg13[%swap3A_224], %swap3A_227 {strides = array<i32>} : memref<4096xf32, #tpu.memory_space<vmem>>, vector<16xf32>,
      %slice3A_228 = vector.extract_strided_slice %get3A_29 {offsets = [4], sizes = [1], strides = [1]} : vector<16xi32> to vector<1xi32>
      %squeeze3A_229 = vector.extract %slice3A_228[0] : i32 from vector<1xi32>
      %and3A_230 = arith.constant -16 : i32
      %and3A_231 = arith.andi %squeeze3A_229, %and3A_230 : i32
      %multiple_of3A_232 = tpu.assume_multiple %and3A_231, 16 : i32
      %get3A_233 = arith.constant 0 : i32
      %get3A_234 = arith.index_cast %get3A_233 : i32 to index
      %get3A_235 = arith.index_cast %multiple_of3A_232 : i32 to index
      %get3A_236 = tpu.vector_load %arg9[%get3A_234, %get3A_235] {strides = array<i32>} : memref<4x8192xf32, #tpu.memory_space<vmem>>, vector<1x16xf32>,
      %get3A_237 = vector.shape_cast %get3A_236 : vector<1x16xf32> to vector<16xf32>
      %and3A_238 = arith.constant 15 : i32
      %and3A_239 = arith.andi %squeeze3A_229, %and3A_238 : i32
      %eq3A_240 = vector.broadcast %and3A_239 : i32 to vector<16xi32>
      %eq3A_241 = arith.cmpi eq, %iota3A, %eq3A_240 : vector<16xi32>
      %jit3A_242 = arith.constant 0.000000e+00 : f32
      %broadcast_in_dim3A_243 = vector.broadcast %jit3A_242 : f32 to vector<16xf32>
      %select_n3A_244 = arith.select %eq3A_241, %get3A_237, %broadcast_in_dim3A_243 : vector<16xi1>, vector<16xf32>
      %add3A_245 = arith.addf %add3A_182, %select_n3A_244 : vector<16xf32>
      %broadcast_in_dim3A_246 = arith.constant 0.000000e+00 : f32
      %broadcast_in_dim3A_247 = vector.broadcast %broadcast_in_dim3A_246 : f32 to vector<16xf32>
      %scan3A_248 = arith.constant 0 : i32
      %scan3A_249 = arith.constant 32 : i32
      %scan3A_250 = arith.addi %scan3A_248, %scan3A_249 : i32
      %scan3A_251 = arith.constant 1 : i32
      %scan3A_252 = scf.for %scan3A_676 = %scan3A_248 to %scan3A_250 step %scan3A_251 iter_args(%scan3A_677 = %broadcast_in_dim3A_247) -> (vector<16xf32>)  : i32 {
        %mul3A_678 = arith.constant 256 : i32
        %mul3A_679 = arith.muli %scan3A_676, %mul3A_678 : i32
        %add3A_680 = arith.constant 0 : i32
        %add3A_681 = arith.addi %mul3A_679, %add3A_680 : i32
        %multiple_of3A_682 = tpu.assume_multiple %add3A_681, 16 : i32
        %get3A_683 = arith.constant 1 : i32
        %get3A_684 = arith.index_cast %get3A_683 : i32 to index
        %get3A_685 = arith.index_cast %multiple_of3A_682 : i32 to index
        %get3A_686 = tpu.vector_load %arg9[%get3A_684, %get3A_685] {strides = array<i32>} : memref<4x8192xf32, #tpu.memory_space<vmem>>, vector<1x16xf32>,
        %get3A_687 = vector.shape_cast %get3A_686 : vector<1x16xf32> to vector<16xf32>
        %exp3A = math.exp %get3A_687 : vector<16xf32>
        %add3A_688 = arith.addf %scan3A_677, %exp3A : vector<16xf32>
        %mul3A_689 = arith.constant 256 : i32
        %mul3A_690 = arith.muli %scan3A_676, %mul3A_689 : i32
        %add3A_691 = arith.constant 16 : i32
        %add3A_692 = arith.addi %mul3A_690, %add3A_691 : i32
        %multiple_of3A_693 = tpu.assume_multiple %add3A_692, 16 : i32
        %get3A_694 = arith.constant 1 : i32
        %get3A_695 = arith.index_cast %get3A_694 : i32 to index
        %get3A_696 = arith.index_cast %multiple_of3A_693 : i32 to index
        %get3A_697 = tpu.vector_load %arg9[%get3A_695, %get3A_696] {strides = array<i32>} : memref<4x8192xf32, #tpu.memory_space<vmem>>, vector<1x16xf32>,
        %get3A_698 = vector.shape_cast %get3A_697 : vector<1x16xf32> to vector<16xf32>
        %exp3A_699 = math.exp %get3A_698 : vector<16xf32>
        %add3A_700 = arith.addf %add3A_688, %exp3A_699 : vector<16xf32>
        %mul3A_701 = arith.constant 256 : i32
        %mul3A_702 = arith.muli %scan3A_676, %mul3A_701 : i32
        %add3A_703 = arith.constant 32 : i32
        %add3A_704 = arith.addi %mul3A_702, %add3A_703 : i32
        %multiple_of3A_705 = tpu.assume_multiple %add3A_704, 16 : i32
        %get3A_706 = arith.constant 1 : i32
        %get3A_707 = arith.index_cast %get3A_706 : i32 to index
        %get3A_708 = arith.index_cast %multiple_of3A_705 : i32 to index
        %get3A_709 = tpu.vector_load %arg9[%get3A_707, %get3A_708] {strides = array<i32>} : memref<4x8192xf32, #tpu.memory_space<vmem>>, vector<1x16xf32>,
        %get3A_710 = vector.shape_cast %get3A_709 : vector<1x16xf32> to vector<16xf32>
        %exp3A_711 = math.exp %get3A_710 : vector<16xf32>
        %add3A_712 = arith.addf %add3A_700, %exp3A_711 : vector<16xf32>
        %mul3A_713 = arith.constant 256 : i32
        %mul3A_714 = arith.muli %scan3A_676, %mul3A_713 : i32
        %add3A_715 = arith.constant 48 : i32
        %add3A_716 = arith.addi %mul3A_714, %add3A_715 : i32
        %multiple_of3A_717 = tpu.assume_multiple %add3A_716, 16 : i32
        %get3A_718 = arith.constant 1 : i32
        %get3A_719 = arith.index_cast %get3A_718 : i32 to index
        %get3A_720 = arith.index_cast %multiple_of3A_717 : i32 to index
        %get3A_721 = tpu.vector_load %arg9[%get3A_719, %get3A_720] {strides = array<i32>} : memref<4x8192xf32, #tpu.memory_space<vmem>>, vector<1x16xf32>,
        %get3A_722 = vector.shape_cast %get3A_721 : vector<1x16xf32> to vector<16xf32>
        %exp3A_723 = math.exp %get3A_722 : vector<16xf32>
        %add3A_724 = arith.addf %add3A_712, %exp3A_723 : vector<16xf32>
        %mul3A_725 = arith.constant 256 : i32
        %mul3A_726 = arith.muli %scan3A_676, %mul3A_725 : i32
        %add3A_727 = arith.constant 64 : i32
        %add3A_728 = arith.addi %mul3A_726, %add3A_727 : i32
        %multiple_of3A_729 = tpu.assume_multiple %add3A_728, 16 : i32
        %get3A_730 = arith.constant 1 : i32
        %get3A_731 = arith.index_cast %get3A_730 : i32 to index
        %get3A_732 = arith.index_cast %multiple_of3A_729 : i32 to index
        %get3A_733 = tpu.vector_load %arg9[%get3A_731, %get3A_732] {strides = array<i32>} : memref<4x8192xf32, #tpu.memory_space<vmem>>, vector<1x16xf32>,
        %get3A_734 = vector.shape_cast %get3A_733 : vector<1x16xf32> to vector<16xf32>
        %exp3A_735 = math.exp %get3A_734 : vector<16xf32>
        %add3A_736 = arith.addf %add3A_724, %exp3A_735 : vector<16xf32>
        %mul3A_737 = arith.constant 256 : i32
        %mul3A_738 = arith.muli %scan3A_676, %mul3A_737 : i32
        %add3A_739 = arith.constant 80 : i32
        %add3A_740 = arith.addi %mul3A_738, %add3A_739 : i32
        %multiple_of3A_741 = tpu.assume_multiple %add3A_740, 16 : i32
        %get3A_742 = arith.constant 1 : i32
        %get3A_743 = arith.index_cast %get3A_742 : i32 to index
        %get3A_744 = arith.index_cast %multiple_of3A_741 : i32 to index
        %get3A_745 = tpu.vector_load %arg9[%get3A_743, %get3A_744] {strides = array<i32>} : memref<4x8192xf32, #tpu.memory_space<vmem>>, vector<1x16xf32>,
        %get3A_746 = vector.shape_cast %get3A_745 : vector<1x16xf32> to vector<16xf32>
        %exp3A_747 = math.exp %get3A_746 : vector<16xf32>
        %add3A_748 = arith.addf %add3A_736, %exp3A_747 : vector<16xf32>
        %mul3A_749 = arith.constant 256 : i32
        %mul3A_750 = arith.muli %scan3A_676, %mul3A_749 : i32
        %add3A_751 = arith.constant 96 : i32
        %add3A_752 = arith.addi %mul3A_750, %add3A_751 : i32
        %multiple_of3A_753 = tpu.assume_multiple %add3A_752, 16 : i32
        %get3A_754 = arith.constant 1 : i32
        %get3A_755 = arith.index_cast %get3A_754 : i32 to index
        %get3A_756 = arith.index_cast %multiple_of3A_753 : i32 to index
        %get3A_757 = tpu.vector_load %arg9[%get3A_755, %get3A_756] {strides = array<i32>} : memref<4x8192xf32, #tpu.memory_space<vmem>>, vector<1x16xf32>,
        %get3A_758 = vector.shape_cast %get3A_757 : vector<1x16xf32> to vector<16xf32>
        %exp3A_759 = math.exp %get3A_758 : vector<16xf32>
        %add3A_760 = arith.addf %add3A_748, %exp3A_759 : vector<16xf32>
        %mul3A_761 = arith.constant 256 : i32
        %mul3A_762 = arith.muli %scan3A_676, %mul3A_761 : i32
        %add3A_763 = arith.constant 112 : i32
        %add3A_764 = arith.addi %mul3A_762, %add3A_763 : i32
        %multiple_of3A_765 = tpu.assume_multiple %add3A_764, 16 : i32
        %get3A_766 = arith.constant 1 : i32
        %get3A_767 = arith.index_cast %get3A_766 : i32 to index
        %get3A_768 = arith.index_cast %multiple_of3A_765 : i32 to index
        %get3A_769 = tpu.vector_load %arg9[%get3A_767, %get3A_768] {strides = array<i32>} : memref<4x8192xf32, #tpu.memory_space<vmem>>, vector<1x16xf32>,
        %get3A_770 = vector.shape_cast %get3A_769 : vector<1x16xf32> to vector<16xf32>
        %exp3A_771 = math.exp %get3A_770 : vector<16xf32>
        %add3A_772 = arith.addf %add3A_760, %exp3A_771 : vector<16xf32>
        %mul3A_773 = arith.constant 256 : i32
        %mul3A_774 = arith.muli %scan3A_676, %mul3A_773 : i32
        %add3A_775 = arith.constant 128 : i32
        %add3A_776 = arith.addi %mul3A_774, %add3A_775 : i32
        %multiple_of3A_777 = tpu.assume_multiple %add3A_776, 16 : i32
        %get3A_778 = arith.constant 1 : i32
        %get3A_779 = arith.index_cast %get3A_778 : i32 to index
        %get3A_780 = arith.index_cast %multiple_of3A_777 : i32 to index
        %get3A_781 = tpu.vector_load %arg9[%get3A_779, %get3A_780] {strides = array<i32>} : memref<4x8192xf32, #tpu.memory_space<vmem>>, vector<1x16xf32>,
        %get3A_782 = vector.shape_cast %get3A_781 : vector<1x16xf32> to vector<16xf32>
        %exp3A_783 = math.exp %get3A_782 : vector<16xf32>
        %add3A_784 = arith.addf %add3A_772, %exp3A_783 : vector<16xf32>
        %mul3A_785 = arith.constant 256 : i32
        %mul3A_786 = arith.muli %scan3A_676, %mul3A_785 : i32
        %add3A_787 = arith.constant 144 : i32
        %add3A_788 = arith.addi %mul3A_786, %add3A_787 : i32
        %multiple_of3A_789 = tpu.assume_multiple %add3A_788, 16 : i32
        %get3A_790 = arith.constant 1 : i32
        %get3A_791 = arith.index_cast %get3A_790 : i32 to index
        %get3A_792 = arith.index_cast %multiple_of3A_789 : i32 to index
        %get3A_793 = tpu.vector_load %arg9[%get3A_791, %get3A_792] {strides = array<i32>} : memref<4x8192xf32, #tpu.memory_space<vmem>>, vector<1x16xf32>,
        %get3A_794 = vector.shape_cast %get3A_793 : vector<1x16xf32> to vector<16xf32>
        %exp3A_795 = math.exp %get3A_794 : vector<16xf32>
        %add3A_796 = arith.addf %add3A_784, %exp3A_795 : vector<16xf32>
        %mul3A_797 = arith.constant 256 : i32
        %mul3A_798 = arith.muli %scan3A_676, %mul3A_797 : i32
        %add3A_799 = arith.constant 160 : i32
        %add3A_800 = arith.addi %mul3A_798, %add3A_799 : i32
        %multiple_of3A_801 = tpu.assume_multiple %add3A_800, 16 : i32
        %get3A_802 = arith.constant 1 : i32
        %get3A_803 = arith.index_cast %get3A_802 : i32 to index
        %get3A_804 = arith.index_cast %multiple_of3A_801 : i32 to index
        %get3A_805 = tpu.vector_load %arg9[%get3A_803, %get3A_804] {strides = array<i32>} : memref<4x8192xf32, #tpu.memory_space<vmem>>, vector<1x16xf32>,
        %get3A_806 = vector.shape_cast %get3A_805 : vector<1x16xf32> to vector<16xf32>
        %exp3A_807 = math.exp %get3A_806 : vector<16xf32>
        %add3A_808 = arith.addf %add3A_796, %exp3A_807 : vector<16xf32>
        %mul3A_809 = arith.constant 256 : i32
        %mul3A_810 = arith.muli %scan3A_676, %mul3A_809 : i32
        %add3A_811 = arith.constant 176 : i32
        %add3A_812 = arith.addi %mul3A_810, %add3A_811 : i32
        %multiple_of3A_813 = tpu.assume_multiple %add3A_812, 16 : i32
        %get3A_814 = arith.constant 1 : i32
        %get3A_815 = arith.index_cast %get3A_814 : i32 to index
        %get3A_816 = arith.index_cast %multiple_of3A_813 : i32 to index
        %get3A_817 = tpu.vector_load %arg9[%get3A_815, %get3A_816] {strides = array<i32>} : memref<4x8192xf32, #tpu.memory_space<vmem>>, vector<1x16xf32>,
        %get3A_818 = vector.shape_cast %get3A_817 : vector<1x16xf32> to vector<16xf32>
        %exp3A_819 = math.exp %get3A_818 : vector<16xf32>
        %add3A_820 = arith.addf %add3A_808, %exp3A_819 : vector<16xf32>
        %mul3A_821 = arith.constant 256 : i32
        %mul3A_822 = arith.muli %scan3A_676, %mul3A_821 : i32
        %add3A_823 = arith.constant 192 : i32
        %add3A_824 = arith.addi %mul3A_822, %add3A_823 : i32
        %multiple_of3A_825 = tpu.assume_multiple %add3A_824, 16 : i32
        %get3A_826 = arith.constant 1 : i32
        %get3A_827 = arith.index_cast %get3A_826 : i32 to index
        %get3A_828 = arith.index_cast %multiple_of3A_825 : i32 to index
        %get3A_829 = tpu.vector_load %arg9[%get3A_827, %get3A_828] {strides = array<i32>} : memref<4x8192xf32, #tpu.memory_space<vmem>>, vector<1x16xf32>,
        %get3A_830 = vector.shape_cast %get3A_829 : vector<1x16xf32> to vector<16xf32>
        %exp3A_831 = math.exp %get3A_830 : vector<16xf32>
        %add3A_832 = arith.addf %add3A_820, %exp3A_831 : vector<16xf32>
        %mul3A_833 = arith.constant 256 : i32
        %mul3A_834 = arith.muli %scan3A_676, %mul3A_833 : i32
        %add3A_835 = arith.constant 208 : i32
        %add3A_836 = arith.addi %mul3A_834, %add3A_835 : i32
        %multiple_of3A_837 = tpu.assume_multiple %add3A_836, 16 : i32
        %get3A_838 = arith.constant 1 : i32
        %get3A_839 = arith.index_cast %get3A_838 : i32 to index
        %get3A_840 = arith.index_cast %multiple_of3A_837 : i32 to index
        %get3A_841 = tpu.vector_load %arg9[%get3A_839, %get3A_840] {strides = array<i32>} : memref<4x8192xf32, #tpu.memory_space<vmem>>, vector<1x16xf32>,
        %get3A_842 = vector.shape_cast %get3A_841 : vector<1x16xf32> to vector<16xf32>
        %exp3A_843 = math.exp %get3A_842 : vector<16xf32>
        %add3A_844 = arith.addf %add3A_832, %exp3A_843 : vector<16xf32>
        %mul3A_845 = arith.constant 256 : i32
        %mul3A_846 = arith.muli %scan3A_676, %mul3A_845 : i32
        %add3A_847 = arith.constant 224 : i32
        %add3A_848 = arith.addi %mul3A_846, %add3A_847 : i32
        %multiple_of3A_849 = tpu.assume_multiple %add3A_848, 16 : i32
        %get3A_850 = arith.constant 1 : i32
        %get3A_851 = arith.index_cast %get3A_850 : i32 to index
        %get3A_852 = arith.index_cast %multiple_of3A_849 : i32 to index
        %get3A_853 = tpu.vector_load %arg9[%get3A_851, %get3A_852] {strides = array<i32>} : memref<4x8192xf32, #tpu.memory_space<vmem>>, vector<1x16xf32>,
        %get3A_854 = vector.shape_cast %get3A_853 : vector<1x16xf32> to vector<16xf32>
        %exp3A_855 = math.exp %get3A_854 : vector<16xf32>
        %add3A_856 = arith.addf %add3A_844, %exp3A_855 : vector<16xf32>
        %mul3A_857 = arith.constant 256 : i32
        %mul3A_858 = arith.muli %scan3A_676, %mul3A_857 : i32
        %add3A_859 = arith.constant 240 : i32
        %add3A_860 = arith.addi %mul3A_858, %add3A_859 : i32
        %multiple_of3A_861 = tpu.assume_multiple %add3A_860, 16 : i32
        %get3A_862 = arith.constant 1 : i32
        %get3A_863 = arith.index_cast %get3A_862 : i32 to index
        %get3A_864 = arith.index_cast %multiple_of3A_861 : i32 to index
        %get3A_865 = tpu.vector_load %arg9[%get3A_863, %get3A_864] {strides = array<i32>} : memref<4x8192xf32, #tpu.memory_space<vmem>>, vector<1x16xf32>,
        %get3A_866 = vector.shape_cast %get3A_865 : vector<1x16xf32> to vector<16xf32>
        %exp3A_867 = math.exp %get3A_866 : vector<16xf32>
        %add3A_868 = arith.addf %add3A_856, %exp3A_867 : vector<16xf32>
        scf.yield %add3A_868 : vector<16xf32>
      }
      %scan3A_253 = arith.constant 32 : i32
      %mul3A_254 = arith.constant 256 : i32
      %mul3A_255 = arith.muli %scan3A_24, %mul3A_254 : i32
      %add3A_256 = arith.constant 80 : i32
      %add3A_257 = arith.addi %mul3A_255, %add3A_256 : i32
      %swap3A_258 = arith.index_cast %add3A_257 : i32 to index
      %swap3A_259 = tpu.vector_load %arg13[%swap3A_258] {strides = array<i32>} : memref<4096xf32, #tpu.memory_space<vmem>>, vector<16xf32>,
      %swap3A_260 = vector.shape_cast %swap3A_259 : vector<16xf32> to vector<16xf32>
      %swap3A_261 = vector.shape_cast %scan3A_252 : vector<16xf32> to vector<16xf32>
      tpu.vector_store %arg13[%swap3A_258], %swap3A_261 {strides = array<i32>} : memref<4096xf32, #tpu.memory_space<vmem>>, vector<16xf32>,
      %slice3A_262 = vector.extract_strided_slice %get3A_29 {offsets = [5], sizes = [1], strides = [1]} : vector<16xi32> to vector<1xi32>
      %squeeze3A_263 = vector.extract %slice3A_262[0] : i32 from vector<1xi32>
      %and3A_264 = arith.constant -16 : i32
      %and3A_265 = arith.andi %squeeze3A_263, %and3A_264 : i32
      %multiple_of3A_266 = tpu.assume_multiple %and3A_265, 16 : i32
      %get3A_267 = arith.constant 1 : i32
      %get3A_268 = arith.index_cast %get3A_267 : i32 to index
      %get3A_269 = arith.index_cast %multiple_of3A_266 : i32 to index
      %get3A_270 = tpu.vector_load %arg9[%get3A_268, %get3A_269] {strides = array<i32>} : memref<4x8192xf32, #tpu.memory_space<vmem>>, vector<1x16xf32>,
      %get3A_271 = vector.shape_cast %get3A_270 : vector<1x16xf32> to vector<16xf32>
      %and3A_272 = arith.constant 15 : i32
      %and3A_273 = arith.andi %squeeze3A_263, %and3A_272 : i32
      %eq3A_274 = vector.broadcast %and3A_273 : i32 to vector<16xi32>
      %eq3A_275 = arith.cmpi eq, %iota3A, %eq3A_274 : vector<16xi32>
      %jit3A_276 = arith.constant 0.000000e+00 : f32
      %broadcast_in_dim3A_277 = vector.broadcast %jit3A_276 : f32 to vector<16xf32>
      %select_n3A_278 = arith.select %eq3A_275, %get3A_271, %broadcast_in_dim3A_277 : vector<16xi1>, vector<16xf32>
      %add3A_279 = arith.addf %add3A_245, %select_n3A_278 : vector<16xf32>
      %broadcast_in_dim3A_280 = arith.constant 0.000000e+00 : f32
      %broadcast_in_dim3A_281 = vector.broadcast %broadcast_in_dim3A_280 : f32 to vector<16xf32>
      %scan3A_282 = arith.constant 0 : i32
      %scan3A_283 = arith.constant 32 : i32
      %scan3A_284 = arith.addi %scan3A_282, %scan3A_283 : i32
      %scan3A_285 = arith.constant 1 : i32
      %scan3A_286 = scf.for %scan3A_676 = %scan3A_282 to %scan3A_284 step %scan3A_285 iter_args(%scan3A_677 = %broadcast_in_dim3A_281) -> (vector<16xf32>)  : i32 {
        %mul3A_678 = arith.constant 256 : i32
        %mul3A_679 = arith.muli %scan3A_676, %mul3A_678 : i32
        %add3A_680 = arith.constant 0 : i32
        %add3A_681 = arith.addi %mul3A_679, %add3A_680 : i32
        %multiple_of3A_682 = tpu.assume_multiple %add3A_681, 16 : i32
        %get3A_683 = arith.constant 2 : i32
        %get3A_684 = arith.index_cast %get3A_683 : i32 to index
        %get3A_685 = arith.index_cast %multiple_of3A_682 : i32 to index
        %get3A_686 = tpu.vector_load %arg9[%get3A_684, %get3A_685] {strides = array<i32>} : memref<4x8192xf32, #tpu.memory_space<vmem>>, vector<1x16xf32>,
        %get3A_687 = vector.shape_cast %get3A_686 : vector<1x16xf32> to vector<16xf32>
        %exp3A = math.exp %get3A_687 : vector<16xf32>
        %add3A_688 = arith.addf %scan3A_677, %exp3A : vector<16xf32>
        %mul3A_689 = arith.constant 256 : i32
        %mul3A_690 = arith.muli %scan3A_676, %mul3A_689 : i32
        %add3A_691 = arith.constant 16 : i32
        %add3A_692 = arith.addi %mul3A_690, %add3A_691 : i32
        %multiple_of3A_693 = tpu.assume_multiple %add3A_692, 16 : i32
        %get3A_694 = arith.constant 2 : i32
        %get3A_695 = arith.index_cast %get3A_694 : i32 to index
        %get3A_696 = arith.index_cast %multiple_of3A_693 : i32 to index
        %get3A_697 = tpu.vector_load %arg9[%get3A_695, %get3A_696] {strides = array<i32>} : memref<4x8192xf32, #tpu.memory_space<vmem>>, vector<1x16xf32>,
        %get3A_698 = vector.shape_cast %get3A_697 : vector<1x16xf32> to vector<16xf32>
        %exp3A_699 = math.exp %get3A_698 : vector<16xf32>
        %add3A_700 = arith.addf %add3A_688, %exp3A_699 : vector<16xf32>
        %mul3A_701 = arith.constant 256 : i32
        %mul3A_702 = arith.muli %scan3A_676, %mul3A_701 : i32
        %add3A_703 = arith.constant 32 : i32
        %add3A_704 = arith.addi %mul3A_702, %add3A_703 : i32
        %multiple_of3A_705 = tpu.assume_multiple %add3A_704, 16 : i32
        %get3A_706 = arith.constant 2 : i32
        %get3A_707 = arith.index_cast %get3A_706 : i32 to index
        %get3A_708 = arith.index_cast %multiple_of3A_705 : i32 to index
        %get3A_709 = tpu.vector_load %arg9[%get3A_707, %get3A_708] {strides = array<i32>} : memref<4x8192xf32, #tpu.memory_space<vmem>>, vector<1x16xf32>,
        %get3A_710 = vector.shape_cast %get3A_709 : vector<1x16xf32> to vector<16xf32>
        %exp3A_711 = math.exp %get3A_710 : vector<16xf32>
        %add3A_712 = arith.addf %add3A_700, %exp3A_711 : vector<16xf32>
        %mul3A_713 = arith.constant 256 : i32
        %mul3A_714 = arith.muli %scan3A_676, %mul3A_713 : i32
        %add3A_715 = arith.constant 48 : i32
        %add3A_716 = arith.addi %mul3A_714, %add3A_715 : i32
        %multiple_of3A_717 = tpu.assume_multiple %add3A_716, 16 : i32
        %get3A_718 = arith.constant 2 : i32
        %get3A_719 = arith.index_cast %get3A_718 : i32 to index
        %get3A_720 = arith.index_cast %multiple_of3A_717 : i32 to index
        %get3A_721 = tpu.vector_load %arg9[%get3A_719, %get3A_720] {strides = array<i32>} : memref<4x8192xf32, #tpu.memory_space<vmem>>, vector<1x16xf32>,
        %get3A_722 = vector.shape_cast %get3A_721 : vector<1x16xf32> to vector<16xf32>
        %exp3A_723 = math.exp %get3A_722 : vector<16xf32>
        %add3A_724 = arith.addf %add3A_712, %exp3A_723 : vector<16xf32>
        %mul3A_725 = arith.constant 256 : i32
        %mul3A_726 = arith.muli %scan3A_676, %mul3A_725 : i32
        %add3A_727 = arith.constant 64 : i32
        %add3A_728 = arith.addi %mul3A_726, %add3A_727 : i32
        %multiple_of3A_729 = tpu.assume_multiple %add3A_728, 16 : i32
        %get3A_730 = arith.constant 2 : i32
        %get3A_731 = arith.index_cast %get3A_730 : i32 to index
        %get3A_732 = arith.index_cast %multiple_of3A_729 : i32 to index
        %get3A_733 = tpu.vector_load %arg9[%get3A_731, %get3A_732] {strides = array<i32>} : memref<4x8192xf32, #tpu.memory_space<vmem>>, vector<1x16xf32>,
        %get3A_734 = vector.shape_cast %get3A_733 : vector<1x16xf32> to vector<16xf32>
        %exp3A_735 = math.exp %get3A_734 : vector<16xf32>
        %add3A_736 = arith.addf %add3A_724, %exp3A_735 : vector<16xf32>
        %mul3A_737 = arith.constant 256 : i32
        %mul3A_738 = arith.muli %scan3A_676, %mul3A_737 : i32
        %add3A_739 = arith.constant 80 : i32
        %add3A_740 = arith.addi %mul3A_738, %add3A_739 : i32
        %multiple_of3A_741 = tpu.assume_multiple %add3A_740, 16 : i32
        %get3A_742 = arith.constant 2 : i32
        %get3A_743 = arith.index_cast %get3A_742 : i32 to index
        %get3A_744 = arith.index_cast %multiple_of3A_741 : i32 to index
        %get3A_745 = tpu.vector_load %arg9[%get3A_743, %get3A_744] {strides = array<i32>} : memref<4x8192xf32, #tpu.memory_space<vmem>>, vector<1x16xf32>,
        %get3A_746 = vector.shape_cast %get3A_745 : vector<1x16xf32> to vector<16xf32>
        %exp3A_747 = math.exp %get3A_746 : vector<16xf32>
        %add3A_748 = arith.addf %add3A_736, %exp3A_747 : vector<16xf32>
        %mul3A_749 = arith.constant 256 : i32
        %mul3A_750 = arith.muli %scan3A_676, %mul3A_749 : i32
        %add3A_751 = arith.constant 96 : i32
        %add3A_752 = arith.addi %mul3A_750, %add3A_751 : i32
        %multiple_of3A_753 = tpu.assume_multiple %add3A_752, 16 : i32
        %get3A_754 = arith.constant 2 : i32
        %get3A_755 = arith.index_cast %get3A_754 : i32 to index
        %get3A_756 = arith.index_cast %multiple_of3A_753 : i32 to index
        %get3A_757 = tpu.vector_load %arg9[%get3A_755, %get3A_756] {strides = array<i32>} : memref<4x8192xf32, #tpu.memory_space<vmem>>, vector<1x16xf32>,
        %get3A_758 = vector.shape_cast %get3A_757 : vector<1x16xf32> to vector<16xf32>
        %exp3A_759 = math.exp %get3A_758 : vector<16xf32>
        %add3A_760 = arith.addf %add3A_748, %exp3A_759 : vector<16xf32>
        %mul3A_761 = arith.constant 256 : i32
        %mul3A_762 = arith.muli %scan3A_676, %mul3A_761 : i32
        %add3A_763 = arith.constant 112 : i32
        %add3A_764 = arith.addi %mul3A_762, %add3A_763 : i32
        %multiple_of3A_765 = tpu.assume_multiple %add3A_764, 16 : i32
        %get3A_766 = arith.constant 2 : i32
        %get3A_767 = arith.index_cast %get3A_766 : i32 to index
        %get3A_768 = arith.index_cast %multiple_of3A_765 : i32 to index
        %get3A_769 = tpu.vector_load %arg9[%get3A_767, %get3A_768] {strides = array<i32>} : memref<4x8192xf32, #tpu.memory_space<vmem>>, vector<1x16xf32>,
        %get3A_770 = vector.shape_cast %get3A_769 : vector<1x16xf32> to vector<16xf32>
        %exp3A_771 = math.exp %get3A_770 : vector<16xf32>
        %add3A_772 = arith.addf %add3A_760, %exp3A_771 : vector<16xf32>
        %mul3A_773 = arith.constant 256 : i32
        %mul3A_774 = arith.muli %scan3A_676, %mul3A_773 : i32
        %add3A_775 = arith.constant 128 : i32
        %add3A_776 = arith.addi %mul3A_774, %add3A_775 : i32
        %multiple_of3A_777 = tpu.assume_multiple %add3A_776, 16 : i32
        %get3A_778 = arith.constant 2 : i32
        %get3A_779 = arith.index_cast %get3A_778 : i32 to index
        %get3A_780 = arith.index_cast %multiple_of3A_777 : i32 to index
        %get3A_781 = tpu.vector_load %arg9[%get3A_779, %get3A_780] {strides = array<i32>} : memref<4x8192xf32, #tpu.memory_space<vmem>>, vector<1x16xf32>,
        %get3A_782 = vector.shape_cast %get3A_781 : vector<1x16xf32> to vector<16xf32>
        %exp3A_783 = math.exp %get3A_782 : vector<16xf32>
        %add3A_784 = arith.addf %add3A_772, %exp3A_783 : vector<16xf32>
        %mul3A_785 = arith.constant 256 : i32
        %mul3A_786 = arith.muli %scan3A_676, %mul3A_785 : i32
        %add3A_787 = arith.constant 144 : i32
        %add3A_788 = arith.addi %mul3A_786, %add3A_787 : i32
        %multiple_of3A_789 = tpu.assume_multiple %add3A_788, 16 : i32
        %get3A_790 = arith.constant 2 : i32
        %get3A_791 = arith.index_cast %get3A_790 : i32 to index
        %get3A_792 = arith.index_cast %multiple_of3A_789 : i32 to index
        %get3A_793 = tpu.vector_load %arg9[%get3A_791, %get3A_792] {strides = array<i32>} : memref<4x8192xf32, #tpu.memory_space<vmem>>, vector<1x16xf32>,
        %get3A_794 = vector.shape_cast %get3A_793 : vector<1x16xf32> to vector<16xf32>
        %exp3A_795 = math.exp %get3A_794 : vector<16xf32>
        %add3A_796 = arith.addf %add3A_784, %exp3A_795 : vector<16xf32>
        %mul3A_797 = arith.constant 256 : i32
        %mul3A_798 = arith.muli %scan3A_676, %mul3A_797 : i32
        %add3A_799 = arith.constant 160 : i32
        %add3A_800 = arith.addi %mul3A_798, %add3A_799 : i32
        %multiple_of3A_801 = tpu.assume_multiple %add3A_800, 16 : i32
        %get3A_802 = arith.constant 2 : i32
        %get3A_803 = arith.index_cast %get3A_802 : i32 to index
        %get3A_804 = arith.index_cast %multiple_of3A_801 : i32 to index
        %get3A_805 = tpu.vector_load %arg9[%get3A_803, %get3A_804] {strides = array<i32>} : memref<4x8192xf32, #tpu.memory_space<vmem>>, vector<1x16xf32>,
        %get3A_806 = vector.shape_cast %get3A_805 : vector<1x16xf32> to vector<16xf32>
        %exp3A_807 = math.exp %get3A_806 : vector<16xf32>
        %add3A_808 = arith.addf %add3A_796, %exp3A_807 : vector<16xf32>
        %mul3A_809 = arith.constant 256 : i32
        %mul3A_810 = arith.muli %scan3A_676, %mul3A_809 : i32
        %add3A_811 = arith.constant 176 : i32
        %add3A_812 = arith.addi %mul3A_810, %add3A_811 : i32
        %multiple_of3A_813 = tpu.assume_multiple %add3A_812, 16 : i32
        %get3A_814 = arith.constant 2 : i32
        %get3A_815 = arith.index_cast %get3A_814 : i32 to index
        %get3A_816 = arith.index_cast %multiple_of3A_813 : i32 to index
        %get3A_817 = tpu.vector_load %arg9[%get3A_815, %get3A_816] {strides = array<i32>} : memref<4x8192xf32, #tpu.memory_space<vmem>>, vector<1x16xf32>,
        %get3A_818 = vector.shape_cast %get3A_817 : vector<1x16xf32> to vector<16xf32>
        %exp3A_819 = math.exp %get3A_818 : vector<16xf32>
        %add3A_820 = arith.addf %add3A_808, %exp3A_819 : vector<16xf32>
        %mul3A_821 = arith.constant 256 : i32
        %mul3A_822 = arith.muli %scan3A_676, %mul3A_821 : i32
        %add3A_823 = arith.constant 192 : i32
        %add3A_824 = arith.addi %mul3A_822, %add3A_823 : i32
        %multiple_of3A_825 = tpu.assume_multiple %add3A_824, 16 : i32
        %get3A_826 = arith.constant 2 : i32
        %get3A_827 = arith.index_cast %get3A_826 : i32 to index
        %get3A_828 = arith.index_cast %multiple_of3A_825 : i32 to index
        %get3A_829 = tpu.vector_load %arg9[%get3A_827, %get3A_828] {strides = array<i32>} : memref<4x8192xf32, #tpu.memory_space<vmem>>, vector<1x16xf32>,
        %get3A_830 = vector.shape_cast %get3A_829 : vector<1x16xf32> to vector<16xf32>
        %exp3A_831 = math.exp %get3A_830 : vector<16xf32>
        %add3A_832 = arith.addf %add3A_820, %exp3A_831 : vector<16xf32>
        %mul3A_833 = arith.constant 256 : i32
        %mul3A_834 = arith.muli %scan3A_676, %mul3A_833 : i32
        %add3A_835 = arith.constant 208 : i32
        %add3A_836 = arith.addi %mul3A_834, %add3A_835 : i32
        %multiple_of3A_837 = tpu.assume_multiple %add3A_836, 16 : i32
        %get3A_838 = arith.constant 2 : i32
        %get3A_839 = arith.index_cast %get3A_838 : i32 to index
        %get3A_840 = arith.index_cast %multiple_of3A_837 : i32 to index
        %get3A_841 = tpu.vector_load %arg9[%get3A_839, %get3A_840] {strides = array<i32>} : memref<4x8192xf32, #tpu.memory_space<vmem>>, vector<1x16xf32>,
        %get3A_842 = vector.shape_cast %get3A_841 : vector<1x16xf32> to vector<16xf32>
        %exp3A_843 = math.exp %get3A_842 : vector<16xf32>
        %add3A_844 = arith.addf %add3A_832, %exp3A_843 : vector<16xf32>
        %mul3A_845 = arith.constant 256 : i32
        %mul3A_846 = arith.muli %scan3A_676, %mul3A_845 : i32
        %add3A_847 = arith.constant 224 : i32
        %add3A_848 = arith.addi %mul3A_846, %add3A_847 : i32
        %multiple_of3A_849 = tpu.assume_multiple %add3A_848, 16 : i32
        %get3A_850 = arith.constant 2 : i32
        %get3A_851 = arith.index_cast %get3A_850 : i32 to index
        %get3A_852 = arith.index_cast %multiple_of3A_849 : i32 to index
        %get3A_853 = tpu.vector_load %arg9[%get3A_851, %get3A_852] {strides = array<i32>} : memref<4x8192xf32, #tpu.memory_space<vmem>>, vector<1x16xf32>,
        %get3A_854 = vector.shape_cast %get3A_853 : vector<1x16xf32> to vector<16xf32>
        %exp3A_855 = math.exp %get3A_854 : vector<16xf32>
        %add3A_856 = arith.addf %add3A_844, %exp3A_855 : vector<16xf32>
        %mul3A_857 = arith.constant 256 : i32
        %mul3A_858 = arith.muli %scan3A_676, %mul3A_857 : i32
        %add3A_859 = arith.constant 240 : i32
        %add3A_860 = arith.addi %mul3A_858, %add3A_859 : i32
        %multiple_of3A_861 = tpu.assume_multiple %add3A_860, 16 : i32
        %get3A_862 = arith.constant 2 : i32
        %get3A_863 = arith.index_cast %get3A_862 : i32 to index
        %get3A_864 = arith.index_cast %multiple_of3A_861 : i32 to index
        %get3A_865 = tpu.vector_load %arg9[%get3A_863, %get3A_864] {strides = array<i32>} : memref<4x8192xf32, #tpu.memory_space<vmem>>, vector<1x16xf32>,
        %get3A_866 = vector.shape_cast %get3A_865 : vector<1x16xf32> to vector<16xf32>
        %exp3A_867 = math.exp %get3A_866 : vector<16xf32>
        %add3A_868 = arith.addf %add3A_856, %exp3A_867 : vector<16xf32>
        scf.yield %add3A_868 : vector<16xf32>
      }
      %scan3A_287 = arith.constant 32 : i32
      %mul3A_288 = arith.constant 256 : i32
      %mul3A_289 = arith.muli %scan3A_24, %mul3A_288 : i32
      %add3A_290 = arith.constant 96 : i32
      %add3A_291 = arith.addi %mul3A_289, %add3A_290 : i32
      %swap3A_292 = arith.index_cast %add3A_291 : i32 to index
      %swap3A_293 = tpu.vector_load %arg13[%swap3A_292] {strides = array<i32>} : memref<4096xf32, #tpu.memory_space<vmem>>, vector<16xf32>,
      %swap3A_294 = vector.shape_cast %swap3A_293 : vector<16xf32> to vector<16xf32>
      %swap3A_295 = vector.shape_cast %scan3A_286 : vector<16xf32> to vector<16xf32>
      tpu.vector_store %arg13[%swap3A_292], %swap3A_295 {strides = array<i32>} : memref<4096xf32, #tpu.memory_space<vmem>>, vector<16xf32>,
      %slice3A_296 = vector.extract_strided_slice %get3A_29 {offsets = [6], sizes = [1], strides = [1]} : vector<16xi32> to vector<1xi32>
      %squeeze3A_297 = vector.extract %slice3A_296[0] : i32 from vector<1xi32>
      %and3A_298 = arith.constant -16 : i32
      %and3A_299 = arith.andi %squeeze3A_297, %and3A_298 : i32
      %multiple_of3A_300 = tpu.assume_multiple %and3A_299, 16 : i32
      %get3A_301 = arith.constant 2 : i32
      %get3A_302 = arith.index_cast %get3A_301 : i32 to index
      %get3A_303 = arith.index_cast %multiple_of3A_300 : i32 to index
      %get3A_304 = tpu.vector_load %arg9[%get3A_302, %get3A_303] {strides = array<i32>} : memref<4x8192xf32, #tpu.memory_space<vmem>>, vector<1x16xf32>,
      %get3A_305 = vector.shape_cast %get3A_304 : vector<1x16xf32> to vector<16xf32>
      %and3A_306 = arith.constant 15 : i32
      %and3A_307 = arith.andi %squeeze3A_297, %and3A_306 : i32
      %eq3A_308 = vector.broadcast %and3A_307 : i32 to vector<16xi32>
      %eq3A_309 = arith.cmpi eq, %iota3A, %eq3A_308 : vector<16xi32>
      %jit3A_310 = arith.constant 0.000000e+00 : f32
      %broadcast_in_dim3A_311 = vector.broadcast %jit3A_310 : f32 to vector<16xf32>
      %select_n3A_312 = arith.select %eq3A_309, %get3A_305, %broadcast_in_dim3A_311 : vector<16xi1>, vector<16xf32>
      %add3A_313 = arith.addf %add3A_279, %select_n3A_312 : vector<16xf32>
      %broadcast_in_dim3A_314 = arith.constant 0.000000e+00 : f32
      %broadcast_in_dim3A_315 = vector.broadcast %broadcast_in_dim3A_314 : f32 to vector<16xf32>
      %scan3A_316 = arith.constant 0 : i32
      %scan3A_317 = arith.constant 32 : i32
      %scan3A_318 = arith.addi %scan3A_316, %scan3A_317 : i32
      %scan3A_319 = arith.constant 1 : i32
      %scan3A_320 = scf.for %scan3A_676 = %scan3A_316 to %scan3A_318 step %scan3A_319 iter_args(%scan3A_677 = %broadcast_in_dim3A_315) -> (vector<16xf32>)  : i32 {
        %mul3A_678 = arith.constant 256 : i32
        %mul3A_679 = arith.muli %scan3A_676, %mul3A_678 : i32
        %add3A_680 = arith.constant 0 : i32
        %add3A_681 = arith.addi %mul3A_679, %add3A_680 : i32
        %multiple_of3A_682 = tpu.assume_multiple %add3A_681, 16 : i32
        %get3A_683 = arith.constant 3 : i32
        %get3A_684 = arith.index_cast %get3A_683 : i32 to index
        %get3A_685 = arith.index_cast %multiple_of3A_682 : i32 to index
        %get3A_686 = tpu.vector_load %arg9[%get3A_684, %get3A_685] {strides = array<i32>} : memref<4x8192xf32, #tpu.memory_space<vmem>>, vector<1x16xf32>,
        %get3A_687 = vector.shape_cast %get3A_686 : vector<1x16xf32> to vector<16xf32>
        %exp3A = math.exp %get3A_687 : vector<16xf32>
        %add3A_688 = arith.addf %scan3A_677, %exp3A : vector<16xf32>
        %mul3A_689 = arith.constant 256 : i32
        %mul3A_690 = arith.muli %scan3A_676, %mul3A_689 : i32
        %add3A_691 = arith.constant 16 : i32
        %add3A_692 = arith.addi %mul3A_690, %add3A_691 : i32
        %multiple_of3A_693 = tpu.assume_multiple %add3A_692, 16 : i32
        %get3A_694 = arith.constant 3 : i32
        %get3A_695 = arith.index_cast %get3A_694 : i32 to index
        %get3A_696 = arith.index_cast %multiple_of3A_693 : i32 to index
        %get3A_697 = tpu.vector_load %arg9[%get3A_695, %get3A_696] {strides = array<i32>} : memref<4x8192xf32, #tpu.memory_space<vmem>>, vector<1x16xf32>,
        %get3A_698 = vector.shape_cast %get3A_697 : vector<1x16xf32> to vector<16xf32>
        %exp3A_699 = math.exp %get3A_698 : vector<16xf32>
        %add3A_700 = arith.addf %add3A_688, %exp3A_699 : vector<16xf32>
        %mul3A_701 = arith.constant 256 : i32
        %mul3A_702 = arith.muli %scan3A_676, %mul3A_701 : i32
        %add3A_703 = arith.constant 32 : i32
        %add3A_704 = arith.addi %mul3A_702, %add3A_703 : i32
        %multiple_of3A_705 = tpu.assume_multiple %add3A_704, 16 : i32
        %get3A_706 = arith.constant 3 : i32
        %get3A_707 = arith.index_cast %get3A_706 : i32 to index
        %get3A_708 = arith.index_cast %multiple_of3A_705 : i32 to index
        %get3A_709 = tpu.vector_load %arg9[%get3A_707, %get3A_708] {strides = array<i32>} : memref<4x8192xf32, #tpu.memory_space<vmem>>, vector<1x16xf32>,
        %get3A_710 = vector.shape_cast %get3A_709 : vector<1x16xf32> to vector<16xf32>
        %exp3A_711 = math.exp %get3A_710 : vector<16xf32>
        %add3A_712 = arith.addf %add3A_700, %exp3A_711 : vector<16xf32>
        %mul3A_713 = arith.constant 256 : i32
        %mul3A_714 = arith.muli %scan3A_676, %mul3A_713 : i32
        %add3A_715 = arith.constant 48 : i32
        %add3A_716 = arith.addi %mul3A_714, %add3A_715 : i32
        %multiple_of3A_717 = tpu.assume_multiple %add3A_716, 16 : i32
        %get3A_718 = arith.constant 3 : i32
        %get3A_719 = arith.index_cast %get3A_718 : i32 to index
        %get3A_720 = arith.index_cast %multiple_of3A_717 : i32 to index
        %get3A_721 = tpu.vector_load %arg9[%get3A_719, %get3A_720] {strides = array<i32>} : memref<4x8192xf32, #tpu.memory_space<vmem>>, vector<1x16xf32>,
        %get3A_722 = vector.shape_cast %get3A_721 : vector<1x16xf32> to vector<16xf32>
        %exp3A_723 = math.exp %get3A_722 : vector<16xf32>
        %add3A_724 = arith.addf %add3A_712, %exp3A_723 : vector<16xf32>
        %mul3A_725 = arith.constant 256 : i32
        %mul3A_726 = arith.muli %scan3A_676, %mul3A_725 : i32
        %add3A_727 = arith.constant 64 : i32
        %add3A_728 = arith.addi %mul3A_726, %add3A_727 : i32
        %multiple_of3A_729 = tpu.assume_multiple %add3A_728, 16 : i32
        %get3A_730 = arith.constant 3 : i32
        %get3A_731 = arith.index_cast %get3A_730 : i32 to index
        %get3A_732 = arith.index_cast %multiple_of3A_729 : i32 to index
        %get3A_733 = tpu.vector_load %arg9[%get3A_731, %get3A_732] {strides = array<i32>} : memref<4x8192xf32, #tpu.memory_space<vmem>>, vector<1x16xf32>,
        %get3A_734 = vector.shape_cast %get3A_733 : vector<1x16xf32> to vector<16xf32>
        %exp3A_735 = math.exp %get3A_734 : vector<16xf32>
        %add3A_736 = arith.addf %add3A_724, %exp3A_735 : vector<16xf32>
        %mul3A_737 = arith.constant 256 : i32
        %mul3A_738 = arith.muli %scan3A_676, %mul3A_737 : i32
        %add3A_739 = arith.constant 80 : i32
        %add3A_740 = arith.addi %mul3A_738, %add3A_739 : i32
        %multiple_of3A_741 = tpu.assume_multiple %add3A_740, 16 : i32
        %get3A_742 = arith.constant 3 : i32
        %get3A_743 = arith.index_cast %get3A_742 : i32 to index
        %get3A_744 = arith.index_cast %multiple_of3A_741 : i32 to index
        %get3A_745 = tpu.vector_load %arg9[%get3A_743, %get3A_744] {strides = array<i32>} : memref<4x8192xf32, #tpu.memory_space<vmem>>, vector<1x16xf32>,
        %get3A_746 = vector.shape_cast %get3A_745 : vector<1x16xf32> to vector<16xf32>
        %exp3A_747 = math.exp %get3A_746 : vector<16xf32>
        %add3A_748 = arith.addf %add3A_736, %exp3A_747 : vector<16xf32>
        %mul3A_749 = arith.constant 256 : i32
        %mul3A_750 = arith.muli %scan3A_676, %mul3A_749 : i32
        %add3A_751 = arith.constant 96 : i32
        %add3A_752 = arith.addi %mul3A_750, %add3A_751 : i32
        %multiple_of3A_753 = tpu.assume_multiple %add3A_752, 16 : i32
        %get3A_754 = arith.constant 3 : i32
        %get3A_755 = arith.index_cast %get3A_754 : i32 to index
        %get3A_756 = arith.index_cast %multiple_of3A_753 : i32 to index
        %get3A_757 = tpu.vector_load %arg9[%get3A_755, %get3A_756] {strides = array<i32>} : memref<4x8192xf32, #tpu.memory_space<vmem>>, vector<1x16xf32>,
        %get3A_758 = vector.shape_cast %get3A_757 : vector<1x16xf32> to vector<16xf32>
        %exp3A_759 = math.exp %get3A_758 : vector<16xf32>
        %add3A_760 = arith.addf %add3A_748, %exp3A_759 : vector<16xf32>
        %mul3A_761 = arith.constant 256 : i32
        %mul3A_762 = arith.muli %scan3A_676, %mul3A_761 : i32
        %add3A_763 = arith.constant 112 : i32
        %add3A_764 = arith.addi %mul3A_762, %add3A_763 : i32
        %multiple_of3A_765 = tpu.assume_multiple %add3A_764, 16 : i32
        %get3A_766 = arith.constant 3 : i32
        %get3A_767 = arith.index_cast %get3A_766 : i32 to index
        %get3A_768 = arith.index_cast %multiple_of3A_765 : i32 to index
        %get3A_769 = tpu.vector_load %arg9[%get3A_767, %get3A_768] {strides = array<i32>} : memref<4x8192xf32, #tpu.memory_space<vmem>>, vector<1x16xf32>,
        %get3A_770 = vector.shape_cast %get3A_769 : vector<1x16xf32> to vector<16xf32>
        %exp3A_771 = math.exp %get3A_770 : vector<16xf32>
        %add3A_772 = arith.addf %add3A_760, %exp3A_771 : vector<16xf32>
        %mul3A_773 = arith.constant 256 : i32
        %mul3A_774 = arith.muli %scan3A_676, %mul3A_773 : i32
        %add3A_775 = arith.constant 128 : i32
        %add3A_776 = arith.addi %mul3A_774, %add3A_775 : i32
        %multiple_of3A_777 = tpu.assume_multiple %add3A_776, 16 : i32
        %get3A_778 = arith.constant 3 : i32
        %get3A_779 = arith.index_cast %get3A_778 : i32 to index
        %get3A_780 = arith.index_cast %multiple_of3A_777 : i32 to index
        %get3A_781 = tpu.vector_load %arg9[%get3A_779, %get3A_780] {strides = array<i32>} : memref<4x8192xf32, #tpu.memory_space<vmem>>, vector<1x16xf32>,
        %get3A_782 = vector.shape_cast %get3A_781 : vector<1x16xf32> to vector<16xf32>
        %exp3A_783 = math.exp %get3A_782 : vector<16xf32>
        %add3A_784 = arith.addf %add3A_772, %exp3A_783 : vector<16xf32>
        %mul3A_785 = arith.constant 256 : i32
        %mul3A_786 = arith.muli %scan3A_676, %mul3A_785 : i32
        %add3A_787 = arith.constant 144 : i32
        %add3A_788 = arith.addi %mul3A_786, %add3A_787 : i32
        %multiple_of3A_789 = tpu.assume_multiple %add3A_788, 16 : i32
        %get3A_790 = arith.constant 3 : i32
        %get3A_791 = arith.index_cast %get3A_790 : i32 to index
        %get3A_792 = arith.index_cast %multiple_of3A_789 : i32 to index
        %get3A_793 = tpu.vector_load %arg9[%get3A_791, %get3A_792] {strides = array<i32>} : memref<4x8192xf32, #tpu.memory_space<vmem>>, vector<1x16xf32>,
        %get3A_794 = vector.shape_cast %get3A_793 : vector<1x16xf32> to vector<16xf32>
        %exp3A_795 = math.exp %get3A_794 : vector<16xf32>
        %add3A_796 = arith.addf %add3A_784, %exp3A_795 : vector<16xf32>
        %mul3A_797 = arith.constant 256 : i32
        %mul3A_798 = arith.muli %scan3A_676, %mul3A_797 : i32
        %add3A_799 = arith.constant 160 : i32
        %add3A_800 = arith.addi %mul3A_798, %add3A_799 : i32
        %multiple_of3A_801 = tpu.assume_multiple %add3A_800, 16 : i32
        %get3A_802 = arith.constant 3 : i32
        %get3A_803 = arith.index_cast %get3A_802 : i32 to index
        %get3A_804 = arith.index_cast %multiple_of3A_801 : i32 to index
        %get3A_805 = tpu.vector_load %arg9[%get3A_803, %get3A_804] {strides = array<i32>} : memref<4x8192xf32, #tpu.memory_space<vmem>>, vector<1x16xf32>,
        %get3A_806 = vector.shape_cast %get3A_805 : vector<1x16xf32> to vector<16xf32>
        %exp3A_807 = math.exp %get3A_806 : vector<16xf32>
        %add3A_808 = arith.addf %add3A_796, %exp3A_807 : vector<16xf32>
        %mul3A_809 = arith.constant 256 : i32
        %mul3A_810 = arith.muli %scan3A_676, %mul3A_809 : i32
        %add3A_811 = arith.constant 176 : i32
        %add3A_812 = arith.addi %mul3A_810, %add3A_811 : i32
        %multiple_of3A_813 = tpu.assume_multiple %add3A_812, 16 : i32
        %get3A_814 = arith.constant 3 : i32
        %get3A_815 = arith.index_cast %get3A_814 : i32 to index
        %get3A_816 = arith.index_cast %multiple_of3A_813 : i32 to index
        %get3A_817 = tpu.vector_load %arg9[%get3A_815, %get3A_816] {strides = array<i32>} : memref<4x8192xf32, #tpu.memory_space<vmem>>, vector<1x16xf32>,
        %get3A_818 = vector.shape_cast %get3A_817 : vector<1x16xf32> to vector<16xf32>
        %exp3A_819 = math.exp %get3A_818 : vector<16xf32>
        %add3A_820 = arith.addf %add3A_808, %exp3A_819 : vector<16xf32>
        %mul3A_821 = arith.constant 256 : i32
        %mul3A_822 = arith.muli %scan3A_676, %mul3A_821 : i32
        %add3A_823 = arith.constant 192 : i32
        %add3A_824 = arith.addi %mul3A_822, %add3A_823 : i32
        %multiple_of3A_825 = tpu.assume_multiple %add3A_824, 16 : i32
        %get3A_826 = arith.constant 3 : i32
        %get3A_827 = arith.index_cast %get3A_826 : i32 to index
        %get3A_828 = arith.index_cast %multiple_of3A_825 : i32 to index
        %get3A_829 = tpu.vector_load %arg9[%get3A_827, %get3A_828] {strides = array<i32>} : memref<4x8192xf32, #tpu.memory_space<vmem>>, vector<1x16xf32>,
        %get3A_830 = vector.shape_cast %get3A_829 : vector<1x16xf32> to vector<16xf32>
        %exp3A_831 = math.exp %get3A_830 : vector<16xf32>
        %add3A_832 = arith.addf %add3A_820, %exp3A_831 : vector<16xf32>
        %mul3A_833 = arith.constant 256 : i32
        %mul3A_834 = arith.muli %scan3A_676, %mul3A_833 : i32
        %add3A_835 = arith.constant 208 : i32
        %add3A_836 = arith.addi %mul3A_834, %add3A_835 : i32
        %multiple_of3A_837 = tpu.assume_multiple %add3A_836, 16 : i32
        %get3A_838 = arith.constant 3 : i32
        %get3A_839 = arith.index_cast %get3A_838 : i32 to index
        %get3A_840 = arith.index_cast %multiple_of3A_837 : i32 to index
        %get3A_841 = tpu.vector_load %arg9[%get3A_839, %get3A_840] {strides = array<i32>} : memref<4x8192xf32, #tpu.memory_space<vmem>>, vector<1x16xf32>,
        %get3A_842 = vector.shape_cast %get3A_841 : vector<1x16xf32> to vector<16xf32>
        %exp3A_843 = math.exp %get3A_842 : vector<16xf32>
        %add3A_844 = arith.addf %add3A_832, %exp3A_843 : vector<16xf32>
        %mul3A_845 = arith.constant 256 : i32
        %mul3A_846 = arith.muli %scan3A_676, %mul3A_845 : i32
        %add3A_847 = arith.constant 224 : i32
        %add3A_848 = arith.addi %mul3A_846, %add3A_847 : i32
        %multiple_of3A_849 = tpu.assume_multiple %add3A_848, 16 : i32
        %get3A_850 = arith.constant 3 : i32
        %get3A_851 = arith.index_cast %get3A_850 : i32 to index
        %get3A_852 = arith.index_cast %multiple_of3A_849 : i32 to index
        %get3A_853 = tpu.vector_load %arg9[%get3A_851, %get3A_852] {strides = array<i32>} : memref<4x8192xf32, #tpu.memory_space<vmem>>, vector<1x16xf32>,
        %get3A_854 = vector.shape_cast %get3A_853 : vector<1x16xf32> to vector<16xf32>
        %exp3A_855 = math.exp %get3A_854 : vector<16xf32>
        %add3A_856 = arith.addf %add3A_844, %exp3A_855 : vector<16xf32>
        %mul3A_857 = arith.constant 256 : i32
        %mul3A_858 = arith.muli %scan3A_676, %mul3A_857 : i32
        %add3A_859 = arith.constant 240 : i32
        %add3A_860 = arith.addi %mul3A_858, %add3A_859 : i32
        %multiple_of3A_861 = tpu.assume_multiple %add3A_860, 16 : i32
        %get3A_862 = arith.constant 3 : i32
        %get3A_863 = arith.index_cast %get3A_862 : i32 to index
        %get3A_864 = arith.index_cast %multiple_of3A_861 : i32 to index
        %get3A_865 = tpu.vector_load %arg9[%get3A_863, %get3A_864] {strides = array<i32>} : memref<4x8192xf32, #tpu.memory_space<vmem>>, vector<1x16xf32>,
        %get3A_866 = vector.shape_cast %get3A_865 : vector<1x16xf32> to vector<16xf32>
        %exp3A_867 = math.exp %get3A_866 : vector<16xf32>
        %add3A_868 = arith.addf %add3A_856, %exp3A_867 : vector<16xf32>
        scf.yield %add3A_868 : vector<16xf32>
      }
      %scan3A_321 = arith.constant 32 : i32
      %mul3A_322 = arith.constant 256 : i32
      %mul3A_323 = arith.muli %scan3A_24, %mul3A_322 : i32
      %add3A_324 = arith.constant 112 : i32
      %add3A_325 = arith.addi %mul3A_323, %add3A_324 : i32
      %swap3A_326 = arith.index_cast %add3A_325 : i32 to index
      %swap3A_327 = tpu.vector_load %arg13[%swap3A_326] {strides = array<i32>} : memref<4096xf32, #tpu.memory_space<vmem>>, vector<16xf32>,
      %swap3A_328 = vector.shape_cast %swap3A_327 : vector<16xf32> to vector<16xf32>
      %swap3A_329 = vector.shape_cast %scan3A_320 : vector<16xf32> to vector<16xf32>
      tpu.vector_store %arg13[%swap3A_326], %swap3A_329 {strides = array<i32>} : memref<4096xf32, #tpu.memory_space<vmem>>, vector<16xf32>,
      %slice3A_330 = vector.extract_strided_slice %get3A_29 {offsets = [7], sizes = [1], strides = [1]} : vector<16xi32> to vector<1xi32>
      %squeeze3A_331 = vector.extract %slice3A_330[0] : i32 from vector<1xi32>
      %and3A_332 = arith.constant -16 : i32
      %and3A_333 = arith.andi %squeeze3A_331, %and3A_332 : i32
      %multiple_of3A_334 = tpu.assume_multiple %and3A_333, 16 : i32
      %get3A_335 = arith.constant 3 : i32
      %get3A_336 = arith.index_cast %get3A_335 : i32 to index
      %get3A_337 = arith.index_cast %multiple_of3A_334 : i32 to index
      %get3A_338 = tpu.vector_load %arg9[%get3A_336, %get3A_337] {strides = array<i32>} : memref<4x8192xf32, #tpu.memory_space<vmem>>, vector<1x16xf32>,
      %get3A_339 = vector.shape_cast %get3A_338 : vector<1x16xf32> to vector<16xf32>
      %and3A_340 = arith.constant 15 : i32
      %and3A_341 = arith.andi %squeeze3A_331, %and3A_340 : i32
      %eq3A_342 = vector.broadcast %and3A_341 : i32 to vector<16xi32>
      %eq3A_343 = arith.cmpi eq, %iota3A, %eq3A_342 : vector<16xi32>
      %jit3A_344 = arith.constant 0.000000e+00 : f32
      %broadcast_in_dim3A_345 = vector.broadcast %jit3A_344 : f32 to vector<16xf32>
      %select_n3A_346 = arith.select %eq3A_343, %get3A_339, %broadcast_in_dim3A_345 : vector<16xi1>, vector<16xf32>
      %add3A_347 = arith.addf %add3A_313, %select_n3A_346 : vector<16xf32>
      %dma_wait3A_348 = arith.constant 0 : i32
      %dma_wait3A_349 = tpu.memref_slice %arg5[%mul3A_2, %dma_wait3A_348] : memref<8192x8192xf32, #tpu.memory_space<hbm>> -> memref<4x8192xf32, #tpu.memory_space<hbm>>
      %dma_wait3A_350 = arith.constant 0 : i32
      %dma_wait3A_351 = tpu.memref_slice %arg5[%mul3A_2, %dma_wait3A_350] : memref<8192x8192xf32, #tpu.memory_space<hbm>> -> memref<4x8192xf32, #tpu.memory_space<hbm>>
      tpu.wait_dma2 semaphore(%arg17 : memref<!tpu.dma_semaphore, #tpu.memory_space<semaphore_mem>>) src(%arg9 : memref<4x8192xf32, #tpu.memory_space<vmem>>) dst(%dma_wait3A_351 : memref<4x8192xf32, #tpu.memory_space<hbm>>)
      %mul3A_352 = arith.constant 4 : i32
      %mul3A_353 = arith.muli %scan3A_24, %mul3A_352 : i32
      %add3A_354 = arith.constant 2 : i32
      %add3A_355 = arith.addi %mul3A_353, %add3A_354 : i32
      %dma_wait3A_356 = arith.constant 0 : i32
      %dma_wait3A_357 = tpu.memref_slice %arg10[%add3A_355, %dma_wait3A_356] : memref<64x4xi32, #tpu.memory_space<vmem>> -> memref<1x4xi32, #tpu.memory_space<vmem>>
      %dma_wait3A_358 = tpu.memref_squeeze %dma_wait3A_357 : memref<1x4xi32, #tpu.memory_space<vmem>> -> memref<4xi32, #tpu.memory_space<vmem>>
      %dma_wait3A_359 = arith.constant 0 : i32
      %dma_wait3A_360 = arith.constant 0 : i32
      %dma_wait3A_361 = tpu.memref_slice %arg2[%dma_wait3A_359, %dma_wait3A_360] : memref<8192x8192xf32, #tpu.memory_space<hbm>> -> memref<8192x8192xf32, #tpu.memory_space<hbm>>
      tpu.wait_indirect_dma semaphore(%arg14 : memref<!tpu.dma_semaphore, #tpu.memory_space<semaphore_mem>>) src(%dma_wait3A_361 : memref<8192x8192xf32, #tpu.memory_space<hbm>>) dst(%arg8 : memref<4x8192xf32, #tpu.memory_space<vmem>>)
      %add3A_362 = arith.constant 1 : i32
      %add3A_363 = arith.addi %add3A_355, %add3A_362 : i32
      %dma_start3A_364 = arith.constant 0 : i32
      %dma_start3A_365 = tpu.memref_slice %arg10[%add3A_363, %dma_start3A_364] : memref<64x4xi32, #tpu.memory_space<vmem>> -> memref<1x4xi32, #tpu.memory_space<vmem>>
      %dma_start3A_366 = tpu.memref_squeeze %dma_start3A_365 : memref<1x4xi32, #tpu.memory_space<vmem>> -> memref<4xi32, #tpu.memory_space<vmem>>
      %dma_start3A_367 = arith.constant 0 : i32
      %dma_start3A_368 = arith.constant 0 : i32
      %dma_start3A_369 = tpu.memref_slice %arg2[%dma_start3A_367, %dma_start3A_368] : memref<8192x8192xf32, #tpu.memory_space<hbm>> -> memref<8192x8192xf32, #tpu.memory_space<hbm>>
      tpu.enqueue_indirect_dma source(%dma_start3A_369 : memref<8192x8192xf32, #tpu.memory_space<hbm>>) target(%arg9 : memref<4x8192xf32, #tpu.memory_space<vmem>>) offsets(%dma_start3A_366 : memref<4xi32, #tpu.memory_space<vmem>>) semaphore(%arg15 : memref<!tpu.dma_semaphore, #tpu.memory_space<semaphore_mem>>)
      %mul3A_370 = arith.constant 4 : i32
      %mul3A_371 = arith.muli %add3A_355, %mul3A_370 : i32
      %add3A_372 = arith.addi %mul3A_2, %mul3A_371 : i32
      %dma_start3A_373 = arith.constant 0 : i32
      %dma_start3A_374 = tpu.memref_slice %arg5[%add3A_372, %dma_start3A_373] : memref<8192x8192xf32, #tpu.memory_space<hbm>> -> memref<4x8192xf32, #tpu.memory_space<hbm>>
      %dma_start3A_375 = arith.constant 0 : i32
      %dma_start3A_376 = tpu.memref_slice %arg5[%add3A_372, %dma_start3A_375] : memref<8192x8192xf32, #tpu.memory_space<hbm>> -> memref<4x8192xf32, #tpu.memory_space<hbm>>
      tpu.enqueue_dma source(%arg8 : memref<4x8192xf32, #tpu.memory_space<vmem>>) target(%dma_start3A_376 : memref<4x8192xf32, #tpu.memory_space<hbm>>) target_semaphore(%arg16 : memref<!tpu.dma_semaphore, #tpu.memory_space<semaphore_mem>>)
      %broadcast_in_dim3A_377 = arith.constant 0.000000e+00 : f32
      %broadcast_in_dim3A_378 = vector.broadcast %broadcast_in_dim3A_377 : f32 to vector<16xf32>
      %scan3A_379 = arith.constant 0 : i32
      %scan3A_380 = arith.constant 32 : i32
      %scan3A_381 = arith.addi %scan3A_379, %scan3A_380 : i32
      %scan3A_382 = arith.constant 1 : i32
      %scan3A_383 = scf.for %scan3A_676 = %scan3A_379 to %scan3A_381 step %scan3A_382 iter_args(%scan3A_677 = %broadcast_in_dim3A_378) -> (vector<16xf32>)  : i32 {
        %mul3A_678 = arith.constant 256 : i32
        %mul3A_679 = arith.muli %scan3A_676, %mul3A_678 : i32
        %add3A_680 = arith.constant 0 : i32
        %add3A_681 = arith.addi %mul3A_679, %add3A_680 : i32
        %multiple_of3A_682 = tpu.assume_multiple %add3A_681, 16 : i32
        %get3A_683 = arith.constant 0 : i32
        %get3A_684 = arith.index_cast %get3A_683 : i32 to index
        %get3A_685 = arith.index_cast %multiple_of3A_682 : i32 to index
        %get3A_686 = tpu.vector_load %arg8[%get3A_684, %get3A_685] {strides = array<i32>} : memref<4x8192xf32, #tpu.memory_space<vmem>>, vector<1x16xf32>,
        %get3A_687 = vector.shape_cast %get3A_686 : vector<1x16xf32> to vector<16xf32>
        %exp3A = math.exp %get3A_687 : vector<16xf32>
        %add3A_688 = arith.addf %scan3A_677, %exp3A : vector<16xf32>
        %mul3A_689 = arith.constant 256 : i32
        %mul3A_690 = arith.muli %scan3A_676, %mul3A_689 : i32
        %add3A_691 = arith.constant 16 : i32
        %add3A_692 = arith.addi %mul3A_690, %add3A_691 : i32
        %multiple_of3A_693 = tpu.assume_multiple %add3A_692, 16 : i32
        %get3A_694 = arith.constant 0 : i32
        %get3A_695 = arith.index_cast %get3A_694 : i32 to index
        %get3A_696 = arith.index_cast %multiple_of3A_693 : i32 to index
        %get3A_697 = tpu.vector_load %arg8[%get3A_695, %get3A_696] {strides = array<i32>} : memref<4x8192xf32, #tpu.memory_space<vmem>>, vector<1x16xf32>,
        %get3A_698 = vector.shape_cast %get3A_697 : vector<1x16xf32> to vector<16xf32>
        %exp3A_699 = math.exp %get3A_698 : vector<16xf32>
        %add3A_700 = arith.addf %add3A_688, %exp3A_699 : vector<16xf32>
        %mul3A_701 = arith.constant 256 : i32
        %mul3A_702 = arith.muli %scan3A_676, %mul3A_701 : i32
        %add3A_703 = arith.constant 32 : i32
        %add3A_704 = arith.addi %mul3A_702, %add3A_703 : i32
        %multiple_of3A_705 = tpu.assume_multiple %add3A_704, 16 : i32
        %get3A_706 = arith.constant 0 : i32
        %get3A_707 = arith.index_cast %get3A_706 : i32 to index
        %get3A_708 = arith.index_cast %multiple_of3A_705 : i32 to index
        %get3A_709 = tpu.vector_load %arg8[%get3A_707, %get3A_708] {strides = array<i32>} : memref<4x8192xf32, #tpu.memory_space<vmem>>, vector<1x16xf32>,
        %get3A_710 = vector.shape_cast %get3A_709 : vector<1x16xf32> to vector<16xf32>
        %exp3A_711 = math.exp %get3A_710 : vector<16xf32>
        %add3A_712 = arith.addf %add3A_700, %exp3A_711 : vector<16xf32>
        %mul3A_713 = arith.constant 256 : i32
        %mul3A_714 = arith.muli %scan3A_676, %mul3A_713 : i32
        %add3A_715 = arith.constant 48 : i32
        %add3A_716 = arith.addi %mul3A_714, %add3A_715 : i32
        %multiple_of3A_717 = tpu.assume_multiple %add3A_716, 16 : i32
        %get3A_718 = arith.constant 0 : i32
        %get3A_719 = arith.index_cast %get3A_718 : i32 to index
        %get3A_720 = arith.index_cast %multiple_of3A_717 : i32 to index
        %get3A_721 = tpu.vector_load %arg8[%get3A_719, %get3A_720] {strides = array<i32>} : memref<4x8192xf32, #tpu.memory_space<vmem>>, vector<1x16xf32>,
        %get3A_722 = vector.shape_cast %get3A_721 : vector<1x16xf32> to vector<16xf32>
        %exp3A_723 = math.exp %get3A_722 : vector<16xf32>
        %add3A_724 = arith.addf %add3A_712, %exp3A_723 : vector<16xf32>
        %mul3A_725 = arith.constant 256 : i32
        %mul3A_726 = arith.muli %scan3A_676, %mul3A_725 : i32
        %add3A_727 = arith.constant 64 : i32
        %add3A_728 = arith.addi %mul3A_726, %add3A_727 : i32
        %multiple_of3A_729 = tpu.assume_multiple %add3A_728, 16 : i32
        %get3A_730 = arith.constant 0 : i32
        %get3A_731 = arith.index_cast %get3A_730 : i32 to index
        %get3A_732 = arith.index_cast %multiple_of3A_729 : i32 to index
        %get3A_733 = tpu.vector_load %arg8[%get3A_731, %get3A_732] {strides = array<i32>} : memref<4x8192xf32, #tpu.memory_space<vmem>>, vector<1x16xf32>,
        %get3A_734 = vector.shape_cast %get3A_733 : vector<1x16xf32> to vector<16xf32>
        %exp3A_735 = math.exp %get3A_734 : vector<16xf32>
        %add3A_736 = arith.addf %add3A_724, %exp3A_735 : vector<16xf32>
        %mul3A_737 = arith.constant 256 : i32
        %mul3A_738 = arith.muli %scan3A_676, %mul3A_737 : i32
        %add3A_739 = arith.constant 80 : i32
        %add3A_740 = arith.addi %mul3A_738, %add3A_739 : i32
        %multiple_of3A_741 = tpu.assume_multiple %add3A_740, 16 : i32
        %get3A_742 = arith.constant 0 : i32
        %get3A_743 = arith.index_cast %get3A_742 : i32 to index
        %get3A_744 = arith.index_cast %multiple_of3A_741 : i32 to index
        %get3A_745 = tpu.vector_load %arg8[%get3A_743, %get3A_744] {strides = array<i32>} : memref<4x8192xf32, #tpu.memory_space<vmem>>, vector<1x16xf32>,
        %get3A_746 = vector.shape_cast %get3A_745 : vector<1x16xf32> to vector<16xf32>
        %exp3A_747 = math.exp %get3A_746 : vector<16xf32>
        %add3A_748 = arith.addf %add3A_736, %exp3A_747 : vector<16xf32>
        %mul3A_749 = arith.constant 256 : i32
        %mul3A_750 = arith.muli %scan3A_676, %mul3A_749 : i32
        %add3A_751 = arith.constant 96 : i32
        %add3A_752 = arith.addi %mul3A_750, %add3A_751 : i32
        %multiple_of3A_753 = tpu.assume_multiple %add3A_752, 16 : i32
        %get3A_754 = arith.constant 0 : i32
        %get3A_755 = arith.index_cast %get3A_754 : i32 to index
        %get3A_756 = arith.index_cast %multiple_of3A_753 : i32 to index
        %get3A_757 = tpu.vector_load %arg8[%get3A_755, %get3A_756] {strides = array<i32>} : memref<4x8192xf32, #tpu.memory_space<vmem>>, vector<1x16xf32>,
        %get3A_758 = vector.shape_cast %get3A_757 : vector<1x16xf32> to vector<16xf32>
        %exp3A_759 = math.exp %get3A_758 : vector<16xf32>
        %add3A_760 = arith.addf %add3A_748, %exp3A_759 : vector<16xf32>
        %mul3A_761 = arith.constant 256 : i32
        %mul3A_762 = arith.muli %scan3A_676, %mul3A_761 : i32
        %add3A_763 = arith.constant 112 : i32
        %add3A_764 = arith.addi %mul3A_762, %add3A_763 : i32
        %multiple_of3A_765 = tpu.assume_multiple %add3A_764, 16 : i32
        %get3A_766 = arith.constant 0 : i32
        %get3A_767 = arith.index_cast %get3A_766 : i32 to index
        %get3A_768 = arith.index_cast %multiple_of3A_765 : i32 to index
        %get3A_769 = tpu.vector_load %arg8[%get3A_767, %get3A_768] {strides = array<i32>} : memref<4x8192xf32, #tpu.memory_space<vmem>>, vector<1x16xf32>,
        %get3A_770 = vector.shape_cast %get3A_769 : vector<1x16xf32> to vector<16xf32>
        %exp3A_771 = math.exp %get3A_770 : vector<16xf32>
        %add3A_772 = arith.addf %add3A_760, %exp3A_771 : vector<16xf32>
        %mul3A_773 = arith.constant 256 : i32
        %mul3A_774 = arith.muli %scan3A_676, %mul3A_773 : i32
        %add3A_775 = arith.constant 128 : i32
        %add3A_776 = arith.addi %mul3A_774, %add3A_775 : i32
        %multiple_of3A_777 = tpu.assume_multiple %add3A_776, 16 : i32
        %get3A_778 = arith.constant 0 : i32
        %get3A_779 = arith.index_cast %get3A_778 : i32 to index
        %get3A_780 = arith.index_cast %multiple_of3A_777 : i32 to index
        %get3A_781 = tpu.vector_load %arg8[%get3A_779, %get3A_780] {strides = array<i32>} : memref<4x8192xf32, #tpu.memory_space<vmem>>, vector<1x16xf32>,
        %get3A_782 = vector.shape_cast %get3A_781 : vector<1x16xf32> to vector<16xf32>
        %exp3A_783 = math.exp %get3A_782 : vector<16xf32>
        %add3A_784 = arith.addf %add3A_772, %exp3A_783 : vector<16xf32>
        %mul3A_785 = arith.constant 256 : i32
        %mul3A_786 = arith.muli %scan3A_676, %mul3A_785 : i32
        %add3A_787 = arith.constant 144 : i32
        %add3A_788 = arith.addi %mul3A_786, %add3A_787 : i32
        %multiple_of3A_789 = tpu.assume_multiple %add3A_788, 16 : i32
        %get3A_790 = arith.constant 0 : i32
        %get3A_791 = arith.index_cast %get3A_790 : i32 to index
        %get3A_792 = arith.index_cast %multiple_of3A_789 : i32 to index
        %get3A_793 = tpu.vector_load %arg8[%get3A_791, %get3A_792] {strides = array<i32>} : memref<4x8192xf32, #tpu.memory_space<vmem>>, vector<1x16xf32>,
        %get3A_794 = vector.shape_cast %get3A_793 : vector<1x16xf32> to vector<16xf32>
        %exp3A_795 = math.exp %get3A_794 : vector<16xf32>
        %add3A_796 = arith.addf %add3A_784, %exp3A_795 : vector<16xf32>
        %mul3A_797 = arith.constant 256 : i32
        %mul3A_798 = arith.muli %scan3A_676, %mul3A_797 : i32
        %add3A_799 = arith.constant 160 : i32
        %add3A_800 = arith.addi %mul3A_798, %add3A_799 : i32
        %multiple_of3A_801 = tpu.assume_multiple %add3A_800, 16 : i32
        %get3A_802 = arith.constant 0 : i32
        %get3A_803 = arith.index_cast %get3A_802 : i32 to index
        %get3A_804 = arith.index_cast %multiple_of3A_801 : i32 to index
        %get3A_805 = tpu.vector_load %arg8[%get3A_803, %get3A_804] {strides = array<i32>} : memref<4x8192xf32, #tpu.memory_space<vmem>>, vector<1x16xf32>,
        %get3A_806 = vector.shape_cast %get3A_805 : vector<1x16xf32> to vector<16xf32>
        %exp3A_807 = math.exp %get3A_806 : vector<16xf32>
        %add3A_808 = arith.addf %add3A_796, %exp3A_807 : vector<16xf32>
        %mul3A_809 = arith.constant 256 : i32
        %mul3A_810 = arith.muli %scan3A_676, %mul3A_809 : i32
        %add3A_811 = arith.constant 176 : i32
        %add3A_812 = arith.addi %mul3A_810, %add3A_811 : i32
        %multiple_of3A_813 = tpu.assume_multiple %add3A_812, 16 : i32
        %get3A_814 = arith.constant 0 : i32
        %get3A_815 = arith.index_cast %get3A_814 : i32 to index
        %get3A_816 = arith.index_cast %multiple_of3A_813 : i32 to index
        %get3A_817 = tpu.vector_load %arg8[%get3A_815, %get3A_816] {strides = array<i32>} : memref<4x8192xf32, #tpu.memory_space<vmem>>, vector<1x16xf32>,
        %get3A_818 = vector.shape_cast %get3A_817 : vector<1x16xf32> to vector<16xf32>
        %exp3A_819 = math.exp %get3A_818 : vector<16xf32>
        %add3A_820 = arith.addf %add3A_808, %exp3A_819 : vector<16xf32>
        %mul3A_821 = arith.constant 256 : i32
        %mul3A_822 = arith.muli %scan3A_676, %mul3A_821 : i32
        %add3A_823 = arith.constant 192 : i32
        %add3A_824 = arith.addi %mul3A_822, %add3A_823 : i32
        %multiple_of3A_825 = tpu.assume_multiple %add3A_824, 16 : i32
        %get3A_826 = arith.constant 0 : i32
        %get3A_827 = arith.index_cast %get3A_826 : i32 to index
        %get3A_828 = arith.index_cast %multiple_of3A_825 : i32 to index
        %get3A_829 = tpu.vector_load %arg8[%get3A_827, %get3A_828] {strides = array<i32>} : memref<4x8192xf32, #tpu.memory_space<vmem>>, vector<1x16xf32>,
        %get3A_830 = vector.shape_cast %get3A_829 : vector<1x16xf32> to vector<16xf32>
        %exp3A_831 = math.exp %get3A_830 : vector<16xf32>
        %add3A_832 = arith.addf %add3A_820, %exp3A_831 : vector<16xf32>
        %mul3A_833 = arith.constant 256 : i32
        %mul3A_834 = arith.muli %scan3A_676, %mul3A_833 : i32
        %add3A_835 = arith.constant 208 : i32
        %add3A_836 = arith.addi %mul3A_834, %add3A_835 : i32
        %multiple_of3A_837 = tpu.assume_multiple %add3A_836, 16 : i32
        %get3A_838 = arith.constant 0 : i32
        %get3A_839 = arith.index_cast %get3A_838 : i32 to index
        %get3A_840 = arith.index_cast %multiple_of3A_837 : i32 to index
        %get3A_841 = tpu.vector_load %arg8[%get3A_839, %get3A_840] {strides = array<i32>} : memref<4x8192xf32, #tpu.memory_space<vmem>>, vector<1x16xf32>,
        %get3A_842 = vector.shape_cast %get3A_841 : vector<1x16xf32> to vector<16xf32>
        %exp3A_843 = math.exp %get3A_842 : vector<16xf32>
        %add3A_844 = arith.addf %add3A_832, %exp3A_843 : vector<16xf32>
        %mul3A_845 = arith.constant 256 : i32
        %mul3A_846 = arith.muli %scan3A_676, %mul3A_845 : i32
        %add3A_847 = arith.constant 224 : i32
        %add3A_848 = arith.addi %mul3A_846, %add3A_847 : i32
        %multiple_of3A_849 = tpu.assume_multiple %add3A_848, 16 : i32
        %get3A_850 = arith.constant 0 : i32
        %get3A_851 = arith.index_cast %get3A_850 : i32 to index
        %get3A_852 = arith.index_cast %multiple_of3A_849 : i32 to index
        %get3A_853 = tpu.vector_load %arg8[%get3A_851, %get3A_852] {strides = array<i32>} : memref<4x8192xf32, #tpu.memory_space<vmem>>, vector<1x16xf32>,
        %get3A_854 = vector.shape_cast %get3A_853 : vector<1x16xf32> to vector<16xf32>
        %exp3A_855 = math.exp %get3A_854 : vector<16xf32>
        %add3A_856 = arith.addf %add3A_844, %exp3A_855 : vector<16xf32>
        %mul3A_857 = arith.constant 256 : i32
        %mul3A_858 = arith.muli %scan3A_676, %mul3A_857 : i32
        %add3A_859 = arith.constant 240 : i32
        %add3A_860 = arith.addi %mul3A_858, %add3A_859 : i32
        %multiple_of3A_861 = tpu.assume_multiple %add3A_860, 16 : i32
        %get3A_862 = arith.constant 0 : i32
        %get3A_863 = arith.index_cast %get3A_862 : i32 to index
        %get3A_864 = arith.index_cast %multiple_of3A_861 : i32 to index
        %get3A_865 = tpu.vector_load %arg8[%get3A_863, %get3A_864] {strides = array<i32>} : memref<4x8192xf32, #tpu.memory_space<vmem>>, vector<1x16xf32>,
        %get3A_866 = vector.shape_cast %get3A_865 : vector<1x16xf32> to vector<16xf32>
        %exp3A_867 = math.exp %get3A_866 : vector<16xf32>
        %add3A_868 = arith.addf %add3A_856, %exp3A_867 : vector<16xf32>
        scf.yield %add3A_868 : vector<16xf32>
      }
      %scan3A_384 = arith.constant 32 : i32
      %mul3A_385 = arith.constant 256 : i32
      %mul3A_386 = arith.muli %scan3A_24, %mul3A_385 : i32
      %add3A_387 = arith.constant 128 : i32
      %add3A_388 = arith.addi %mul3A_386, %add3A_387 : i32
      %swap3A_389 = arith.index_cast %add3A_388 : i32 to index
      %swap3A_390 = tpu.vector_load %arg13[%swap3A_389] {strides = array<i32>} : memref<4096xf32, #tpu.memory_space<vmem>>, vector<16xf32>,
      %swap3A_391 = vector.shape_cast %swap3A_390 : vector<16xf32> to vector<16xf32>
      %swap3A_392 = vector.shape_cast %scan3A_383 : vector<16xf32> to vector<16xf32>
      tpu.vector_store %arg13[%swap3A_389], %swap3A_392 {strides = array<i32>} : memref<4096xf32, #tpu.memory_space<vmem>>, vector<16xf32>,
      %slice3A_393 = vector.extract_strided_slice %get3A_29 {offsets = [8], sizes = [1], strides = [1]} : vector<16xi32> to vector<1xi32>
      %squeeze3A_394 = vector.extract %slice3A_393[0] : i32 from vector<1xi32>
      %and3A_395 = arith.constant -16 : i32
      %and3A_396 = arith.andi %squeeze3A_394, %and3A_395 : i32
      %multiple_of3A_397 = tpu.assume_multiple %and3A_396, 16 : i32
      %get3A_398 = arith.constant 0 : i32
      %get3A_399 = arith.index_cast %get3A_398 : i32 to index
      %get3A_400 = arith.index_cast %multiple_of3A_397 : i32 to index
      %get3A_401 = tpu.vector_load %arg8[%get3A_399, %get3A_400] {strides = array<i32>} : memref<4x8192xf32, #tpu.memory_space<vmem>>, vector<1x16xf32>,
      %get3A_402 = vector.shape_cast %get3A_401 : vector<1x16xf32> to vector<16xf32>
      %and3A_403 = arith.constant 15 : i32
      %and3A_404 = arith.andi %squeeze3A_394, %and3A_403 : i32
      %eq3A_405 = vector.broadcast %and3A_404 : i32 to vector<16xi32>
      %eq3A_406 = arith.cmpi eq, %iota3A, %eq3A_405 : vector<16xi32>
      %jit3A_407 = arith.constant 0.000000e+00 : f32
      %broadcast_in_dim3A_408 = vector.broadcast %jit3A_407 : f32 to vector<16xf32>
      %select_n3A_409 = arith.select %eq3A_406, %get3A_402, %broadcast_in_dim3A_408 : vector<16xi1>, vector<16xf32>
      %add3A_410 = arith.addf %add3A_347, %select_n3A_409 : vector<16xf32>
      %broadcast_in_dim3A_411 = arith.constant 0.000000e+00 : f32
      %broadcast_in_dim3A_412 = vector.broadcast %broadcast_in_dim3A_411 : f32 to vector<16xf32>
      %scan3A_413 = arith.constant 0 : i32
      %scan3A_414 = arith.constant 32 : i32
      %scan3A_415 = arith.addi %scan3A_413, %scan3A_414 : i32
      %scan3A_416 = arith.constant 1 : i32
      %scan3A_417 = scf.for %scan3A_676 = %scan3A_413 to %scan3A_415 step %scan3A_416 iter_args(%scan3A_677 = %broadcast_in_dim3A_412) -> (vector<16xf32>)  : i32 {
        %mul3A_678 = arith.constant 256 : i32
        %mul3A_679 = arith.muli %scan3A_676, %mul3A_678 : i32
        %add3A_680 = arith.constant 0 : i32
        %add3A_681 = arith.addi %mul3A_679, %add3A_680 : i32
        %multiple_of3A_682 = tpu.assume_multiple %add3A_681, 16 : i32
        %get3A_683 = arith.constant 1 : i32
        %get3A_684 = arith.index_cast %get3A_683 : i32 to index
        %get3A_685 = arith.index_cast %multiple_of3A_682 : i32 to index
        %get3A_686 = tpu.vector_load %arg8[%get3A_684, %get3A_685] {strides = array<i32>} : memref<4x8192xf32, #tpu.memory_space<vmem>>, vector<1x16xf32>,
        %get3A_687 = vector.shape_cast %get3A_686 : vector<1x16xf32> to vector<16xf32>
        %exp3A = math.exp %get3A_687 : vector<16xf32>
        %add3A_688 = arith.addf %scan3A_677, %exp3A : vector<16xf32>
        %mul3A_689 = arith.constant 256 : i32
        %mul3A_690 = arith.muli %scan3A_676, %mul3A_689 : i32
        %add3A_691 = arith.constant 16 : i32
        %add3A_692 = arith.addi %mul3A_690, %add3A_691 : i32
        %multiple_of3A_693 = tpu.assume_multiple %add3A_692, 16 : i32
        %get3A_694 = arith.constant 1 : i32
        %get3A_695 = arith.index_cast %get3A_694 : i32 to index
        %get3A_696 = arith.index_cast %multiple_of3A_693 : i32 to index
        %get3A_697 = tpu.vector_load %arg8[%get3A_695, %get3A_696] {strides = array<i32>} : memref<4x8192xf32, #tpu.memory_space<vmem>>, vector<1x16xf32>,
        %get3A_698 = vector.shape_cast %get3A_697 : vector<1x16xf32> to vector<16xf32>
        %exp3A_699 = math.exp %get3A_698 : vector<16xf32>
        %add3A_700 = arith.addf %add3A_688, %exp3A_699 : vector<16xf32>
        %mul3A_701 = arith.constant 256 : i32
        %mul3A_702 = arith.muli %scan3A_676, %mul3A_701 : i32
        %add3A_703 = arith.constant 32 : i32
        %add3A_704 = arith.addi %mul3A_702, %add3A_703 : i32
        %multiple_of3A_705 = tpu.assume_multiple %add3A_704, 16 : i32
        %get3A_706 = arith.constant 1 : i32
        %get3A_707 = arith.index_cast %get3A_706 : i32 to index
        %get3A_708 = arith.index_cast %multiple_of3A_705 : i32 to index
        %get3A_709 = tpu.vector_load %arg8[%get3A_707, %get3A_708] {strides = array<i32>} : memref<4x8192xf32, #tpu.memory_space<vmem>>, vector<1x16xf32>,
        %get3A_710 = vector.shape_cast %get3A_709 : vector<1x16xf32> to vector<16xf32>
        %exp3A_711 = math.exp %get3A_710 : vector<16xf32>
        %add3A_712 = arith.addf %add3A_700, %exp3A_711 : vector<16xf32>
        %mul3A_713 = arith.constant 256 : i32
        %mul3A_714 = arith.muli %scan3A_676, %mul3A_713 : i32
        %add3A_715 = arith.constant 48 : i32
        %add3A_716 = arith.addi %mul3A_714, %add3A_715 : i32
        %multiple_of3A_717 = tpu.assume_multiple %add3A_716, 16 : i32
        %get3A_718 = arith.constant 1 : i32
        %get3A_719 = arith.index_cast %get3A_718 : i32 to index
        %get3A_720 = arith.index_cast %multiple_of3A_717 : i32 to index
        %get3A_721 = tpu.vector_load %arg8[%get3A_719, %get3A_720] {strides = array<i32>} : memref<4x8192xf32, #tpu.memory_space<vmem>>, vector<1x16xf32>,
        %get3A_722 = vector.shape_cast %get3A_721 : vector<1x16xf32> to vector<16xf32>
        %exp3A_723 = math.exp %get3A_722 : vector<16xf32>
        %add3A_724 = arith.addf %add3A_712, %exp3A_723 : vector<16xf32>
        %mul3A_725 = arith.constant 256 : i32
        %mul3A_726 = arith.muli %scan3A_676, %mul3A_725 : i32
        %add3A_727 = arith.constant 64 : i32
        %add3A_728 = arith.addi %mul3A_726, %add3A_727 : i32
        %multiple_of3A_729 = tpu.assume_multiple %add3A_728, 16 : i32
        %get3A_730 = arith.constant 1 : i32
        %get3A_731 = arith.index_cast %get3A_730 : i32 to index
        %get3A_732 = arith.index_cast %multiple_of3A_729 : i32 to index
        %get3A_733 = tpu.vector_load %arg8[%get3A_731, %get3A_732] {strides = array<i32>} : memref<4x8192xf32, #tpu.memory_space<vmem>>, vector<1x16xf32>,
        %get3A_734 = vector.shape_cast %get3A_733 : vector<1x16xf32> to vector<16xf32>
        %exp3A_735 = math.exp %get3A_734 : vector<16xf32>
        %add3A_736 = arith.addf %add3A_724, %exp3A_735 : vector<16xf32>
        %mul3A_737 = arith.constant 256 : i32
        %mul3A_738 = arith.muli %scan3A_676, %mul3A_737 : i32
        %add3A_739 = arith.constant 80 : i32
        %add3A_740 = arith.addi %mul3A_738, %add3A_739 : i32
        %multiple_of3A_741 = tpu.assume_multiple %add3A_740, 16 : i32
        %get3A_742 = arith.constant 1 : i32
        %get3A_743 = arith.index_cast %get3A_742 : i32 to index
        %get3A_744 = arith.index_cast %multiple_of3A_741 : i32 to index
        %get3A_745 = tpu.vector_load %arg8[%get3A_743, %get3A_744] {strides = array<i32>} : memref<4x8192xf32, #tpu.memory_space<vmem>>, vector<1x16xf32>,
        %get3A_746 = vector.shape_cast %get3A_745 : vector<1x16xf32> to vector<16xf32>
        %exp3A_747 = math.exp %get3A_746 : vector<16xf32>
        %add3A_748 = arith.addf %add3A_736, %exp3A_747 : vector<16xf32>
        %mul3A_749 = arith.constant 256 : i32
        %mul3A_750 = arith.muli %scan3A_676, %mul3A_749 : i32
        %add3A_751 = arith.constant 96 : i32
        %add3A_752 = arith.addi %mul3A_750, %add3A_751 : i32
        %multiple_of3A_753 = tpu.assume_multiple %add3A_752, 16 : i32
        %get3A_754 = arith.constant 1 : i32
        %get3A_755 = arith.index_cast %get3A_754 : i32 to index
        %get3A_756 = arith.index_cast %multiple_of3A_753 : i32 to index
        %get3A_757 = tpu.vector_load %arg8[%get3A_755, %get3A_756] {strides = array<i32>} : memref<4x8192xf32, #tpu.memory_space<vmem>>, vector<1x16xf32>,
        %get3A_758 = vector.shape_cast %get3A_757 : vector<1x16xf32> to vector<16xf32>
        %exp3A_759 = math.exp %get3A_758 : vector<16xf32>
        %add3A_760 = arith.addf %add3A_748, %exp3A_759 : vector<16xf32>
        %mul3A_761 = arith.constant 256 : i32
        %mul3A_762 = arith.muli %scan3A_676, %mul3A_761 : i32
        %add3A_763 = arith.constant 112 : i32
        %add3A_764 = arith.addi %mul3A_762, %add3A_763 : i32
        %multiple_of3A_765 = tpu.assume_multiple %add3A_764, 16 : i32
        %get3A_766 = arith.constant 1 : i32
        %get3A_767 = arith.index_cast %get3A_766 : i32 to index
        %get3A_768 = arith.index_cast %multiple_of3A_765 : i32 to index
        %get3A_769 = tpu.vector_load %arg8[%get3A_767, %get3A_768] {strides = array<i32>} : memref<4x8192xf32, #tpu.memory_space<vmem>>, vector<1x16xf32>,
        %get3A_770 = vector.shape_cast %get3A_769 : vector<1x16xf32> to vector<16xf32>
        %exp3A_771 = math.exp %get3A_770 : vector<16xf32>
        %add3A_772 = arith.addf %add3A_760, %exp3A_771 : vector<16xf32>
        %mul3A_773 = arith.constant 256 : i32
        %mul3A_774 = arith.muli %scan3A_676, %mul3A_773 : i32
        %add3A_775 = arith.constant 128 : i32
        %add3A_776 = arith.addi %mul3A_774, %add3A_775 : i32
        %multiple_of3A_777 = tpu.assume_multiple %add3A_776, 16 : i32
        %get3A_778 = arith.constant 1 : i32
        %get3A_779 = arith.index_cast %get3A_778 : i32 to index
        %get3A_780 = arith.index_cast %multiple_of3A_777 : i32 to index
        %get3A_781 = tpu.vector_load %arg8[%get3A_779, %get3A_780] {strides = array<i32>} : memref<4x8192xf32, #tpu.memory_space<vmem>>, vector<1x16xf32>,
        %get3A_782 = vector.shape_cast %get3A_781 : vector<1x16xf32> to vector<16xf32>
        %exp3A_783 = math.exp %get3A_782 : vector<16xf32>
        %add3A_784 = arith.addf %add3A_772, %exp3A_783 : vector<16xf32>
        %mul3A_785 = arith.constant 256 : i32
        %mul3A_786 = arith.muli %scan3A_676, %mul3A_785 : i32
        %add3A_787 = arith.constant 144 : i32
        %add3A_788 = arith.addi %mul3A_786, %add3A_787 : i32
        %multiple_of3A_789 = tpu.assume_multiple %add3A_788, 16 : i32
        %get3A_790 = arith.constant 1 : i32
        %get3A_791 = arith.index_cast %get3A_790 : i32 to index
        %get3A_792 = arith.index_cast %multiple_of3A_789 : i32 to index
        %get3A_793 = tpu.vector_load %arg8[%get3A_791, %get3A_792] {strides = array<i32>} : memref<4x8192xf32, #tpu.memory_space<vmem>>, vector<1x16xf32>,
        %get3A_794 = vector.shape_cast %get3A_793 : vector<1x16xf32> to vector<16xf32>
        %exp3A_795 = math.exp %get3A_794 : vector<16xf32>
        %add3A_796 = arith.addf %add3A_784, %exp3A_795 : vector<16xf32>
        %mul3A_797 = arith.constant 256 : i32
        %mul3A_798 = arith.muli %scan3A_676, %mul3A_797 : i32
        %add3A_799 = arith.constant 160 : i32
        %add3A_800 = arith.addi %mul3A_798, %add3A_799 : i32
        %multiple_of3A_801 = tpu.assume_multiple %add3A_800, 16 : i32
        %get3A_802 = arith.constant 1 : i32
        %get3A_803 = arith.index_cast %get3A_802 : i32 to index
        %get3A_804 = arith.index_cast %multiple_of3A_801 : i32 to index
        %get3A_805 = tpu.vector_load %arg8[%get3A_803, %get3A_804] {strides = array<i32>} : memref<4x8192xf32, #tpu.memory_space<vmem>>, vector<1x16xf32>,
        %get3A_806 = vector.shape_cast %get3A_805 : vector<1x16xf32> to vector<16xf32>
        %exp3A_807 = math.exp %get3A_806 : vector<16xf32>
        %add3A_808 = arith.addf %add3A_796, %exp3A_807 : vector<16xf32>
        %mul3A_809 = arith.constant 256 : i32
        %mul3A_810 = arith.muli %scan3A_676, %mul3A_809 : i32
        %add3A_811 = arith.constant 176 : i32
        %add3A_812 = arith.addi %mul3A_810, %add3A_811 : i32
        %multiple_of3A_813 = tpu.assume_multiple %add3A_812, 16 : i32
        %get3A_814 = arith.constant 1 : i32
        %get3A_815 = arith.index_cast %get3A_814 : i32 to index
        %get3A_816 = arith.index_cast %multiple_of3A_813 : i32 to index
        %get3A_817 = tpu.vector_load %arg8[%get3A_815, %get3A_816] {strides = array<i32>} : memref<4x8192xf32, #tpu.memory_space<vmem>>, vector<1x16xf32>,
        %get3A_818 = vector.shape_cast %get3A_817 : vector<1x16xf32> to vector<16xf32>
        %exp3A_819 = math.exp %get3A_818 : vector<16xf32>
        %add3A_820 = arith.addf %add3A_808, %exp3A_819 : vector<16xf32>
        %mul3A_821 = arith.constant 256 : i32
        %mul3A_822 = arith.muli %scan3A_676, %mul3A_821 : i32
        %add3A_823 = arith.constant 192 : i32
        %add3A_824 = arith.addi %mul3A_822, %add3A_823 : i32
        %multiple_of3A_825 = tpu.assume_multiple %add3A_824, 16 : i32
        %get3A_826 = arith.constant 1 : i32
        %get3A_827 = arith.index_cast %get3A_826 : i32 to index
        %get3A_828 = arith.index_cast %multiple_of3A_825 : i32 to index
        %get3A_829 = tpu.vector_load %arg8[%get3A_827, %get3A_828] {strides = array<i32>} : memref<4x8192xf32, #tpu.memory_space<vmem>>, vector<1x16xf32>,
        %get3A_830 = vector.shape_cast %get3A_829 : vector<1x16xf32> to vector<16xf32>
        %exp3A_831 = math.exp %get3A_830 : vector<16xf32>
        %add3A_832 = arith.addf %add3A_820, %exp3A_831 : vector<16xf32>
        %mul3A_833 = arith.constant 256 : i32
        %mul3A_834 = arith.muli %scan3A_676, %mul3A_833 : i32
        %add3A_835 = arith.constant 208 : i32
        %add3A_836 = arith.addi %mul3A_834, %add3A_835 : i32
        %multiple_of3A_837 = tpu.assume_multiple %add3A_836, 16 : i32
        %get3A_838 = arith.constant 1 : i32
        %get3A_839 = arith.index_cast %get3A_838 : i32 to index
        %get3A_840 = arith.index_cast %multiple_of3A_837 : i32 to index
        %get3A_841 = tpu.vector_load %arg8[%get3A_839, %get3A_840] {strides = array<i32>} : memref<4x8192xf32, #tpu.memory_space<vmem>>, vector<1x16xf32>,
        %get3A_842 = vector.shape_cast %get3A_841 : vector<1x16xf32> to vector<16xf32>
        %exp3A_843 = math.exp %get3A_842 : vector<16xf32>
        %add3A_844 = arith.addf %add3A_832, %exp3A_843 : vector<16xf32>
        %mul3A_845 = arith.constant 256 : i32
        %mul3A_846 = arith.muli %scan3A_676, %mul3A_845 : i32
        %add3A_847 = arith.constant 224 : i32
        %add3A_848 = arith.addi %mul3A_846, %add3A_847 : i32
        %multiple_of3A_849 = tpu.assume_multiple %add3A_848, 16 : i32
        %get3A_850 = arith.constant 1 : i32
        %get3A_851 = arith.index_cast %get3A_850 : i32 to index
        %get3A_852 = arith.index_cast %multiple_of3A_849 : i32 to index
        %get3A_853 = tpu.vector_load %arg8[%get3A_851, %get3A_852] {strides = array<i32>} : memref<4x8192xf32, #tpu.memory_space<vmem>>, vector<1x16xf32>,
        %get3A_854 = vector.shape_cast %get3A_853 : vector<1x16xf32> to vector<16xf32>
        %exp3A_855 = math.exp %get3A_854 : vector<16xf32>
        %add3A_856 = arith.addf %add3A_844, %exp3A_855 : vector<16xf32>
        %mul3A_857 = arith.constant 256 : i32
        %mul3A_858 = arith.muli %scan3A_676, %mul3A_857 : i32
        %add3A_859 = arith.constant 240 : i32
        %add3A_860 = arith.addi %mul3A_858, %add3A_859 : i32
        %multiple_of3A_861 = tpu.assume_multiple %add3A_860, 16 : i32
        %get3A_862 = arith.constant 1 : i32
        %get3A_863 = arith.index_cast %get3A_862 : i32 to index
        %get3A_864 = arith.index_cast %multiple_of3A_861 : i32 to index
        %get3A_865 = tpu.vector_load %arg8[%get3A_863, %get3A_864] {strides = array<i32>} : memref<4x8192xf32, #tpu.memory_space<vmem>>, vector<1x16xf32>,
        %get3A_866 = vector.shape_cast %get3A_865 : vector<1x16xf32> to vector<16xf32>
        %exp3A_867 = math.exp %get3A_866 : vector<16xf32>
        %add3A_868 = arith.addf %add3A_856, %exp3A_867 : vector<16xf32>
        scf.yield %add3A_868 : vector<16xf32>
      }
      %scan3A_418 = arith.constant 32 : i32
      %mul3A_419 = arith.constant 256 : i32
      %mul3A_420 = arith.muli %scan3A_24, %mul3A_419 : i32
      %add3A_421 = arith.constant 144 : i32
      %add3A_422 = arith.addi %mul3A_420, %add3A_421 : i32
      %swap3A_423 = arith.index_cast %add3A_422 : i32 to index
      %swap3A_424 = tpu.vector_load %arg13[%swap3A_423] {strides = array<i32>} : memref<4096xf32, #tpu.memory_space<vmem>>, vector<16xf32>,
      %swap3A_425 = vector.shape_cast %swap3A_424 : vector<16xf32> to vector<16xf32>
      %swap3A_426 = vector.shape_cast %scan3A_417 : vector<16xf32> to vector<16xf32>
      tpu.vector_store %arg13[%swap3A_423], %swap3A_426 {strides = array<i32>} : memref<4096xf32, #tpu.memory_space<vmem>>, vector<16xf32>,
      %slice3A_427 = vector.extract_strided_slice %get3A_29 {offsets = [9], sizes = [1], strides = [1]} : vector<16xi32> to vector<1xi32>
      %squeeze3A_428 = vector.extract %slice3A_427[0] : i32 from vector<1xi32>
      %and3A_429 = arith.constant -16 : i32
      %and3A_430 = arith.andi %squeeze3A_428, %and3A_429 : i32
      %multiple_of3A_431 = tpu.assume_multiple %and3A_430, 16 : i32
      %get3A_432 = arith.constant 1 : i32
      %get3A_433 = arith.index_cast %get3A_432 : i32 to index
      %get3A_434 = arith.index_cast %multiple_of3A_431 : i32 to index
      %get3A_435 = tpu.vector_load %arg8[%get3A_433, %get3A_434] {strides = array<i32>} : memref<4x8192xf32, #tpu.memory_space<vmem>>, vector<1x16xf32>,
      %get3A_436 = vector.shape_cast %get3A_435 : vector<1x16xf32> to vector<16xf32>
      %and3A_437 = arith.constant 15 : i32
      %and3A_438 = arith.andi %squeeze3A_428, %and3A_437 : i32
      %eq3A_439 = vector.broadcast %and3A_438 : i32 to vector<16xi32>
      %eq3A_440 = arith.cmpi eq, %iota3A, %eq3A_439 : vector<16xi32>
      %jit3A_441 = arith.constant 0.000000e+00 : f32
      %broadcast_in_dim3A_442 = vector.broadcast %jit3A_441 : f32 to vector<16xf32>
      %select_n3A_443 = arith.select %eq3A_440, %get3A_436, %broadcast_in_dim3A_442 : vector<16xi1>, vector<16xf32>
      %add3A_444 = arith.addf %add3A_410, %select_n3A_443 : vector<16xf32>
      %broadcast_in_dim3A_445 = arith.constant 0.000000e+00 : f32
      %broadcast_in_dim3A_446 = vector.broadcast %broadcast_in_dim3A_445 : f32 to vector<16xf32>
      %scan3A_447 = arith.constant 0 : i32
      %scan3A_448 = arith.constant 32 : i32
      %scan3A_449 = arith.addi %scan3A_447, %scan3A_448 : i32
      %scan3A_450 = arith.constant 1 : i32
      %scan3A_451 = scf.for %scan3A_676 = %scan3A_447 to %scan3A_449 step %scan3A_450 iter_args(%scan3A_677 = %broadcast_in_dim3A_446) -> (vector<16xf32>)  : i32 {
        %mul3A_678 = arith.constant 256 : i32
        %mul3A_679 = arith.muli %scan3A_676, %mul3A_678 : i32
        %add3A_680 = arith.constant 0 : i32
        %add3A_681 = arith.addi %mul3A_679, %add3A_680 : i32
        %multiple_of3A_682 = tpu.assume_multiple %add3A_681, 16 : i32
        %get3A_683 = arith.constant 2 : i32
        %get3A_684 = arith.index_cast %get3A_683 : i32 to index
        %get3A_685 = arith.index_cast %multiple_of3A_682 : i32 to index
        %get3A_686 = tpu.vector_load %arg8[%get3A_684, %get3A_685] {strides = array<i32>} : memref<4x8192xf32, #tpu.memory_space<vmem>>, vector<1x16xf32>,
        %get3A_687 = vector.shape_cast %get3A_686 : vector<1x16xf32> to vector<16xf32>
        %exp3A = math.exp %get3A_687 : vector<16xf32>
        %add3A_688 = arith.addf %scan3A_677, %exp3A : vector<16xf32>
        %mul3A_689 = arith.constant 256 : i32
        %mul3A_690 = arith.muli %scan3A_676, %mul3A_689 : i32
        %add3A_691 = arith.constant 16 : i32
        %add3A_692 = arith.addi %mul3A_690, %add3A_691 : i32
        %multiple_of3A_693 = tpu.assume_multiple %add3A_692, 16 : i32
        %get3A_694 = arith.constant 2 : i32
        %get3A_695 = arith.index_cast %get3A_694 : i32 to index
        %get3A_696 = arith.index_cast %multiple_of3A_693 : i32 to index
        %get3A_697 = tpu.vector_load %arg8[%get3A_695, %get3A_696] {strides = array<i32>} : memref<4x8192xf32, #tpu.memory_space<vmem>>, vector<1x16xf32>,
        %get3A_698 = vector.shape_cast %get3A_697 : vector<1x16xf32> to vector<16xf32>
        %exp3A_699 = math.exp %get3A_698 : vector<16xf32>
        %add3A_700 = arith.addf %add3A_688, %exp3A_699 : vector<16xf32>
        %mul3A_701 = arith.constant 256 : i32
        %mul3A_702 = arith.muli %scan3A_676, %mul3A_701 : i32
        %add3A_703 = arith.constant 32 : i32
        %add3A_704 = arith.addi %mul3A_702, %add3A_703 : i32
        %multiple_of3A_705 = tpu.assume_multiple %add3A_704, 16 : i32
        %get3A_706 = arith.constant 2 : i32
        %get3A_707 = arith.index_cast %get3A_706 : i32 to index
        %get3A_708 = arith.index_cast %multiple_of3A_705 : i32 to index
        %get3A_709 = tpu.vector_load %arg8[%get3A_707, %get3A_708] {strides = array<i32>} : memref<4x8192xf32, #tpu.memory_space<vmem>>, vector<1x16xf32>,
        %get3A_710 = vector.shape_cast %get3A_709 : vector<1x16xf32> to vector<16xf32>
        %exp3A_711 = math.exp %get3A_710 : vector<16xf32>
        %add3A_712 = arith.addf %add3A_700, %exp3A_711 : vector<16xf32>
        %mul3A_713 = arith.constant 256 : i32
        %mul3A_714 = arith.muli %scan3A_676, %mul3A_713 : i32
        %add3A_715 = arith.constant 48 : i32
        %add3A_716 = arith.addi %mul3A_714, %add3A_715 : i32
        %multiple_of3A_717 = tpu.assume_multiple %add3A_716, 16 : i32
        %get3A_718 = arith.constant 2 : i32
        %get3A_719 = arith.index_cast %get3A_718 : i32 to index
        %get3A_720 = arith.index_cast %multiple_of3A_717 : i32 to index
        %get3A_721 = tpu.vector_load %arg8[%get3A_719, %get3A_720] {strides = array<i32>} : memref<4x8192xf32, #tpu.memory_space<vmem>>, vector<1x16xf32>,
        %get3A_722 = vector.shape_cast %get3A_721 : vector<1x16xf32> to vector<16xf32>
        %exp3A_723 = math.exp %get3A_722 : vector<16xf32>
        %add3A_724 = arith.addf %add3A_712, %exp3A_723 : vector<16xf32>
        %mul3A_725 = arith.constant 256 : i32
        %mul3A_726 = arith.muli %scan3A_676, %mul3A_725 : i32
        %add3A_727 = arith.constant 64 : i32
        %add3A_728 = arith.addi %mul3A_726, %add3A_727 : i32
        %multiple_of3A_729 = tpu.assume_multiple %add3A_728, 16 : i32
        %get3A_730 = arith.constant 2 : i32
        %get3A_731 = arith.index_cast %get3A_730 : i32 to index
        %get3A_732 = arith.index_cast %multiple_of3A_729 : i32 to index
        %get3A_733 = tpu.vector_load %arg8[%get3A_731, %get3A_732] {strides = array<i32>} : memref<4x8192xf32, #tpu.memory_space<vmem>>, vector<1x16xf32>,
        %get3A_734 = vector.shape_cast %get3A_733 : vector<1x16xf32> to vector<16xf32>
        %exp3A_735 = math.exp %get3A_734 : vector<16xf32>
        %add3A_736 = arith.addf %add3A_724, %exp3A_735 : vector<16xf32>
        %mul3A_737 = arith.constant 256 : i32
        %mul3A_738 = arith.muli %scan3A_676, %mul3A_737 : i32
        %add3A_739 = arith.constant 80 : i32
        %add3A_740 = arith.addi %mul3A_738, %add3A_739 : i32
        %multiple_of3A_741 = tpu.assume_multiple %add3A_740, 16 : i32
        %get3A_742 = arith.constant 2 : i32
        %get3A_743 = arith.index_cast %get3A_742 : i32 to index
        %get3A_744 = arith.index_cast %multiple_of3A_741 : i32 to index
        %get3A_745 = tpu.vector_load %arg8[%get3A_743, %get3A_744] {strides = array<i32>} : memref<4x8192xf32, #tpu.memory_space<vmem>>, vector<1x16xf32>,
        %get3A_746 = vector.shape_cast %get3A_745 : vector<1x16xf32> to vector<16xf32>
        %exp3A_747 = math.exp %get3A_746 : vector<16xf32>
        %add3A_748 = arith.addf %add3A_736, %exp3A_747 : vector<16xf32>
        %mul3A_749 = arith.constant 256 : i32
        %mul3A_750 = arith.muli %scan3A_676, %mul3A_749 : i32
        %add3A_751 = arith.constant 96 : i32
        %add3A_752 = arith.addi %mul3A_750, %add3A_751 : i32
        %multiple_of3A_753 = tpu.assume_multiple %add3A_752, 16 : i32
        %get3A_754 = arith.constant 2 : i32
        %get3A_755 = arith.index_cast %get3A_754 : i32 to index
        %get3A_756 = arith.index_cast %multiple_of3A_753 : i32 to index
        %get3A_757 = tpu.vector_load %arg8[%get3A_755, %get3A_756] {strides = array<i32>} : memref<4x8192xf32, #tpu.memory_space<vmem>>, vector<1x16xf32>,
        %get3A_758 = vector.shape_cast %get3A_757 : vector<1x16xf32> to vector<16xf32>
        %exp3A_759 = math.exp %get3A_758 : vector<16xf32>
        %add3A_760 = arith.addf %add3A_748, %exp3A_759 : vector<16xf32>
        %mul3A_761 = arith.constant 256 : i32
        %mul3A_762 = arith.muli %scan3A_676, %mul3A_761 : i32
        %add3A_763 = arith.constant 112 : i32
        %add3A_764 = arith.addi %mul3A_762, %add3A_763 : i32
        %multiple_of3A_765 = tpu.assume_multiple %add3A_764, 16 : i32
        %get3A_766 = arith.constant 2 : i32
        %get3A_767 = arith.index_cast %get3A_766 : i32 to index
        %get3A_768 = arith.index_cast %multiple_of3A_765 : i32 to index
        %get3A_769 = tpu.vector_load %arg8[%get3A_767, %get3A_768] {strides = array<i32>} : memref<4x8192xf32, #tpu.memory_space<vmem>>, vector<1x16xf32>,
        %get3A_770 = vector.shape_cast %get3A_769 : vector<1x16xf32> to vector<16xf32>
        %exp3A_771 = math.exp %get3A_770 : vector<16xf32>
        %add3A_772 = arith.addf %add3A_760, %exp3A_771 : vector<16xf32>
        %mul3A_773 = arith.constant 256 : i32
        %mul3A_774 = arith.muli %scan3A_676, %mul3A_773 : i32
        %add3A_775 = arith.constant 128 : i32
        %add3A_776 = arith.addi %mul3A_774, %add3A_775 : i32
        %multiple_of3A_777 = tpu.assume_multiple %add3A_776, 16 : i32
        %get3A_778 = arith.constant 2 : i32
        %get3A_779 = arith.index_cast %get3A_778 : i32 to index
        %get3A_780 = arith.index_cast %multiple_of3A_777 : i32 to index
        %get3A_781 = tpu.vector_load %arg8[%get3A_779, %get3A_780] {strides = array<i32>} : memref<4x8192xf32, #tpu.memory_space<vmem>>, vector<1x16xf32>,
        %get3A_782 = vector.shape_cast %get3A_781 : vector<1x16xf32> to vector<16xf32>
        %exp3A_783 = math.exp %get3A_782 : vector<16xf32>
        %add3A_784 = arith.addf %add3A_772, %exp3A_783 : vector<16xf32>
        %mul3A_785 = arith.constant 256 : i32
        %mul3A_786 = arith.muli %scan3A_676, %mul3A_785 : i32
        %add3A_787 = arith.constant 144 : i32
        %add3A_788 = arith.addi %mul3A_786, %add3A_787 : i32
        %multiple_of3A_789 = tpu.assume_multiple %add3A_788, 16 : i32
        %get3A_790 = arith.constant 2 : i32
        %get3A_791 = arith.index_cast %get3A_790 : i32 to index
        %get3A_792 = arith.index_cast %multiple_of3A_789 : i32 to index
        %get3A_793 = tpu.vector_load %arg8[%get3A_791, %get3A_792] {strides = array<i32>} : memref<4x8192xf32, #tpu.memory_space<vmem>>, vector<1x16xf32>,
        %get3A_794 = vector.shape_cast %get3A_793 : vector<1x16xf32> to vector<16xf32>
        %exp3A_795 = math.exp %get3A_794 : vector<16xf32>
        %add3A_796 = arith.addf %add3A_784, %exp3A_795 : vector<16xf32>
        %mul3A_797 = arith.constant 256 : i32
        %mul3A_798 = arith.muli %scan3A_676, %mul3A_797 : i32
        %add3A_799 = arith.constant 160 : i32
        %add3A_800 = arith.addi %mul3A_798, %add3A_799 : i32
        %multiple_of3A_801 = tpu.assume_multiple %add3A_800, 16 : i32
        %get3A_802 = arith.constant 2 : i32
        %get3A_803 = arith.index_cast %get3A_802 : i32 to index
        %get3A_804 = arith.index_cast %multiple_of3A_801 : i32 to index
        %get3A_805 = tpu.vector_load %arg8[%get3A_803, %get3A_804] {strides = array<i32>} : memref<4x8192xf32, #tpu.memory_space<vmem>>, vector<1x16xf32>,
        %get3A_806 = vector.shape_cast %get3A_805 : vector<1x16xf32> to vector<16xf32>
        %exp3A_807 = math.exp %get3A_806 : vector<16xf32>
        %add3A_808 = arith.addf %add3A_796, %exp3A_807 : vector<16xf32>
        %mul3A_809 = arith.constant 256 : i32
        %mul3A_810 = arith.muli %scan3A_676, %mul3A_809 : i32
        %add3A_811 = arith.constant 176 : i32
        %add3A_812 = arith.addi %mul3A_810, %add3A_811 : i32
        %multiple_of3A_813 = tpu.assume_multiple %add3A_812, 16 : i32
        %get3A_814 = arith.constant 2 : i32
        %get3A_815 = arith.index_cast %get3A_814 : i32 to index
        %get3A_816 = arith.index_cast %multiple_of3A_813 : i32 to index
        %get3A_817 = tpu.vector_load %arg8[%get3A_815, %get3A_816] {strides = array<i32>} : memref<4x8192xf32, #tpu.memory_space<vmem>>, vector<1x16xf32>,
        %get3A_818 = vector.shape_cast %get3A_817 : vector<1x16xf32> to vector<16xf32>
        %exp3A_819 = math.exp %get3A_818 : vector<16xf32>
        %add3A_820 = arith.addf %add3A_808, %exp3A_819 : vector<16xf32>
        %mul3A_821 = arith.constant 256 : i32
        %mul3A_822 = arith.muli %scan3A_676, %mul3A_821 : i32
        %add3A_823 = arith.constant 192 : i32
        %add3A_824 = arith.addi %mul3A_822, %add3A_823 : i32
        %multiple_of3A_825 = tpu.assume_multiple %add3A_824, 16 : i32
        %get3A_826 = arith.constant 2 : i32
        %get3A_827 = arith.index_cast %get3A_826 : i32 to index
        %get3A_828 = arith.index_cast %multiple_of3A_825 : i32 to index
        %get3A_829 = tpu.vector_load %arg8[%get3A_827, %get3A_828] {strides = array<i32>} : memref<4x8192xf32, #tpu.memory_space<vmem>>, vector<1x16xf32>,
        %get3A_830 = vector.shape_cast %get3A_829 : vector<1x16xf32> to vector<16xf32>
        %exp3A_831 = math.exp %get3A_830 : vector<16xf32>
        %add3A_832 = arith.addf %add3A_820, %exp3A_831 : vector<16xf32>
        %mul3A_833 = arith.constant 256 : i32
        %mul3A_834 = arith.muli %scan3A_676, %mul3A_833 : i32
        %add3A_835 = arith.constant 208 : i32
        %add3A_836 = arith.addi %mul3A_834, %add3A_835 : i32
        %multiple_of3A_837 = tpu.assume_multiple %add3A_836, 16 : i32
        %get3A_838 = arith.constant 2 : i32
        %get3A_839 = arith.index_cast %get3A_838 : i32 to index
        %get3A_840 = arith.index_cast %multiple_of3A_837 : i32 to index
        %get3A_841 = tpu.vector_load %arg8[%get3A_839, %get3A_840] {strides = array<i32>} : memref<4x8192xf32, #tpu.memory_space<vmem>>, vector<1x16xf32>,
        %get3A_842 = vector.shape_cast %get3A_841 : vector<1x16xf32> to vector<16xf32>
        %exp3A_843 = math.exp %get3A_842 : vector<16xf32>
        %add3A_844 = arith.addf %add3A_832, %exp3A_843 : vector<16xf32>
        %mul3A_845 = arith.constant 256 : i32
        %mul3A_846 = arith.muli %scan3A_676, %mul3A_845 : i32
        %add3A_847 = arith.constant 224 : i32
        %add3A_848 = arith.addi %mul3A_846, %add3A_847 : i32
        %multiple_of3A_849 = tpu.assume_multiple %add3A_848, 16 : i32
        %get3A_850 = arith.constant 2 : i32
        %get3A_851 = arith.index_cast %get3A_850 : i32 to index
        %get3A_852 = arith.index_cast %multiple_of3A_849 : i32 to index
        %get3A_853 = tpu.vector_load %arg8[%get3A_851, %get3A_852] {strides = array<i32>} : memref<4x8192xf32, #tpu.memory_space<vmem>>, vector<1x16xf32>,
        %get3A_854 = vector.shape_cast %get3A_853 : vector<1x16xf32> to vector<16xf32>
        %exp3A_855 = math.exp %get3A_854 : vector<16xf32>
        %add3A_856 = arith.addf %add3A_844, %exp3A_855 : vector<16xf32>
        %mul3A_857 = arith.constant 256 : i32
        %mul3A_858 = arith.muli %scan3A_676, %mul3A_857 : i32
        %add3A_859 = arith.constant 240 : i32
        %add3A_860 = arith.addi %mul3A_858, %add3A_859 : i32
        %multiple_of3A_861 = tpu.assume_multiple %add3A_860, 16 : i32
        %get3A_862 = arith.constant 2 : i32
        %get3A_863 = arith.index_cast %get3A_862 : i32 to index
        %get3A_864 = arith.index_cast %multiple_of3A_861 : i32 to index
        %get3A_865 = tpu.vector_load %arg8[%get3A_863, %get3A_864] {strides = array<i32>} : memref<4x8192xf32, #tpu.memory_space<vmem>>, vector<1x16xf32>,
        %get3A_866 = vector.shape_cast %get3A_865 : vector<1x16xf32> to vector<16xf32>
        %exp3A_867 = math.exp %get3A_866 : vector<16xf32>
        %add3A_868 = arith.addf %add3A_856, %exp3A_867 : vector<16xf32>
        scf.yield %add3A_868 : vector<16xf32>
      }
      %scan3A_452 = arith.constant 32 : i32
      %mul3A_453 = arith.constant 256 : i32
      %mul3A_454 = arith.muli %scan3A_24, %mul3A_453 : i32
      %add3A_455 = arith.constant 160 : i32
      %add3A_456 = arith.addi %mul3A_454, %add3A_455 : i32
      %swap3A_457 = arith.index_cast %add3A_456 : i32 to index
      %swap3A_458 = tpu.vector_load %arg13[%swap3A_457] {strides = array<i32>} : memref<4096xf32, #tpu.memory_space<vmem>>, vector<16xf32>,
      %swap3A_459 = vector.shape_cast %swap3A_458 : vector<16xf32> to vector<16xf32>
      %swap3A_460 = vector.shape_cast %scan3A_451 : vector<16xf32> to vector<16xf32>
      tpu.vector_store %arg13[%swap3A_457], %swap3A_460 {strides = array<i32>} : memref<4096xf32, #tpu.memory_space<vmem>>, vector<16xf32>,
      %slice3A_461 = vector.extract_strided_slice %get3A_29 {offsets = [10], sizes = [1], strides = [1]} : vector<16xi32> to vector<1xi32>
      %squeeze3A_462 = vector.extract %slice3A_461[0] : i32 from vector<1xi32>
      %and3A_463 = arith.constant -16 : i32
      %and3A_464 = arith.andi %squeeze3A_462, %and3A_463 : i32
      %multiple_of3A_465 = tpu.assume_multiple %and3A_464, 16 : i32
      %get3A_466 = arith.constant 2 : i32
      %get3A_467 = arith.index_cast %get3A_466 : i32 to index
      %get3A_468 = arith.index_cast %multiple_of3A_465 : i32 to index
      %get3A_469 = tpu.vector_load %arg8[%get3A_467, %get3A_468] {strides = array<i32>} : memref<4x8192xf32, #tpu.memory_space<vmem>>, vector<1x16xf32>,
      %get3A_470 = vector.shape_cast %get3A_469 : vector<1x16xf32> to vector<16xf32>
      %and3A_471 = arith.constant 15 : i32
      %and3A_472 = arith.andi %squeeze3A_462, %and3A_471 : i32
      %eq3A_473 = vector.broadcast %and3A_472 : i32 to vector<16xi32>
      %eq3A_474 = arith.cmpi eq, %iota3A, %eq3A_473 : vector<16xi32>
      %jit3A_475 = arith.constant 0.000000e+00 : f32
      %broadcast_in_dim3A_476 = vector.broadcast %jit3A_475 : f32 to vector<16xf32>
      %select_n3A_477 = arith.select %eq3A_474, %get3A_470, %broadcast_in_dim3A_476 : vector<16xi1>, vector<16xf32>
      %add3A_478 = arith.addf %add3A_444, %select_n3A_477 : vector<16xf32>
      %broadcast_in_dim3A_479 = arith.constant 0.000000e+00 : f32
      %broadcast_in_dim3A_480 = vector.broadcast %broadcast_in_dim3A_479 : f32 to vector<16xf32>
      %scan3A_481 = arith.constant 0 : i32
      %scan3A_482 = arith.constant 32 : i32
      %scan3A_483 = arith.addi %scan3A_481, %scan3A_482 : i32
      %scan3A_484 = arith.constant 1 : i32
      %scan3A_485 = scf.for %scan3A_676 = %scan3A_481 to %scan3A_483 step %scan3A_484 iter_args(%scan3A_677 = %broadcast_in_dim3A_480) -> (vector<16xf32>)  : i32 {
        %mul3A_678 = arith.constant 256 : i32
        %mul3A_679 = arith.muli %scan3A_676, %mul3A_678 : i32
        %add3A_680 = arith.constant 0 : i32
        %add3A_681 = arith.addi %mul3A_679, %add3A_680 : i32
        %multiple_of3A_682 = tpu.assume_multiple %add3A_681, 16 : i32
        %get3A_683 = arith.constant 3 : i32
        %get3A_684 = arith.index_cast %get3A_683 : i32 to index
        %get3A_685 = arith.index_cast %multiple_of3A_682 : i32 to index
        %get3A_686 = tpu.vector_load %arg8[%get3A_684, %get3A_685] {strides = array<i32>} : memref<4x8192xf32, #tpu.memory_space<vmem>>, vector<1x16xf32>,
        %get3A_687 = vector.shape_cast %get3A_686 : vector<1x16xf32> to vector<16xf32>
        %exp3A = math.exp %get3A_687 : vector<16xf32>
        %add3A_688 = arith.addf %scan3A_677, %exp3A : vector<16xf32>
        %mul3A_689 = arith.constant 256 : i32
        %mul3A_690 = arith.muli %scan3A_676, %mul3A_689 : i32
        %add3A_691 = arith.constant 16 : i32
        %add3A_692 = arith.addi %mul3A_690, %add3A_691 : i32
        %multiple_of3A_693 = tpu.assume_multiple %add3A_692, 16 : i32
        %get3A_694 = arith.constant 3 : i32
        %get3A_695 = arith.index_cast %get3A_694 : i32 to index
        %get3A_696 = arith.index_cast %multiple_of3A_693 : i32 to index
        %get3A_697 = tpu.vector_load %arg8[%get3A_695, %get3A_696] {strides = array<i32>} : memref<4x8192xf32, #tpu.memory_space<vmem>>, vector<1x16xf32>,
        %get3A_698 = vector.shape_cast %get3A_697 : vector<1x16xf32> to vector<16xf32>
        %exp3A_699 = math.exp %get3A_698 : vector<16xf32>
        %add3A_700 = arith.addf %add3A_688, %exp3A_699 : vector<16xf32>
        %mul3A_701 = arith.constant 256 : i32
        %mul3A_702 = arith.muli %scan3A_676, %mul3A_701 : i32
        %add3A_703 = arith.constant 32 : i32
        %add3A_704 = arith.addi %mul3A_702, %add3A_703 : i32
        %multiple_of3A_705 = tpu.assume_multiple %add3A_704, 16 : i32
        %get3A_706 = arith.constant 3 : i32
        %get3A_707 = arith.index_cast %get3A_706 : i32 to index
        %get3A_708 = arith.index_cast %multiple_of3A_705 : i32 to index
        %get3A_709 = tpu.vector_load %arg8[%get3A_707, %get3A_708] {strides = array<i32>} : memref<4x8192xf32, #tpu.memory_space<vmem>>, vector<1x16xf32>,
        %get3A_710 = vector.shape_cast %get3A_709 : vector<1x16xf32> to vector<16xf32>
        %exp3A_711 = math.exp %get3A_710 : vector<16xf32>
        %add3A_712 = arith.addf %add3A_700, %exp3A_711 : vector<16xf32>
        %mul3A_713 = arith.constant 256 : i32
        %mul3A_714 = arith.muli %scan3A_676, %mul3A_713 : i32
        %add3A_715 = arith.constant 48 : i32
        %add3A_716 = arith.addi %mul3A_714, %add3A_715 : i32
        %multiple_of3A_717 = tpu.assume_multiple %add3A_716, 16 : i32
        %get3A_718 = arith.constant 3 : i32
        %get3A_719 = arith.index_cast %get3A_718 : i32 to index
        %get3A_720 = arith.index_cast %multiple_of3A_717 : i32 to index
        %get3A_721 = tpu.vector_load %arg8[%get3A_719, %get3A_720] {strides = array<i32>} : memref<4x8192xf32, #tpu.memory_space<vmem>>, vector<1x16xf32>,
        %get3A_722 = vector.shape_cast %get3A_721 : vector<1x16xf32> to vector<16xf32>
        %exp3A_723 = math.exp %get3A_722 : vector<16xf32>
        %add3A_724 = arith.addf %add3A_712, %exp3A_723 : vector<16xf32>
        %mul3A_725 = arith.constant 256 : i32
        %mul3A_726 = arith.muli %scan3A_676, %mul3A_725 : i32
        %add3A_727 = arith.constant 64 : i32
        %add3A_728 = arith.addi %mul3A_726, %add3A_727 : i32
        %multiple_of3A_729 = tpu.assume_multiple %add3A_728, 16 : i32
        %get3A_730 = arith.constant 3 : i32
        %get3A_731 = arith.index_cast %get3A_730 : i32 to index
        %get3A_732 = arith.index_cast %multiple_of3A_729 : i32 to index
        %get3A_733 = tpu.vector_load %arg8[%get3A_731, %get3A_732] {strides = array<i32>} : memref<4x8192xf32, #tpu.memory_space<vmem>>, vector<1x16xf32>,
        %get3A_734 = vector.shape_cast %get3A_733 : vector<1x16xf32> to vector<16xf32>
        %exp3A_735 = math.exp %get3A_734 : vector<16xf32>
        %add3A_736 = arith.addf %add3A_724, %exp3A_735 : vector<16xf32>
        %mul3A_737 = arith.constant 256 : i32
        %mul3A_738 = arith.muli %scan3A_676, %mul3A_737 : i32
        %add3A_739 = arith.constant 80 : i32
        %add3A_740 = arith.addi %mul3A_738, %add3A_739 : i32
        %multiple_of3A_741 = tpu.assume_multiple %add3A_740, 16 : i32
        %get3A_742 = arith.constant 3 : i32
        %get3A_743 = arith.index_cast %get3A_742 : i32 to index
        %get3A_744 = arith.index_cast %multiple_of3A_741 : i32 to index
        %get3A_745 = tpu.vector_load %arg8[%get3A_743, %get3A_744] {strides = array<i32>} : memref<4x8192xf32, #tpu.memory_space<vmem>>, vector<1x16xf32>,
        %get3A_746 = vector.shape_cast %get3A_745 : vector<1x16xf32> to vector<16xf32>
        %exp3A_747 = math.exp %get3A_746 : vector<16xf32>
        %add3A_748 = arith.addf %add3A_736, %exp3A_747 : vector<16xf32>
        %mul3A_749 = arith.constant 256 : i32
        %mul3A_750 = arith.muli %scan3A_676, %mul3A_749 : i32
        %add3A_751 = arith.constant 96 : i32
        %add3A_752 = arith.addi %mul3A_750, %add3A_751 : i32
        %multiple_of3A_753 = tpu.assume_multiple %add3A_752, 16 : i32
        %get3A_754 = arith.constant 3 : i32
        %get3A_755 = arith.index_cast %get3A_754 : i32 to index
        %get3A_756 = arith.index_cast %multiple_of3A_753 : i32 to index
        %get3A_757 = tpu.vector_load %arg8[%get3A_755, %get3A_756] {strides = array<i32>} : memref<4x8192xf32, #tpu.memory_space<vmem>>, vector<1x16xf32>,
        %get3A_758 = vector.shape_cast %get3A_757 : vector<1x16xf32> to vector<16xf32>
        %exp3A_759 = math.exp %get3A_758 : vector<16xf32>
        %add3A_760 = arith.addf %add3A_748, %exp3A_759 : vector<16xf32>
        %mul3A_761 = arith.constant 256 : i32
        %mul3A_762 = arith.muli %scan3A_676, %mul3A_761 : i32
        %add3A_763 = arith.constant 112 : i32
        %add3A_764 = arith.addi %mul3A_762, %add3A_763 : i32
        %multiple_of3A_765 = tpu.assume_multiple %add3A_764, 16 : i32
        %get3A_766 = arith.constant 3 : i32
        %get3A_767 = arith.index_cast %get3A_766 : i32 to index
        %get3A_768 = arith.index_cast %multiple_of3A_765 : i32 to index
        %get3A_769 = tpu.vector_load %arg8[%get3A_767, %get3A_768] {strides = array<i32>} : memref<4x8192xf32, #tpu.memory_space<vmem>>, vector<1x16xf32>,
        %get3A_770 = vector.shape_cast %get3A_769 : vector<1x16xf32> to vector<16xf32>
        %exp3A_771 = math.exp %get3A_770 : vector<16xf32>
        %add3A_772 = arith.addf %add3A_760, %exp3A_771 : vector<16xf32>
        %mul3A_773 = arith.constant 256 : i32
        %mul3A_774 = arith.muli %scan3A_676, %mul3A_773 : i32
        %add3A_775 = arith.constant 128 : i32
        %add3A_776 = arith.addi %mul3A_774, %add3A_775 : i32
        %multiple_of3A_777 = tpu.assume_multiple %add3A_776, 16 : i32
        %get3A_778 = arith.constant 3 : i32
        %get3A_779 = arith.index_cast %get3A_778 : i32 to index
        %get3A_780 = arith.index_cast %multiple_of3A_777 : i32 to index
        %get3A_781 = tpu.vector_load %arg8[%get3A_779, %get3A_780] {strides = array<i32>} : memref<4x8192xf32, #tpu.memory_space<vmem>>, vector<1x16xf32>,
        %get3A_782 = vector.shape_cast %get3A_781 : vector<1x16xf32> to vector<16xf32>
        %exp3A_783 = math.exp %get3A_782 : vector<16xf32>
        %add3A_784 = arith.addf %add3A_772, %exp3A_783 : vector<16xf32>
        %mul3A_785 = arith.constant 256 : i32
        %mul3A_786 = arith.muli %scan3A_676, %mul3A_785 : i32
        %add3A_787 = arith.constant 144 : i32
        %add3A_788 = arith.addi %mul3A_786, %add3A_787 : i32
        %multiple_of3A_789 = tpu.assume_multiple %add3A_788, 16 : i32
        %get3A_790 = arith.constant 3 : i32
        %get3A_791 = arith.index_cast %get3A_790 : i32 to index
        %get3A_792 = arith.index_cast %multiple_of3A_789 : i32 to index
        %get3A_793 = tpu.vector_load %arg8[%get3A_791, %get3A_792] {strides = array<i32>} : memref<4x8192xf32, #tpu.memory_space<vmem>>, vector<1x16xf32>,
        %get3A_794 = vector.shape_cast %get3A_793 : vector<1x16xf32> to vector<16xf32>
        %exp3A_795 = math.exp %get3A_794 : vector<16xf32>
        %add3A_796 = arith.addf %add3A_784, %exp3A_795 : vector<16xf32>
        %mul3A_797 = arith.constant 256 : i32
        %mul3A_798 = arith.muli %scan3A_676, %mul3A_797 : i32
        %add3A_799 = arith.constant 160 : i32
        %add3A_800 = arith.addi %mul3A_798, %add3A_799 : i32
        %multiple_of3A_801 = tpu.assume_multiple %add3A_800, 16 : i32
        %get3A_802 = arith.constant 3 : i32
        %get3A_803 = arith.index_cast %get3A_802 : i32 to index
        %get3A_804 = arith.index_cast %multiple_of3A_801 : i32 to index
        %get3A_805 = tpu.vector_load %arg8[%get3A_803, %get3A_804] {strides = array<i32>} : memref<4x8192xf32, #tpu.memory_space<vmem>>, vector<1x16xf32>,
        %get3A_806 = vector.shape_cast %get3A_805 : vector<1x16xf32> to vector<16xf32>
        %exp3A_807 = math.exp %get3A_806 : vector<16xf32>
        %add3A_808 = arith.addf %add3A_796, %exp3A_807 : vector<16xf32>
        %mul3A_809 = arith.constant 256 : i32
        %mul3A_810 = arith.muli %scan3A_676, %mul3A_809 : i32
        %add3A_811 = arith.constant 176 : i32
        %add3A_812 = arith.addi %mul3A_810, %add3A_811 : i32
        %multiple_of3A_813 = tpu.assume_multiple %add3A_812, 16 : i32
        %get3A_814 = arith.constant 3 : i32
        %get3A_815 = arith.index_cast %get3A_814 : i32 to index
        %get3A_816 = arith.index_cast %multiple_of3A_813 : i32 to index
        %get3A_817 = tpu.vector_load %arg8[%get3A_815, %get3A_816] {strides = array<i32>} : memref<4x8192xf32, #tpu.memory_space<vmem>>, vector<1x16xf32>,
        %get3A_818 = vector.shape_cast %get3A_817 : vector<1x16xf32> to vector<16xf32>
        %exp3A_819 = math.exp %get3A_818 : vector<16xf32>
        %add3A_820 = arith.addf %add3A_808, %exp3A_819 : vector<16xf32>
        %mul3A_821 = arith.constant 256 : i32
        %mul3A_822 = arith.muli %scan3A_676, %mul3A_821 : i32
        %add3A_823 = arith.constant 192 : i32
        %add3A_824 = arith.addi %mul3A_822, %add3A_823 : i32
        %multiple_of3A_825 = tpu.assume_multiple %add3A_824, 16 : i32
        %get3A_826 = arith.constant 3 : i32
        %get3A_827 = arith.index_cast %get3A_826 : i32 to index
        %get3A_828 = arith.index_cast %multiple_of3A_825 : i32 to index
        %get3A_829 = tpu.vector_load %arg8[%get3A_827, %get3A_828] {strides = array<i32>} : memref<4x8192xf32, #tpu.memory_space<vmem>>, vector<1x16xf32>,
        %get3A_830 = vector.shape_cast %get3A_829 : vector<1x16xf32> to vector<16xf32>
        %exp3A_831 = math.exp %get3A_830 : vector<16xf32>
        %add3A_832 = arith.addf %add3A_820, %exp3A_831 : vector<16xf32>
        %mul3A_833 = arith.constant 256 : i32
        %mul3A_834 = arith.muli %scan3A_676, %mul3A_833 : i32
        %add3A_835 = arith.constant 208 : i32
        %add3A_836 = arith.addi %mul3A_834, %add3A_835 : i32
        %multiple_of3A_837 = tpu.assume_multiple %add3A_836, 16 : i32
        %get3A_838 = arith.constant 3 : i32
        %get3A_839 = arith.index_cast %get3A_838 : i32 to index
        %get3A_840 = arith.index_cast %multiple_of3A_837 : i32 to index
        %get3A_841 = tpu.vector_load %arg8[%get3A_839, %get3A_840] {strides = array<i32>} : memref<4x8192xf32, #tpu.memory_space<vmem>>, vector<1x16xf32>,
        %get3A_842 = vector.shape_cast %get3A_841 : vector<1x16xf32> to vector<16xf32>
        %exp3A_843 = math.exp %get3A_842 : vector<16xf32>
        %add3A_844 = arith.addf %add3A_832, %exp3A_843 : vector<16xf32>
        %mul3A_845 = arith.constant 256 : i32
        %mul3A_846 = arith.muli %scan3A_676, %mul3A_845 : i32
        %add3A_847 = arith.constant 224 : i32
        %add3A_848 = arith.addi %mul3A_846, %add3A_847 : i32
        %multiple_of3A_849 = tpu.assume_multiple %add3A_848, 16 : i32
        %get3A_850 = arith.constant 3 : i32
        %get3A_851 = arith.index_cast %get3A_850 : i32 to index
        %get3A_852 = arith.index_cast %multiple_of3A_849 : i32 to index
        %get3A_853 = tpu.vector_load %arg8[%get3A_851, %get3A_852] {strides = array<i32>} : memref<4x8192xf32, #tpu.memory_space<vmem>>, vector<1x16xf32>,
        %get3A_854 = vector.shape_cast %get3A_853 : vector<1x16xf32> to vector<16xf32>
        %exp3A_855 = math.exp %get3A_854 : vector<16xf32>
        %add3A_856 = arith.addf %add3A_844, %exp3A_855 : vector<16xf32>
        %mul3A_857 = arith.constant 256 : i32
        %mul3A_858 = arith.muli %scan3A_676, %mul3A_857 : i32
        %add3A_859 = arith.constant 240 : i32
        %add3A_860 = arith.addi %mul3A_858, %add3A_859 : i32
        %multiple_of3A_861 = tpu.assume_multiple %add3A_860, 16 : i32
        %get3A_862 = arith.constant 3 : i32
        %get3A_863 = arith.index_cast %get3A_862 : i32 to index
        %get3A_864 = arith.index_cast %multiple_of3A_861 : i32 to index
        %get3A_865 = tpu.vector_load %arg8[%get3A_863, %get3A_864] {strides = array<i32>} : memref<4x8192xf32, #tpu.memory_space<vmem>>, vector<1x16xf32>,
        %get3A_866 = vector.shape_cast %get3A_865 : vector<1x16xf32> to vector<16xf32>
        %exp3A_867 = math.exp %get3A_866 : vector<16xf32>
        %add3A_868 = arith.addf %add3A_856, %exp3A_867 : vector<16xf32>
        scf.yield %add3A_868 : vector<16xf32>
      }
      %scan3A_486 = arith.constant 32 : i32
      %mul3A_487 = arith.constant 256 : i32
      %mul3A_488 = arith.muli %scan3A_24, %mul3A_487 : i32
      %add3A_489 = arith.constant 176 : i32
      %add3A_490 = arith.addi %mul3A_488, %add3A_489 : i32
      %swap3A_491 = arith.index_cast %add3A_490 : i32 to index
      %swap3A_492 = tpu.vector_load %arg13[%swap3A_491] {strides = array<i32>} : memref<4096xf32, #tpu.memory_space<vmem>>, vector<16xf32>,
      %swap3A_493 = vector.shape_cast %swap3A_492 : vector<16xf32> to vector<16xf32>
      %swap3A_494 = vector.shape_cast %scan3A_485 : vector<16xf32> to vector<16xf32>
      tpu.vector_store %arg13[%swap3A_491], %swap3A_494 {strides = array<i32>} : memref<4096xf32, #tpu.memory_space<vmem>>, vector<16xf32>,
      %slice3A_495 = vector.extract_strided_slice %get3A_29 {offsets = [11], sizes = [1], strides = [1]} : vector<16xi32> to vector<1xi32>
      %squeeze3A_496 = vector.extract %slice3A_495[0] : i32 from vector<1xi32>
      %and3A_497 = arith.constant -16 : i32
      %and3A_498 = arith.andi %squeeze3A_496, %and3A_497 : i32
      %multiple_of3A_499 = tpu.assume_multiple %and3A_498, 16 : i32
      %get3A_500 = arith.constant 3 : i32
      %get3A_501 = arith.index_cast %get3A_500 : i32 to index
      %get3A_502 = arith.index_cast %multiple_of3A_499 : i32 to index
      %get3A_503 = tpu.vector_load %arg8[%get3A_501, %get3A_502] {strides = array<i32>} : memref<4x8192xf32, #tpu.memory_space<vmem>>, vector<1x16xf32>,
      %get3A_504 = vector.shape_cast %get3A_503 : vector<1x16xf32> to vector<16xf32>
      %and3A_505 = arith.constant 15 : i32
      %and3A_506 = arith.andi %squeeze3A_496, %and3A_505 : i32
      %eq3A_507 = vector.broadcast %and3A_506 : i32 to vector<16xi32>
      %eq3A_508 = arith.cmpi eq, %iota3A, %eq3A_507 : vector<16xi32>
      %jit3A_509 = arith.constant 0.000000e+00 : f32
      %broadcast_in_dim3A_510 = vector.broadcast %jit3A_509 : f32 to vector<16xf32>
      %select_n3A_511 = arith.select %eq3A_508, %get3A_504, %broadcast_in_dim3A_510 : vector<16xi1>, vector<16xf32>
      %add3A_512 = arith.addf %add3A_478, %select_n3A_511 : vector<16xf32>
      %dma_wait3A_513 = arith.constant 0 : i32
      %dma_wait3A_514 = tpu.memref_slice %arg5[%mul3A_2, %dma_wait3A_513] : memref<8192x8192xf32, #tpu.memory_space<hbm>> -> memref<4x8192xf32, #tpu.memory_space<hbm>>
      %dma_wait3A_515 = arith.constant 0 : i32
      %dma_wait3A_516 = tpu.memref_slice %arg5[%mul3A_2, %dma_wait3A_515] : memref<8192x8192xf32, #tpu.memory_space<hbm>> -> memref<4x8192xf32, #tpu.memory_space<hbm>>
      tpu.wait_dma2 semaphore(%arg16 : memref<!tpu.dma_semaphore, #tpu.memory_space<semaphore_mem>>) src(%arg8 : memref<4x8192xf32, #tpu.memory_space<vmem>>) dst(%dma_wait3A_516 : memref<4x8192xf32, #tpu.memory_space<hbm>>)
      %mul3A_517 = arith.constant 4 : i32
      %mul3A_518 = arith.muli %scan3A_24, %mul3A_517 : i32
      %add3A_519 = arith.constant 3 : i32
      %add3A_520 = arith.addi %mul3A_518, %add3A_519 : i32
      %dma_wait3A_521 = arith.constant 0 : i32
      %dma_wait3A_522 = tpu.memref_slice %arg10[%add3A_520, %dma_wait3A_521] : memref<64x4xi32, #tpu.memory_space<vmem>> -> memref<1x4xi32, #tpu.memory_space<vmem>>
      %dma_wait3A_523 = tpu.memref_squeeze %dma_wait3A_522 : memref<1x4xi32, #tpu.memory_space<vmem>> -> memref<4xi32, #tpu.memory_space<vmem>>
      %dma_wait3A_524 = arith.constant 0 : i32
      %dma_wait3A_525 = arith.constant 0 : i32
      %dma_wait3A_526 = tpu.memref_slice %arg2[%dma_wait3A_524, %dma_wait3A_525] : memref<8192x8192xf32, #tpu.memory_space<hbm>> -> memref<8192x8192xf32, #tpu.memory_space<hbm>>
      tpu.wait_indirect_dma semaphore(%arg15 : memref<!tpu.dma_semaphore, #tpu.memory_space<semaphore_mem>>) src(%dma_wait3A_526 : memref<8192x8192xf32, #tpu.memory_space<hbm>>) dst(%arg9 : memref<4x8192xf32, #tpu.memory_space<vmem>>)
      %le3A = arith.constant 14 : i32
      %le3A_527 = arith.cmpi sle, %scan3A_24, %le3A : i32
      %convert_element_type3A = arith.extui %le3A_527 : i1 to i32
      %cond3A = arith.constant 0 : i32
      %cond3A_528 = arith.cmpi ne, %convert_element_type3A, %cond3A : i32
      scf.if %cond3A_528 {
        %add3A_676 = arith.constant 1 : i32
        %add3A_677 = arith.addi %add3A_520, %add3A_676 : i32
        %dma_start3A_678 = arith.constant 0 : i32
        %dma_start3A_679 = tpu.memref_slice %arg10[%add3A_677, %dma_start3A_678] : memref<64x4xi32, #tpu.memory_space<vmem>> -> memref<1x4xi32, #tpu.memory_space<vmem>>
        %dma_start3A_680 = tpu.memref_squeeze %dma_start3A_679 : memref<1x4xi32, #tpu.memory_space<vmem>> -> memref<4xi32, #tpu.memory_space<vmem>>
        %dma_start3A_681 = arith.constant 0 : i32
        %dma_start3A_682 = arith.constant 0 : i32
        %dma_start3A_683 = tpu.memref_slice %arg2[%dma_start3A_681, %dma_start3A_682] : memref<8192x8192xf32, #tpu.memory_space<hbm>> -> memref<8192x8192xf32, #tpu.memory_space<hbm>>
        tpu.enqueue_indirect_dma source(%dma_start3A_683 : memref<8192x8192xf32, #tpu.memory_space<hbm>>) target(%arg8 : memref<4x8192xf32, #tpu.memory_space<vmem>>) offsets(%dma_start3A_680 : memref<4xi32, #tpu.memory_space<vmem>>) semaphore(%arg14 : memref<!tpu.dma_semaphore, #tpu.memory_space<semaphore_mem>>)
      } else {
      }
      %mul3A_529 = arith.constant 4 : i32
      %mul3A_530 = arith.muli %add3A_520, %mul3A_529 : i32
      %add3A_531 = arith.addi %mul3A_2, %mul3A_530 : i32
      %dma_start3A_532 = arith.constant 0 : i32
      %dma_start3A_533 = tpu.memref_slice %arg5[%add3A_531, %dma_start3A_532] : memref<8192x8192xf32, #tpu.memory_space<hbm>> -> memref<4x8192xf32, #tpu.memory_space<hbm>>
      %dma_start3A_534 = arith.constant 0 : i32
      %dma_start3A_535 = tpu.memref_slice %arg5[%add3A_531, %dma_start3A_534] : memref<8192x8192xf32, #tpu.memory_space<hbm>> -> memref<4x8192xf32, #tpu.memory_space<hbm>>
      tpu.enqueue_dma source(%arg9 : memref<4x8192xf32, #tpu.memory_space<vmem>>) target(%dma_start3A_535 : memref<4x8192xf32, #tpu.memory_space<hbm>>) target_semaphore(%arg17 : memref<!tpu.dma_semaphore, #tpu.memory_space<semaphore_mem>>)
      %broadcast_in_dim3A_536 = arith.constant 0.000000e+00 : f32
      %broadcast_in_dim3A_537 = vector.broadcast %broadcast_in_dim3A_536 : f32 to vector<16xf32>
      %scan3A_538 = arith.constant 0 : i32
      %scan3A_539 = arith.constant 32 : i32
      %scan3A_540 = arith.addi %scan3A_538, %scan3A_539 : i32
      %scan3A_541 = arith.constant 1 : i32
      %scan3A_542 = scf.for %scan3A_676 = %scan3A_538 to %scan3A_540 step %scan3A_541 iter_args(%scan3A_677 = %broadcast_in_dim3A_537) -> (vector<16xf32>)  : i32 {
        %mul3A_678 = arith.constant 256 : i32
        %mul3A_679 = arith.muli %scan3A_676, %mul3A_678 : i32
        %add3A_680 = arith.constant 0 : i32
        %add3A_681 = arith.addi %mul3A_679, %add3A_680 : i32
        %multiple_of3A_682 = tpu.assume_multiple %add3A_681, 16 : i32
        %get3A_683 = arith.constant 0 : i32
        %get3A_684 = arith.index_cast %get3A_683 : i32 to index
        %get3A_685 = arith.index_cast %multiple_of3A_682 : i32 to index
        %get3A_686 = tpu.vector_load %arg9[%get3A_684, %get3A_685] {strides = array<i32>} : memref<4x8192xf32, #tpu.memory_space<vmem>>, vector<1x16xf32>,
        %get3A_687 = vector.shape_cast %get3A_686 : vector<1x16xf32> to vector<16xf32>
        %exp3A = math.exp %get3A_687 : vector<16xf32>
        %add3A_688 = arith.addf %scan3A_677, %exp3A : vector<16xf32>
        %mul3A_689 = arith.constant 256 : i32
        %mul3A_690 = arith.muli %scan3A_676, %mul3A_689 : i32
        %add3A_691 = arith.constant 16 : i32
        %add3A_692 = arith.addi %mul3A_690, %add3A_691 : i32
        %multiple_of3A_693 = tpu.assume_multiple %add3A_692, 16 : i32
        %get3A_694 = arith.constant 0 : i32
        %get3A_695 = arith.index_cast %get3A_694 : i32 to index
        %get3A_696 = arith.index_cast %multiple_of3A_693 : i32 to index
        %get3A_697 = tpu.vector_load %arg9[%get3A_695, %get3A_696] {strides = array<i32>} : memref<4x8192xf32, #tpu.memory_space<vmem>>, vector<1x16xf32>,
        %get3A_698 = vector.shape_cast %get3A_697 : vector<1x16xf32> to vector<16xf32>
        %exp3A_699 = math.exp %get3A_698 : vector<16xf32>
        %add3A_700 = arith.addf %add3A_688, %exp3A_699 : vector<16xf32>
        %mul3A_701 = arith.constant 256 : i32
        %mul3A_702 = arith.muli %scan3A_676, %mul3A_701 : i32
        %add3A_703 = arith.constant 32 : i32
        %add3A_704 = arith.addi %mul3A_702, %add3A_703 : i32
        %multiple_of3A_705 = tpu.assume_multiple %add3A_704, 16 : i32
        %get3A_706 = arith.constant 0 : i32
        %get3A_707 = arith.index_cast %get3A_706 : i32 to index
        %get3A_708 = arith.index_cast %multiple_of3A_705 : i32 to index
        %get3A_709 = tpu.vector_load %arg9[%get3A_707, %get3A_708] {strides = array<i32>} : memref<4x8192xf32, #tpu.memory_space<vmem>>, vector<1x16xf32>,
        %get3A_710 = vector.shape_cast %get3A_709 : vector<1x16xf32> to vector<16xf32>
        %exp3A_711 = math.exp %get3A_710 : vector<16xf32>
        %add3A_712 = arith.addf %add3A_700, %exp3A_711 : vector<16xf32>
        %mul3A_713 = arith.constant 256 : i32
        %mul3A_714 = arith.muli %scan3A_676, %mul3A_713 : i32
        %add3A_715 = arith.constant 48 : i32
        %add3A_716 = arith.addi %mul3A_714, %add3A_715 : i32
        %multiple_of3A_717 = tpu.assume_multiple %add3A_716, 16 : i32
        %get3A_718 = arith.constant 0 : i32
        %get3A_719 = arith.index_cast %get3A_718 : i32 to index
        %get3A_720 = arith.index_cast %multiple_of3A_717 : i32 to index
        %get3A_721 = tpu.vector_load %arg9[%get3A_719, %get3A_720] {strides = array<i32>} : memref<4x8192xf32, #tpu.memory_space<vmem>>, vector<1x16xf32>,
        %get3A_722 = vector.shape_cast %get3A_721 : vector<1x16xf32> to vector<16xf32>
        %exp3A_723 = math.exp %get3A_722 : vector<16xf32>
        %add3A_724 = arith.addf %add3A_712, %exp3A_723 : vector<16xf32>
        %mul3A_725 = arith.constant 256 : i32
        %mul3A_726 = arith.muli %scan3A_676, %mul3A_725 : i32
        %add3A_727 = arith.constant 64 : i32
        %add3A_728 = arith.addi %mul3A_726, %add3A_727 : i32
        %multiple_of3A_729 = tpu.assume_multiple %add3A_728, 16 : i32
        %get3A_730 = arith.constant 0 : i32
        %get3A_731 = arith.index_cast %get3A_730 : i32 to index
        %get3A_732 = arith.index_cast %multiple_of3A_729 : i32 to index
        %get3A_733 = tpu.vector_load %arg9[%get3A_731, %get3A_732] {strides = array<i32>} : memref<4x8192xf32, #tpu.memory_space<vmem>>, vector<1x16xf32>,
        %get3A_734 = vector.shape_cast %get3A_733 : vector<1x16xf32> to vector<16xf32>
        %exp3A_735 = math.exp %get3A_734 : vector<16xf32>
        %add3A_736 = arith.addf %add3A_724, %exp3A_735 : vector<16xf32>
        %mul3A_737 = arith.constant 256 : i32
        %mul3A_738 = arith.muli %scan3A_676, %mul3A_737 : i32
        %add3A_739 = arith.constant 80 : i32
        %add3A_740 = arith.addi %mul3A_738, %add3A_739 : i32
        %multiple_of3A_741 = tpu.assume_multiple %add3A_740, 16 : i32
        %get3A_742 = arith.constant 0 : i32
        %get3A_743 = arith.index_cast %get3A_742 : i32 to index
        %get3A_744 = arith.index_cast %multiple_of3A_741 : i32 to index
        %get3A_745 = tpu.vector_load %arg9[%get3A_743, %get3A_744] {strides = array<i32>} : memref<4x8192xf32, #tpu.memory_space<vmem>>, vector<1x16xf32>,
        %get3A_746 = vector.shape_cast %get3A_745 : vector<1x16xf32> to vector<16xf32>
        %exp3A_747 = math.exp %get3A_746 : vector<16xf32>
        %add3A_748 = arith.addf %add3A_736, %exp3A_747 : vector<16xf32>
        %mul3A_749 = arith.constant 256 : i32
        %mul3A_750 = arith.muli %scan3A_676, %mul3A_749 : i32
        %add3A_751 = arith.constant 96 : i32
        %add3A_752 = arith.addi %mul3A_750, %add3A_751 : i32
        %multiple_of3A_753 = tpu.assume_multiple %add3A_752, 16 : i32
        %get3A_754 = arith.constant 0 : i32
        %get3A_755 = arith.index_cast %get3A_754 : i32 to index
        %get3A_756 = arith.index_cast %multiple_of3A_753 : i32 to index
        %get3A_757 = tpu.vector_load %arg9[%get3A_755, %get3A_756] {strides = array<i32>} : memref<4x8192xf32, #tpu.memory_space<vmem>>, vector<1x16xf32>,
        %get3A_758 = vector.shape_cast %get3A_757 : vector<1x16xf32> to vector<16xf32>
        %exp3A_759 = math.exp %get3A_758 : vector<16xf32>
        %add3A_760 = arith.addf %add3A_748, %exp3A_759 : vector<16xf32>
        %mul3A_761 = arith.constant 256 : i32
        %mul3A_762 = arith.muli %scan3A_676, %mul3A_761 : i32
        %add3A_763 = arith.constant 112 : i32
        %add3A_764 = arith.addi %mul3A_762, %add3A_763 : i32
        %multiple_of3A_765 = tpu.assume_multiple %add3A_764, 16 : i32
        %get3A_766 = arith.constant 0 : i32
        %get3A_767 = arith.index_cast %get3A_766 : i32 to index
        %get3A_768 = arith.index_cast %multiple_of3A_765 : i32 to index
        %get3A_769 = tpu.vector_load %arg9[%get3A_767, %get3A_768] {strides = array<i32>} : memref<4x8192xf32, #tpu.memory_space<vmem>>, vector<1x16xf32>,
        %get3A_770 = vector.shape_cast %get3A_769 : vector<1x16xf32> to vector<16xf32>
        %exp3A_771 = math.exp %get3A_770 : vector<16xf32>
        %add3A_772 = arith.addf %add3A_760, %exp3A_771 : vector<16xf32>
        %mul3A_773 = arith.constant 256 : i32
        %mul3A_774 = arith.muli %scan3A_676, %mul3A_773 : i32
        %add3A_775 = arith.constant 128 : i32
        %add3A_776 = arith.addi %mul3A_774, %add3A_775 : i32
        %multiple_of3A_777 = tpu.assume_multiple %add3A_776, 16 : i32
        %get3A_778 = arith.constant 0 : i32
        %get3A_779 = arith.index_cast %get3A_778 : i32 to index
        %get3A_780 = arith.index_cast %multiple_of3A_777 : i32 to index
        %get3A_781 = tpu.vector_load %arg9[%get3A_779, %get3A_780] {strides = array<i32>} : memref<4x8192xf32, #tpu.memory_space<vmem>>, vector<1x16xf32>,
        %get3A_782 = vector.shape_cast %get3A_781 : vector<1x16xf32> to vector<16xf32>
        %exp3A_783 = math.exp %get3A_782 : vector<16xf32>
        %add3A_784 = arith.addf %add3A_772, %exp3A_783 : vector<16xf32>
        %mul3A_785 = arith.constant 256 : i32
        %mul3A_786 = arith.muli %scan3A_676, %mul3A_785 : i32
        %add3A_787 = arith.constant 144 : i32
        %add3A_788 = arith.addi %mul3A_786, %add3A_787 : i32
        %multiple_of3A_789 = tpu.assume_multiple %add3A_788, 16 : i32
        %get3A_790 = arith.constant 0 : i32
        %get3A_791 = arith.index_cast %get3A_790 : i32 to index
        %get3A_792 = arith.index_cast %multiple_of3A_789 : i32 to index
        %get3A_793 = tpu.vector_load %arg9[%get3A_791, %get3A_792] {strides = array<i32>} : memref<4x8192xf32, #tpu.memory_space<vmem>>, vector<1x16xf32>,
        %get3A_794 = vector.shape_cast %get3A_793 : vector<1x16xf32> to vector<16xf32>
        %exp3A_795 = math.exp %get3A_794 : vector<16xf32>
        %add3A_796 = arith.addf %add3A_784, %exp3A_795 : vector<16xf32>
        %mul3A_797 = arith.constant 256 : i32
        %mul3A_798 = arith.muli %scan3A_676, %mul3A_797 : i32
        %add3A_799 = arith.constant 160 : i32
        %add3A_800 = arith.addi %mul3A_798, %add3A_799 : i32
        %multiple_of3A_801 = tpu.assume_multiple %add3A_800, 16 : i32
        %get3A_802 = arith.constant 0 : i32
        %get3A_803 = arith.index_cast %get3A_802 : i32 to index
        %get3A_804 = arith.index_cast %multiple_of3A_801 : i32 to index
        %get3A_805 = tpu.vector_load %arg9[%get3A_803, %get3A_804] {strides = array<i32>} : memref<4x8192xf32, #tpu.memory_space<vmem>>, vector<1x16xf32>,
        %get3A_806 = vector.shape_cast %get3A_805 : vector<1x16xf32> to vector<16xf32>
        %exp3A_807 = math.exp %get3A_806 : vector<16xf32>
        %add3A_808 = arith.addf %add3A_796, %exp3A_807 : vector<16xf32>
        %mul3A_809 = arith.constant 256 : i32
        %mul3A_810 = arith.muli %scan3A_676, %mul3A_809 : i32
        %add3A_811 = arith.constant 176 : i32
        %add3A_812 = arith.addi %mul3A_810, %add3A_811 : i32
        %multiple_of3A_813 = tpu.assume_multiple %add3A_812, 16 : i32
        %get3A_814 = arith.constant 0 : i32
        %get3A_815 = arith.index_cast %get3A_814 : i32 to index
        %get3A_816 = arith.index_cast %multiple_of3A_813 : i32 to index
        %get3A_817 = tpu.vector_load %arg9[%get3A_815, %get3A_816] {strides = array<i32>} : memref<4x8192xf32, #tpu.memory_space<vmem>>, vector<1x16xf32>,
        %get3A_818 = vector.shape_cast %get3A_817 : vector<1x16xf32> to vector<16xf32>
        %exp3A_819 = math.exp %get3A_818 : vector<16xf32>
        %add3A_820 = arith.addf %add3A_808, %exp3A_819 : vector<16xf32>
        %mul3A_821 = arith.constant 256 : i32
        %mul3A_822 = arith.muli %scan3A_676, %mul3A_821 : i32
        %add3A_823 = arith.constant 192 : i32
        %add3A_824 = arith.addi %mul3A_822, %add3A_823 : i32
        %multiple_of3A_825 = tpu.assume_multiple %add3A_824, 16 : i32
        %get3A_826 = arith.constant 0 : i32
        %get3A_827 = arith.index_cast %get3A_826 : i32 to index
        %get3A_828 = arith.index_cast %multiple_of3A_825 : i32 to index
        %get3A_829 = tpu.vector_load %arg9[%get3A_827, %get3A_828] {strides = array<i32>} : memref<4x8192xf32, #tpu.memory_space<vmem>>, vector<1x16xf32>,
        %get3A_830 = vector.shape_cast %get3A_829 : vector<1x16xf32> to vector<16xf32>
        %exp3A_831 = math.exp %get3A_830 : vector<16xf32>
        %add3A_832 = arith.addf %add3A_820, %exp3A_831 : vector<16xf32>
        %mul3A_833 = arith.constant 256 : i32
        %mul3A_834 = arith.muli %scan3A_676, %mul3A_833 : i32
        %add3A_835 = arith.constant 208 : i32
        %add3A_836 = arith.addi %mul3A_834, %add3A_835 : i32
        %multiple_of3A_837 = tpu.assume_multiple %add3A_836, 16 : i32
        %get3A_838 = arith.constant 0 : i32
        %get3A_839 = arith.index_cast %get3A_838 : i32 to index
        %get3A_840 = arith.index_cast %multiple_of3A_837 : i32 to index
        %get3A_841 = tpu.vector_load %arg9[%get3A_839, %get3A_840] {strides = array<i32>} : memref<4x8192xf32, #tpu.memory_space<vmem>>, vector<1x16xf32>,
        %get3A_842 = vector.shape_cast %get3A_841 : vector<1x16xf32> to vector<16xf32>
        %exp3A_843 = math.exp %get3A_842 : vector<16xf32>
        %add3A_844 = arith.addf %add3A_832, %exp3A_843 : vector<16xf32>
        %mul3A_845 = arith.constant 256 : i32
        %mul3A_846 = arith.muli %scan3A_676, %mul3A_845 : i32
        %add3A_847 = arith.constant 224 : i32
        %add3A_848 = arith.addi %mul3A_846, %add3A_847 : i32
        %multiple_of3A_849 = tpu.assume_multiple %add3A_848, 16 : i32
        %get3A_850 = arith.constant 0 : i32
        %get3A_851 = arith.index_cast %get3A_850 : i32 to index
        %get3A_852 = arith.index_cast %multiple_of3A_849 : i32 to index
        %get3A_853 = tpu.vector_load %arg9[%get3A_851, %get3A_852] {strides = array<i32>} : memref<4x8192xf32, #tpu.memory_space<vmem>>, vector<1x16xf32>,
        %get3A_854 = vector.shape_cast %get3A_853 : vector<1x16xf32> to vector<16xf32>
        %exp3A_855 = math.exp %get3A_854 : vector<16xf32>
        %add3A_856 = arith.addf %add3A_844, %exp3A_855 : vector<16xf32>
        %mul3A_857 = arith.constant 256 : i32
        %mul3A_858 = arith.muli %scan3A_676, %mul3A_857 : i32
        %add3A_859 = arith.constant 240 : i32
        %add3A_860 = arith.addi %mul3A_858, %add3A_859 : i32
        %multiple_of3A_861 = tpu.assume_multiple %add3A_860, 16 : i32
        %get3A_862 = arith.constant 0 : i32
        %get3A_863 = arith.index_cast %get3A_862 : i32 to index
        %get3A_864 = arith.index_cast %multiple_of3A_861 : i32 to index
        %get3A_865 = tpu.vector_load %arg9[%get3A_863, %get3A_864] {strides = array<i32>} : memref<4x8192xf32, #tpu.memory_space<vmem>>, vector<1x16xf32>,
        %get3A_866 = vector.shape_cast %get3A_865 : vector<1x16xf32> to vector<16xf32>
        %exp3A_867 = math.exp %get3A_866 : vector<16xf32>
        %add3A_868 = arith.addf %add3A_856, %exp3A_867 : vector<16xf32>
        scf.yield %add3A_868 : vector<16xf32>
      }
      %scan3A_543 = arith.constant 32 : i32
      %mul3A_544 = arith.constant 256 : i32
      %mul3A_545 = arith.muli %scan3A_24, %mul3A_544 : i32
      %add3A_546 = arith.constant 192 : i32
      %add3A_547 = arith.addi %mul3A_545, %add3A_546 : i32
      %swap3A_548 = arith.index_cast %add3A_547 : i32 to index
      %swap3A_549 = tpu.vector_load %arg13[%swap3A_548] {strides = array<i32>} : memref<4096xf32, #tpu.memory_space<vmem>>, vector<16xf32>,
      %swap3A_550 = vector.shape_cast %swap3A_549 : vector<16xf32> to vector<16xf32>
      %swap3A_551 = vector.shape_cast %scan3A_542 : vector<16xf32> to vector<16xf32>
      tpu.vector_store %arg13[%swap3A_548], %swap3A_551 {strides = array<i32>} : memref<4096xf32, #tpu.memory_space<vmem>>, vector<16xf32>,
      %slice3A_552 = vector.extract_strided_slice %get3A_29 {offsets = [12], sizes = [1], strides = [1]} : vector<16xi32> to vector<1xi32>
      %squeeze3A_553 = vector.extract %slice3A_552[0] : i32 from vector<1xi32>
      %and3A_554 = arith.constant -16 : i32
      %and3A_555 = arith.andi %squeeze3A_553, %and3A_554 : i32
      %multiple_of3A_556 = tpu.assume_multiple %and3A_555, 16 : i32
      %get3A_557 = arith.constant 0 : i32
      %get3A_558 = arith.index_cast %get3A_557 : i32 to index
      %get3A_559 = arith.index_cast %multiple_of3A_556 : i32 to index
      %get3A_560 = tpu.vector_load %arg9[%get3A_558, %get3A_559] {strides = array<i32>} : memref<4x8192xf32, #tpu.memory_space<vmem>>, vector<1x16xf32>,
      %get3A_561 = vector.shape_cast %get3A_560 : vector<1x16xf32> to vector<16xf32>
      %and3A_562 = arith.constant 15 : i32
      %and3A_563 = arith.andi %squeeze3A_553, %and3A_562 : i32
      %eq3A_564 = vector.broadcast %and3A_563 : i32 to vector<16xi32>
      %eq3A_565 = arith.cmpi eq, %iota3A, %eq3A_564 : vector<16xi32>
      %jit3A_566 = arith.constant 0.000000e+00 : f32
      %broadcast_in_dim3A_567 = vector.broadcast %jit3A_566 : f32 to vector<16xf32>
      %select_n3A_568 = arith.select %eq3A_565, %get3A_561, %broadcast_in_dim3A_567 : vector<16xi1>, vector<16xf32>
      %add3A_569 = arith.addf %add3A_512, %select_n3A_568 : vector<16xf32>
      %broadcast_in_dim3A_570 = arith.constant 0.000000e+00 : f32
      %broadcast_in_dim3A_571 = vector.broadcast %broadcast_in_dim3A_570 : f32 to vector<16xf32>
      %scan3A_572 = arith.constant 0 : i32
      %scan3A_573 = arith.constant 32 : i32
      %scan3A_574 = arith.addi %scan3A_572, %scan3A_573 : i32
      %scan3A_575 = arith.constant 1 : i32
      %scan3A_576 = scf.for %scan3A_676 = %scan3A_572 to %scan3A_574 step %scan3A_575 iter_args(%scan3A_677 = %broadcast_in_dim3A_571) -> (vector<16xf32>)  : i32 {
        %mul3A_678 = arith.constant 256 : i32
        %mul3A_679 = arith.muli %scan3A_676, %mul3A_678 : i32
        %add3A_680 = arith.constant 0 : i32
        %add3A_681 = arith.addi %mul3A_679, %add3A_680 : i32
        %multiple_of3A_682 = tpu.assume_multiple %add3A_681, 16 : i32
        %get3A_683 = arith.constant 1 : i32
        %get3A_684 = arith.index_cast %get3A_683 : i32 to index
        %get3A_685 = arith.index_cast %multiple_of3A_682 : i32 to index
        %get3A_686 = tpu.vector_load %arg9[%get3A_684, %get3A_685] {strides = array<i32>} : memref<4x8192xf32, #tpu.memory_space<vmem>>, vector<1x16xf32>,
        %get3A_687 = vector.shape_cast %get3A_686 : vector<1x16xf32> to vector<16xf32>
        %exp3A = math.exp %get3A_687 : vector<16xf32>
        %add3A_688 = arith.addf %scan3A_677, %exp3A : vector<16xf32>
        %mul3A_689 = arith.constant 256 : i32
        %mul3A_690 = arith.muli %scan3A_676, %mul3A_689 : i32
        %add3A_691 = arith.constant 16 : i32
        %add3A_692 = arith.addi %mul3A_690, %add3A_691 : i32
        %multiple_of3A_693 = tpu.assume_multiple %add3A_692, 16 : i32
        %get3A_694 = arith.constant 1 : i32
        %get3A_695 = arith.index_cast %get3A_694 : i32 to index
        %get3A_696 = arith.index_cast %multiple_of3A_693 : i32 to index
        %get3A_697 = tpu.vector_load %arg9[%get3A_695, %get3A_696] {strides = array<i32>} : memref<4x8192xf32, #tpu.memory_space<vmem>>, vector<1x16xf32>,
        %get3A_698 = vector.shape_cast %get3A_697 : vector<1x16xf32> to vector<16xf32>
        %exp3A_699 = math.exp %get3A_698 : vector<16xf32>
        %add3A_700 = arith.addf %add3A_688, %exp3A_699 : vector<16xf32>
        %mul3A_701 = arith.constant 256 : i32
        %mul3A_702 = arith.muli %scan3A_676, %mul3A_701 : i32
        %add3A_703 = arith.constant 32 : i32
        %add3A_704 = arith.addi %mul3A_702, %add3A_703 : i32
        %multiple_of3A_705 = tpu.assume_multiple %add3A_704, 16 : i32
        %get3A_706 = arith.constant 1 : i32
        %get3A_707 = arith.index_cast %get3A_706 : i32 to index
        %get3A_708 = arith.index_cast %multiple_of3A_705 : i32 to index
        %get3A_709 = tpu.vector_load %arg9[%get3A_707, %get3A_708] {strides = array<i32>} : memref<4x8192xf32, #tpu.memory_space<vmem>>, vector<1x16xf32>,
        %get3A_710 = vector.shape_cast %get3A_709 : vector<1x16xf32> to vector<16xf32>
        %exp3A_711 = math.exp %get3A_710 : vector<16xf32>
        %add3A_712 = arith.addf %add3A_700, %exp3A_711 : vector<16xf32>
        %mul3A_713 = arith.constant 256 : i32
        %mul3A_714 = arith.muli %scan3A_676, %mul3A_713 : i32
        %add3A_715 = arith.constant 48 : i32
        %add3A_716 = arith.addi %mul3A_714, %add3A_715 : i32
        %multiple_of3A_717 = tpu.assume_multiple %add3A_716, 16 : i32
        %get3A_718 = arith.constant 1 : i32
        %get3A_719 = arith.index_cast %get3A_718 : i32 to index
        %get3A_720 = arith.index_cast %multiple_of3A_717 : i32 to index
        %get3A_721 = tpu.vector_load %arg9[%get3A_719, %get3A_720] {strides = array<i32>} : memref<4x8192xf32, #tpu.memory_space<vmem>>, vector<1x16xf32>,
        %get3A_722 = vector.shape_cast %get3A_721 : vector<1x16xf32> to vector<16xf32>
        %exp3A_723 = math.exp %get3A_722 : vector<16xf32>
        %add3A_724 = arith.addf %add3A_712, %exp3A_723 : vector<16xf32>
        %mul3A_725 = arith.constant 256 : i32
        %mul3A_726 = arith.muli %scan3A_676, %mul3A_725 : i32
        %add3A_727 = arith.constant 64 : i32
        %add3A_728 = arith.addi %mul3A_726, %add3A_727 : i32
        %multiple_of3A_729 = tpu.assume_multiple %add3A_728, 16 : i32
        %get3A_730 = arith.constant 1 : i32
        %get3A_731 = arith.index_cast %get3A_730 : i32 to index
        %get3A_732 = arith.index_cast %multiple_of3A_729 : i32 to index
        %get3A_733 = tpu.vector_load %arg9[%get3A_731, %get3A_732] {strides = array<i32>} : memref<4x8192xf32, #tpu.memory_space<vmem>>, vector<1x16xf32>,
        %get3A_734 = vector.shape_cast %get3A_733 : vector<1x16xf32> to vector<16xf32>
        %exp3A_735 = math.exp %get3A_734 : vector<16xf32>
        %add3A_736 = arith.addf %add3A_724, %exp3A_735 : vector<16xf32>
        %mul3A_737 = arith.constant 256 : i32
        %mul3A_738 = arith.muli %scan3A_676, %mul3A_737 : i32
        %add3A_739 = arith.constant 80 : i32
        %add3A_740 = arith.addi %mul3A_738, %add3A_739 : i32
        %multiple_of3A_741 = tpu.assume_multiple %add3A_740, 16 : i32
        %get3A_742 = arith.constant 1 : i32
        %get3A_743 = arith.index_cast %get3A_742 : i32 to index
        %get3A_744 = arith.index_cast %multiple_of3A_741 : i32 to index
        %get3A_745 = tpu.vector_load %arg9[%get3A_743, %get3A_744] {strides = array<i32>} : memref<4x8192xf32, #tpu.memory_space<vmem>>, vector<1x16xf32>,
        %get3A_746 = vector.shape_cast %get3A_745 : vector<1x16xf32> to vector<16xf32>
        %exp3A_747 = math.exp %get3A_746 : vector<16xf32>
        %add3A_748 = arith.addf %add3A_736, %exp3A_747 : vector<16xf32>
        %mul3A_749 = arith.constant 256 : i32
        %mul3A_750 = arith.muli %scan3A_676, %mul3A_749 : i32
        %add3A_751 = arith.constant 96 : i32
        %add3A_752 = arith.addi %mul3A_750, %add3A_751 : i32
        %multiple_of3A_753 = tpu.assume_multiple %add3A_752, 16 : i32
        %get3A_754 = arith.constant 1 : i32
        %get3A_755 = arith.index_cast %get3A_754 : i32 to index
        %get3A_756 = arith.index_cast %multiple_of3A_753 : i32 to index
        %get3A_757 = tpu.vector_load %arg9[%get3A_755, %get3A_756] {strides = array<i32>} : memref<4x8192xf32, #tpu.memory_space<vmem>>, vector<1x16xf32>,
        %get3A_758 = vector.shape_cast %get3A_757 : vector<1x16xf32> to vector<16xf32>
        %exp3A_759 = math.exp %get3A_758 : vector<16xf32>
        %add3A_760 = arith.addf %add3A_748, %exp3A_759 : vector<16xf32>
        %mul3A_761 = arith.constant 256 : i32
        %mul3A_762 = arith.muli %scan3A_676, %mul3A_761 : i32
        %add3A_763 = arith.constant 112 : i32
        %add3A_764 = arith.addi %mul3A_762, %add3A_763 : i32
        %multiple_of3A_765 = tpu.assume_multiple %add3A_764, 16 : i32
        %get3A_766 = arith.constant 1 : i32
        %get3A_767 = arith.index_cast %get3A_766 : i32 to index
        %get3A_768 = arith.index_cast %multiple_of3A_765 : i32 to index
        %get3A_769 = tpu.vector_load %arg9[%get3A_767, %get3A_768] {strides = array<i32>} : memref<4x8192xf32, #tpu.memory_space<vmem>>, vector<1x16xf32>,
        %get3A_770 = vector.shape_cast %get3A_769 : vector<1x16xf32> to vector<16xf32>
        %exp3A_771 = math.exp %get3A_770 : vector<16xf32>
        %add3A_772 = arith.addf %add3A_760, %exp3A_771 : vector<16xf32>
        %mul3A_773 = arith.constant 256 : i32
        %mul3A_774 = arith.muli %scan3A_676, %mul3A_773 : i32
        %add3A_775 = arith.constant 128 : i32
        %add3A_776 = arith.addi %mul3A_774, %add3A_775 : i32
        %multiple_of3A_777 = tpu.assume_multiple %add3A_776, 16 : i32
        %get3A_778 = arith.constant 1 : i32
        %get3A_779 = arith.index_cast %get3A_778 : i32 to index
        %get3A_780 = arith.index_cast %multiple_of3A_777 : i32 to index
        %get3A_781 = tpu.vector_load %arg9[%get3A_779, %get3A_780] {strides = array<i32>} : memref<4x8192xf32, #tpu.memory_space<vmem>>, vector<1x16xf32>,
        %get3A_782 = vector.shape_cast %get3A_781 : vector<1x16xf32> to vector<16xf32>
        %exp3A_783 = math.exp %get3A_782 : vector<16xf32>
        %add3A_784 = arith.addf %add3A_772, %exp3A_783 : vector<16xf32>
        %mul3A_785 = arith.constant 256 : i32
        %mul3A_786 = arith.muli %scan3A_676, %mul3A_785 : i32
        %add3A_787 = arith.constant 144 : i32
        %add3A_788 = arith.addi %mul3A_786, %add3A_787 : i32
        %multiple_of3A_789 = tpu.assume_multiple %add3A_788, 16 : i32
        %get3A_790 = arith.constant 1 : i32
        %get3A_791 = arith.index_cast %get3A_790 : i32 to index
        %get3A_792 = arith.index_cast %multiple_of3A_789 : i32 to index
        %get3A_793 = tpu.vector_load %arg9[%get3A_791, %get3A_792] {strides = array<i32>} : memref<4x8192xf32, #tpu.memory_space<vmem>>, vector<1x16xf32>,
        %get3A_794 = vector.shape_cast %get3A_793 : vector<1x16xf32> to vector<16xf32>
        %exp3A_795 = math.exp %get3A_794 : vector<16xf32>
        %add3A_796 = arith.addf %add3A_784, %exp3A_795 : vector<16xf32>
        %mul3A_797 = arith.constant 256 : i32
        %mul3A_798 = arith.muli %scan3A_676, %mul3A_797 : i32
        %add3A_799 = arith.constant 160 : i32
        %add3A_800 = arith.addi %mul3A_798, %add3A_799 : i32
        %multiple_of3A_801 = tpu.assume_multiple %add3A_800, 16 : i32
        %get3A_802 = arith.constant 1 : i32
        %get3A_803 = arith.index_cast %get3A_802 : i32 to index
        %get3A_804 = arith.index_cast %multiple_of3A_801 : i32 to index
        %get3A_805 = tpu.vector_load %arg9[%get3A_803, %get3A_804] {strides = array<i32>} : memref<4x8192xf32, #tpu.memory_space<vmem>>, vector<1x16xf32>,
        %get3A_806 = vector.shape_cast %get3A_805 : vector<1x16xf32> to vector<16xf32>
        %exp3A_807 = math.exp %get3A_806 : vector<16xf32>
        %add3A_808 = arith.addf %add3A_796, %exp3A_807 : vector<16xf32>
        %mul3A_809 = arith.constant 256 : i32
        %mul3A_810 = arith.muli %scan3A_676, %mul3A_809 : i32
        %add3A_811 = arith.constant 176 : i32
        %add3A_812 = arith.addi %mul3A_810, %add3A_811 : i32
        %multiple_of3A_813 = tpu.assume_multiple %add3A_812, 16 : i32
        %get3A_814 = arith.constant 1 : i32
        %get3A_815 = arith.index_cast %get3A_814 : i32 to index
        %get3A_816 = arith.index_cast %multiple_of3A_813 : i32 to index
        %get3A_817 = tpu.vector_load %arg9[%get3A_815, %get3A_816] {strides = array<i32>} : memref<4x8192xf32, #tpu.memory_space<vmem>>, vector<1x16xf32>,
        %get3A_818 = vector.shape_cast %get3A_817 : vector<1x16xf32> to vector<16xf32>
        %exp3A_819 = math.exp %get3A_818 : vector<16xf32>
        %add3A_820 = arith.addf %add3A_808, %exp3A_819 : vector<16xf32>
        %mul3A_821 = arith.constant 256 : i32
        %mul3A_822 = arith.muli %scan3A_676, %mul3A_821 : i32
        %add3A_823 = arith.constant 192 : i32
        %add3A_824 = arith.addi %mul3A_822, %add3A_823 : i32
        %multiple_of3A_825 = tpu.assume_multiple %add3A_824, 16 : i32
        %get3A_826 = arith.constant 1 : i32
        %get3A_827 = arith.index_cast %get3A_826 : i32 to index
        %get3A_828 = arith.index_cast %multiple_of3A_825 : i32 to index
        %get3A_829 = tpu.vector_load %arg9[%get3A_827, %get3A_828] {strides = array<i32>} : memref<4x8192xf32, #tpu.memory_space<vmem>>, vector<1x16xf32>,
        %get3A_830 = vector.shape_cast %get3A_829 : vector<1x16xf32> to vector<16xf32>
        %exp3A_831 = math.exp %get3A_830 : vector<16xf32>
        %add3A_832 = arith.addf %add3A_820, %exp3A_831 : vector<16xf32>
        %mul3A_833 = arith.constant 256 : i32
        %mul3A_834 = arith.muli %scan3A_676, %mul3A_833 : i32
        %add3A_835 = arith.constant 208 : i32
        %add3A_836 = arith.addi %mul3A_834, %add3A_835 : i32
        %multiple_of3A_837 = tpu.assume_multiple %add3A_836, 16 : i32
        %get3A_838 = arith.constant 1 : i32
        %get3A_839 = arith.index_cast %get3A_838 : i32 to index
        %get3A_840 = arith.index_cast %multiple_of3A_837 : i32 to index
        %get3A_841 = tpu.vector_load %arg9[%get3A_839, %get3A_840] {strides = array<i32>} : memref<4x8192xf32, #tpu.memory_space<vmem>>, vector<1x16xf32>,
        %get3A_842 = vector.shape_cast %get3A_841 : vector<1x16xf32> to vector<16xf32>
        %exp3A_843 = math.exp %get3A_842 : vector<16xf32>
        %add3A_844 = arith.addf %add3A_832, %exp3A_843 : vector<16xf32>
        %mul3A_845 = arith.constant 256 : i32
        %mul3A_846 = arith.muli %scan3A_676, %mul3A_845 : i32
        %add3A_847 = arith.constant 224 : i32
        %add3A_848 = arith.addi %mul3A_846, %add3A_847 : i32
        %multiple_of3A_849 = tpu.assume_multiple %add3A_848, 16 : i32
        %get3A_850 = arith.constant 1 : i32
        %get3A_851 = arith.index_cast %get3A_850 : i32 to index
        %get3A_852 = arith.index_cast %multiple_of3A_849 : i32 to index
        %get3A_853 = tpu.vector_load %arg9[%get3A_851, %get3A_852] {strides = array<i32>} : memref<4x8192xf32, #tpu.memory_space<vmem>>, vector<1x16xf32>,
        %get3A_854 = vector.shape_cast %get3A_853 : vector<1x16xf32> to vector<16xf32>
        %exp3A_855 = math.exp %get3A_854 : vector<16xf32>
        %add3A_856 = arith.addf %add3A_844, %exp3A_855 : vector<16xf32>
        %mul3A_857 = arith.constant 256 : i32
        %mul3A_858 = arith.muli %scan3A_676, %mul3A_857 : i32
        %add3A_859 = arith.constant 240 : i32
        %add3A_860 = arith.addi %mul3A_858, %add3A_859 : i32
        %multiple_of3A_861 = tpu.assume_multiple %add3A_860, 16 : i32
        %get3A_862 = arith.constant 1 : i32
        %get3A_863 = arith.index_cast %get3A_862 : i32 to index
        %get3A_864 = arith.index_cast %multiple_of3A_861 : i32 to index
        %get3A_865 = tpu.vector_load %arg9[%get3A_863, %get3A_864] {strides = array<i32>} : memref<4x8192xf32, #tpu.memory_space<vmem>>, vector<1x16xf32>,
        %get3A_866 = vector.shape_cast %get3A_865 : vector<1x16xf32> to vector<16xf32>
        %exp3A_867 = math.exp %get3A_866 : vector<16xf32>
        %add3A_868 = arith.addf %add3A_856, %exp3A_867 : vector<16xf32>
        scf.yield %add3A_868 : vector<16xf32>
      }
      %scan3A_577 = arith.constant 32 : i32
      %mul3A_578 = arith.constant 256 : i32
      %mul3A_579 = arith.muli %scan3A_24, %mul3A_578 : i32
      %add3A_580 = arith.constant 208 : i32
      %add3A_581 = arith.addi %mul3A_579, %add3A_580 : i32
      %swap3A_582 = arith.index_cast %add3A_581 : i32 to index
      %swap3A_583 = tpu.vector_load %arg13[%swap3A_582] {strides = array<i32>} : memref<4096xf32, #tpu.memory_space<vmem>>, vector<16xf32>,
      %swap3A_584 = vector.shape_cast %swap3A_583 : vector<16xf32> to vector<16xf32>
      %swap3A_585 = vector.shape_cast %scan3A_576 : vector<16xf32> to vector<16xf32>
      tpu.vector_store %arg13[%swap3A_582], %swap3A_585 {strides = array<i32>} : memref<4096xf32, #tpu.memory_space<vmem>>, vector<16xf32>,
      %slice3A_586 = vector.extract_strided_slice %get3A_29 {offsets = [13], sizes = [1], strides = [1]} : vector<16xi32> to vector<1xi32>
      %squeeze3A_587 = vector.extract %slice3A_586[0] : i32 from vector<1xi32>
      %and3A_588 = arith.constant -16 : i32
      %and3A_589 = arith.andi %squeeze3A_587, %and3A_588 : i32
      %multiple_of3A_590 = tpu.assume_multiple %and3A_589, 16 : i32
      %get3A_591 = arith.constant 1 : i32
      %get3A_592 = arith.index_cast %get3A_591 : i32 to index
      %get3A_593 = arith.index_cast %multiple_of3A_590 : i32 to index
      %get3A_594 = tpu.vector_load %arg9[%get3A_592, %get3A_593] {strides = array<i32>} : memref<4x8192xf32, #tpu.memory_space<vmem>>, vector<1x16xf32>,
      %get3A_595 = vector.shape_cast %get3A_594 : vector<1x16xf32> to vector<16xf32>
      %and3A_596 = arith.constant 15 : i32
      %and3A_597 = arith.andi %squeeze3A_587, %and3A_596 : i32
      %eq3A_598 = vector.broadcast %and3A_597 : i32 to vector<16xi32>
      %eq3A_599 = arith.cmpi eq, %iota3A, %eq3A_598 : vector<16xi32>
      %jit3A_600 = arith.constant 0.000000e+00 : f32
      %broadcast_in_dim3A_601 = vector.broadcast %jit3A_600 : f32 to vector<16xf32>
      %select_n3A_602 = arith.select %eq3A_599, %get3A_595, %broadcast_in_dim3A_601 : vector<16xi1>, vector<16xf32>
      %add3A_603 = arith.addf %add3A_569, %select_n3A_602 : vector<16xf32>
      %broadcast_in_dim3A_604 = arith.constant 0.000000e+00 : f32
      %broadcast_in_dim3A_605 = vector.broadcast %broadcast_in_dim3A_604 : f32 to vector<16xf32>
      %scan3A_606 = arith.constant 0 : i32
      %scan3A_607 = arith.constant 32 : i32
      %scan3A_608 = arith.addi %scan3A_606, %scan3A_607 : i32
      %scan3A_609 = arith.constant 1 : i32
      %scan3A_610 = scf.for %scan3A_676 = %scan3A_606 to %scan3A_608 step %scan3A_609 iter_args(%scan3A_677 = %broadcast_in_dim3A_605) -> (vector<16xf32>)  : i32 {
        %mul3A_678 = arith.constant 256 : i32
        %mul3A_679 = arith.muli %scan3A_676, %mul3A_678 : i32
        %add3A_680 = arith.constant 0 : i32
        %add3A_681 = arith.addi %mul3A_679, %add3A_680 : i32
        %multiple_of3A_682 = tpu.assume_multiple %add3A_681, 16 : i32
        %get3A_683 = arith.constant 2 : i32
        %get3A_684 = arith.index_cast %get3A_683 : i32 to index
        %get3A_685 = arith.index_cast %multiple_of3A_682 : i32 to index
        %get3A_686 = tpu.vector_load %arg9[%get3A_684, %get3A_685] {strides = array<i32>} : memref<4x8192xf32, #tpu.memory_space<vmem>>, vector<1x16xf32>,
        %get3A_687 = vector.shape_cast %get3A_686 : vector<1x16xf32> to vector<16xf32>
        %exp3A = math.exp %get3A_687 : vector<16xf32>
        %add3A_688 = arith.addf %scan3A_677, %exp3A : vector<16xf32>
        %mul3A_689 = arith.constant 256 : i32
        %mul3A_690 = arith.muli %scan3A_676, %mul3A_689 : i32
        %add3A_691 = arith.constant 16 : i32
        %add3A_692 = arith.addi %mul3A_690, %add3A_691 : i32
        %multiple_of3A_693 = tpu.assume_multiple %add3A_692, 16 : i32
        %get3A_694 = arith.constant 2 : i32
        %get3A_695 = arith.index_cast %get3A_694 : i32 to index
        %get3A_696 = arith.index_cast %multiple_of3A_693 : i32 to index
        %get3A_697 = tpu.vector_load %arg9[%get3A_695, %get3A_696] {strides = array<i32>} : memref<4x8192xf32, #tpu.memory_space<vmem>>, vector<1x16xf32>,
        %get3A_698 = vector.shape_cast %get3A_697 : vector<1x16xf32> to vector<16xf32>
        %exp3A_699 = math.exp %get3A_698 : vector<16xf32>
        %add3A_700 = arith.addf %add3A_688, %exp3A_699 : vector<16xf32>
        %mul3A_701 = arith.constant 256 : i32
        %mul3A_702 = arith.muli %scan3A_676, %mul3A_701 : i32
        %add3A_703 = arith.constant 32 : i32
        %add3A_704 = arith.addi %mul3A_702, %add3A_703 : i32
        %multiple_of3A_705 = tpu.assume_multiple %add3A_704, 16 : i32
        %get3A_706 = arith.constant 2 : i32
        %get3A_707 = arith.index_cast %get3A_706 : i32 to index
        %get3A_708 = arith.index_cast %multiple_of3A_705 : i32 to index
        %get3A_709 = tpu.vector_load %arg9[%get3A_707, %get3A_708] {strides = array<i32>} : memref<4x8192xf32, #tpu.memory_space<vmem>>, vector<1x16xf32>,
        %get3A_710 = vector.shape_cast %get3A_709 : vector<1x16xf32> to vector<16xf32>
        %exp3A_711 = math.exp %get3A_710 : vector<16xf32>
        %add3A_712 = arith.addf %add3A_700, %exp3A_711 : vector<16xf32>
        %mul3A_713 = arith.constant 256 : i32
        %mul3A_714 = arith.muli %scan3A_676, %mul3A_713 : i32
        %add3A_715 = arith.constant 48 : i32
        %add3A_716 = arith.addi %mul3A_714, %add3A_715 : i32
        %multiple_of3A_717 = tpu.assume_multiple %add3A_716, 16 : i32
        %get3A_718 = arith.constant 2 : i32
        %get3A_719 = arith.index_cast %get3A_718 : i32 to index
        %get3A_720 = arith.index_cast %multiple_of3A_717 : i32 to index
        %get3A_721 = tpu.vector_load %arg9[%get3A_719, %get3A_720] {strides = array<i32>} : memref<4x8192xf32, #tpu.memory_space<vmem>>, vector<1x16xf32>,
        %get3A_722 = vector.shape_cast %get3A_721 : vector<1x16xf32> to vector<16xf32>
        %exp3A_723 = math.exp %get3A_722 : vector<16xf32>
        %add3A_724 = arith.addf %add3A_712, %exp3A_723 : vector<16xf32>
        %mul3A_725 = arith.constant 256 : i32
        %mul3A_726 = arith.muli %scan3A_676, %mul3A_725 : i32
        %add3A_727 = arith.constant 64 : i32
        %add3A_728 = arith.addi %mul3A_726, %add3A_727 : i32
        %multiple_of3A_729 = tpu.assume_multiple %add3A_728, 16 : i32
        %get3A_730 = arith.constant 2 : i32
        %get3A_731 = arith.index_cast %get3A_730 : i32 to index
        %get3A_732 = arith.index_cast %multiple_of3A_729 : i32 to index
        %get3A_733 = tpu.vector_load %arg9[%get3A_731, %get3A_732] {strides = array<i32>} : memref<4x8192xf32, #tpu.memory_space<vmem>>, vector<1x16xf32>,
        %get3A_734 = vector.shape_cast %get3A_733 : vector<1x16xf32> to vector<16xf32>
        %exp3A_735 = math.exp %get3A_734 : vector<16xf32>
        %add3A_736 = arith.addf %add3A_724, %exp3A_735 : vector<16xf32>
        %mul3A_737 = arith.constant 256 : i32
        %mul3A_738 = arith.muli %scan3A_676, %mul3A_737 : i32
        %add3A_739 = arith.constant 80 : i32
        %add3A_740 = arith.addi %mul3A_738, %add3A_739 : i32
        %multiple_of3A_741 = tpu.assume_multiple %add3A_740, 16 : i32
        %get3A_742 = arith.constant 2 : i32
        %get3A_743 = arith.index_cast %get3A_742 : i32 to index
        %get3A_744 = arith.index_cast %multiple_of3A_741 : i32 to index
        %get3A_745 = tpu.vector_load %arg9[%get3A_743, %get3A_744] {strides = array<i32>} : memref<4x8192xf32, #tpu.memory_space<vmem>>, vector<1x16xf32>,
        %get3A_746 = vector.shape_cast %get3A_745 : vector<1x16xf32> to vector<16xf32>
        %exp3A_747 = math.exp %get3A_746 : vector<16xf32>
        %add3A_748 = arith.addf %add3A_736, %exp3A_747 : vector<16xf32>
        %mul3A_749 = arith.constant 256 : i32
        %mul3A_750 = arith.muli %scan3A_676, %mul3A_749 : i32
        %add3A_751 = arith.constant 96 : i32
        %add3A_752 = arith.addi %mul3A_750, %add3A_751 : i32
        %multiple_of3A_753 = tpu.assume_multiple %add3A_752, 16 : i32
        %get3A_754 = arith.constant 2 : i32
        %get3A_755 = arith.index_cast %get3A_754 : i32 to index
        %get3A_756 = arith.index_cast %multiple_of3A_753 : i32 to index
        %get3A_757 = tpu.vector_load %arg9[%get3A_755, %get3A_756] {strides = array<i32>} : memref<4x8192xf32, #tpu.memory_space<vmem>>, vector<1x16xf32>,
        %get3A_758 = vector.shape_cast %get3A_757 : vector<1x16xf32> to vector<16xf32>
        %exp3A_759 = math.exp %get3A_758 : vector<16xf32>
        %add3A_760 = arith.addf %add3A_748, %exp3A_759 : vector<16xf32>
        %mul3A_761 = arith.constant 256 : i32
        %mul3A_762 = arith.muli %scan3A_676, %mul3A_761 : i32
        %add3A_763 = arith.constant 112 : i32
        %add3A_764 = arith.addi %mul3A_762, %add3A_763 : i32
        %multiple_of3A_765 = tpu.assume_multiple %add3A_764, 16 : i32
        %get3A_766 = arith.constant 2 : i32
        %get3A_767 = arith.index_cast %get3A_766 : i32 to index
        %get3A_768 = arith.index_cast %multiple_of3A_765 : i32 to index
        %get3A_769 = tpu.vector_load %arg9[%get3A_767, %get3A_768] {strides = array<i32>} : memref<4x8192xf32, #tpu.memory_space<vmem>>, vector<1x16xf32>,
        %get3A_770 = vector.shape_cast %get3A_769 : vector<1x16xf32> to vector<16xf32>
        %exp3A_771 = math.exp %get3A_770 : vector<16xf32>
        %add3A_772 = arith.addf %add3A_760, %exp3A_771 : vector<16xf32>
        %mul3A_773 = arith.constant 256 : i32
        %mul3A_774 = arith.muli %scan3A_676, %mul3A_773 : i32
        %add3A_775 = arith.constant 128 : i32
        %add3A_776 = arith.addi %mul3A_774, %add3A_775 : i32
        %multiple_of3A_777 = tpu.assume_multiple %add3A_776, 16 : i32
        %get3A_778 = arith.constant 2 : i32
        %get3A_779 = arith.index_cast %get3A_778 : i32 to index
        %get3A_780 = arith.index_cast %multiple_of3A_777 : i32 to index
        %get3A_781 = tpu.vector_load %arg9[%get3A_779, %get3A_780] {strides = array<i32>} : memref<4x8192xf32, #tpu.memory_space<vmem>>, vector<1x16xf32>,
        %get3A_782 = vector.shape_cast %get3A_781 : vector<1x16xf32> to vector<16xf32>
        %exp3A_783 = math.exp %get3A_782 : vector<16xf32>
        %add3A_784 = arith.addf %add3A_772, %exp3A_783 : vector<16xf32>
        %mul3A_785 = arith.constant 256 : i32
        %mul3A_786 = arith.muli %scan3A_676, %mul3A_785 : i32
        %add3A_787 = arith.constant 144 : i32
        %add3A_788 = arith.addi %mul3A_786, %add3A_787 : i32
        %multiple_of3A_789 = tpu.assume_multiple %add3A_788, 16 : i32
        %get3A_790 = arith.constant 2 : i32
        %get3A_791 = arith.index_cast %get3A_790 : i32 to index
        %get3A_792 = arith.index_cast %multiple_of3A_789 : i32 to index
        %get3A_793 = tpu.vector_load %arg9[%get3A_791, %get3A_792] {strides = array<i32>} : memref<4x8192xf32, #tpu.memory_space<vmem>>, vector<1x16xf32>,
        %get3A_794 = vector.shape_cast %get3A_793 : vector<1x16xf32> to vector<16xf32>
        %exp3A_795 = math.exp %get3A_794 : vector<16xf32>
        %add3A_796 = arith.addf %add3A_784, %exp3A_795 : vector<16xf32>
        %mul3A_797 = arith.constant 256 : i32
        %mul3A_798 = arith.muli %scan3A_676, %mul3A_797 : i32
        %add3A_799 = arith.constant 160 : i32
        %add3A_800 = arith.addi %mul3A_798, %add3A_799 : i32
        %multiple_of3A_801 = tpu.assume_multiple %add3A_800, 16 : i32
        %get3A_802 = arith.constant 2 : i32
        %get3A_803 = arith.index_cast %get3A_802 : i32 to index
        %get3A_804 = arith.index_cast %multiple_of3A_801 : i32 to index
        %get3A_805 = tpu.vector_load %arg9[%get3A_803, %get3A_804] {strides = array<i32>} : memref<4x8192xf32, #tpu.memory_space<vmem>>, vector<1x16xf32>,
        %get3A_806 = vector.shape_cast %get3A_805 : vector<1x16xf32> to vector<16xf32>
        %exp3A_807 = math.exp %get3A_806 : vector<16xf32>
        %add3A_808 = arith.addf %add3A_796, %exp3A_807 : vector<16xf32>
        %mul3A_809 = arith.constant 256 : i32
        %mul3A_810 = arith.muli %scan3A_676, %mul3A_809 : i32
        %add3A_811 = arith.constant 176 : i32
        %add3A_812 = arith.addi %mul3A_810, %add3A_811 : i32
        %multiple_of3A_813 = tpu.assume_multiple %add3A_812, 16 : i32
        %get3A_814 = arith.constant 2 : i32
        %get3A_815 = arith.index_cast %get3A_814 : i32 to index
        %get3A_816 = arith.index_cast %multiple_of3A_813 : i32 to index
        %get3A_817 = tpu.vector_load %arg9[%get3A_815, %get3A_816] {strides = array<i32>} : memref<4x8192xf32, #tpu.memory_space<vmem>>, vector<1x16xf32>,
        %get3A_818 = vector.shape_cast %get3A_817 : vector<1x16xf32> to vector<16xf32>
        %exp3A_819 = math.exp %get3A_818 : vector<16xf32>
        %add3A_820 = arith.addf %add3A_808, %exp3A_819 : vector<16xf32>
        %mul3A_821 = arith.constant 256 : i32
        %mul3A_822 = arith.muli %scan3A_676, %mul3A_821 : i32
        %add3A_823 = arith.constant 192 : i32
        %add3A_824 = arith.addi %mul3A_822, %add3A_823 : i32
        %multiple_of3A_825 = tpu.assume_multiple %add3A_824, 16 : i32
        %get3A_826 = arith.constant 2 : i32
        %get3A_827 = arith.index_cast %get3A_826 : i32 to index
        %get3A_828 = arith.index_cast %multiple_of3A_825 : i32 to index
        %get3A_829 = tpu.vector_load %arg9[%get3A_827, %get3A_828] {strides = array<i32>} : memref<4x8192xf32, #tpu.memory_space<vmem>>, vector<1x16xf32>,
        %get3A_830 = vector.shape_cast %get3A_829 : vector<1x16xf32> to vector<16xf32>
        %exp3A_831 = math.exp %get3A_830 : vector<16xf32>
        %add3A_832 = arith.addf %add3A_820, %exp3A_831 : vector<16xf32>
        %mul3A_833 = arith.constant 256 : i32
        %mul3A_834 = arith.muli %scan3A_676, %mul3A_833 : i32
        %add3A_835 = arith.constant 208 : i32
        %add3A_836 = arith.addi %mul3A_834, %add3A_835 : i32
        %multiple_of3A_837 = tpu.assume_multiple %add3A_836, 16 : i32
        %get3A_838 = arith.constant 2 : i32
        %get3A_839 = arith.index_cast %get3A_838 : i32 to index
        %get3A_840 = arith.index_cast %multiple_of3A_837 : i32 to index
        %get3A_841 = tpu.vector_load %arg9[%get3A_839, %get3A_840] {strides = array<i32>} : memref<4x8192xf32, #tpu.memory_space<vmem>>, vector<1x16xf32>,
        %get3A_842 = vector.shape_cast %get3A_841 : vector<1x16xf32> to vector<16xf32>
        %exp3A_843 = math.exp %get3A_842 : vector<16xf32>
        %add3A_844 = arith.addf %add3A_832, %exp3A_843 : vector<16xf32>
        %mul3A_845 = arith.constant 256 : i32
        %mul3A_846 = arith.muli %scan3A_676, %mul3A_845 : i32
        %add3A_847 = arith.constant 224 : i32
        %add3A_848 = arith.addi %mul3A_846, %add3A_847 : i32
        %multiple_of3A_849 = tpu.assume_multiple %add3A_848, 16 : i32
        %get3A_850 = arith.constant 2 : i32
        %get3A_851 = arith.index_cast %get3A_850 : i32 to index
        %get3A_852 = arith.index_cast %multiple_of3A_849 : i32 to index
        %get3A_853 = tpu.vector_load %arg9[%get3A_851, %get3A_852] {strides = array<i32>} : memref<4x8192xf32, #tpu.memory_space<vmem>>, vector<1x16xf32>,
        %get3A_854 = vector.shape_cast %get3A_853 : vector<1x16xf32> to vector<16xf32>
        %exp3A_855 = math.exp %get3A_854 : vector<16xf32>
        %add3A_856 = arith.addf %add3A_844, %exp3A_855 : vector<16xf32>
        %mul3A_857 = arith.constant 256 : i32
        %mul3A_858 = arith.muli %scan3A_676, %mul3A_857 : i32
        %add3A_859 = arith.constant 240 : i32
        %add3A_860 = arith.addi %mul3A_858, %add3A_859 : i32
        %multiple_of3A_861 = tpu.assume_multiple %add3A_860, 16 : i32
        %get3A_862 = arith.constant 2 : i32
        %get3A_863 = arith.index_cast %get3A_862 : i32 to index
        %get3A_864 = arith.index_cast %multiple_of3A_861 : i32 to index
        %get3A_865 = tpu.vector_load %arg9[%get3A_863, %get3A_864] {strides = array<i32>} : memref<4x8192xf32, #tpu.memory_space<vmem>>, vector<1x16xf32>,
        %get3A_866 = vector.shape_cast %get3A_865 : vector<1x16xf32> to vector<16xf32>
        %exp3A_867 = math.exp %get3A_866 : vector<16xf32>
        %add3A_868 = arith.addf %add3A_856, %exp3A_867 : vector<16xf32>
        scf.yield %add3A_868 : vector<16xf32>
      }
      %scan3A_611 = arith.constant 32 : i32
      %mul3A_612 = arith.constant 256 : i32
      %mul3A_613 = arith.muli %scan3A_24, %mul3A_612 : i32
      %add3A_614 = arith.constant 224 : i32
      %add3A_615 = arith.addi %mul3A_613, %add3A_614 : i32
      %swap3A_616 = arith.index_cast %add3A_615 : i32 to index
      %swap3A_617 = tpu.vector_load %arg13[%swap3A_616] {strides = array<i32>} : memref<4096xf32, #tpu.memory_space<vmem>>, vector<16xf32>,
      %swap3A_618 = vector.shape_cast %swap3A_617 : vector<16xf32> to vector<16xf32>
      %swap3A_619 = vector.shape_cast %scan3A_610 : vector<16xf32> to vector<16xf32>
      tpu.vector_store %arg13[%swap3A_616], %swap3A_619 {strides = array<i32>} : memref<4096xf32, #tpu.memory_space<vmem>>, vector<16xf32>,
      %slice3A_620 = vector.extract_strided_slice %get3A_29 {offsets = [14], sizes = [1], strides = [1]} : vector<16xi32> to vector<1xi32>
      %squeeze3A_621 = vector.extract %slice3A_620[0] : i32 from vector<1xi32>
      %and3A_622 = arith.constant -16 : i32
      %and3A_623 = arith.andi %squeeze3A_621, %and3A_622 : i32
      %multiple_of3A_624 = tpu.assume_multiple %and3A_623, 16 : i32
      %get3A_625 = arith.constant 2 : i32
      %get3A_626 = arith.index_cast %get3A_625 : i32 to index
      %get3A_627 = arith.index_cast %multiple_of3A_624 : i32 to index
      %get3A_628 = tpu.vector_load %arg9[%get3A_626, %get3A_627] {strides = array<i32>} : memref<4x8192xf32, #tpu.memory_space<vmem>>, vector<1x16xf32>,
      %get3A_629 = vector.shape_cast %get3A_628 : vector<1x16xf32> to vector<16xf32>
      %and3A_630 = arith.constant 15 : i32
      %and3A_631 = arith.andi %squeeze3A_621, %and3A_630 : i32
      %eq3A_632 = vector.broadcast %and3A_631 : i32 to vector<16xi32>
      %eq3A_633 = arith.cmpi eq, %iota3A, %eq3A_632 : vector<16xi32>
      %jit3A_634 = arith.constant 0.000000e+00 : f32
      %broadcast_in_dim3A_635 = vector.broadcast %jit3A_634 : f32 to vector<16xf32>
      %select_n3A_636 = arith.select %eq3A_633, %get3A_629, %broadcast_in_dim3A_635 : vector<16xi1>, vector<16xf32>
      %add3A_637 = arith.addf %add3A_603, %select_n3A_636 : vector<16xf32>
      %broadcast_in_dim3A_638 = arith.constant 0.000000e+00 : f32
      %broadcast_in_dim3A_639 = vector.broadcast %broadcast_in_dim3A_638 : f32 to vector<16xf32>
      %scan3A_640 = arith.constant 0 : i32
      %scan3A_641 = arith.constant 32 : i32
      %scan3A_642 = arith.addi %scan3A_640, %scan3A_641 : i32
      %scan3A_643 = arith.constant 1 : i32
      %scan3A_644 = scf.for %scan3A_676 = %scan3A_640 to %scan3A_642 step %scan3A_643 iter_args(%scan3A_677 = %broadcast_in_dim3A_639) -> (vector<16xf32>)  : i32 {
        %mul3A_678 = arith.constant 256 : i32
        %mul3A_679 = arith.muli %scan3A_676, %mul3A_678 : i32
        %add3A_680 = arith.constant 0 : i32
        %add3A_681 = arith.addi %mul3A_679, %add3A_680 : i32
        %multiple_of3A_682 = tpu.assume_multiple %add3A_681, 16 : i32
        %get3A_683 = arith.constant 3 : i32
        %get3A_684 = arith.index_cast %get3A_683 : i32 to index
        %get3A_685 = arith.index_cast %multiple_of3A_682 : i32 to index
        %get3A_686 = tpu.vector_load %arg9[%get3A_684, %get3A_685] {strides = array<i32>} : memref<4x8192xf32, #tpu.memory_space<vmem>>, vector<1x16xf32>,
        %get3A_687 = vector.shape_cast %get3A_686 : vector<1x16xf32> to vector<16xf32>
        %exp3A = math.exp %get3A_687 : vector<16xf32>
        %add3A_688 = arith.addf %scan3A_677, %exp3A : vector<16xf32>
        %mul3A_689 = arith.constant 256 : i32
        %mul3A_690 = arith.muli %scan3A_676, %mul3A_689 : i32
        %add3A_691 = arith.constant 16 : i32
        %add3A_692 = arith.addi %mul3A_690, %add3A_691 : i32
        %multiple_of3A_693 = tpu.assume_multiple %add3A_692, 16 : i32
        %get3A_694 = arith.constant 3 : i32
        %get3A_695 = arith.index_cast %get3A_694 : i32 to index
        %get3A_696 = arith.index_cast %multiple_of3A_693 : i32 to index
        %get3A_697 = tpu.vector_load %arg9[%get3A_695, %get3A_696] {strides = array<i32>} : memref<4x8192xf32, #tpu.memory_space<vmem>>, vector<1x16xf32>,
        %get3A_698 = vector.shape_cast %get3A_697 : vector<1x16xf32> to vector<16xf32>
        %exp3A_699 = math.exp %get3A_698 : vector<16xf32>
        %add3A_700 = arith.addf %add3A_688, %exp3A_699 : vector<16xf32>
        %mul3A_701 = arith.constant 256 : i32
        %mul3A_702 = arith.muli %scan3A_676, %mul3A_701 : i32
        %add3A_703 = arith.constant 32 : i32
        %add3A_704 = arith.addi %mul3A_702, %add3A_703 : i32
        %multiple_of3A_705 = tpu.assume_multiple %add3A_704, 16 : i32
        %get3A_706 = arith.constant 3 : i32
        %get3A_707 = arith.index_cast %get3A_706 : i32 to index
        %get3A_708 = arith.index_cast %multiple_of3A_705 : i32 to index
        %get3A_709 = tpu.vector_load %arg9[%get3A_707, %get3A_708] {strides = array<i32>} : memref<4x8192xf32, #tpu.memory_space<vmem>>, vector<1x16xf32>,
        %get3A_710 = vector.shape_cast %get3A_709 : vector<1x16xf32> to vector<16xf32>
        %exp3A_711 = math.exp %get3A_710 : vector<16xf32>
        %add3A_712 = arith.addf %add3A_700, %exp3A_711 : vector<16xf32>
        %mul3A_713 = arith.constant 256 : i32
        %mul3A_714 = arith.muli %scan3A_676, %mul3A_713 : i32
        %add3A_715 = arith.constant 48 : i32
        %add3A_716 = arith.addi %mul3A_714, %add3A_715 : i32
        %multiple_of3A_717 = tpu.assume_multiple %add3A_716, 16 : i32
        %get3A_718 = arith.constant 3 : i32
        %get3A_719 = arith.index_cast %get3A_718 : i32 to index
        %get3A_720 = arith.index_cast %multiple_of3A_717 : i32 to index
        %get3A_721 = tpu.vector_load %arg9[%get3A_719, %get3A_720] {strides = array<i32>} : memref<4x8192xf32, #tpu.memory_space<vmem>>, vector<1x16xf32>,
        %get3A_722 = vector.shape_cast %get3A_721 : vector<1x16xf32> to vector<16xf32>
        %exp3A_723 = math.exp %get3A_722 : vector<16xf32>
        %add3A_724 = arith.addf %add3A_712, %exp3A_723 : vector<16xf32>
        %mul3A_725 = arith.constant 256 : i32
        %mul3A_726 = arith.muli %scan3A_676, %mul3A_725 : i32
        %add3A_727 = arith.constant 64 : i32
        %add3A_728 = arith.addi %mul3A_726, %add3A_727 : i32
        %multiple_of3A_729 = tpu.assume_multiple %add3A_728, 16 : i32
        %get3A_730 = arith.constant 3 : i32
        %get3A_731 = arith.index_cast %get3A_730 : i32 to index
        %get3A_732 = arith.index_cast %multiple_of3A_729 : i32 to index
        %get3A_733 = tpu.vector_load %arg9[%get3A_731, %get3A_732] {strides = array<i32>} : memref<4x8192xf32, #tpu.memory_space<vmem>>, vector<1x16xf32>,
        %get3A_734 = vector.shape_cast %get3A_733 : vector<1x16xf32> to vector<16xf32>
        %exp3A_735 = math.exp %get3A_734 : vector<16xf32>
        %add3A_736 = arith.addf %add3A_724, %exp3A_735 : vector<16xf32>
        %mul3A_737 = arith.constant 256 : i32
        %mul3A_738 = arith.muli %scan3A_676, %mul3A_737 : i32
        %add3A_739 = arith.constant 80 : i32
        %add3A_740 = arith.addi %mul3A_738, %add3A_739 : i32
        %multiple_of3A_741 = tpu.assume_multiple %add3A_740, 16 : i32
        %get3A_742 = arith.constant 3 : i32
        %get3A_743 = arith.index_cast %get3A_742 : i32 to index
        %get3A_744 = arith.index_cast %multiple_of3A_741 : i32 to index
        %get3A_745 = tpu.vector_load %arg9[%get3A_743, %get3A_744] {strides = array<i32>} : memref<4x8192xf32, #tpu.memory_space<vmem>>, vector<1x16xf32>,
        %get3A_746 = vector.shape_cast %get3A_745 : vector<1x16xf32> to vector<16xf32>
        %exp3A_747 = math.exp %get3A_746 : vector<16xf32>
        %add3A_748 = arith.addf %add3A_736, %exp3A_747 : vector<16xf32>
        %mul3A_749 = arith.constant 256 : i32
        %mul3A_750 = arith.muli %scan3A_676, %mul3A_749 : i32
        %add3A_751 = arith.constant 96 : i32
        %add3A_752 = arith.addi %mul3A_750, %add3A_751 : i32
        %multiple_of3A_753 = tpu.assume_multiple %add3A_752, 16 : i32
        %get3A_754 = arith.constant 3 : i32
        %get3A_755 = arith.index_cast %get3A_754 : i32 to index
        %get3A_756 = arith.index_cast %multiple_of3A_753 : i32 to index
        %get3A_757 = tpu.vector_load %arg9[%get3A_755, %get3A_756] {strides = array<i32>} : memref<4x8192xf32, #tpu.memory_space<vmem>>, vector<1x16xf32>,
        %get3A_758 = vector.shape_cast %get3A_757 : vector<1x16xf32> to vector<16xf32>
        %exp3A_759 = math.exp %get3A_758 : vector<16xf32>
        %add3A_760 = arith.addf %add3A_748, %exp3A_759 : vector<16xf32>
        %mul3A_761 = arith.constant 256 : i32
        %mul3A_762 = arith.muli %scan3A_676, %mul3A_761 : i32
        %add3A_763 = arith.constant 112 : i32
        %add3A_764 = arith.addi %mul3A_762, %add3A_763 : i32
        %multiple_of3A_765 = tpu.assume_multiple %add3A_764, 16 : i32
        %get3A_766 = arith.constant 3 : i32
        %get3A_767 = arith.index_cast %get3A_766 : i32 to index
        %get3A_768 = arith.index_cast %multiple_of3A_765 : i32 to index
        %get3A_769 = tpu.vector_load %arg9[%get3A_767, %get3A_768] {strides = array<i32>} : memref<4x8192xf32, #tpu.memory_space<vmem>>, vector<1x16xf32>,
        %get3A_770 = vector.shape_cast %get3A_769 : vector<1x16xf32> to vector<16xf32>
        %exp3A_771 = math.exp %get3A_770 : vector<16xf32>
        %add3A_772 = arith.addf %add3A_760, %exp3A_771 : vector<16xf32>
        %mul3A_773 = arith.constant 256 : i32
        %mul3A_774 = arith.muli %scan3A_676, %mul3A_773 : i32
        %add3A_775 = arith.constant 128 : i32
        %add3A_776 = arith.addi %mul3A_774, %add3A_775 : i32
        %multiple_of3A_777 = tpu.assume_multiple %add3A_776, 16 : i32
        %get3A_778 = arith.constant 3 : i32
        %get3A_779 = arith.index_cast %get3A_778 : i32 to index
        %get3A_780 = arith.index_cast %multiple_of3A_777 : i32 to index
        %get3A_781 = tpu.vector_load %arg9[%get3A_779, %get3A_780] {strides = array<i32>} : memref<4x8192xf32, #tpu.memory_space<vmem>>, vector<1x16xf32>,
        %get3A_782 = vector.shape_cast %get3A_781 : vector<1x16xf32> to vector<16xf32>
        %exp3A_783 = math.exp %get3A_782 : vector<16xf32>
        %add3A_784 = arith.addf %add3A_772, %exp3A_783 : vector<16xf32>
        %mul3A_785 = arith.constant 256 : i32
        %mul3A_786 = arith.muli %scan3A_676, %mul3A_785 : i32
        %add3A_787 = arith.constant 144 : i32
        %add3A_788 = arith.addi %mul3A_786, %add3A_787 : i32
        %multiple_of3A_789 = tpu.assume_multiple %add3A_788, 16 : i32
        %get3A_790 = arith.constant 3 : i32
        %get3A_791 = arith.index_cast %get3A_790 : i32 to index
        %get3A_792 = arith.index_cast %multiple_of3A_789 : i32 to index
        %get3A_793 = tpu.vector_load %arg9[%get3A_791, %get3A_792] {strides = array<i32>} : memref<4x8192xf32, #tpu.memory_space<vmem>>, vector<1x16xf32>,
        %get3A_794 = vector.shape_cast %get3A_793 : vector<1x16xf32> to vector<16xf32>
        %exp3A_795 = math.exp %get3A_794 : vector<16xf32>
        %add3A_796 = arith.addf %add3A_784, %exp3A_795 : vector<16xf32>
        %mul3A_797 = arith.constant 256 : i32
        %mul3A_798 = arith.muli %scan3A_676, %mul3A_797 : i32
        %add3A_799 = arith.constant 160 : i32
        %add3A_800 = arith.addi %mul3A_798, %add3A_799 : i32
        %multiple_of3A_801 = tpu.assume_multiple %add3A_800, 16 : i32
        %get3A_802 = arith.constant 3 : i32
        %get3A_803 = arith.index_cast %get3A_802 : i32 to index
        %get3A_804 = arith.index_cast %multiple_of3A_801 : i32 to index
        %get3A_805 = tpu.vector_load %arg9[%get3A_803, %get3A_804] {strides = array<i32>} : memref<4x8192xf32, #tpu.memory_space<vmem>>, vector<1x16xf32>,
        %get3A_806 = vector.shape_cast %get3A_805 : vector<1x16xf32> to vector<16xf32>
        %exp3A_807 = math.exp %get3A_806 : vector<16xf32>
        %add3A_808 = arith.addf %add3A_796, %exp3A_807 : vector<16xf32>
        %mul3A_809 = arith.constant 256 : i32
        %mul3A_810 = arith.muli %scan3A_676, %mul3A_809 : i32
        %add3A_811 = arith.constant 176 : i32
        %add3A_812 = arith.addi %mul3A_810, %add3A_811 : i32
        %multiple_of3A_813 = tpu.assume_multiple %add3A_812, 16 : i32
        %get3A_814 = arith.constant 3 : i32
        %get3A_815 = arith.index_cast %get3A_814 : i32 to index
        %get3A_816 = arith.index_cast %multiple_of3A_813 : i32 to index
        %get3A_817 = tpu.vector_load %arg9[%get3A_815, %get3A_816] {strides = array<i32>} : memref<4x8192xf32, #tpu.memory_space<vmem>>, vector<1x16xf32>,
        %get3A_818 = vector.shape_cast %get3A_817 : vector<1x16xf32> to vector<16xf32>
        %exp3A_819 = math.exp %get3A_818 : vector<16xf32>
        %add3A_820 = arith.addf %add3A_808, %exp3A_819 : vector<16xf32>
        %mul3A_821 = arith.constant 256 : i32
        %mul3A_822 = arith.muli %scan3A_676, %mul3A_821 : i32
        %add3A_823 = arith.constant 192 : i32
        %add3A_824 = arith.addi %mul3A_822, %add3A_823 : i32
        %multiple_of3A_825 = tpu.assume_multiple %add3A_824, 16 : i32
        %get3A_826 = arith.constant 3 : i32
        %get3A_827 = arith.index_cast %get3A_826 : i32 to index
        %get3A_828 = arith.index_cast %multiple_of3A_825 : i32 to index
        %get3A_829 = tpu.vector_load %arg9[%get3A_827, %get3A_828] {strides = array<i32>} : memref<4x8192xf32, #tpu.memory_space<vmem>>, vector<1x16xf32>,
        %get3A_830 = vector.shape_cast %get3A_829 : vector<1x16xf32> to vector<16xf32>
        %exp3A_831 = math.exp %get3A_830 : vector<16xf32>
        %add3A_832 = arith.addf %add3A_820, %exp3A_831 : vector<16xf32>
        %mul3A_833 = arith.constant 256 : i32
        %mul3A_834 = arith.muli %scan3A_676, %mul3A_833 : i32
        %add3A_835 = arith.constant 208 : i32
        %add3A_836 = arith.addi %mul3A_834, %add3A_835 : i32
        %multiple_of3A_837 = tpu.assume_multiple %add3A_836, 16 : i32
        %get3A_838 = arith.constant 3 : i32
        %get3A_839 = arith.index_cast %get3A_838 : i32 to index
        %get3A_840 = arith.index_cast %multiple_of3A_837 : i32 to index
        %get3A_841 = tpu.vector_load %arg9[%get3A_839, %get3A_840] {strides = array<i32>} : memref<4x8192xf32, #tpu.memory_space<vmem>>, vector<1x16xf32>,
        %get3A_842 = vector.shape_cast %get3A_841 : vector<1x16xf32> to vector<16xf32>
        %exp3A_843 = math.exp %get3A_842 : vector<16xf32>
        %add3A_844 = arith.addf %add3A_832, %exp3A_843 : vector<16xf32>
        %mul3A_845 = arith.constant 256 : i32
        %mul3A_846 = arith.muli %scan3A_676, %mul3A_845 : i32
        %add3A_847 = arith.constant 224 : i32
        %add3A_848 = arith.addi %mul3A_846, %add3A_847 : i32
        %multiple_of3A_849 = tpu.assume_multiple %add3A_848, 16 : i32
        %get3A_850 = arith.constant 3 : i32
        %get3A_851 = arith.index_cast %get3A_850 : i32 to index
        %get3A_852 = arith.index_cast %multiple_of3A_849 : i32 to index
        %get3A_853 = tpu.vector_load %arg9[%get3A_851, %get3A_852] {strides = array<i32>} : memref<4x8192xf32, #tpu.memory_space<vmem>>, vector<1x16xf32>,
        %get3A_854 = vector.shape_cast %get3A_853 : vector<1x16xf32> to vector<16xf32>
        %exp3A_855 = math.exp %get3A_854 : vector<16xf32>
        %add3A_856 = arith.addf %add3A_844, %exp3A_855 : vector<16xf32>
        %mul3A_857 = arith.constant 256 : i32
        %mul3A_858 = arith.muli %scan3A_676, %mul3A_857 : i32
        %add3A_859 = arith.constant 240 : i32
        %add3A_860 = arith.addi %mul3A_858, %add3A_859 : i32
        %multiple_of3A_861 = tpu.assume_multiple %add3A_860, 16 : i32
        %get3A_862 = arith.constant 3 : i32
        %get3A_863 = arith.index_cast %get3A_862 : i32 to index
        %get3A_864 = arith.index_cast %multiple_of3A_861 : i32 to index
        %get3A_865 = tpu.vector_load %arg9[%get3A_863, %get3A_864] {strides = array<i32>} : memref<4x8192xf32, #tpu.memory_space<vmem>>, vector<1x16xf32>,
        %get3A_866 = vector.shape_cast %get3A_865 : vector<1x16xf32> to vector<16xf32>
        %exp3A_867 = math.exp %get3A_866 : vector<16xf32>
        %add3A_868 = arith.addf %add3A_856, %exp3A_867 : vector<16xf32>
        scf.yield %add3A_868 : vector<16xf32>
      }
      %scan3A_645 = arith.constant 32 : i32
      %mul3A_646 = arith.constant 256 : i32
      %mul3A_647 = arith.muli %scan3A_24, %mul3A_646 : i32
      %add3A_648 = arith.constant 240 : i32
      %add3A_649 = arith.addi %mul3A_647, %add3A_648 : i32
      %swap3A_650 = arith.index_cast %add3A_649 : i32 to index
      %swap3A_651 = tpu.vector_load %arg13[%swap3A_650] {strides = array<i32>} : memref<4096xf32, #tpu.memory_space<vmem>>, vector<16xf32>,
      %swap3A_652 = vector.shape_cast %swap3A_651 : vector<16xf32> to vector<16xf32>
      %swap3A_653 = vector.shape_cast %scan3A_644 : vector<16xf32> to vector<16xf32>
      tpu.vector_store %arg13[%swap3A_650], %swap3A_653 {strides = array<i32>} : memref<4096xf32, #tpu.memory_space<vmem>>, vector<16xf32>,
      %slice3A_654 = vector.extract_strided_slice %get3A_29 {offsets = [15], sizes = [1], strides = [1]} : vector<16xi32> to vector<1xi32>
      %squeeze3A_655 = vector.extract %slice3A_654[0] : i32 from vector<1xi32>
      %and3A_656 = arith.constant -16 : i32
      %and3A_657 = arith.andi %squeeze3A_655, %and3A_656 : i32
      %multiple_of3A_658 = tpu.assume_multiple %and3A_657, 16 : i32
      %get3A_659 = arith.constant 3 : i32
      %get3A_660 = arith.index_cast %get3A_659 : i32 to index
      %get3A_661 = arith.index_cast %multiple_of3A_658 : i32 to index
      %get3A_662 = tpu.vector_load %arg9[%get3A_660, %get3A_661] {strides = array<i32>} : memref<4x8192xf32, #tpu.memory_space<vmem>>, vector<1x16xf32>,
      %get3A_663 = vector.shape_cast %get3A_662 : vector<1x16xf32> to vector<16xf32>
      %and3A_664 = arith.constant 15 : i32
      %and3A_665 = arith.andi %squeeze3A_655, %and3A_664 : i32
      %eq3A_666 = vector.broadcast %and3A_665 : i32 to vector<16xi32>
      %eq3A_667 = arith.cmpi eq, %iota3A, %eq3A_666 : vector<16xi32>
      %jit3A_668 = arith.constant 0.000000e+00 : f32
      %broadcast_in_dim3A_669 = vector.broadcast %jit3A_668 : f32 to vector<16xf32>
      %select_n3A_670 = arith.select %eq3A_667, %get3A_663, %broadcast_in_dim3A_669 : vector<16xi1>, vector<16xf32>
      %add3A_671 = arith.addf %add3A_637, %select_n3A_670 : vector<16xf32>
      %dma_wait3A_672 = arith.constant 0 : i32
      %dma_wait3A_673 = tpu.memref_slice %arg5[%mul3A_2, %dma_wait3A_672] : memref<8192x8192xf32, #tpu.memory_space<hbm>> -> memref<4x8192xf32, #tpu.memory_space<hbm>>
      %dma_wait3A_674 = arith.constant 0 : i32
      %dma_wait3A_675 = tpu.memref_slice %arg5[%mul3A_2, %dma_wait3A_674] : memref<8192x8192xf32, #tpu.memory_space<hbm>> -> memref<4x8192xf32, #tpu.memory_space<hbm>>
      tpu.wait_dma2 semaphore(%arg17 : memref<!tpu.dma_semaphore, #tpu.memory_space<semaphore_mem>>) src(%arg9 : memref<4x8192xf32, #tpu.memory_space<vmem>>) dst(%dma_wait3A_675 : memref<4x8192xf32, #tpu.memory_space<hbm>>)
      scf.yield %add3A_671 : vector<16xf32>
    }
    %scan3A_16 = arith.constant 16 : i32
    %swap3A = arith.constant 0 : index
    %swap3A_17 = tpu.vector_load %arg12[%swap3A] {strides = array<i32>} : memref<16xf32, #tpu.memory_space<vmem>>, vector<16xf32>,
    %swap3A_18 = vector.shape_cast %swap3A_17 : vector<16xf32> to vector<16xf32>
    %swap3A_19 = vector.shape_cast %scan3A_15 : vector<16xf32> to vector<16xf32>
    tpu.vector_store %arg12[%swap3A], %swap3A_19 {strides = array<i32>} : memref<16xf32, #tpu.memory_space<vmem>>, vector<16xf32>,
    %mul3A_20 = arith.constant 16 : i32
    %mul3A_21 = arith.muli %add3A, %mul3A_20 : i32
    "tpu.region"() ({
      %run_scoped3A = tpu.sem_alloc : memref<!tpu.dma_semaphore, #tpu.memory_space<semaphore_mem>>
      %dma_start3A_24 = tpu.memref_slice %arg6[%mul3A_21] : memref<512xf32, #tpu.memory_space<hbm>> -> memref<16xf32, #tpu.memory_space<hbm>>
      %dma_start3A_25 = tpu.memref_slice %arg6[%mul3A_21] : memref<512xf32, #tpu.memory_space<hbm>> -> memref<16xf32, #tpu.memory_space<hbm>>
      tpu.enqueue_dma source(%arg12 : memref<16xf32, #tpu.memory_space<vmem>>) target(%dma_start3A_25 : memref<16xf32, #tpu.memory_space<hbm>>) target_semaphore(%run_scoped3A : memref<!tpu.dma_semaphore, #tpu.memory_space<semaphore_mem>>)
      %dma_wait3A = tpu.memref_slice %arg6[%mul3A_21] : memref<512xf32, #tpu.memory_space<hbm>> -> memref<16xf32, #tpu.memory_space<hbm>>
      %dma_wait3A_26 = tpu.memref_slice %arg6[%mul3A_21] : memref<512xf32, #tpu.memory_space<hbm>> -> memref<16xf32, #tpu.memory_space<hbm>>
      tpu.wait_dma2 semaphore(%run_scoped3A : memref<!tpu.dma_semaphore, #tpu.memory_space<semaphore_mem>>) src(%arg12 : memref<16xf32, #tpu.memory_space<vmem>>) dst(%dma_wait3A_26 : memref<16xf32, #tpu.memory_space<hbm>>)
      tpu.yield
    }) : () -> ()
    %mul3A_22 = arith.constant 16 : i32
    %mul3A_23 = arith.muli %mul3A_2, %mul3A_22 : i32
    "tpu.region"() ({
      %run_scoped3A = tpu.sem_alloc : memref<!tpu.dma_semaphore, #tpu.memory_space<semaphore_mem>>
      %dma_start3A_24 = tpu.memref_slice %arg7[%mul3A_23] : memref<131072xf32, #tpu.memory_space<hbm>> -> memref<4096xf32, #tpu.memory_space<hbm>>
      %dma_start3A_25 = tpu.memref_slice %arg7[%mul3A_23] : memref<131072xf32, #tpu.memory_space<hbm>> -> memref<4096xf32, #tpu.memory_space<hbm>>
      tpu.enqueue_dma source(%arg13 : memref<4096xf32, #tpu.memory_space<vmem>>) target(%dma_start3A_25 : memref<4096xf32, #tpu.memory_space<hbm>>) target_semaphore(%run_scoped3A : memref<!tpu.dma_semaphore, #tpu.memory_space<semaphore_mem>>)
      %dma_wait3A = tpu.memref_slice %arg7[%mul3A_23] : memref<131072xf32, #tpu.memory_space<hbm>> -> memref<4096xf32, #tpu.memory_space<hbm>>
      %dma_wait3A_26 = tpu.memref_slice %arg7[%mul3A_23] : memref<131072xf32, #tpu.memory_space<hbm>> -> memref<4096xf32, #tpu.memory_space<hbm>>
      tpu.wait_dma2 semaphore(%run_scoped3A : memref<!tpu.dma_semaphore, #tpu.memory_space<semaphore_mem>>) src(%arg13 : memref<4096xf32, #tpu.memory_space<vmem>>) dst(%dma_wait3A_26 : memref<4096xf32, #tpu.memory_space<hbm>>)
      tpu.yield
    }) : () -> ()
    return
  }
}

module attributes {stable_mosaic.version = 14 : i64} {
  func.func @_fin_body(%arg0: memref<1024x128xf32, #tpu.memory_space<vmem>>, %arg1: memref<512xf32, #tpu.memory_space<vmem>>, %arg2: memref<1x1xf32, #tpu.memory_space<smem>>) attributes {dimension_semantics = [], scalar_prefetch = 0 : i64, scratch_operands = 0 : i64, tpu.core_type = #tpu.core_type<tc>} {
    %get3A = arith.constant 0 : index
    %get3A_0 = arith.constant 0 : index
    %get3A_1 = vector.load %arg0[%get3A, %get3A_0] : memref<1024x128xf32, #tpu.memory_space<vmem>>, vector<1024x128xf32>
    %iota3A = tpu.iota {dimensions = array<i32: 0>} : vector<128x8xi32>
    %jit3A = arith.constant 16 : i32
    %div3A = vector.broadcast %jit3A : i32 to vector<128x8xi32>
    %div3A_2 = arith.divsi %iota3A, %div3A : vector<128x8xi32>
    %sign3A = arith.constant 0 : i32
    %sign3A_3 = vector.broadcast %sign3A : i32 to vector<128x8xi32>
    %sign3A_4 = arith.cmpi sgt, %iota3A, %sign3A_3 : vector<128x8xi32>
    %sign3A_5 = arith.extui %sign3A_4 : vector<128x8xi1> to vector<128x8xi32>
    %sign3A_6 = arith.constant 0 : i32
    %sign3A_7 = vector.broadcast %sign3A_6 : i32 to vector<128x8xi32>
    %sign3A_8 = arith.cmpi slt, %iota3A, %sign3A_7 : vector<128x8xi32>
    %sign3A_9 = arith.extui %sign3A_8 : vector<128x8xi1> to vector<128x8xi32>
    %sign3A_10 = arith.subi %sign3A_5, %sign3A_9 : vector<128x8xi32>
    %sign3A_11 = arith.constant 0 : i32
    %sign3A_12 = arith.cmpi sgt, %jit3A, %sign3A_11 : i32
    %sign3A_13 = arith.extui %sign3A_12 : i1 to i32
    %sign3A_14 = arith.constant 0 : i32
    %sign3A_15 = arith.cmpi slt, %jit3A, %sign3A_14 : i32
    %sign3A_16 = arith.extui %sign3A_15 : i1 to i32
    %sign3A_17 = arith.subi %sign3A_13, %sign3A_16 : i32
    %ne3A = vector.broadcast %sign3A_17 : i32 to vector<128x8xi32>
    %ne3A_18 = arith.cmpi ne, %sign3A_10, %ne3A : vector<128x8xi32>
    %rem3A = vector.broadcast %jit3A : i32 to vector<128x8xi32>
    %rem3A_19 = arith.remsi %iota3A, %rem3A : vector<128x8xi32>
    %ne3A_20 = arith.constant 0 : i32
    %ne3A_21 = vector.broadcast %ne3A_20 : i32 to vector<128x8xi32>
    %ne3A_22 = arith.cmpi ne, %rem3A_19, %ne3A_21 : vector<128x8xi32>
    %and3A = arith.andi %ne3A_18, %ne3A_22 : vector<128x8xi1>
    %sub3A = arith.constant 1 : i32
    %sub3A_23 = vector.broadcast %sub3A : i32 to vector<128x8xi32>
    %sub3A_24 = arith.subi %div3A_2, %sub3A_23 : vector<128x8xi32>
    %select_n3A = arith.select %and3A, %sub3A_24, %div3A_2 : vector<128x8xi1>, vector<128x8xi32>
    %iota3A_25 = tpu.iota {dimensions = array<i32: 1>} : vector<128x8xi32>
    %eq3A = arith.cmpi eq, %select_n3A, %iota3A_25 : vector<128x8xi32>
    %convert_element_type3A = arith.extui %eq3A : vector<128x8xi1> to vector<128x8xi32>
    %convert_element_type3A_26 = arith.sitofp %convert_element_type3A : vector<128x8xi32> to vector<128x8xf32>
    %dot_general3A = arith.constant dense<0.000000e+00> : vector<1024x8xf32>
    %dot_general3A_27 = tpu.matmul %get3A_1, %convert_element_type3A_26, %dot_general3A {dimension_numbers = #tpu.dot_dimension_numbers<[1], [0], [0], [1], [0, 0, 1, 1], [], []>, precision = #tpu.contract_precision<fp32>, transpose_lhs_hint = false} : vector<1024x128xf32>, vector<128x8xf32>, vector<1024x8xf32> -> vector<1024x8xf32>
    %log3A = math.log %dot_general3A_27 : vector<1024x8xf32>
    %reduce_sum3A = vector.shape_cast %log3A : vector<1024x8xf32> to vector<1x1024x8xf32>
    %reduce_sum3A_28 = arith.constant dense<0.000000e+00> : vector<1xf32>
    %reduce_sum3A_29 = vector.multi_reduction <add>, %reduce_sum3A, %reduce_sum3A_28 [1, 2] : vector<1x1024x8xf32> to vector<1xf32>
    %reduce_sum3A_30 = vector.shape_cast %reduce_sum3A_29 : vector<1xf32> to vector<1x1x1xf32>
    %reduce_sum3A_31 = vector.extract %reduce_sum3A_30[0, 0, 0] : f32 from vector<1x1x1xf32>
    %get3A_32 = arith.constant 0 : index
    %get3A_33 = vector.load %arg1[%get3A_32] : memref<512xf32, #tpu.memory_space<vmem>>, vector<512xf32>
    %reduce_sum3A_34 = vector.shape_cast %get3A_33 : vector<512xf32> to vector<1x512xf32>
    %reduce_sum3A_35 = arith.constant dense<0.000000e+00> : vector<1xf32>
    %reduce_sum3A_36 = vector.multi_reduction <add>, %reduce_sum3A_34, %reduce_sum3A_35 [1] : vector<1x512xf32> to vector<1xf32>
    %reduce_sum3A_37 = vector.shape_cast %reduce_sum3A_36 : vector<1xf32> to vector<1x1xf32>
    %reduce_sum3A_38 = vector.extract %reduce_sum3A_37[0, 0] : f32 from vector<1x1xf32>
    %sub3A_39 = arith.subf %reduce_sum3A_31, %reduce_sum3A_38 : f32
    %mul3A = arith.constant 1.22070313E-4 : f32
    %mul3A_40 = arith.mulf %sub3A_39, %mul3A : f32
    %swap3A = arith.constant 0 : index
    %swap3A_41 = arith.constant 0 : index
    %swap3A_42 = memref.load %arg2[%swap3A, %swap3A_41] : memref<1x1xf32, #tpu.memory_space<smem>>
    memref.store %mul3A_40, %arg2[%swap3A, %swap3A_41] : memref<1x1xf32, #tpu.memory_space<smem>>
    return
  }
}

</mosaic_0001>

<sc_bundles>
// kernel: kernel.4.cloned.1.call-start
scs
__scs_entry_jumppad:
0x0: {  	(pc) =	sbr.rel $0x88, $3  }
0x1: {  	(tag) =	ssettag $0x0;
	lr =	simm.s32 $0x1  }
0x2: {  	[smem:$0x3F9E] =	sst lr;
	_ =	strace $0xD0000000  }
0x3: {  	_ = 	snop  }
0x4: {  	_ = 	snop  }
0x5: {  	_ = 	snop  }
0x6: {  	_ = 	snop  }
0x7: {  	_ = 	snop  }
__scs_overlays_trampoline_lowered:
0x8: {  	[smem:$0x3FAD] =	sst s0  }
0x9: {  	[smem:$0x3FAE] =	sst s1  }
0xa: {  	[smem:$0x3FAF] =	sst s2  }
0xb: {  	[smem:$0x3FB0] =	sst s3  }
0xc: {  	[smem:$0x3FB1] =	sst s4  }
0xd: {  	[smem:$0x3FB2] =	sst s5  }
0xe: {  	[smem:$0x3FB3] =	sst s6  }
0xf: {  	[smem:$0x3FB4] =	sst s7  }
0x10: {  	[smem:$0x3FB5] =	sst s8  }
0x11: {  	[smem:$0x3FB6] =	sst s9;
	s0 =	simm.s32 @!p0 $0x0  }
0x12: {  	s1 =	sld [smem:$0x3F9C];
	s0 =	simm.s32 @p0 $0x1  }
0x13: {  	[smem:$0x3FB7] =	sst s0;
	s0 =	simm.s32 @!p1 $0x0  }
0x14: {  	s2 =	sld [smem:$0x3F9B];
	s0 =	simm.s32 @p1 $0x1  }
0x15: {  	[smem:$0x3FB8] =	sst s0;
	s0 =	simm.s32 @!p2 $0x0  }
0x16: {  	s3 =	sld [smem:$0x3FDB];
	s0 =	simm.s32 @p2 $0x1  }
0x17: {  	s4 =	simm.s32 $0x1BF5;
	[smem:$0x3FBA] =	sst s0  }
0x18: {  	s0 =	sld [smem:$0x3F9D];
	_ =	swait.ge [sflag:s4], $0x0  }
0x19: {  	s7 =	sld [smem:$0x3F9E]  }
0x1a: {  	s8 =	sadd.s32 $0xFFFFE003, lr  }
0x1b: {  	s9 =	sadd.s32 $0xFFFFFEF7, lr;
	s5 =	simm.s32 $0xFFFFFFFF;
	p2 =	slt.u32 s8, $0xFFFFF086  }
0x1c: {  	p1 =	slt.u32 s9, $0xF7A;
	s5 =	simm.s32 @!p2 $0x0  }
0x1d: {  	s5 =	simm.s32 @p1 $0x1;
	p0 =	seq.s32 s7, s2  }
0x1e: {  	s7 =	smul.u32 @!p0 $0xF7A, s2;
	p2 =	seq.s32 @!p0 s5, $0x0  }
0x1f: {  	s9 =	smul.u32 $0xF7A, s1;
	s8 =	simm.s32 @!p0 $0x1BF5;
	p2 =	por !p2, p0  }
0x20: {  	[sflag:s8] =	ssyncset.s32 @!p0 $0xFFFFF086;
	s6 =	sadd.s32 @!p0 s3, s7;
	s7 =	simm.s32 @!p0 $0x108  }
0x21: {  	s3 =	sadd.s32 s3, s9;
	s6 =	sadd.s32 @!p0 $0x88, s6;
	s7 =	simm.s32 @p2 $0x1082  }
0x22: {  	[simem:s7], [sflag:s8] =	dma.local @!p0 [hbm:s6], $0xF7A  }
0x23: {  	s9 =	sor.u32 $0xD0000000, s2;
	s6 =	simm.s32 $0x108;
	_ =	swait.ge @!p0 [sflag:s8], $0x0  }
0x24: {  	s3 =	sadd.s32 $0x88, s3;
	s6 =	simm.s32 @!p1 $0x1082;
	[sflag:s4] =	ssyncset.s32 $0xFFFFF086  }
0x25: {  	[simem:s6], [sflag:s4] =	dma.local [hbm:s3], $0xF7A  }
0x26: {  	[smem:$0x3F9E] =	sst s1;
	(tag) =	ssettag s2;
	_ =	strace s9  }
0x27: {  	s1 =	sld [smem:$0x3FAE]  }
0x28: {  	s2 =	sld [smem:$0x3FAF]  }
0x29: {  	s4 =	sld [smem:$0x3FB1]  }
0x2a: {  	p0 =	seq.s32 s5, $0x0;
	s5 =	sld [smem:$0x3FB2]  }
0x2b: {  	s6 =	sld [smem:$0x3FB3]  }
0x2c: {  	s7 =	sld [smem:$0x3FB4]  }
0x2d: {  	s3 =	simm.s32 $0x108;
	s8 =	sld [smem:$0x3FB5]  }
0x2e: {  	s3 =	simm.s32 @!p0 $0x1082;
	s9 =	sld [smem:$0x3FB6]  }
0x2f: {  	lr =	sadd.s32 s0, s3;
	s0 =	sld [smem:$0x3FAD]  }
0x30: {  	s3 =	sld [smem:$0x3FB0]  }
0x31: {  	[smem:$0x3FB9] =	sst s10  }
0x32: {  	s10 =	sld [smem:$0x3FB7];
	_ =	sdelay $0x3  }
0x33: {  	p0 =	seq.s32 s10, $0x1;
	s10 =	sld [smem:$0x3FB9];
	_ =	sdelay $0x3  }
0x34: {  	[smem:$0x3FB9] =	sst s10  }
0x35: {  	s10 =	sld [smem:$0x3FB8];
	_ =	sdelay $0x3  }
0x36: {  	p1 =	seq.s32 s10, $0x1;
	s10 =	sld [smem:$0x3FB9];
	_ =	sdelay $0x3  }
0x37: {  	[smem:$0x3FB9] =	sst s10  }
0x38: {  	s10 =	sld [smem:$0x3FBA]  }
0x39: {  	_ = 	snop;
	(pc) =	sbr.ind lr, $3  }
0x3a: {  	_ = 	snop  }
0x3b: {  	_ = 	snop  }
0x3c: {  	p2 =	seq.s32 s10, $0x1;
	s10 =	sld [smem:$0x3FB9]  }
0x3d: {  	_ =	shalt  }
0x3e: {  	_ =	shalt  }
0x3f: {  	_ =	shalt  }
0x40: {  	_ =	shalt  }
0x41: {  	_ =	shalt  }
0x42: {  	_ =	shalt  }
0x43: {  	_ =	shalt  }
0x44: {  	_ =	shalt  }
0x45: {  	_ =	shalt  }
0x46: {  	_ =	shalt  }
0x47: {  	_ =	shalt  }
0x48: {  	_ =	shalt  }
0x49: {  	_ =	shalt  }
0x4a: {  	_ =	shalt  }
0x4b: {  	_ =	shalt  }
0x4c: {  	_ =	shalt  }
0x4d: {  	_ =	shalt  }
0x4e: {  	_ =	shalt  }
0x4f: {  	_ =	shalt  }
0x50: {  	_ =	shalt  }
0x51: {  	_ =	shalt  }
0x52: {  	_ =	shalt  }
0x53: {  	_ =	shalt  }
0x54: {  	_ =	shalt  }
0x55: {  	_ =	shalt  }
0x56: {  	_ =	shalt  }
0x57: {  	_ =	shalt  }
0x58: {  	_ =	shalt  }
0x59: {  	_ =	shalt  }
0x5a: {  	_ =	shalt  }
0x5b: {  	_ =	shalt  }
0x5c: {  	_ =	shalt  }
0x5d: {  	_ =	shalt  }
0x5e: {  	_ =	shalt  }
0x5f: {  	_ =	shalt  }
0x60: {  	_ =	shalt  }
0x61: {  	_ =	shalt  }
0x62: {  	_ =	shalt  }
0x63: {  	_ =	shalt  }
0x64: {  	_ =	shalt  }
0x65: {  	_ =	shalt  }
0x66: {  	_ =	shalt  }
0x67: {  	_ =	shalt  }
0x68: {  	_ =	shalt  }
0x69: {  	_ =	shalt  }
0x6a: {  	_ =	shalt  }
0x6b: {  	_ =	shalt  }
0x6c: {  	_ =	shalt  }
0x6d: {  	_ =	shalt  }
0x6e: {  	_ =	shalt  }
0x6f: {  	_ =	shalt  }
0x70: {  	_ =	shalt  }
0x71: {  	_ =	shalt  }
0x72: {  	_ =	shalt  }
0x73: {  	_ =	shalt  }
0x74: {  	_ =	shalt  }
0x75: {  	_ =	shalt  }
0x76: {  	_ =	shalt  }
0x77: {  	_ =	shalt  }
0x78: {  	_ =	shalt  }
0x79: {  	_ =	shalt  }
0x7a: {  	_ =	shalt  }
0x7b: {  	_ =	shalt  }
0x7c: {  	_ =	shalt  }
0x7d: {  	_ =	shalt  }
0x7e: {  	_ =	shalt  }
0x7f: {  	_ =	shalt  }
0x80: {  	_ =	shalt  }
0x81: {  	_ =	shalt  }
0x82: {  	_ =	shalt  }
0x83: {  	_ =	shalt  }
0x84: {  	_ =	shalt  }
0x85: {  	_ =	shalt  }
0x86: {  	_ =	shalt  }
0x87: {  	_ =	shalt  }
.Lfunc_end0:
.L_simem_size_0:
called_computation_lowered:
.L_overlay_start_0:
0x88: {  	s2 =	sld [smem:$0x3FD9]  }
0x89: {  	s3 =	sld [smem:$0x3FFE];
	_ =	sdelay $0x1  }
0x8a: {  	s1 =	srdreg.scid  }
0x8b: {  	s0 =	sand.u32 $0x1, s1  }
0x8c: {  	s14 =	sshll.u32 s0, $0xA;
	s2 =	sadd.s32 s3, s2  }
0x8d: {  	s2 =	sadd.s32 s2, s14  }
0x8e: {  	[smem:$0x3FC5] =	sst s2  }
0x8f: {  	_ = 	snop  }
0x90: {  	s2 =	sld [smem:$0x3FD0];
	_ =	sdelay $0x2  }
0x91: {  	s4 =	simm.s32 $0xA;
	s5 =	simm.s32 $0x10;
	s15 =	sld [smem:$0x3FC7]  }
0x92: {  	[smem:s5], [sflag:s4] =	dma.local [hbm:s2], $0x1  }
0x93: {  	_ =	swait.eq [sflag:s4], $0x1  }
0x94: {  	[sflag:s4] =	ssyncset.done $0x0  }
0x95: {  	[sflag:s4] =	ssyncadd.s32 $0xFFFFFFFF  }
0x96: {  	s16 =	sld [smem:$0x10];
	(tm) =	ssettm $0x1  }
0x97: {  	s17 =	sld [smem:$0x3FFB];
	_ =	sdelay $0x3  }
0x98: {  	_ =	strace s17  }
0x99: {  	s4 =	sld [smem:$0x3FFC];
	_ =	sdelay $0x3  }
0x9a: {  	_ =	strace s4  }
0x9b: {  	s4 =	sld [smem:$0x3FFD];
	_ =	sdelay $0x3  }
0x9c: {  	_ =	strace s4  }
0x9d: {  	_ =	strace $0x8FFFFFFF  }
0x9e: {  	s18 =	sld [smem:$0x3FDB];
	_ =	sdelay $0x1  }
0x9f: {  	s19 =	simm.s32 $_scs_section_size  }
0xa0: {  	s6 =	simm.s32 $_size__tile_overlayer_lowered;
	s7 =	simm.s32 $_tile_overlayer_lowered  }
0xa1: {  	s22 =	simm.s32 $0x1BFF;
	s21 =	sshll.u32 s7, $0x1;
	s4 =	sadd.s32 s19, s18  }
0xa2: {  	s8 =	simm.s32 $0x0;
	s20 =	sshll.u32 s6, $0x1;
	s6 =	sadd.s32 s21, s4  }
0xa3: {  	[timem:s8], [sflag:s22] =	dma.local [hbm:s6], s20  }
0xa4: {  	_ =	swait.ge [sflag:s22], s20  }
0xa5: {  	s5 =	ssub.s32 $0x0, s20;
	[sflag:s22] =	ssyncset.done $0x0  }
0xa6: {  	[sflag:s22] =	ssyncadd.s32 s5;
	_ =	sdelay $0x1  }
0xa7: {  	s23 =	simm.s32 $0x1B8B  }
0xa8: {  	_ =	swait.ge [sflag:s23], $0x1  }
0xa9: {  	[sflag:s23] =	ssyncset.done $0x0  }
0xaa: {  	s25 =	simm.s32 $0x1B8E;
	s24 =	sld [smem:$0x3FFE];
	[sflag:s23] =	ssyncadd.s32 $0xFFFFFFFF  }
0xab: {  	s26 =	simm.s32 $execute0_lowered;
	[smem:$0x3FD2] =	sst s25  }
0xac: {  	s6 =	sshll.u32 s26, $0x1;
	_ =	strace $0x80000046;
	[dreg:$0x1] =	wrdreg $0xFFFFFFFF  }
0xad: {  	s28 =	simm.s32 $_size_execute0_lowered;
	s4 =	sadd.s32 s4, s6;
	[dreg:$0x0] =	wrdreg $0x0  }
0xae: {  	s6 =	sshll.u32 s28, $0x1;
	[dreg:$0x2] =	wrdreg s4  }
0xaf: {  	[dreg:$0x3] =	wrdreg s6  }
0xb0: {  	[dreg:$0x4] =	wrdreg $0xC0  }
0xb1: {  	_ =	task [dreg:s8], $0x5FFFF  }
0xb2: {  	[dreg:$0x1] =	wrdreg $0xFFFFFFFF  }
0xb3: {  	[dreg:$0x0] =	wrdreg $0x60  }
0xb4: {  	[dreg:$0x2] =	wrdreg s15  }
0xb5: {  	[dreg:$0x3] =	wrdreg s24  }
0xb6: {  	[dreg:$0x4] =	wrdreg s16  }
0xb7: {  	[dreg:$0x5] =	wrdreg $0x9  }
0xb8: {  	_ =	task.clear_ibuf [dreg:s8], $0x6FFFF;
	_ =	strace $0x90000046  }
0xb9: {  	s29 =	simm.s32 $0x9;
	_ =	strace $0x80000048  }
0xba: {  	_ =	swait.ge [sflag:s29], $0x1  }
0xbb: {  	[sflag:s29] =	ssyncadd.s32 $0xFFFFFFFF  }
0xbc: {  	_ =	strace $0x90000048  }
0xbd: {  	_ =	sfence  }
0xbe: {  	s30 =	sld [smem:$0x0];
	_ =	sdelay $0x2  }
0xbf: {  	s31 =	sshll.u32 s1, $0xD;
	s1 =	sshrl.u32 s1, $0x2  }
0xc0: {  	s3 =	sand.u32 $0x4000, s31;
	s1 =	sadd.s32 s1, s30  }
0xc1: {  	s0 =	sor.u32 s3, s0;
	s1 =	sshll.u32 s1, $0x11  }
0xc2: {  	s0 =	sor.u32 s1, s0  }
0xc3: {  	s0 =	sadd.s32 $0x8F2B, s0  }
0xc4: {  	[sflag:s0] =	ssyncadd.remote.s32 $0x1  }
0xc5: {  	_ =	sfence.sel $0xFFFF  }
0xc6: {  	[dreg:$0x0] =	wrdreg $0xFFFFFFFF;
	(pc) =	sbr.abs _section_cstart, $3  }
0xc7: {  	[dreg:$0x1] =	wrdreg $0xFFFFFFFF  }
0xc8: {  	_ =	task.clear_ibuf [dreg:s8], $0x2FFFF;
	_ =	strace $0x9FFFFFFF  }
0xc9: {  	(tm) =	ssettm $0x7FFFFFFF  }
tec
execute0_lowered:
.L_overlay_start_1:
0x0: {  	(tag) =	ssettag $0x1  }
0x1: {  	s25 =	rddreg [dreg:$0x0]  }
0x2: {  	s0 =	rddreg [dreg:$0x1]  }
0x3: {  	s9 =	rddreg [dreg:$0x2];
	s1 =	srdreg.scid  }
0x4: {  	s2 =	stileid.u32;
	s22 =	simm.s32 $0x0;
	s1 =	sand.u32 $0x1, s1  }
0x5: {  	s2 =	sshll.u32 s2, $0x1;
	[smem:$0x7FF] =	sst s22;
	s14 =	sadd.s32 $0x200, s25  }
0x6: {  	s10 =	sadd.s32 $0x400, s25;
	s11 =	sadd.s32 $0x800, s25;
	s12 =	sadd.s32 $0xA00, s25  }
0x7: {  	s15 =	sadd.s32 $0xE00, s25;
	s16 =	sadd.s32 $0x1000, s25;
	s17 =	sadd.s32 $0x1200, s25  }
0x8: {  	s18 =	sadd.s32 $0x1400, s25;
	s19 =	sadd.s32 $0x1600, s25;
	s20 =	sadd.s32 $0x1800, s25  }
0x9: {  	s21 =	sadd.s32 $0x1A00, s25;
	s23 =	sadd.s32 $0x1C00, s25;
	s29 =	sadd.s32 $0x40, s9  }
0xa: {  	s24 =	sadd.s32 $0x1E00, s25;
	_ =	strace $0x80000047;
	[dreg:$0xb] =	wrdreg s29  }
0xb: {  	s2 =	sor.u32 s1, s2;
	s1 =	ssub.s32 $0x2, s1;
	[dreg:$0x6] =	wrdreg s12  }
0xc: {  	s3 =	sshll.u32 s2, $0xA;
	s4 =	sshll.u32 s2, $0x5;
	s5 =	sshll.u32 s2, $0x1  }
0xd: {  	s6 =	sshll.u32 s2, $0x9;
	s7 =	sshrl.u32 s1, $0x1;
	s30 =	sshll.u32 s2, $0x12  }
0xe: {  	s2 =	simm.s32 $0x5;
	s3 =	sadd.s32 s3, s0;
	s4 =	sadd.s32 s4, s0  }
0xf: {  	s5 =	sadd.s32 s5, s0;
	s31 =	sadd.s32 s9, s30;
	[dreg:$0x7] =	wrdreg s30  }
0x10: {  	s0 =	sadd.s32 s6, s0;
	s3 =	sadd.s32 $0x1000, s3;
	[dreg:$0xc] =	wrdreg s31  }
0x11: {  	s1 =	ssub.s32 s1, s7;
	s13 =	sadd.s32 $0xC00, s4;
	[dreg:$0x4] =	wrdreg s3  }
0x12: {  	s7 =	sadd.s32 $0x600, s25;
	s26 =	sadd.s32 $0xD000, s5;
	[dreg:$0x5] =	wrdreg s13  }
0x13: {  	v0 =	vlaneseq.u32;
	s9 =	smov.u32 s14;
	s0 =	sadd.s32 $0x9000, s0;
	[dreg:$0x8] =	wrdreg s26  }
0x14: {  	v2 =	vshrl.u32 v0, $0x2;
	s14 =	simm.s32 $0x4;
	s28 =	smax.u32 s1, $0x1;
	[dreg:$0x9] =	wrdreg s0  }
0x15: {  	vm0 =	vmmov $0xffff;
	v1 =	vand.u32 $0x3, v0;
	v2 =	vmul.u32 $0x8, v2;
	s1 =	simm.s32 $0x0;
	s13 =	sadd.s32 $0xC00, s25;
	[dreg:$0xa] =	wrdreg s28  }
.LBB2_1:
0x16: {  	[dreg:$0xd] =	wrdreg s1  }
0x17: {  	s0 =	rddreg [dreg:$0x4];
	s3 =	simm.s32 $0x10000  }
0x18: {  	[tilespmem:s3], [sflag:$0x5] =	stream.linear.gather [hbm4b:s0+s22], $0x2000, $0x38;
	[tilespmem:$0x13180] =	vst v63  }
0x19: {  	_ =	swait.ge [sflag:s2], $0x2000  }
0x1a: {  	[sflag:s2] =	ssyncset.done $0x0  }
0x1b: {  	s5 =	simm.s32 $0x12000;
	s4 =	rddreg [dreg:$0x5];
	[sflag:s2] =	ssyncadd.s32 $0xFFFFE000  }
0x1c: {  	[tilespmem:s5], [sflag:$0x5] =	stream.linear.gather [hbm4b:s4+s22], $0x100, $0x38;
	[tilespmem:$0x13180] =	vst v63  }
0x1d: {  	_ =	swait.ge [sflag:s2], $0x100  }
0x1e: {  	[sflag:s2] =	ssyncset.done $0x0  }
0x1f: {  	[sflag:s2] =	ssyncadd.s32 $0xFFFFFF00  }
0x20: {  	v3 =	vld.msk [tilespmem:$0x10000], $0xf;
	_ =	sdelay $0x4  }
0x21: {  	v4 =	vshll.u32 v3, $0x6  }
0x22: {  	v3 =	vand.u32 $0x7, v3;
	v4 =	vand.u32 $0xFFFFFE00, v4  }
0x23: {  	v3 =	vor.u32 v3, v4  }
0x24: {  	v3 =	vperm.xlane v3, v1;
	_ =	sdelay $0x1  }
0x25: {  	v3 =	vadd.s32 v2, v3;
	_ =	sdelay $0x4  }
0x26: {  	[tilespmem:s22], [sflag:$0x1] =	stream.indirect_vreg.gather [hbm4b:s25+s22], $0x80, v3, vm0, $0xb8;
	[tilespmem:$0x13180] =	vst v63  }
0x27: {  	s6 =	simm.s32 $0x800  }
0x28: {  	[tilespmem:s6], [sflag:$0x1] =	stream.indirect_vreg.gather [hbm4b:s9+s22], $0x80, v3, vm0, $0xb8;
	[tilespmem:$0x13180] =	vst v63  }
0x29: {  	s8 =	simm.s32 $0x1000  }
0x2a: {  	[tilespmem:s8], [sflag:$0x1] =	stream.indirect_vreg.gather [hbm4b:s10+s22], $0x80, v3, vm0, $0xb8;
	[tilespmem:$0x13180] =	vst v63  }
0x2b: {  	s26 =	simm.s32 $0x1800  }
0x2c: {  	[tilespmem:s26], [sflag:$0x1] =	stream.indirect_vreg.gather [hbm4b:s7+s22], $0x80, v3, vm0, $0xb8;
	[tilespmem:$0x13180] =	vst v63  }
0x2d: {  	s28 =	simm.s32 $0x2000  }
0x2e: {  	[tilespmem:s28], [sflag:$0x1] =	stream.indirect_vreg.gather [hbm4b:s11+s22], $0x80, v3, vm0, $0xb8;
	[tilespmem:$0x13180] =	vst v63  }
0x2f: {  	s31 =	simm.s32 $0x2800  }
0x30: {  	[tilespmem:s31], [sflag:$0x1] =	stream.indirect_vreg.gather [hbm4b:s12+s22], $0x80, v3, vm0, $0xb8;
	[tilespmem:$0x13180] =	vst v63  }
0x31: {  	s1 =	simm.s32 $0x3000  }
0x32: {  	[tilespmem:s1], [sflag:$0x1] =	stream.indirect_vreg.gather [hbm4b:s13+s22], $0x80, v3, vm0, $0xb8;
	[tilespmem:$0x13180] =	vst v63  }
0x33: {  	s2 =	simm.s32 $0x3800  }
0x34: {  	[tilespmem:s2], [sflag:$0x1] =	stream.indirect_vreg.gather [hbm4b:s15+s22], $0x80, v3, vm0, $0xb8;
	[tilespmem:$0x13180] =	vst v63  }
0x35: {  	s3 =	simm.s32 $0x4000  }
0x36: {  	[tilespmem:s3], [sflag:$0x1] =	stream.indirect_vreg.gather [hbm4b:s16+s22], $0x80, v3, vm0, $0xb8;
	[tilespmem:$0x13180] =	vst v63  }
0x37: {  	s4 =	simm.s32 $0x4800  }
0x38: {  	[tilespmem:s4], [sflag:$0x1] =	stream.indirect_vreg.gather [hbm4b:s17+s22], $0x80, v3, vm0, $0xb8;
	[tilespmem:$0x13180] =	vst v63  }
0x39: {  	s5 =	simm.s32 $0x5000  }
0x3a: {  	[tilespmem:s5], [sflag:$0x1] =	stream.indirect_vreg.gather [hbm4b:s18+s22], $0x80, v3, vm0, $0xb8;
	[tilespmem:$0x13180] =	vst v63  }
0x3b: {  	s6 =	simm.s32 $0x5800  }
0x3c: {  	[tilespmem:s6], [sflag:$0x1] =	stream.indirect_vreg.gather [hbm4b:s19+s22], $0x80, v3, vm0, $0xb8;
	[tilespmem:$0x13180] =	vst v63  }
0x3d: {  	s8 =	simm.s32 $0x6000  }
0x3e: {  	[tilespmem:s8], [sflag:$0x1] =	stream.indirect_vreg.gather [hbm4b:s20+s22], $0x80, v3, vm0, $0xb8;
	[tilespmem:$0x13180] =	vst v63  }
0x3f: {  	s26 =	simm.s32 $0x6800  }
0x40: {  	[tilespmem:s26], [sflag:$0x1] =	stream.indirect_vreg.gather [hbm4b:s21+s22], $0x80, v3, vm0, $0xb8;
	[tilespmem:$0x13180] =	vst v63  }
0x41: {  	s28 =	simm.s32 $0x7000  }
0x42: {  	[tilespmem:s28], [sflag:$0x1] =	stream.indirect_vreg.gather [hbm4b:s23+s22], $0x80, v3, vm0, $0xb8;
	[tilespmem:$0x13180] =	vst v63  }
0x43: {  	s29 =	simm.s32 $0x0;
	s31 =	simm.s32 $0x7800  }
0x44: {  	v5 =	vimm.f32 $0.0e+00;
	[tilespmem:s31], [sflag:$0x1] =	stream.indirect_vreg.gather [hbm4b:s24+s22], $0x80, v3, vm0, $0xb8;
	v3 =	vimm.f32 $0.0e+00;
	[tilespmem:$0x13180] =	vst v63  }
.LBB2_2:
0x45: {  	s0 =	sshll.u32 s29, $0x4  }
0x46: {  	s1 =	simm.s32 $0x1;
	s0 =	sand.u32 $0x3FFFFFF0, s0  }
0x47: {  	v4 =	vld [tilespmem:s0+$0x12000];
	_ =	swait.ge [sflag:s1], $0x8000  }
0x48: {  	s31 =	sshll.u32 s29, $0x9;
	[sflag:s1] =	ssyncset.done $0x0  }
0x49: {  	s6 =	sand.u32 $0x3FFFFE00, s31;
	[sflag:s1] =	ssyncadd.s32 $0xFFFF8000  }
0x4a: {  	v6 =	vld.msk [tilespmem:s6+$0x10080], $0xf;
	_ =	sdelay $0x4  }
0x4b: {  	v7 =	vshll.u32 v6, $0x6  }
0x4c: {  	v6 =	vand.u32 $0x7, v6;
	v7 =	vand.u32 $0xFFFFFE00, v7  }
0x4d: {  	v6 =	vor.u32 v6, v7  }
0x4e: {  	v6 =	vperm.xlane v6, v1;
	_ =	sdelay $0x1  }
0x4f: {  	v6 =	vadd.s32 v2, v6;
	_ =	sdelay $0x3  }
0x50: {  	s2 =	simm.s32 $0x8000;
	s0 =	simm.s32 $0x0  }
0x51: {  	[tilespmem:s2], [sflag:$0x2] =	stream.indirect_vreg.gather [hbm4b:s25+s0], $0x80, v6, vm0, $0xb8;
	[tilespmem:$0x13180] =	vst v63  }
0x52: {  	s3 =	simm.s32 $0x8800  }
0x53: {  	[tilespmem:s3], [sflag:$0x2] =	stream.indirect_vreg.gather [hbm4b:s9+s0], $0x80, v6, vm0, $0xb8;
	[tilespmem:$0x13180] =	vst v63  }
0x54: {  	s4 =	simm.s32 $0x9000  }
0x55: {  	[tilespmem:s4], [sflag:$0x2] =	stream.indirect_vreg.gather [hbm4b:s10+s0], $0x80, v6, vm0, $0xb8;
	[tilespmem:$0x13180] =	vst v63  }
0x56: {  	s5 =	simm.s32 $0x9800  }
0x57: {  	[tilespmem:s5], [sflag:$0x2] =	stream.indirect_vreg.gather [hbm4b:s7+s0], $0x80, v6, vm0, $0xb8;
	[tilespmem:$0x13180] =	vst v63  }
0x58: {  	s8 =	simm.s32 $0xA000  }
0x59: {  	[tilespmem:s8], [sflag:$0x2] =	stream.indirect_vreg.gather [hbm4b:s11+s0], $0x80, v6, vm0, $0xb8;
	[tilespmem:$0x13180] =	vst v63  }
0x5a: {  	s22 =	simm.s32 $0xA800  }
0x5b: {  	[tilespmem:s22], [sflag:$0x2] =	stream.indirect_vreg.gather [hbm4b:s12+s0], $0x80, v6, vm0, $0xb8;
	[tilespmem:$0x13180] =	vst v63  }
0x5c: {  	s26 =	simm.s32 $0xB000  }
0x5d: {  	[tilespmem:s26], [sflag:$0x2] =	stream.indirect_vreg.gather [hbm4b:s13+s0], $0x80, v6, vm0, $0xb8;
	[tilespmem:$0x13180] =	vst v63  }
0x5e: {  	s28 =	simm.s32 $0xB800  }
0x5f: {  	[tilespmem:s28], [sflag:$0x2] =	stream.indirect_vreg.gather [hbm4b:s15+s0], $0x80, v6, vm0, $0xb8;
	[tilespmem:$0x13180] =	vst v63  }
0x60: {  	s31 =	simm.s32 $0xC000  }
0x61: {  	[tilespmem:s31], [sflag:$0x2] =	stream.indirect_vreg.gather [hbm4b:s16+s0], $0x80, v6, vm0, $0xb8;
	[tilespmem:$0x13180] =	vst v63  }
0x62: {  	s2 =	simm.s32 $0xC800  }
0x63: {  	[tilespmem:s2], [sflag:$0x2] =	stream.indirect_vreg.gather [hbm4b:s17+s0], $0x80, v6, vm0, $0xb8;
	[tilespmem:$0x13180] =	vst v63  }
0x64: {  	s3 =	simm.s32 $0xD000  }
0x65: {  	[tilespmem:s3], [sflag:$0x2] =	stream.indirect_vreg.gather [hbm4b:s18+s0], $0x80, v6, vm0, $0xb8;
	[tilespmem:$0x13180] =	vst v63  }
0x66: {  	s4 =	simm.s32 $0xD800  }
0x67: {  	[tilespmem:s4], [sflag:$0x2] =	stream.indirect_vreg.gather [hbm4b:s19+s0], $0x80, v6, vm0, $0xb8;
	[tilespmem:$0x13180] =	vst v63  }
0x68: {  	s5 =	simm.s32 $0xE000  }
0x69: {  	[tilespmem:s5], [sflag:$0x2] =	stream.indirect_vreg.gather [hbm4b:s20+s0], $0x80, v6, vm0, $0xb8;
	[tilespmem:$0x13180] =	vst v63  }
0x6a: {  	s8 =	simm.s32 $0xE800  }
0x6b: {  	[tilespmem:s8], [sflag:$0x2] =	stream.indirect_vreg.gather [hbm4b:s21+s0], $0x80, v6, vm0, $0xb8;
	[tilespmem:$0x13180] =	vst v63  }
0x6c: {  	s22 =	simm.s32 $0xF000;
	s26 =	simm.s32 $0xF800;
	s28 =	sshll.u32 s29, $0xE  }
0x6d: {  	[tilespmem:s22], [sflag:$0x2] =	stream.indirect_vreg.gather [hbm4b:s23+s0], $0x80, v6, vm0, $0xb8;
	[tilespmem:$0x13180] =	vst v63  }
0x6e: {  	s1 =	sadd.s32 s30, s28;
	s31 =	simm.s32 $0x0;
	s2 =	rddreg [dreg:$0x2]  }
0x6f: {  	[tilespmem:s26], [sflag:$0x2] =	stream.indirect_vreg.gather [hbm4b:s24+s0], $0x80, v6, vm0, $0xb8;
	[tilespmem:$0x13180] =	vst v63  }
0x70: {  	s2 =	sadd.s32 s2, s1;
	s3 =	simm.s32 $0x200;
	s4 =	simm.s32 $0x400  }
0x71: {  	[hbm4b:s2+s3] =	stream.strided.scatter [tilespmem:s0], [sflag:$0x3], $0x8000, s4, s3, $0x38;
	[tilespmem:$0x13180] =	vst v63  }
0x72: {  	v6 =	vld [tilespmem:s31+$0x0]  }
0x73: {  	v7 =	vld [tilespmem:s31+$0x10];
	_ =	sdelay $0x1  }
0x74: {  	v8 =	vld [tilespmem:s31+$0x20];
	_ =	sdelay $0x1  }
0x75: {  	v6 =	vmul.f32 $1.442695020e+00, v6  }
0x76: {  	v9 =	vld [tilespmem:s31+$0x30];
	v7 =	vmul.f32 $1.442695020e+00, v7  }
0x77: {  	(erf) = vpow2.f32 v6;
	v6 =	vld [tilespmem:s31+$0x40]  }
0x78: {  	v8 =	vmul.f32 $1.442695020e+00, v8;
	(erf) = vpow2.f32 v7;
	v7 =	vld [tilespmem:s31+$0x50];
	_ =	sdelay $0x1  }
0x79: {  	(erf) = vpow2.f32 v8;
	v8 =	vld [tilespmem:s31+$0x60];
	_ =	sdelay $0x1  }
0x7a: {  	v9 =	vmul.f32 $1.442695020e+00, v9;
	v6 =	vmul.f32 $1.442695020e+00, v6  }
0x7b: {  	v7 =	vmul.f32 $1.442695020e+00, v7  }
0x7c: {  	(erf) = vpow2.f32 v9;
	v9 =	vld [tilespmem:s31+$0x70]  }
0x7d: {  	(erf) = vpow2.f32 v6;
	v8 =	vmul.f32 $1.442695020e+00, v8  }
0x7e: {  	v6 =	vpop (erf);
	(erf) = vpow2.f32 v7  }
0x7f: {  	v6 =	vadd.f32 v6, v3;
	v7 =	vpop (erf);
	(erf) = vpow2.f32 v8;
	v8 =	vld [tilespmem:s31+$0x200];
	_ =	sdelay $0x1  }
0x80: {  	v10 =	vld [tilespmem:s31+$0x210];
	v6 =	vadd.f32 v7, v6;
	v7 =	vmul.f32 $1.442695020e+00, v9;
	_ =	sdelay $0x1  }
0x81: {  	v9 =	vpop (erf);
	(erf) = vpow2.f32 v7;
	v7 =	vld [tilespmem:s31+$0x220]  }
0x82: {  	v11 =	vld [tilespmem:s31+$0x230];
	v6 =	vadd.f32 v9, v6;
	v8 =	vmul.f32 $1.442695020e+00, v8  }
0x83: {  	v9 =	vpop (erf)  }
0x84: {  	v10 =	vmul.f32 $1.442695020e+00, v10;
	v6 =	vadd.f32 v9, v6;
	v12 =	vpop (erf);
	(erf) = vpow2.f32 v8  }
0x85: {  	v9 =	vld [tilespmem:s31+$0x240]  }
0x86: {  	v6 =	vadd.f32 v12, v6;
	(erf) = vpow2.f32 v10;
	v7 =	vmul.f32 $1.442695020e+00, v7  }
0x87: {  	v63 =	vld [tilespmem:s31+$0x250];
	v8 =	vmul.f32 $1.442695020e+00, v11;
	v13 =	vpop (erf)  }
0x88: {  	v10 =	vpop (erf);
	v6 =	vadd.f32 v13, v6;
	(erf) = vpow2.f32 v7  }
0x89: {  	v7 =	vld [tilespmem:s31+$0x260]  }
0x8a: {  	v11 =	vmul.f32 $1.442695020e+00, v9;
	v10 =	vadd.f32 v10, v6;
	(erf) = vpow2.f32 v8  }
0x8b: {  	v6 =	vld [tilespmem:s31+$0x270];
	v8 =	vpop (erf)  }
0x8c: {  	s0 =	simm.s32 $0x400;
	s2 =	simm.s32 $0x2000;
	(erf) = vpow2.f32 v11;
	v9 =	vadd.f32 v8, v10;
	v8 =	vmul.f32 $1.442695020e+00, v63  }
.LBB2_3:
0x8d: {  	p0 =	sne.s32 s2, $0x1F000;
	v10 =	vld [tilespmem:s0+$0x0];
	v11 =	vpop (erf)  }
0x8e: {  	v9 =	vadd.f32 v11, v9;
	v7 =	vmul.f32 $1.442695020e+00, v7;
	(erf) = vpow2.f32 v8  }
0x8f: {  	v8 =	vld [tilespmem:s0+$0x10];
	v11 =	vpop (erf)  }
0x90: {  	v9 =	vadd.f32 v11, v9;
	v6 =	vmul.f32 $1.442695020e+00, v6;
	(erf) = vpow2.f32 v7  }
0x91: {  	v7 =	vld [tilespmem:s0+$0x20];
	v11 =	vpop (erf)  }
0x92: {  	v10 =	vmul.f32 $1.442695020e+00, v10;
	v9 =	vadd.f32 v11, v9;
	(erf) = vpow2.f32 v6  }
0x93: {  	v6 =	vld [tilespmem:s0+$0x30];
	v11 =	vpop (erf)  }
0x94: {  	v8 =	vmul.f32 $1.442695020e+00, v8;
	(erf) = vpow2.f32 v10;
	v9 =	vadd.f32 v11, v9  }
0x95: {  	v10 =	vld [tilespmem:s0+$0x40];
	v11 =	vpop (erf)  }
0x96: {  	v7 =	vmul.f32 $1.442695020e+00, v7;
	(erf) = vpow2.f32 v8;
	v8 =	vadd.f32 v11, v9  }
0x97: {  	v9 =	vld [tilespmem:s0+$0x50];
	v11 =	vpop (erf)  }
0x98: {  	v6 =	vmul.f32 $1.442695020e+00, v6;
	(erf) = vpow2.f32 v7;
	v7 =	vadd.f32 v11, v8  }
0x99: {  	v8 =	vld [tilespmem:s0+$0x60];
	v11 =	vpop (erf)  }
0x9a: {  	v10 =	vmul.f32 $1.442695020e+00, v10;
	(erf) = vpow2.f32 v6;
	v6 =	vadd.f32 v11, v7  }
0x9b: {  	v7 =	vld [tilespmem:s0+$0x70];
	v11 =	vpop (erf)  }
0x9c: {  	v9 =	vmul.f32 $1.442695020e+00, v9;
	(erf) = vpow2.f32 v10;
	v6 =	vadd.f32 v11, v6  }
0x9d: {  	v10 =	vld [tilespmem:s0+$0x200];
	v11 =	vpop (erf)  }
0x9e: {  	v6 =	vadd.f32 v11, v6;
	v8 =	vmul.f32 $1.442695020e+00, v8;
	(erf) = vpow2.f32 v9  }
0x9f: {  	v9 =	vld [tilespmem:s0+$0x210];
	v11 =	vpop (erf)  }
0xa0: {  	v6 =	vadd.f32 v11, v6;
	v7 =	vmul.f32 $1.442695020e+00, v7;
	(erf) = vpow2.f32 v8  }
0xa1: {  	v8 =	vld [tilespmem:s0+$0x220];
	v11 =	vpop (erf)  }
0xa2: {  	v6 =	vadd.f32 v11, v6;
	v10 =	vmul.f32 $1.442695020e+00, v10;
	(erf) = vpow2.f32 v7  }
0xa3: {  	v7 =	vld [tilespmem:s0+$0x230];
	v11 =	vpop (erf)  }
0xa4: {  	v6 =	vadd.f32 v11, v6;
	v12 =	vmul.f32 $1.442695020e+00, v9;
	(erf) = vpow2.f32 v10  }
0xa5: {  	v10 =	vld [tilespmem:s0+$0x240];
	v11 =	vpop (erf)  }
0xa6: {  	v6 =	vadd.f32 v11, v6;
	v13 =	vmul.f32 $1.442695020e+00, v8;
	(erf) = vpow2.f32 v12  }
0xa7: {  	v11 =	vld [tilespmem:s0+$0x250];
	v9 =	vpop (erf)  }
.Ltmp0:
0xa8: {  	v6 =	vadd.f32 v9, v6;
	v12 =	vmul.f32 $1.442695020e+00, v7;
	(erf) = vpow2.f32 v13;
	(pc) =	sbr.rel @p0 .LBB2_3-.Ltmp0, $4  }
0xa9: {  	v7 =	vld [tilespmem:s0+$0x260];
	v8 =	vpop (erf)  }
0xaa: {  	v8 =	vadd.f32 v8, v6;
	v10 =	vmul.f32 $1.442695020e+00, v10;
	(erf) = vpow2.f32 v12  }
0xab: {  	v6 =	vld [tilespmem:s0+$0x270];
	v9 =	vpop (erf)  }
0xac: {  	s0 =	sshra.s32 s2, $0x2;
	s2 =	sadd.s32 $0x1000, s2;
	v9 =	vadd.f32 v9, v8;
	v8 =	vmul.f32 $1.442695020e+00, v11;
	(erf) = vpow2.f32 v10  }
0xad: {  	v10 =	vld [tilespmem:s0+$0x0];
	v11 =	vpop (erf)  }
0xae: {  	v9 =	vadd.f32 v11, v9;
	v7 =	vmul.f32 $1.442695020e+00, v7;
	(erf) = vpow2.f32 v8  }
0xaf: {  	v8 =	vld [tilespmem:s0+$0x10];
	v11 =	vpop (erf)  }
0xb0: {  	v9 =	vadd.f32 v11, v9;
	v6 =	vmul.f32 $1.442695020e+00, v6;
	(erf) = vpow2.f32 v7  }
0xb1: {  	v7 =	vld [tilespmem:s0+$0x20];
	v11 =	vpop (erf)  }
0xb2: {  	v10 =	vmul.f32 $1.442695020e+00, v10;
	v9 =	vadd.f32 v11, v9;
	(erf) = vpow2.f32 v6  }
0xb3: {  	v6 =	vld [tilespmem:s0+$0x30];
	v11 =	vpop (erf)  }
0xb4: {  	v8 =	vmul.f32 $1.442695020e+00, v8;
	(erf) = vpow2.f32 v10;
	v9 =	vadd.f32 v11, v9  }
0xb5: {  	v10 =	vld [tilespmem:s0+$0x40];
	v11 =	vpop (erf)  }
0xb6: {  	v7 =	vmul.f32 $1.442695020e+00, v7;
	(erf) = vpow2.f32 v8;
	v8 =	vadd.f32 v11, v9  }
0xb7: {  	v9 =	vld [tilespmem:s0+$0x50];
	v11 =	vpop (erf)  }
0xb8: {  	v6 =	vmul.f32 $1.442695020e+00, v6;
	(erf) = vpow2.f32 v7;
	v7 =	vadd.f32 v11, v8  }
0xb9: {  	v8 =	vld [tilespmem:s0+$0x60];
	v11 =	vpop (erf)  }
0xba: {  	v10 =	vmul.f32 $1.442695020e+00, v10;
	(erf) = vpow2.f32 v6;
	v6 =	vadd.f32 v11, v7  }
0xbb: {  	v7 =	vld [tilespmem:s0+$0x70];
	v11 =	vpop (erf)  }
0xbc: {  	v9 =	vmul.f32 $1.442695020e+00, v9;
	(erf) = vpow2.f32 v10;
	v6 =	vadd.f32 v11, v6  }
0xbd: {  	v10 =	vld [tilespmem:s0+$0x200];
	v11 =	vpop (erf)  }
0xbe: {  	v8 =	vmul.f32 $1.442695020e+00, v8;
	(erf) = vpow2.f32 v9;
	v6 =	vadd.f32 v11, v6  }
0xbf: {  	v9 =	vld [tilespmem:s0+$0x210];
	v11 =	vpop (erf)  }
0xc0: {  	v7 =	vmul.f32 $1.442695020e+00, v7;
	(erf) = vpow2.f32 v8;
	v6 =	vadd.f32 v11, v6  }
0xc1: {  	v8 =	vld [tilespmem:s0+$0x220];
	v11 =	vpop (erf)  }
0xc2: {  	v10 =	vmul.f32 $1.442695020e+00, v10;
	(erf) = vpow2.f32 v7;
	v6 =	vadd.f32 v11, v6  }
0xc3: {  	v7 =	vld [tilespmem:s0+$0x230];
	v11 =	vpop (erf)  }
0xc4: {  	v9 =	vmul.f32 $1.442695020e+00, v9;
	(erf) = vpow2.f32 v10;
	v10 =	vld [tilespmem:s0+$0x240];
	v6 =	vadd.f32 v11, v6  }
0xc5: {  	v11 =	vpop (erf)  }
0xc6: {  	v8 =	vmul.f32 $1.442695020e+00, v8;
	(erf) = vpow2.f32 v9;
	v9 =	vld [tilespmem:s0+$0x250];
	v6 =	vadd.f32 v11, v6  }
0xc7: {  	v11 =	vpop (erf)  }
0xc8: {  	v7 =	vmul.f32 $1.442695020e+00, v7;
	(erf) = vpow2.f32 v8;
	v8 =	vld [tilespmem:s0+$0x260];
	v6 =	vadd.f32 v11, v6  }
0xc9: {  	v10 =	vmul.f32 $1.442695020e+00, v10;
	v11 =	vpop (erf)  }
0xca: {  	(erf) = vpow2.f32 v7;
	v7 =	vld [tilespmem:s0+$0x270];
	v6 =	vadd.f32 v11, v6  }
0xcb: {  	v9 =	vmul.f32 $1.442695020e+00, v9;
	v11 =	vpop (erf)  }
0xcc: {  	(erf) = vpow2.f32 v10;
	v6 =	vadd.f32 v11, v6  }
0xcd: {  	v10 =	vpop (erf);
	v8 =	vmul.f32 $1.442695020e+00, v8  }
0xce: {  	(erf) = vpow2.f32 v9;
	v6 =	vadd.f32 v10, v6  }
0xcf: {  	v9 =	vpop (erf);
	v7 =	vmul.f32 $1.442695020e+00, v7  }
0xd0: {  	(erf) = vpow2.f32 v8;
	v6 =	vadd.f32 v9, v6  }
0xd1: {  	v8 =	vpop (erf)  }
0xd2: {  	(erf) = vpow2.f32 v7;
	v6 =	vadd.f32 v8, v6  }
0xd3: {  	v7 =	vpop (erf)  }
0xd4: {  	v6 =	vadd.f32 v7, v6  }
0xd5: {  	v7 =	vpop (erf)  }
0xd6: {  	v6 =	vadd.f32 v7, v6  }
0xd7: {  	v7 =	vpop (erf)  }
0xd8: {  	v6 =	vadd.f32 v7, v6  }
0xd9: {  	v7 =	vpop (erf)  }
0xda: {  	v6 =	vadd.f32 v7, v6  }
0xdb: {  	v7 =	vpop (erf)  }
0xdc: {  	s30 =	sshll.u32 s29, $0x8;
	v6 =	vadd.f32 v7, v6  }
0xdd: {  	s28 =	sand.u32 $0x3FFFFF00, s30  }
0xde: {  	s31 =	simm.s32 $0x0;
	[tilespmem:s28+$0x12180] =	vst v6  }
0xdf: {  	v6 =	vld [tilespmem:s31+$0x80]  }
0xe0: {  	v7 =	vld [tilespmem:s31+$0x90];
	_ =	sdelay $0x1  }
0xe1: {  	v8 =	vld [tilespmem:s31+$0xA0];
	_ =	sdelay $0x1  }
0xe2: {  	v9 =	vld [tilespmem:s31+$0xB0];
	v6 =	vmul.f32 $1.442695020e+00, v6  }
0xe3: {  	v7 =	vmul.f32 $1.442695020e+00, v7  }
0xe4: {  	(erf) = vpow2.f32 v6;
	v6 =	vld [tilespmem:s31+$0xC0]  }
0xe5: {  	v8 =	vmul.f32 $1.442695020e+00, v8;
	(erf) = vpow2.f32 v7;
	v7 =	vld [tilespmem:s31+$0xD0];
	_ =	sdelay $0x1  }
0xe6: {  	v9 =	vmul.f32 $1.442695020e+00, v9;
	(erf) = vpow2.f32 v8;
	v8 =	vld [tilespmem:s31+$0xE0];
	_ =	sdelay $0x1  }
0xe7: {  	(erf) = vpow2.f32 v9  }
0xe8: {  	(v2sf) =	vpush v4, $0x0;
	v6 =	vmul.f32 $1.442695020e+00, v6;
	v7 =	vmul.f32 $1.442695020e+00, v7  }
0xe9: {  	v9 =	vld [tilespmem:s31+$0xF0]  }
0xea: {  	(erf) = vpow2.f32 v6;
	v8 =	vmul.f32 $1.442695020e+00, v8  }
0xeb: {  	v6 =	vimm.f32 $0.0e+00;
	(erf) = vpow2.f32 v7;
	v10 =	vpop (erf)  }
0xec: {  	v6 =	vadd.f32 v10, v6;
	v7 =	vpop (erf);
	(erf) = vpow2.f32 v8;
	v8 =	vld [tilespmem:s31+$0x280];
	_ =	sdelay $0x1  }
0xed: {  	v10 =	vld [tilespmem:s31+$0x290];
	v6 =	vadd.f32 v7, v6;
	v7 =	vmul.f32 $1.442695020e+00, v9  }
0xee: {  	v9 =	vpop (erf)  }
0xef: {  	v6 =	vadd.f32 v9, v6;
	(erf) = vpow2.f32 v7;
	v7 =	vld [tilespmem:s31+$0x2A0]  }
0xf0: {  	v9 =	vpop (erf);
	v8 =	vmul.f32 $1.442695020e+00, v8  }
0xf1: {  	v11 =	vld [tilespmem:s31+$0x2B0];
	v6 =	vadd.f32 v9, v6  }
0xf2: {  	v10 =	vmul.f32 $1.442695020e+00, v10;
	v12 =	vpop (erf);
	(erf) = vpow2.f32 v8  }
0xf3: {  	v9 =	vld [tilespmem:s31+$0x2C0];
	v6 =	vadd.f32 v12, v6  }
0xf4: {  	v13 =	vpop (erf);
	(erf) = vpow2.f32 v10;
	v7 =	vmul.f32 $1.442695020e+00, v7  }
0xf5: {  	v62 =	vld [tilespmem:s31+$0x2D0];
	v8 =	vadd.f32 v13, v6  }
0xf6: {  	s3 =	spop (v2sf);
	v10 =	vmul.f32 $1.442695020e+00, v11;
	v11 =	vpop (erf);
	(erf) = vpow2.f32 v7  }
0xf7: {  	s2 =	sshll.u32 s3, $0x2;
	v11 =	vadd.f32 v11, v8;
	v8 =	vld [tilespmem:s31+$0x2E0]  }
0xf8: {  	[dreg:$0xe] =	wrdreg s3;
	s3 =	sand.u32 $0x70, s3;
	s2 =	sand.u32 $0xFFFFFE00, s2;
	v63 =	vmul.f32 $1.442695020e+00, v9;
	(erf) = vpow2.f32 v10  }
0xf9: {  	s2 =	sor.u32 s3, s2;
	v7 =	vld [tilespmem:s31+$0x2F0];
	v9 =	vpop (erf)  }
0xfa: {  	s0 =	simm.s32 $0x400;
	v6 =	vld [tilespmem:s2+$0x0];
	s2 =	simm.s32 $0x2000;
	(erf) = vpow2.f32 v63;
	v10 =	vadd.f32 v9, v11;
	v9 =	vmul.f32 $1.442695020e+00, v62  }
.LBB2_5:
0xfb: {  	p0 =	sne.s32 s2, $0x1F000;
	v11 =	vld [tilespmem:s0+$0x80];
	v12 =	vpop (erf)  }
0xfc: {  	v10 =	vadd.f32 v12, v10;
	v8 =	vmul.f32 $1.442695020e+00, v8;
	(erf) = vpow2.f32 v9  }
0xfd: {  	v9 =	vld [tilespmem:s0+$0x90];
	v12 =	vpop (erf)  }
0xfe: {  	v10 =	vadd.f32 v12, v10;
	v7 =	vmul.f32 $1.442695020e+00, v7;
	(erf) = vpow2.f32 v8  }
0xff: {  	v8 =	vld [tilespmem:s0+$0xA0];
	v12 =	vpop (erf)  }
0x100: {  	v11 =	vmul.f32 $1.442695020e+00, v11;
	v10 =	vadd.f32 v12, v10;
	(erf) = vpow2.f32 v7  }
0x101: {  	v7 =	vld [tilespmem:s0+$0xB0];
	v12 =	vpop (erf)  }
0x102: {  	v9 =	vmul.f32 $1.442695020e+00, v9;
	(erf) = vpow2.f32 v11;
	v10 =	vadd.f32 v12, v10  }
0x103: {  	v11 =	vld [tilespmem:s0+$0xC0];
	v12 =	vpop (erf)  }
0x104: {  	v8 =	vmul.f32 $1.442695020e+00, v8;
	(erf) = vpow2.f32 v9;
	v9 =	vadd.f32 v12, v10  }
0x105: {  	v10 =	vld [tilespmem:s0+$0xD0];
	v12 =	vpop (erf)  }
0x106: {  	v7 =	vmul.f32 $1.442695020e+00, v7;
	(erf) = vpow2.f32 v8;
	v8 =	vadd.f32 v12, v9  }
0x107: {  	v9 =	vld [tilespmem:s0+$0xE0];
	v12 =	vpop (erf)  }
0x108: {  	v11 =	vmul.f32 $1.442695020e+00, v11;
	(erf) = vpow2.f32 v7;
	v7 =	vadd.f32 v12, v8  }
0x109: {  	v8 =	vld [tilespmem:s0+$0xF0];
	v12 =	vpop (erf)  }
0x10a: {  	v10 =	vmul.f32 $1.442695020e+00, v10;
	(erf) = vpow2.f32 v11;
	v7 =	vadd.f32 v12, v7  }
0x10b: {  	v11 =	vld [tilespmem:s0+$0x280];
	v12 =	vpop (erf)  }
0x10c: {  	v7 =	vadd.f32 v12, v7;
	v9 =	vmul.f32 $1.442695020e+00, v9;
	(erf) = vpow2.f32 v10  }
0x10d: {  	v10 =	vld [tilespmem:s0+$0x290];
	v12 =	vpop (erf)  }
0x10e: {  	v7 =	vadd.f32 v12, v7;
	v8 =	vmul.f32 $1.442695020e+00, v8;
	(erf) = vpow2.f32 v9  }
0x10f: {  	v9 =	vld [tilespmem:s0+$0x2A0];
	v12 =	vpop (erf)  }
0x110: {  	v7 =	vadd.f32 v12, v7;
	v11 =	vmul.f32 $1.442695020e+00, v11;
	(erf) = vpow2.f32 v8  }
0x111: {  	v8 =	vld [tilespmem:s0+$0x2B0];
	v12 =	vpop (erf)  }
0x112: {  	v7 =	vadd.f32 v12, v7;
	v13 =	vmul.f32 $1.442695020e+00, v10;
	(erf) = vpow2.f32 v11  }
0x113: {  	v11 =	vld [tilespmem:s0+$0x2C0];
	v12 =	vpop (erf)  }
0x114: {  	v7 =	vadd.f32 v12, v7;
	v14 =	vmul.f32 $1.442695020e+00, v9;
	(erf) = vpow2.f32 v13  }
0x115: {  	v12 =	vld [tilespmem:s0+$0x2D0];
	v10 =	vpop (erf)  }
.Ltmp1:
0x116: {  	v7 =	vadd.f32 v10, v7;
	v13 =	vmul.f32 $1.442695020e+00, v8;
	(erf) = vpow2.f32 v14;
	(pc) =	sbr.rel @p0 .LBB2_5-.Ltmp1, $4  }
0x117: {  	v8 =	vld [tilespmem:s0+$0x2E0];
	v9 =	vpop (erf)  }
0x118: {  	v9 =	vadd.f32 v9, v7;
	v11 =	vmul.f32 $1.442695020e+00, v11;
	(erf) = vpow2.f32 v13  }
0x119: {  	v7 =	vld [tilespmem:s0+$0x2F0];
	v10 =	vpop (erf)  }
0x11a: {  	s0 =	sshra.s32 s2, $0x2;
	s2 =	sadd.s32 $0x1000, s2;
	v10 =	vadd.f32 v10, v9;
	v9 =	vmul.f32 $1.442695020e+00, v12;
	(erf) = vpow2.f32 v11  }
0x11b: {  	v11 =	vld [tilespmem:s0+$0x80];
	v12 =	vpop (erf)  }
0x11c: {  	v10 =	vadd.f32 v12, v10;
	v8 =	vmul.f32 $1.442695020e+00, v8;
	(erf) = vpow2.f32 v9  }
0x11d: {  	v9 =	vld [tilespmem:s0+$0x90];
	v45 =	vpop (erf)  }
0x11e: {  	v10 =	vadd.f32 v45, v10;
	v7 =	vmul.f32 $1.442695020e+00, v7;
	(erf) = vpow2.f32 v8  }
0x11f: {  	v8 =	vld [tilespmem:s0+$0xA0];
	v46 =	vpop (erf)  }
0x120: {  	v11 =	vmul.f32 $1.442695020e+00, v11;
	v10 =	vadd.f32 v46, v10;
	(erf) = vpow2.f32 v7  }
0x121: {  	v7 =	vld [tilespmem:s0+$0xB0];
	v47 =	vpop (erf)  }
0x122: {  	v9 =	vmul.f32 $1.442695020e+00, v9;
	(erf) = vpow2.f32 v11;
	v10 =	vadd.f32 v47, v10  }
0x123: {  	v11 =	vld [tilespmem:s0+$0xC0];
	v48 =	vpop (erf)  }
0x124: {  	v8 =	vmul.f32 $1.442695020e+00, v8;
	(erf) = vpow2.f32 v9;
	v9 =	vadd.f32 v48, v10  }
0x125: {  	v10 =	vld [tilespmem:s0+$0xD0];
	v49 =	vpop (erf)  }
0x126: {  	v7 =	vmul.f32 $1.442695020e+00, v7;
	(erf) = vpow2.f32 v8;
	v8 =	vadd.f32 v49, v9  }
0x127: {  	v9 =	vld [tilespmem:s0+$0xE0];
	v50 =	vpop (erf)  }
0x128: {  	v11 =	vmul.f32 $1.442695020e+00, v11;
	(erf) = vpow2.f32 v7;
	v7 =	vadd.f32 v50, v8  }
0x129: {  	v8 =	vld [tilespmem:s0+$0xF0];
	v51 =	vpop (erf)  }
0x12a: {  	v10 =	vmul.f32 $1.442695020e+00, v10;
	(erf) = vpow2.f32 v11;
	v7 =	vadd.f32 v51, v7  }
0x12b: {  	v11 =	vld [tilespmem:s0+$0x280];
	v52 =	vpop (erf)  }
0x12c: {  	v9 =	vmul.f32 $1.442695020e+00, v9;
	(erf) = vpow2.f32 v10;
	v7 =	vadd.f32 v52, v7  }
0x12d: {  	v10 =	vld [tilespmem:s0+$0x290];
	v53 =	vpop (erf)  }
0x12e: {  	v8 =	vmul.f32 $1.442695020e+00, v8;
	(erf) = vpow2.f32 v9;
	v7 =	vadd.f32 v53, v7  }
0x12f: {  	v9 =	vld [tilespmem:s0+$0x2A0];
	v54 =	vpop (erf)  }
0x130: {  	v11 =	vmul.f32 $1.442695020e+00, v11;
	(erf) = vpow2.f32 v8;
	v7 =	vadd.f32 v54, v7  }
0x131: {  	v8 =	vld [tilespmem:s0+$0x2B0];
	v55 =	vpop (erf)  }
0x132: {  	v10 =	vmul.f32 $1.442695020e+00, v10;
	(erf) = vpow2.f32 v11;
	v11 =	vld [tilespmem:s0+$0x2C0];
	v7 =	vadd.f32 v55, v7  }
0x133: {  	v56 =	vpop (erf)  }
0x134: {  	v9 =	vmul.f32 $1.442695020e+00, v9;
	(erf) = vpow2.f32 v10;
	v10 =	vld [tilespmem:s0+$0x2D0];
	v7 =	vadd.f32 v56, v7  }
0x135: {  	v57 =	vpop (erf)  }
0x136: {  	v8 =	vmul.f32 $1.442695020e+00, v8;
	(erf) = vpow2.f32 v9;
	v9 =	vld [tilespmem:s0+$0x2E0];
	v7 =	vadd.f32 v57, v7  }
0x137: {  	v11 =	vmul.f32 $1.442695020e+00, v11;
	v58 =	vpop (erf)  }
0x138: {  	(erf) = vpow2.f32 v8;
	v8 =	vld [tilespmem:s0+$0x2F0];
	v7 =	vadd.f32 v58, v7  }
0x139: {  	v10 =	vmul.f32 $1.442695020e+00, v10;
	v59 =	vpop (erf)  }
0x13a: {  	(erf) = vpow2.f32 v11;
	v7 =	vadd.f32 v59, v7  }
0x13b: {  	v11 =	vpop (erf);
	v9 =	vmul.f32 $1.442695020e+00, v9  }
0x13c: {  	(erf) = vpow2.f32 v10;
	v7 =	vadd.f32 v11, v7  }
0x13d: {  	v10 =	vpop (erf);
	v8 =	vmul.f32 $1.442695020e+00, v8  }
0x13e: {  	(erf) = vpow2.f32 v9;
	v7 =	vadd.f32 v10, v7  }
0x13f: {  	v9 =	vpop (erf)  }
0x140: {  	(erf) = vpow2.f32 v8;
	v7 =	vadd.f32 v9, v7  }
0x141: {  	v8 =	vpop (erf)  }
0x142: {  	v7 =	vadd.f32 v8, v7  }
0x143: {  	v8 =	vpop (erf)  }
0x144: {  	v7 =	vadd.f32 v8, v7  }
0x145: {  	v8 =	vpop (erf)  }
0x146: {  	v7 =	vadd.f32 v8, v7  }
0x147: {  	v8 =	vpop (erf)  }
0x148: {  	v7 =	vadd.f32 v8, v7  }
0x149: {  	v8 =	vpop (erf)  }
0x14a: {  	v7 =	vadd.f32 v8, v7;
	_ =	sdelay $0x1  }
0x14b: {  	s31 =	simm.s32 $0x0;
	[tilespmem:s28+$0x12190] =	vst v7  }
0x14c: {  	v7 =	vld [tilespmem:s31+$0x100]  }
0x14d: {  	v8 =	vld [tilespmem:s31+$0x110];
	_ =	sdelay $0x1  }
0x14e: {  	v9 =	vld [tilespmem:s31+$0x120];
	_ =	sdelay $0x1  }
0x14f: {  	v10 =	vld [tilespmem:s31+$0x130];
	v7 =	vmul.f32 $1.442695020e+00, v7  }
0x150: {  	v8 =	vmul.f32 $1.442695020e+00, v8  }
0x151: {  	(erf) = vpow2.f32 v7;
	v7 =	vld [tilespmem:s31+$0x140]  }
0x152: {  	v9 =	vmul.f32 $1.442695020e+00, v9;
	(erf) = vpow2.f32 v8;
	v8 =	vld [tilespmem:s31+$0x150];
	_ =	sdelay $0x1  }
0x153: {  	v10 =	vmul.f32 $1.442695020e+00, v10;
	(erf) = vpow2.f32 v9;
	v9 =	vld [tilespmem:s31+$0x160];
	_ =	sdelay $0x1  }
0x154: {  	(erf) = vpow2.f32 v10  }
0x155: {  	(v2sf) =	vpush v4, $0x1;
	v7 =	vmul.f32 $1.442695020e+00, v7;
	v8 =	vmul.f32 $1.442695020e+00, v8  }
0x156: {  	v10 =	vld [tilespmem:s31+$0x170]  }
0x157: {  	(erf) = vpow2.f32 v7;
	v9 =	vmul.f32 $1.442695020e+00, v9  }
0x158: {  	v7 =	vimm.f32 $0.0e+00;
	(erf) = vpow2.f32 v8;
	v11 =	vpop (erf)  }
0x159: {  	v7 =	vadd.f32 v11, v7;
	v8 =	vpop (erf);
	(erf) = vpow2.f32 v9;
	v9 =	vld [tilespmem:s31+$0x300];
	_ =	sdelay $0x1  }
0x15a: {  	v11 =	vld [tilespmem:s31+$0x310];
	v7 =	vadd.f32 v8, v7;
	v8 =	vmul.f32 $1.442695020e+00, v10  }
0x15b: {  	v10 =	vpop (erf)  }
0x15c: {  	v7 =	vadd.f32 v10, v7;
	(erf) = vpow2.f32 v8;
	v8 =	vld [tilespmem:s31+$0x320]  }
0x15d: {  	v10 =	vpop (erf);
	v9 =	vmul.f32 $1.442695020e+00, v9  }
0x15e: {  	v60 =	vld [tilespmem:s31+$0x330];
	v7 =	vadd.f32 v10, v7  }
0x15f: {  	v11 =	vmul.f32 $1.442695020e+00, v11;
	v13 =	vpop (erf);
	(erf) = vpow2.f32 v9  }
0x160: {  	v10 =	vld [tilespmem:s31+$0x340];
	v7 =	vadd.f32 v13, v7  }
0x161: {  	v14 =	vpop (erf);
	(erf) = vpow2.f32 v11;
	v8 =	vmul.f32 $1.442695020e+00, v8  }
0x162: {  	v61 =	vld [tilespmem:s31+$0x350];
	v9 =	vadd.f32 v14, v7  }
0x163: {  	s3 =	spop (v2sf);
	v11 =	vmul.f32 $1.442695020e+00, v60;
	v62 =	vpop (erf);
	(erf) = vpow2.f32 v8  }
0x164: {  	s2 =	sshll.u32 s3, $0x2;
	v12 =	vadd.f32 v62, v9;
	v9 =	vld [tilespmem:s31+$0x360]  }
0x165: {  	[dreg:$0xf] =	wrdreg s3;
	s3 =	sand.u32 $0x70, s3;
	s2 =	sand.u32 $0xFFFFFE00, s2;
	v63 =	vmul.f32 $1.442695020e+00, v10;
	(erf) = vpow2.f32 v11  }
0x166: {  	s2 =	sor.u32 s3, s2;
	v8 =	vld [tilespmem:s31+$0x370];
	v10 =	vpop (erf)  }
0x167: {  	s0 =	simm.s32 $0x400;
	v7 =	vld [tilespmem:s2+$0x80];
	s2 =	simm.s32 $0x2000;
	(erf) = vpow2.f32 v63;
	v11 =	vadd.f32 v10, v12;
	v10 =	vmul.f32 $1.442695020e+00, v61  }
.LBB2_7:
0x168: {  	p0 =	sne.s32 s2, $0x1F000;
	v12 =	vld [tilespmem:s0+$0x100];
	v13 =	vpop (erf)  }
0x169: {  	v11 =	vadd.f32 v13, v11;
	v9 =	vmul.f32 $1.442695020e+00, v9;
	(erf) = vpow2.f32 v10  }
0x16a: {  	v10 =	vld [tilespmem:s0+$0x110];
	v13 =	vpop (erf)  }
0x16b: {  	v11 =	vadd.f32 v13, v11;
	v8 =	vmul.f32 $1.442695020e+00, v8;
	(erf) = vpow2.f32 v9  }
0x16c: {  	v9 =	vld [tilespmem:s0+$0x120];
	v13 =	vpop (erf)  }
0x16d: {  	v12 =	vmul.f32 $1.442695020e+00, v12;
	v11 =	vadd.f32 v13, v11;
	(erf) = vpow2.f32 v8  }
0x16e: {  	v8 =	vld [tilespmem:s0+$0x130];
	v13 =	vpop (erf)  }
0x16f: {  	v10 =	vmul.f32 $1.442695020e+00, v10;
	(erf) = vpow2.f32 v12;
	v11 =	vadd.f32 v13, v11  }
0x170: {  	v12 =	vld [tilespmem:s0+$0x140];
	v13 =	vpop (erf)  }
0x171: {  	v9 =	vmul.f32 $1.442695020e+00, v9;
	(erf) = vpow2.f32 v10;
	v10 =	vadd.f32 v13, v11  }
0x172: {  	v11 =	vld [tilespmem:s0+$0x150];
	v13 =	vpop (erf)  }
0x173: {  	v8 =	vmul.f32 $1.442695020e+00, v8;
	(erf) = vpow2.f32 v9;
	v9 =	vadd.f32 v13, v10  }
0x174: {  	v10 =	vld [tilespmem:s0+$0x160];
	v13 =	vpop (erf)  }
0x175: {  	v12 =	vmul.f32 $1.442695020e+00, v12;
	(erf) = vpow2.f32 v8;
	v8 =	vadd.f32 v13, v9  }
0x176: {  	v9 =	vld [tilespmem:s0+$0x170];
	v13 =	vpop (erf)  }
0x177: {  	v11 =	vmul.f32 $1.442695020e+00, v11;
	(erf) = vpow2.f32 v12;
	v8 =	vadd.f32 v13, v8  }
0x178: {  	v12 =	vld [tilespmem:s0+$0x300];
	v13 =	vpop (erf)  }
0x179: {  	v8 =	vadd.f32 v13, v8;
	v10 =	vmul.f32 $1.442695020e+00, v10;
	(erf) = vpow2.f32 v11  }
0x17a: {  	v11 =	vld [tilespmem:s0+$0x310];
	v13 =	vpop (erf)  }
0x17b: {  	v8 =	vadd.f32 v13, v8;
	v9 =	vmul.f32 $1.442695020e+00, v9;
	(erf) = vpow2.f32 v10  }
0x17c: {  	v10 =	vld [tilespmem:s0+$0x320];
	v13 =	vpop (erf)  }
0x17d: {  	v8 =	vadd.f32 v13, v8;
	v12 =	vmul.f32 $1.442695020e+00, v12;
	(erf) = vpow2.f32 v9  }
0x17e: {  	v9 =	vld [tilespmem:s0+$0x330];
	v13 =	vpop (erf)  }
0x17f: {  	v8 =	vadd.f32 v13, v8;
	v14 =	vmul.f32 $1.442695020e+00, v11;
	(erf) = vpow2.f32 v12  }
0x180: {  	v12 =	vld [tilespmem:s0+$0x340];
	v13 =	vpop (erf)  }
0x181: {  	v8 =	vadd.f32 v13, v8;
	v15 =	vmul.f32 $1.442695020e+00, v10;
	(erf) = vpow2.f32 v14  }
0x182: {  	v13 =	vld [tilespmem:s0+$0x350];
	v11 =	vpop (erf)  }
.Ltmp2:
0x183: {  	v8 =	vadd.f32 v11, v8;
	v14 =	vmul.f32 $1.442695020e+00, v9;
	(erf) = vpow2.f32 v15;
	(pc) =	sbr.rel @p0 .LBB2_7-.Ltmp2, $4  }
0x184: {  	v9 =	vld [tilespmem:s0+$0x360];
	v10 =	vpop (erf)  }
0x185: {  	v10 =	vadd.f32 v10, v8;
	v12 =	vmul.f32 $1.442695020e+00, v12;
	(erf) = vpow2.f32 v14  }
0x186: {  	v8 =	vld [tilespmem:s0+$0x370];
	v11 =	vpop (erf)  }
0x187: {  	s0 =	sshra.s32 s2, $0x2;
	s2 =	sadd.s32 $0x1000, s2;
	v11 =	vadd.f32 v11, v10;
	v10 =	vmul.f32 $1.442695020e+00, v13;
	(erf) = vpow2.f32 v12  }
0x188: {  	v12 =	vld [tilespmem:s0+$0x100];
	v13 =	vpop (erf)  }
0x189: {  	v11 =	vadd.f32 v13, v11;
	v9 =	vmul.f32 $1.442695020e+00, v9;
	(erf) = vpow2.f32 v10  }
0x18a: {  	v10 =	vld [tilespmem:s0+$0x110];
	v13 =	vpop (erf)  }
0x18b: {  	v11 =	vadd.f32 v13, v11;
	v8 =	vmul.f32 $1.442695020e+00, v8;
	(erf) = vpow2.f32 v9  }
0x18c: {  	v9 =	vld [tilespmem:s0+$0x120];
	v13 =	vpop (erf)  }
0x18d: {  	v12 =	vmul.f32 $1.442695020e+00, v12;
	v11 =	vadd.f32 v13, v11;
	(erf) = vpow2.f32 v8  }
0x18e: {  	v8 =	vld [tilespmem:s0+$0x130];
	v13 =	vpop (erf)  }
0x18f: {  	v10 =	vmul.f32 $1.442695020e+00, v10;
	(erf) = vpow2.f32 v12;
	v11 =	vadd.f32 v13, v11  }
0x190: {  	v12 =	vld [tilespmem:s0+$0x140];
	v13 =	vpop (erf)  }
0x191: {  	v9 =	vmul.f32 $1.442695020e+00, v9;
	(erf) = vpow2.f32 v10;
	v10 =	vadd.f32 v13, v11  }
0x192: {  	v11 =	vld [tilespmem:s0+$0x150];
	v13 =	vpop (erf)  }
0x193: {  	v8 =	vmul.f32 $1.442695020e+00, v8;
	(erf) = vpow2.f32 v9;
	v9 =	vadd.f32 v13, v10  }
0x194: {  	v10 =	vld [tilespmem:s0+$0x160];
	v13 =	vpop (erf)  }
0x195: {  	v12 =	vmul.f32 $1.442695020e+00, v12;
	(erf) = vpow2.f32 v8;
	v8 =	vadd.f32 v13, v9  }
0x196: {  	v9 =	vld [tilespmem:s0+$0x170];
	v13 =	vpop (erf)  }
0x197: {  	v11 =	vmul.f32 $1.442695020e+00, v11;
	(erf) = vpow2.f32 v12;
	v8 =	vadd.f32 v13, v8  }
0x198: {  	v12 =	vld [tilespmem:s0+$0x300];
	v13 =	vpop (erf)  }
0x199: {  	v10 =	vmul.f32 $1.442695020e+00, v10;
	(erf) = vpow2.f32 v11;
	v8 =	vadd.f32 v13, v8  }
0x19a: {  	v11 =	vld [tilespmem:s0+$0x310];
	v13 =	vpop (erf)  }
0x19b: {  	v9 =	vmul.f32 $1.442695020e+00, v9;
	(erf) = vpow2.f32 v10;
	v8 =	vadd.f32 v13, v8  }
0x19c: {  	v10 =	vld [tilespmem:s0+$0x320];
	v13 =	vpop (erf)  }
0x19d: {  	v12 =	vmul.f32 $1.442695020e+00, v12;
	(erf) = vpow2.f32 v9;
	v8 =	vadd.f32 v13, v8  }
0x19e: {  	v9 =	vld [tilespmem:s0+$0x330];
	v13 =	vpop (erf)  }
0x19f: {  	v11 =	vmul.f32 $1.442695020e+00, v11;
	(erf) = vpow2.f32 v12;
	v12 =	vld [tilespmem:s0+$0x340];
	v8 =	vadd.f32 v13, v8  }
0x1a0: {  	v13 =	vpop (erf)  }
0x1a1: {  	v10 =	vmul.f32 $1.442695020e+00, v10;
	(erf) = vpow2.f32 v11;
	v11 =	vld [tilespmem:s0+$0x350];
	v8 =	vadd.f32 v13, v8  }
0x1a2: {  	v13 =	vpop (erf)  }
0x1a3: {  	v9 =	vmul.f32 $1.442695020e+00, v9;
	(erf) = vpow2.f32 v10;
	v10 =	vld [tilespmem:s0+$0x360];
	v8 =	vadd.f32 v13, v8  }
0x1a4: {  	v12 =	vmul.f32 $1.442695020e+00, v12;
	v13 =	vpop (erf)  }
0x1a5: {  	(erf) = vpow2.f32 v9;
	v9 =	vld [tilespmem:s0+$0x370];
	v8 =	vadd.f32 v13, v8  }
0x1a6: {  	v11 =	vmul.f32 $1.442695020e+00, v11;
	v13 =	vpop (erf)  }
0x1a7: {  	(erf) = vpow2.f32 v12;
	v8 =	vadd.f32 v13, v8  }
0x1a8: {  	v12 =	vpop (erf);
	v10 =	vmul.f32 $1.442695020e+00, v10  }
0x1a9: {  	(erf) = vpow2.f32 v11;
	v8 =	vadd.f32 v12, v8  }
0x1aa: {  	v11 =	vpop (erf);
	v9 =	vmul.f32 $1.442695020e+00, v9  }
0x1ab: {  	(erf) = vpow2.f32 v10;
	v8 =	vadd.f32 v11, v8  }
0x1ac: {  	v10 =	vpop (erf)  }
0x1ad: {  	(erf) = vpow2.f32 v9;
	v8 =	vadd.f32 v10, v8  }
0x1ae: {  	v9 =	vpop (erf)  }
0x1af: {  	v8 =	vadd.f32 v9, v8  }
0x1b0: {  	v9 =	vpop (erf)  }
0x1b1: {  	v8 =	vadd.f32 v9, v8  }
0x1b2: {  	v9 =	vpop (erf)  }
0x1b3: {  	v8 =	vadd.f32 v9, v8  }
0x1b4: {  	v9 =	vpop (erf)  }
0x1b5: {  	v8 =	vadd.f32 v9, v8  }
0x1b6: {  	v9 =	vpop (erf)  }
0x1b7: {  	v8 =	vadd.f32 v9, v8;
	_ =	sdelay $0x1  }
0x1b8: {  	s31 =	simm.s32 $0x0;
	[tilespmem:s28+$0x121A0] =	vst v8  }
0x1b9: {  	v8 =	vld [tilespmem:s31+$0x180]  }
0x1ba: {  	v9 =	vld [tilespmem:s31+$0x190];
	_ =	sdelay $0x1  }
0x1bb: {  	v10 =	vld [tilespmem:s31+$0x1A0];
	_ =	sdelay $0x1  }
0x1bc: {  	v11 =	vld [tilespmem:s31+$0x1B0];
	v8 =	vmul.f32 $1.442695020e+00, v8  }
0x1bd: {  	v9 =	vmul.f32 $1.442695020e+00, v9  }
0x1be: {  	(erf) = vpow2.f32 v8;
	v8 =	vld [tilespmem:s31+$0x1C0]  }
0x1bf: {  	v10 =	vmul.f32 $1.442695020e+00, v10;
	(erf) = vpow2.f32 v9;
	v9 =	vld [tilespmem:s31+$0x1D0];
	_ =	sdelay $0x1  }
0x1c0: {  	v11 =	vmul.f32 $1.442695020e+00, v11;
	(erf) = vpow2.f32 v10;
	v10 =	vld [tilespmem:s31+$0x1E0];
	_ =	sdelay $0x1  }
0x1c1: {  	(erf) = vpow2.f32 v11  }
0x1c2: {  	(v2sf) =	vpush v4, $0x2;
	v8 =	vmul.f32 $1.442695020e+00, v8;
	v9 =	vmul.f32 $1.442695020e+00, v9  }
0x1c3: {  	v11 =	vld [tilespmem:s31+$0x1F0]  }
0x1c4: {  	(erf) = vpow2.f32 v8;
	v10 =	vmul.f32 $1.442695020e+00, v10  }
0x1c5: {  	v8 =	vimm.f32 $0.0e+00;
	(erf) = vpow2.f32 v9;
	v12 =	vpop (erf)  }
0x1c6: {  	v8 =	vadd.f32 v12, v8;
	v9 =	vpop (erf);
	(erf) = vpow2.f32 v10;
	v10 =	vld [tilespmem:s31+$0x380];
	_ =	sdelay $0x1  }
0x1c7: {  	v12 =	vld [tilespmem:s31+$0x390];
	v8 =	vadd.f32 v9, v8;
	v9 =	vmul.f32 $1.442695020e+00, v11  }
0x1c8: {  	v11 =	vpop (erf)  }
0x1c9: {  	v8 =	vadd.f32 v11, v8;
	(erf) = vpow2.f32 v9;
	v9 =	vld [tilespmem:s31+$0x3A0]  }
0x1ca: {  	v11 =	vpop (erf);
	v10 =	vmul.f32 $1.442695020e+00, v10  }
0x1cb: {  	v13 =	vld [tilespmem:s31+$0x3B0];
	v8 =	vadd.f32 v11, v8  }
0x1cc: {  	v12 =	vmul.f32 $1.442695020e+00, v12;
	v14 =	vpop (erf);
	(erf) = vpow2.f32 v10  }
0x1cd: {  	v11 =	vld [tilespmem:s31+$0x3C0];
	v8 =	vadd.f32 v14, v8  }
0x1ce: {  	v15 =	vpop (erf);
	(erf) = vpow2.f32 v12;
	v9 =	vmul.f32 $1.442695020e+00, v9  }
0x1cf: {  	v14 =	vld [tilespmem:s31+$0x3D0];
	v10 =	vadd.f32 v15, v8  }
0x1d0: {  	s3 =	spop (v2sf);
	v12 =	vmul.f32 $1.442695020e+00, v13;
	v13 =	vpop (erf);
	(erf) = vpow2.f32 v9  }
0x1d1: {  	s2 =	sshll.u32 s3, $0x2;
	v13 =	vadd.f32 v13, v10;
	v10 =	vld [tilespmem:s31+$0x3E0]  }
0x1d2: {  	[dreg:$0x10] =	wrdreg s3;
	s3 =	sand.u32 $0x70, s3;
	s2 =	sand.u32 $0xFFFFFE00, s2;
	v15 =	vmul.f32 $1.442695020e+00, v11;
	(erf) = vpow2.f32 v12  }
0x1d3: {  	s2 =	sor.u32 s3, s2;
	v9 =	vld [tilespmem:s31+$0x3F0];
	v11 =	vpop (erf)  }
0x1d4: {  	s0 =	simm.s32 $0x400;
	v8 =	vld [tilespmem:s2+$0x100];
	s2 =	simm.s32 $0x2000;
	(erf) = vpow2.f32 v15;
	v12 =	vadd.f32 v11, v13;
	v11 =	vmul.f32 $1.442695020e+00, v14  }
.LBB2_9:
0x1d5: {  	p0 =	sne.s32 s2, $0x1F000;
	v13 =	vld [tilespmem:s0+$0x180];
	v14 =	vpop (erf)  }
0x1d6: {  	v12 =	vadd.f32 v14, v12;
	v10 =	vmul.f32 $1.442695020e+00, v10;
	(erf) = vpow2.f32 v11  }
0x1d7: {  	v11 =	vld [tilespmem:s0+$0x190];
	v14 =	vpop (erf)  }
0x1d8: {  	v12 =	vadd.f32 v14, v12;
	v9 =	vmul.f32 $1.442695020e+00, v9;
	(erf) = vpow2.f32 v10  }
0x1d9: {  	v10 =	vld [tilespmem:s0+$0x1A0];
	v14 =	vpop (erf)  }
0x1da: {  	v13 =	vmul.f32 $1.442695020e+00, v13;
	v12 =	vadd.f32 v14, v12;
	(erf) = vpow2.f32 v9  }
0x1db: {  	v9 =	vld [tilespmem:s0+$0x1B0];
	v14 =	vpop (erf)  }
0x1dc: {  	v11 =	vmul.f32 $1.442695020e+00, v11;
	(erf) = vpow2.f32 v13;
	v12 =	vadd.f32 v14, v12  }
0x1dd: {  	v13 =	vld [tilespmem:s0+$0x1C0];
	v14 =	vpop (erf)  }
0x1de: {  	v10 =	vmul.f32 $1.442695020e+00, v10;
	(erf) = vpow2.f32 v11;
	v11 =	vadd.f32 v14, v12  }
0x1df: {  	v12 =	vld [tilespmem:s0+$0x1D0];
	v14 =	vpop (erf)  }
0x1e0: {  	v9 =	vmul.f32 $1.442695020e+00, v9;
	(erf) = vpow2.f32 v10;
	v10 =	vadd.f32 v14, v11  }
0x1e1: {  	v11 =	vld [tilespmem:s0+$0x1E0];
	v14 =	vpop (erf)  }
0x1e2: {  	v13 =	vmul.f32 $1.442695020e+00, v13;
	(erf) = vpow2.f32 v9;
	v9 =	vadd.f32 v14, v10  }
0x1e3: {  	v10 =	vld [tilespmem:s0+$0x1F0];
	v14 =	vpop (erf)  }
0x1e4: {  	v12 =	vmul.f32 $1.442695020e+00, v12;
	(erf) = vpow2.f32 v13;
	v9 =	vadd.f32 v14, v9  }
0x1e5: {  	v13 =	vld [tilespmem:s0+$0x380];
	v14 =	vpop (erf)  }
0x1e6: {  	v9 =	vadd.f32 v14, v9;
	v11 =	vmul.f32 $1.442695020e+00, v11;
	(erf) = vpow2.f32 v12  }
0x1e7: {  	v12 =	vld [tilespmem:s0+$0x390];
	v14 =	vpop (erf)  }
0x1e8: {  	v9 =	vadd.f32 v14, v9;
	v10 =	vmul.f32 $1.442695020e+00, v10;
	(erf) = vpow2.f32 v11  }
0x1e9: {  	v11 =	vld [tilespmem:s0+$0x3A0];
	v14 =	vpop (erf)  }
0x1ea: {  	v9 =	vadd.f32 v14, v9;
	v13 =	vmul.f32 $1.442695020e+00, v13;
	(erf) = vpow2.f32 v10  }
0x1eb: {  	v10 =	vld [tilespmem:s0+$0x3B0];
	v14 =	vpop (erf)  }
0x1ec: {  	v9 =	vadd.f32 v14, v9;
	v15 =	vmul.f32 $1.442695020e+00, v12;
	(erf) = vpow2.f32 v13  }
0x1ed: {  	v13 =	vld [tilespmem:s0+$0x3C0];
	v14 =	vpop (erf)  }
0x1ee: {  	v9 =	vadd.f32 v14, v9;
	v16 =	vmul.f32 $1.442695020e+00, v11;
	(erf) = vpow2.f32 v15  }
0x1ef: {  	v14 =	vld [tilespmem:s0+$0x3D0];
	v12 =	vpop (erf)  }
.Ltmp3:
0x1f0: {  	v9 =	vadd.f32 v12, v9;
	v15 =	vmul.f32 $1.442695020e+00, v10;
	(erf) = vpow2.f32 v16;
	(pc) =	sbr.rel @p0 .LBB2_9-.Ltmp3, $4  }
0x1f1: {  	v10 =	vld [tilespmem:s0+$0x3E0];
	v11 =	vpop (erf)  }
0x1f2: {  	v11 =	vadd.f32 v11, v9;
	v13 =	vmul.f32 $1.442695020e+00, v13;
	(erf) = vpow2.f32 v15  }
0x1f3: {  	v9 =	vld [tilespmem:s0+$0x3F0];
	v12 =	vpop (erf)  }
0x1f4: {  	s0 =	sshra.s32 s2, $0x2;
	s2 =	sadd.s32 $0x1000, s2;
	v12 =	vadd.f32 v12, v11;
	v11 =	vmul.f32 $1.442695020e+00, v14;
	(erf) = vpow2.f32 v13  }
0x1f5: {  	v13 =	vld [tilespmem:s0+$0x180];
	v14 =	vpop (erf)  }
0x1f6: {  	v12 =	vadd.f32 v14, v12;
	v10 =	vmul.f32 $1.442695020e+00, v10;
	(erf) = vpow2.f32 v11  }
0x1f7: {  	v11 =	vld [tilespmem:s0+$0x190];
	v14 =	vpop (erf)  }
0x1f8: {  	v12 =	vadd.f32 v14, v12;
	v9 =	vmul.f32 $1.442695020e+00, v9;
	(erf) = vpow2.f32 v10  }
0x1f9: {  	v10 =	vld [tilespmem:s0+$0x1A0];
	v14 =	vpop (erf)  }
0x1fa: {  	v13 =	vmul.f32 $1.442695020e+00, v13;
	v12 =	vadd.f32 v14, v12;
	(erf) = vpow2.f32 v9  }
0x1fb: {  	v9 =	vld [tilespmem:s0+$0x1B0];
	v14 =	vpop (erf)  }
0x1fc: {  	v11 =	vmul.f32 $1.442695020e+00, v11;
	(erf) = vpow2.f32 v13;
	v12 =	vadd.f32 v14, v12;
	v13 =	vld [tilespmem:s0+$0x1C0]  }
0x1fd: {  	v14 =	vpop (erf)  }
0x1fe: {  	v10 =	vmul.f32 $1.442695020e+00, v10;
	(erf) = vpow2.f32 v11;
	v11 =	vadd.f32 v14, v12;
	v12 =	vld [tilespmem:s0+$0x1D0]  }
0x1ff: {  	v14 =	vpop (erf)  }
0x200: {  	v9 =	vmul.f32 $1.442695020e+00, v9;
	(erf) = vpow2.f32 v10;
	v10 =	vadd.f32 v14, v11;
	v11 =	vld [tilespmem:s0+$0x1E0]  }
0x201: {  	v14 =	vpop (erf);
	v13 =	vmul.f32 $1.442695020e+00, v13  }
0x202: {  	(erf) = vpow2.f32 v9;
	v9 =	vadd.f32 v14, v10;
	v10 =	vld [tilespmem:s0+$0x1F0]  }
0x203: {  	v14 =	vpop (erf);
	v12 =	vmul.f32 $1.442695020e+00, v12  }
0x204: {  	(erf) = vpow2.f32 v13;
	v9 =	vadd.f32 v14, v9;
	v14 =	vld [tilespmem:s0+$0x380]  }
0x205: {  	v13 =	vpop (erf);
	v11 =	vmul.f32 $1.442695020e+00, v11  }
0x206: {  	v9 =	vadd.f32 v13, v9  }
0x207: {  	(erf) = vpow2.f32 v12;
	v13 =	vld [tilespmem:s0+$0x390];
	v12 =	vpop (erf);
	v10 =	vmul.f32 $1.442695020e+00, v10  }
0x208: {  	(erf) = vpow2.f32 v11;
	v9 =	vadd.f32 v12, v9  }
0x209: {  	v12 =	vld [tilespmem:s0+$0x3A0];
	v11 =	vpop (erf);
	(erf) = vpow2.f32 v10;
	v10 =	vmul.f32 $1.442695020e+00, v14  }
0x20a: {  	v9 =	vadd.f32 v11, v9  }
0x20b: {  	v11 =	vpop (erf)  }
0x20c: {  	v14 =	vld [tilespmem:s0+$0x3B0];
	v9 =	vadd.f32 v11, v9;
	v11 =	vmul.f32 $1.442695020e+00, v13  }
0x20d: {  	(erf) = vpow2.f32 v10;
	v10 =	vpop (erf)  }
0x20e: {  	v13 =	vld [tilespmem:s0+$0x3C0];
	v9 =	vadd.f32 v10, v9;
	v10 =	vmul.f32 $1.442695020e+00, v12;
	_ =	sdelay $0x1  }
0x20f: {  	(erf) = vpow2.f32 v11;
	v11 =	vpop (erf)  }
0x210: {  	v12 =	vld [tilespmem:s0+$0x3D0];
	v9 =	vadd.f32 v11, v9;
	v11 =	vmul.f32 $1.442695020e+00, v14  }
0x211: {  	(erf) = vpow2.f32 v10;
	v10 =	vpop (erf)  }
0x212: {  	v14 =	vld [tilespmem:s0+$0x3E0];
	v9 =	vadd.f32 v10, v9;
	v10 =	vmul.f32 $1.442695020e+00, v13;
	_ =	sdelay $0x1  }
0x213: {  	(erf) = vpow2.f32 v11;
	v11 =	vpop (erf)  }
0x214: {  	v13 =	vld [tilespmem:s0+$0x3F0];
	v9 =	vadd.f32 v11, v9;
	v11 =	vmul.f32 $1.442695020e+00, v12  }
0x215: {  	(v2sf) =	vpush v4, $0x3;
	(erf) = vpow2.f32 v10;
	v10 =	vpop (erf)  }
0x216: {  	v9 =	vadd.f32 v10, v9;
	v10 =	vmul.f32 $1.442695020e+00, v14  }
0x217: {  	(erf) = vpow2.f32 v11  }
0x218: {  	v11 =	vpop (erf)  }
0x219: {  	(erf) = vpow2.f32 v10;
	v9 =	vadd.f32 v11, v9;
	v11 =	vmul.f32 $1.442695020e+00, v13  }
0x21a: {  	v10 =	vpop (erf)  }
0x21b: {  	v9 =	vadd.f32 v10, v9;
	(erf) = vpow2.f32 v11  }
0x21c: {  	v10 =	vpop (erf)  }
0x21d: {  	v9 =	vadd.f32 v10, v9  }
0x21e: {  	v10 =	vpop (erf)  }
0x21f: {  	v9 =	vadd.f32 v10, v9  }
0x220: {  	v10 =	vpop (erf)  }
0x221: {  	v9 =	vadd.f32 v10, v9  }
0x222: {  	v10 =	vpop (erf)  }
0x223: {  	v9 =	vadd.f32 v10, v9  }
0x224: {  	s22 =	spop (v2sf);
	v10 =	vpop (erf)  }
0x225: {  	s26 =	sshll.u32 s22, $0x2;
	v9 =	vadd.f32 v10, v9  }
0x226: {  	s2 =	sand.u32 $0x70, s22;
	s0 =	sand.u32 $0xFFFFFE00, s26  }
0x227: {  	s30 =	simm.s32 $0x3;
	s0 =	sor.u32 s2, s0;
	[tilespmem:s28+$0x121B0] =	vst v9  }
0x228: {  	v9 =	vld [tilespmem:s0+$0x180];
	_ =	swait.ge [sflag:s30], $0x8000  }
0x229: {  	[sflag:s30] =	ssyncset.done $0x0  }
0x22a: {  	s4 =	sshll.u32 s29, $0x2;
	s0 =	simm.s32 $0x2;
	[sflag:s30] =	ssyncadd.s32 $0xFFFF8000  }
0x22b: {  	s31 =	sor.u32 $0x2, s4;
	_ =	swait.ge [sflag:s0], $0x8000  }
0x22c: {  	s3 =	sshll.u32 s31, $0x7;
	[sflag:s0] =	ssyncset.done $0x0  }
0x22d: {  	[sflag:s0] =	ssyncadd.s32 $0xFFFF8000;
	s0 =	sand.u32 $0x3FFFFF00, s3  }
0x22e: {  	v10 =	vld.msk [tilespmem:s0+$0x10000], $0xf;
	_ =	sdelay $0x4  }
0x22f: {  	v11 =	vshll.u32 v10, $0x6  }
0x230: {  	v10 =	vand.u32 $0x7, v10;
	v11 =	vand.u32 $0xFFFFFE00, v11  }
0x231: {  	v10 =	vor.u32 v10, v11  }
0x232: {  	v10 =	vperm.xlane v10, v1;
	_ =	sdelay $0x1  }
0x233: {  	v10 =	vadd.s32 v2, v10;
	_ =	sdelay $0x3  }
0x234: {  	s0 =	simm.s32 $0x0  }
0x235: {  	[tilespmem:s0], [sflag:$0x1] =	stream.indirect_vreg.gather [hbm4b:s25+s0], $0x80, v10, vm0, $0xb8;
	[tilespmem:$0x13180] =	vst v63  }
0x236: {  	s5 =	simm.s32 $0x800  }
0x237: {  	[tilespmem:s5], [sflag:$0x1] =	stream.indirect_vreg.gather [hbm4b:s9+s0], $0x80, v10, vm0, $0xb8;
	[tilespmem:$0x13180] =	vst v63  }
0x238: {  	s8 =	simm.s32 $0x1000  }
0x239: {  	[tilespmem:s8], [sflag:$0x1] =	stream.indirect_vreg.gather [hbm4b:s10+s0], $0x80, v10, vm0, $0xb8;
	[tilespmem:$0x13180] =	vst v63  }
0x23a: {  	s26 =	simm.s32 $0x1800  }
0x23b: {  	[tilespmem:s26], [sflag:$0x1] =	stream.indirect_vreg.gather [hbm4b:s7+s0], $0x80, v10, vm0, $0xb8;
	[tilespmem:$0x13180] =	vst v63  }
0x23c: {  	s30 =	simm.s32 $0x2000  }
0x23d: {  	[tilespmem:s30], [sflag:$0x1] =	stream.indirect_vreg.gather [hbm4b:s11+s0], $0x80, v10, vm0, $0xb8;
	[tilespmem:$0x13180] =	vst v63  }
0x23e: {  	s3 =	simm.s32 $0x2800  }
0x23f: {  	[tilespmem:s3], [sflag:$0x1] =	stream.indirect_vreg.gather [hbm4b:s12+s0], $0x80, v10, vm0, $0xb8;
	[tilespmem:$0x13180] =	vst v63  }
0x240: {  	s5 =	simm.s32 $0x3000  }
0x241: {  	[tilespmem:s5], [sflag:$0x1] =	stream.indirect_vreg.gather [hbm4b:s13+s0], $0x80, v10, vm0, $0xb8;
	[tilespmem:$0x13180] =	vst v63  }
0x242: {  	s8 =	simm.s32 $0x3800  }
0x243: {  	[tilespmem:s8], [sflag:$0x1] =	stream.indirect_vreg.gather [hbm4b:s15+s0], $0x80, v10, vm0, $0xb8;
	[tilespmem:$0x13180] =	vst v63  }
0x244: {  	s26 =	simm.s32 $0x4000  }
0x245: {  	[tilespmem:s26], [sflag:$0x1] =	stream.indirect_vreg.gather [hbm4b:s16+s0], $0x80, v10, vm0, $0xb8;
	[tilespmem:$0x13180] =	vst v63  }
0x246: {  	s30 =	simm.s32 $0x4800  }
0x247: {  	[tilespmem:s30], [sflag:$0x1] =	stream.indirect_vreg.gather [hbm4b:s17+s0], $0x80, v10, vm0, $0xb8;
	[tilespmem:$0x13180] =	vst v63  }
0x248: {  	s3 =	simm.s32 $0x5000  }
0x249: {  	[tilespmem:s3], [sflag:$0x1] =	stream.indirect_vreg.gather [hbm4b:s18+s0], $0x80, v10, vm0, $0xb8;
	[tilespmem:$0x13180] =	vst v63  }
0x24a: {  	s5 =	simm.s32 $0x5800  }
0x24b: {  	[tilespmem:s5], [sflag:$0x1] =	stream.indirect_vreg.gather [hbm4b:s19+s0], $0x80, v10, vm0, $0xb8;
	[tilespmem:$0x13180] =	vst v63  }
0x24c: {  	s8 =	simm.s32 $0x6000  }
0x24d: {  	[tilespmem:s8], [sflag:$0x1] =	stream.indirect_vreg.gather [hbm4b:s20+s0], $0x80, v10, vm0, $0xb8;
	[tilespmem:$0x13180] =	vst v63  }
0x24e: {  	s26 =	simm.s32 $0x6800  }
0x24f: {  	[tilespmem:s26], [sflag:$0x1] =	stream.indirect_vreg.gather [hbm4b:s21+s0], $0x80, v10, vm0, $0xb8;
	[tilespmem:$0x13180] =	vst v63  }
0x250: {  	s30 =	simm.s32 $0x7000;
	s3 =	simm.s32 $0x7800  }
0x251: {  	[tilespmem:s30], [sflag:$0x1] =	stream.indirect_vreg.gather [hbm4b:s23+s0], $0x80, v10, vm0, $0xb8;
	[tilespmem:$0x13180] =	vst v63  }
0x252: {  	s5 =	rddreg [dreg:$0xb];
	s8 =	simm.s32 $0x8000;
	s26 =	simm.s32 $0x200  }
0x253: {  	[tilespmem:s3], [sflag:$0x1] =	stream.indirect_vreg.gather [hbm4b:s24+s0], $0x80, v10, vm0, $0xb8;
	[tilespmem:$0x13180] =	vst v63  }
0x254: {  	s30 =	simm.s32 $0x0;
	s0 =	sadd.s32 s1, s5;
	s3 =	simm.s32 $0x400  }
0x255: {  	[hbm4b:s0+s26] =	stream.strided.scatter [tilespmem:s8], [sflag:$0x4], $0x8000, s3, s26, $0x38;
	[tilespmem:$0x13180] =	vst v63  }
0x256: {  	v10 =	vld [tilespmem:s30+$0x8000];
	_ =	sdelay $0x1  }
0x257: {  	v11 =	vld [tilespmem:s30+$0x8010]  }
0x258: {  	v12 =	vld [tilespmem:s30+$0x8020];
	_ =	sdelay $0x1  }
0x259: {  	v10 =	vmul.f32 $1.442695020e+00, v10;
	_ =	sdelay $0x1  }
0x25a: {  	v13 =	vld [tilespmem:s30+$0x8030];
	v11 =	vmul.f32 $1.442695020e+00, v11;
	(erf) = vpow2.f32 v10  }
0x25b: {  	v12 =	vmul.f32 $1.442695020e+00, v12;
	v10 =	vld [tilespmem:s30+$0x8040]  }
0x25c: {  	(erf) = vpow2.f32 v11;
	v11 =	vld [tilespmem:s30+$0x8050]  }
0x25d: {  	(erf) = vpow2.f32 v12;
	v12 =	vld [tilespmem:s30+$0x8060];
	_ =	sdelay $0x1  }
0x25e: {  	v13 =	vmul.f32 $1.442695020e+00, v13  }
0x25f: {  	v10 =	vmul.f32 $1.442695020e+00, v10  }
0x260: {  	(erf) = vpow2.f32 v13;
	v13 =	vld [tilespmem:s30+$0x8070];
	v11 =	vmul.f32 $1.442695020e+00, v11  }
0x261: {  	(erf) = vpow2.f32 v10;
	v12 =	vmul.f32 $1.442695020e+00, v12  }
0x262: {  	v10 =	vimm.f32 $0.0e+00;
	(erf) = vpow2.f32 v11;
	v14 =	vpop (erf)  }
0x263: {  	(erf) = vpow2.f32 v12;
	v12 =	vld [tilespmem:s30+$0x8200];
	v10 =	vadd.f32 v14, v10  }
0x264: {  	v11 =	vpop (erf)  }
0x265: {  	v14 =	vld [tilespmem:s30+$0x8210];
	v10 =	vadd.f32 v11, v10;
	v11 =	vmul.f32 $1.442695020e+00, v13;
	_ =	sdelay $0x1  }
0x266: {  	v13 =	vpop (erf);
	(erf) = vpow2.f32 v11;
	v11 =	vld [tilespmem:s30+$0x8220]  }
0x267: {  	v15 =	vld [tilespmem:s30+$0x8230];
	v10 =	vadd.f32 v13, v10;
	v12 =	vmul.f32 $1.442695020e+00, v12  }
0x268: {  	v13 =	vpop (erf)  }
0x269: {  	v14 =	vmul.f32 $1.442695020e+00, v14;
	v10 =	vadd.f32 v13, v10;
	v16 =	vpop (erf);
	(erf) = vpow2.f32 v12  }
0x26a: {  	v13 =	vld [tilespmem:s30+$0x8240]  }
0x26b: {  	(erf) = vpow2.f32 v14;
	v10 =	vadd.f32 v16, v10;
	v11 =	vmul.f32 $1.442695020e+00, v11  }
0x26c: {  	v63 =	vld [tilespmem:s30+$0x8250];
	v12 =	vmul.f32 $1.442695020e+00, v15;
	v17 =	vpop (erf)  }
0x26d: {  	v14 =	vpop (erf);
	v10 =	vadd.f32 v17, v10;
	(erf) = vpow2.f32 v11  }
0x26e: {  	v11 =	vld [tilespmem:s30+$0x8260]  }
0x26f: {  	v15 =	vmul.f32 $1.442695020e+00, v13;
	v14 =	vadd.f32 v14, v10;
	(erf) = vpow2.f32 v12  }
0x270: {  	v10 =	vld [tilespmem:s30+$0x8270];
	v12 =	vpop (erf)  }
0x271: {  	s1 =	simm.s32 $0x2000;
	s0 =	simm.s32 $0x400;
	(erf) = vpow2.f32 v15;
	v13 =	vadd.f32 v12, v14;
	v12 =	vmul.f32 $1.442695020e+00, v63  }
.LBB2_11:
0x272: {  	p0 =	sne.s32 s1, $0x1F000;
	v14 =	vld [tilespmem:s0+$0x8000];
	v15 =	vpop (erf)  }
0x273: {  	v13 =	vadd.f32 v15, v13;
	v11 =	vmul.f32 $1.442695020e+00, v11;
	(erf) = vpow2.f32 v12  }
0x274: {  	v12 =	vld [tilespmem:s0+$0x8010];
	v15 =	vpop (erf)  }
0x275: {  	v13 =	vadd.f32 v15, v13;
	v10 =	vmul.f32 $1.442695020e+00, v10;
	(erf) = vpow2.f32 v11  }
0x276: {  	v11 =	vld [tilespmem:s0+$0x8020];
	v15 =	vpop (erf)  }
0x277: {  	v14 =	vmul.f32 $1.442695020e+00, v14;
	v13 =	vadd.f32 v15, v13;
	(erf) = vpow2.f32 v10  }
0x278: {  	v10 =	vld [tilespmem:s0+$0x8030];
	v15 =	vpop (erf)  }
0x279: {  	v12 =	vmul.f32 $1.442695020e+00, v12;
	(erf) = vpow2.f32 v14;
	v13 =	vadd.f32 v15, v13  }
0x27a: {  	v14 =	vld [tilespmem:s0+$0x8040];
	v15 =	vpop (erf)  }
0x27b: {  	v11 =	vmul.f32 $1.442695020e+00, v11;
	(erf) = vpow2.f32 v12;
	v12 =	vadd.f32 v15, v13  }
0x27c: {  	v13 =	vld [tilespmem:s0+$0x8050];
	v15 =	vpop (erf)  }
0x27d: {  	v10 =	vmul.f32 $1.442695020e+00, v10;
	(erf) = vpow2.f32 v11;
	v11 =	vadd.f32 v15, v12  }
0x27e: {  	v12 =	vld [tilespmem:s0+$0x8060];
	v15 =	vpop (erf)  }
0x27f: {  	v14 =	vmul.f32 $1.442695020e+00, v14;
	(erf) = vpow2.f32 v10;
	v10 =	vadd.f32 v15, v11  }
0x280: {  	v11 =	vld [tilespmem:s0+$0x8070];
	v15 =	vpop (erf)  }
0x281: {  	v13 =	vmul.f32 $1.442695020e+00, v13;
	(erf) = vpow2.f32 v14;
	v10 =	vadd.f32 v15, v10  }
0x282: {  	v14 =	vld [tilespmem:s0+$0x8200];
	v15 =	vpop (erf)  }
0x283: {  	v10 =	vadd.f32 v15, v10;
	v12 =	vmul.f32 $1.442695020e+00, v12;
	(erf) = vpow2.f32 v13  }
0x284: {  	v13 =	vld [tilespmem:s0+$0x8210];
	v15 =	vpop (erf)  }
0x285: {  	v10 =	vadd.f32 v15, v10;
	v11 =	vmul.f32 $1.442695020e+00, v11;
	(erf) = vpow2.f32 v12  }
0x286: {  	v12 =	vld [tilespmem:s0+$0x8220];
	v15 =	vpop (erf)  }
0x287: {  	v10 =	vadd.f32 v15, v10;
	v14 =	vmul.f32 $1.442695020e+00, v14;
	(erf) = vpow2.f32 v11  }
0x288: {  	v11 =	vld [tilespmem:s0+$0x8230];
	v15 =	vpop (erf)  }
0x289: {  	v10 =	vadd.f32 v15, v10;
	v16 =	vmul.f32 $1.442695020e+00, v13;
	(erf) = vpow2.f32 v14  }
0x28a: {  	v14 =	vld [tilespmem:s0+$0x8240];
	v15 =	vpop (erf)  }
0x28b: {  	v10 =	vadd.f32 v15, v10;
	v17 =	vmul.f32 $1.442695020e+00, v12;
	(erf) = vpow2.f32 v16  }
0x28c: {  	v15 =	vld [tilespmem:s0+$0x8250];
	v13 =	vpop (erf)  }
.Ltmp4:
0x28d: {  	v10 =	vadd.f32 v13, v10;
	v16 =	vmul.f32 $1.442695020e+00, v11;
	(erf) = vpow2.f32 v17;
	(pc) =	sbr.rel @p0 .LBB2_11-.Ltmp4, $4  }
0x28e: {  	v11 =	vld [tilespmem:s0+$0x8260];
	v12 =	vpop (erf)  }
0x28f: {  	v12 =	vadd.f32 v12, v10;
	v14 =	vmul.f32 $1.442695020e+00, v14;
	(erf) = vpow2.f32 v16  }
0x290: {  	v10 =	vld [tilespmem:s0+$0x8270];
	v13 =	vpop (erf)  }
0x291: {  	s0 =	sshra.s32 s1, $0x2;
	s1 =	sadd.s32 $0x1000, s1;
	v13 =	vadd.f32 v13, v12;
	v12 =	vmul.f32 $1.442695020e+00, v15;
	(erf) = vpow2.f32 v14  }
0x292: {  	v14 =	vld [tilespmem:s0+$0x8000];
	v15 =	vpop (erf)  }
0x293: {  	v13 =	vadd.f32 v15, v13;
	v11 =	vmul.f32 $1.442695020e+00, v11;
	(erf) = vpow2.f32 v12  }
0x294: {  	v12 =	vld [tilespmem:s0+$0x8010];
	v15 =	vpop (erf)  }
0x295: {  	v13 =	vadd.f32 v15, v13;
	v10 =	vmul.f32 $1.442695020e+00, v10;
	(erf) = vpow2.f32 v11  }
0x296: {  	v11 =	vld [tilespmem:s0+$0x8020];
	v15 =	vpop (erf)  }
0x297: {  	v14 =	vmul.f32 $1.442695020e+00, v14;
	v13 =	vadd.f32 v15, v13;
	(erf) = vpow2.f32 v10  }
0x298: {  	v10 =	vld [tilespmem:s0+$0x8030];
	v15 =	vpop (erf)  }
0x299: {  	v12 =	vmul.f32 $1.442695020e+00, v12;
	(erf) = vpow2.f32 v14;
	v13 =	vadd.f32 v15, v13  }
0x29a: {  	v14 =	vld [tilespmem:s0+$0x8040];
	v15 =	vpop (erf)  }
0x29b: {  	v11 =	vmul.f32 $1.442695020e+00, v11;
	(erf) = vpow2.f32 v12;
	v12 =	vadd.f32 v15, v13  }
0x29c: {  	v13 =	vld [tilespmem:s0+$0x8050];
	v15 =	vpop (erf)  }
0x29d: {  	v10 =	vmul.f32 $1.442695020e+00, v10;
	(erf) = vpow2.f32 v11;
	v11 =	vadd.f32 v15, v12  }
0x29e: {  	v12 =	vld [tilespmem:s0+$0x8060];
	v15 =	vpop (erf)  }
0x29f: {  	v14 =	vmul.f32 $1.442695020e+00, v14;
	(erf) = vpow2.f32 v10;
	v10 =	vadd.f32 v15, v11  }
0x2a0: {  	v11 =	vld [tilespmem:s0+$0x8070];
	v15 =	vpop (erf)  }
0x2a1: {  	v13 =	vmul.f32 $1.442695020e+00, v13;
	(erf) = vpow2.f32 v14;
	v10 =	vadd.f32 v15, v10  }
0x2a2: {  	v14 =	vld [tilespmem:s0+$0x8200];
	v15 =	vpop (erf)  }
0x2a3: {  	v12 =	vmul.f32 $1.442695020e+00, v12;
	(erf) = vpow2.f32 v13;
	v10 =	vadd.f32 v15, v10  }
0x2a4: {  	v13 =	vld [tilespmem:s0+$0x8210];
	v15 =	vpop (erf)  }
0x2a5: {  	v11 =	vmul.f32 $1.442695020e+00, v11;
	(erf) = vpow2.f32 v12;
	v10 =	vadd.f32 v15, v10  }
0x2a6: {  	v12 =	vld [tilespmem:s0+$0x8220];
	v15 =	vpop (erf)  }
0x2a7: {  	v14 =	vmul.f32 $1.442695020e+00, v14;
	(erf) = vpow2.f32 v11;
	v10 =	vadd.f32 v15, v10  }
0x2a8: {  	v11 =	vld [tilespmem:s0+$0x8230];
	v15 =	vpop (erf)  }
0x2a9: {  	v13 =	vmul.f32 $1.442695020e+00, v13;
	(erf) = vpow2.f32 v14;
	v14 =	vld [tilespmem:s0+$0x8240];
	v10 =	vadd.f32 v15, v10  }
0x2aa: {  	v15 =	vpop (erf)  }
0x2ab: {  	v12 =	vmul.f32 $1.442695020e+00, v12;
	(erf) = vpow2.f32 v13;
	v13 =	vld [tilespmem:s0+$0x8250];
	v10 =	vadd.f32 v15, v10  }
0x2ac: {  	v15 =	vpop (erf)  }
0x2ad: {  	v11 =	vmul.f32 $1.442695020e+00, v11;
	(erf) = vpow2.f32 v12;
	v12 =	vld [tilespmem:s0+$0x8260];
	v10 =	vadd.f32 v15, v10  }
0x2ae: {  	v14 =	vmul.f32 $1.442695020e+00, v14;
	v15 =	vpop (erf)  }
0x2af: {  	(erf) = vpow2.f32 v11;
	v11 =	vld [tilespmem:s0+$0x8270];
	v10 =	vadd.f32 v15, v10  }
0x2b0: {  	v13 =	vmul.f32 $1.442695020e+00, v13;
	v15 =	vpop (erf)  }
0x2b1: {  	(erf) = vpow2.f32 v14;
	v10 =	vadd.f32 v15, v10  }
0x2b2: {  	v14 =	vpop (erf);
	v12 =	vmul.f32 $1.442695020e+00, v12  }
0x2b3: {  	(erf) = vpow2.f32 v13;
	v10 =	vadd.f32 v14, v10  }
0x2b4: {  	v13 =	vpop (erf);
	v11 =	vmul.f32 $1.442695020e+00, v11  }
0x2b5: {  	(erf) = vpow2.f32 v12;
	v10 =	vadd.f32 v13, v10  }
0x2b6: {  	v12 =	vpop (erf)  }
0x2b7: {  	(erf) = vpow2.f32 v11;
	v10 =	vadd.f32 v12, v10  }
0x2b8: {  	v11 =	vpop (erf)  }
0x2b9: {  	v10 =	vadd.f32 v11, v10  }
0x2ba: {  	v11 =	vpop (erf)  }
0x2bb: {  	v10 =	vadd.f32 v11, v10  }
0x2bc: {  	v11 =	vpop (erf)  }
0x2bd: {  	v10 =	vadd.f32 v11, v10  }
0x2be: {  	v11 =	vpop (erf)  }
0x2bf: {  	v10 =	vadd.f32 v11, v10  }
0x2c0: {  	v11 =	vpop (erf)  }
0x2c1: {  	v10 =	vadd.f32 v11, v10;
	_ =	sdelay $0x1  }
0x2c2: {  	s30 =	simm.s32 $0x0;
	[tilespmem:s28+$0x121C0] =	vst v10  }
0x2c3: {  	v10 =	vld [tilespmem:s30+$0x8080]  }
0x2c4: {  	v11 =	vld [tilespmem:s30+$0x8090];
	_ =	sdelay $0x1  }
0x2c5: {  	v12 =	vld [tilespmem:s30+$0x80A0];
	_ =	sdelay $0x1  }
0x2c6: {  	v13 =	vld [tilespmem:s30+$0x80B0];
	v10 =	vmul.f32 $1.442695020e+00, v10  }
0x2c7: {  	v11 =	vmul.f32 $1.442695020e+00, v11  }
0x2c8: {  	(erf) = vpow2.f32 v10;
	v10 =	vld [tilespmem:s30+$0x80C0]  }
0x2c9: {  	v12 =	vmul.f32 $1.442695020e+00, v12;
	(erf) = vpow2.f32 v11;
	v11 =	vld [tilespmem:s30+$0x80D0];
	_ =	sdelay $0x1  }
0x2ca: {  	v13 =	vmul.f32 $1.442695020e+00, v13;
	(erf) = vpow2.f32 v12;
	v12 =	vld [tilespmem:s30+$0x80E0];
	_ =	sdelay $0x1  }
0x2cb: {  	(erf) = vpow2.f32 v13  }
0x2cc: {  	(v2sf) =	vpush v4, $0x4;
	v10 =	vmul.f32 $1.442695020e+00, v10;
	v11 =	vmul.f32 $1.442695020e+00, v11  }
0x2cd: {  	v13 =	vld [tilespmem:s30+$0x80F0]  }
0x2ce: {  	(erf) = vpow2.f32 v10;
	v12 =	vmul.f32 $1.442695020e+00, v12  }
0x2cf: {  	v10 =	vimm.f32 $0.0e+00;
	(erf) = vpow2.f32 v11;
	v14 =	vpop (erf)  }
0x2d0: {  	v10 =	vadd.f32 v14, v10;
	v11 =	vpop (erf);
	(erf) = vpow2.f32 v12;
	v12 =	vld [tilespmem:s30+$0x8280];
	_ =	sdelay $0x1  }
0x2d1: {  	v14 =	vld [tilespmem:s30+$0x8290];
	v10 =	vadd.f32 v11, v10;
	v11 =	vmul.f32 $1.442695020e+00, v13  }
0x2d2: {  	v13 =	vpop (erf)  }
0x2d3: {  	v10 =	vadd.f32 v13, v10;
	(erf) = vpow2.f32 v11;
	v11 =	vld [tilespmem:s30+$0x82A0]  }
0x2d4: {  	v13 =	vpop (erf);
	v12 =	vmul.f32 $1.442695020e+00, v12  }
0x2d5: {  	v15 =	vld [tilespmem:s30+$0x82B0];
	v10 =	vadd.f32 v13, v10  }
0x2d6: {  	v14 =	vmul.f32 $1.442695020e+00, v14;
	v16 =	vpop (erf);
	(erf) = vpow2.f32 v12  }
0x2d7: {  	v13 =	vld [tilespmem:s30+$0x82C0];
	v10 =	vadd.f32 v16, v10  }
0x2d8: {  	v17 =	vpop (erf);
	(erf) = vpow2.f32 v14;
	v11 =	vmul.f32 $1.442695020e+00, v11  }
0x2d9: {  	v62 =	vld [tilespmem:s30+$0x82D0];
	v12 =	vadd.f32 v17, v10  }
0x2da: {  	s26 =	spop (v2sf);
	v14 =	vmul.f32 $1.442695020e+00, v15;
	v15 =	vpop (erf);
	(erf) = vpow2.f32 v11  }
0x2db: {  	s1 =	sshll.u32 s26, $0x2;
	v15 =	vadd.f32 v15, v12;
	v12 =	vld [tilespmem:s30+$0x82E0]  }
0x2dc: {  	s2 =	sand.u32 $0x70, s26;
	s1 =	sand.u32 $0xFFFFFE00, s1;
	v63 =	vmul.f32 $1.442695020e+00, v13;
	(erf) = vpow2.f32 v14  }
0x2dd: {  	s1 =	sor.u32 s2, s1;
	v11 =	vld [tilespmem:s30+$0x82F0];
	v13 =	vpop (erf)  }
0x2de: {  	s0 =	simm.s32 $0x400;
	v10 =	vld [tilespmem:s1+$0x8000];
	s1 =	simm.s32 $0x2000;
	(erf) = vpow2.f32 v63;
	v14 =	vadd.f32 v13, v15;
	v13 =	vmul.f32 $1.442695020e+00, v62  }
.LBB2_13:
0x2df: {  	p0 =	sne.s32 s1, $0x1F000;
	v15 =	vld [tilespmem:s0+$0x8080];
	v16 =	vpop (erf)  }
0x2e0: {  	v14 =	vadd.f32 v16, v14;
	v12 =	vmul.f32 $1.442695020e+00, v12;
	(erf) = vpow2.f32 v13  }
0x2e1: {  	v13 =	vld [tilespmem:s0+$0x8090];
	v16 =	vpop (erf)  }
0x2e2: {  	v14 =	vadd.f32 v16, v14;
	v11 =	vmul.f32 $1.442695020e+00, v11;
	(erf) = vpow2.f32 v12  }
0x2e3: {  	v12 =	vld [tilespmem:s0+$0x80A0];
	v16 =	vpop (erf)  }
0x2e4: {  	v15 =	vmul.f32 $1.442695020e+00, v15;
	v14 =	vadd.f32 v16, v14;
	(erf) = vpow2.f32 v11  }
0x2e5: {  	v11 =	vld [tilespmem:s0+$0x80B0];
	v16 =	vpop (erf)  }
0x2e6: {  	v13 =	vmul.f32 $1.442695020e+00, v13;
	(erf) = vpow2.f32 v15;
	v14 =	vadd.f32 v16, v14  }
0x2e7: {  	v15 =	vld [tilespmem:s0+$0x80C0];
	v16 =	vpop (erf)  }
0x2e8: {  	v12 =	vmul.f32 $1.442695020e+00, v12;
	(erf) = vpow2.f32 v13;
	v13 =	vadd.f32 v16, v14  }
0x2e9: {  	v14 =	vld [tilespmem:s0+$0x80D0];
	v16 =	vpop (erf)  }
0x2ea: {  	v11 =	vmul.f32 $1.442695020e+00, v11;
	(erf) = vpow2.f32 v12;
	v12 =	vadd.f32 v16, v13  }
0x2eb: {  	v13 =	vld [tilespmem:s0+$0x80E0];
	v16 =	vpop (erf)  }
0x2ec: {  	v15 =	vmul.f32 $1.442695020e+00, v15;
	(erf) = vpow2.f32 v11;
	v11 =	vadd.f32 v16, v12  }
0x2ed: {  	v12 =	vld [tilespmem:s0+$0x80F0];
	v16 =	vpop (erf)  }
0x2ee: {  	v14 =	vmul.f32 $1.442695020e+00, v14;
	(erf) = vpow2.f32 v15;
	v11 =	vadd.f32 v16, v11  }
0x2ef: {  	v15 =	vld [tilespmem:s0+$0x8280];
	v16 =	vpop (erf)  }
0x2f0: {  	v11 =	vadd.f32 v16, v11;
	v13 =	vmul.f32 $1.442695020e+00, v13;
	(erf) = vpow2.f32 v14  }
0x2f1: {  	v14 =	vld [tilespmem:s0+$0x8290];
	v16 =	vpop (erf)  }
0x2f2: {  	v11 =	vadd.f32 v16, v11;
	v12 =	vmul.f32 $1.442695020e+00, v12;
	(erf) = vpow2.f32 v13  }
0x2f3: {  	v13 =	vld [tilespmem:s0+$0x82A0];
	v16 =	vpop (erf)  }
0x2f4: {  	v11 =	vadd.f32 v16, v11;
	v15 =	vmul.f32 $1.442695020e+00, v15;
	(erf) = vpow2.f32 v12  }
0x2f5: {  	v12 =	vld [tilespmem:s0+$0x82B0];
	v16 =	vpop (erf)  }
0x2f6: {  	v11 =	vadd.f32 v16, v11;
	v17 =	vmul.f32 $1.442695020e+00, v14;
	(erf) = vpow2.f32 v15  }
0x2f7: {  	v15 =	vld [tilespmem:s0+$0x82C0];
	v16 =	vpop (erf)  }
0x2f8: {  	v11 =	vadd.f32 v16, v11;
	v18 =	vmul.f32 $1.442695020e+00, v13;
	(erf) = vpow2.f32 v17  }
0x2f9: {  	v16 =	vld [tilespmem:s0+$0x82D0];
	v14 =	vpop (erf)  }
.Ltmp5:
0x2fa: {  	v11 =	vadd.f32 v14, v11;
	v17 =	vmul.f32 $1.442695020e+00, v12;
	(erf) = vpow2.f32 v18;
	(pc) =	sbr.rel @p0 .LBB2_13-.Ltmp5, $4  }
0x2fb: {  	v12 =	vld [tilespmem:s0+$0x82E0];
	v13 =	vpop (erf)  }
0x2fc: {  	v13 =	vadd.f32 v13, v11;
	v15 =	vmul.f32 $1.442695020e+00, v15;
	(erf) = vpow2.f32 v17  }
0x2fd: {  	v11 =	vld [tilespmem:s0+$0x82F0];
	v14 =	vpop (erf)  }
0x2fe: {  	s0 =	sshra.s32 s1, $0x2;
	s1 =	sadd.s32 $0x1000, s1;
	v14 =	vadd.f32 v14, v13;
	v13 =	vmul.f32 $1.442695020e+00, v16;
	(erf) = vpow2.f32 v15  }
0x2ff: {  	v15 =	vld [tilespmem:s0+$0x8080];
	v16 =	vpop (erf)  }
0x300: {  	v14 =	vadd.f32 v16, v14;
	v12 =	vmul.f32 $1.442695020e+00, v12;
	(erf) = vpow2.f32 v13  }
0x301: {  	v13 =	vld [tilespmem:s0+$0x8090];
	v16 =	vpop (erf)  }
0x302: {  	v14 =	vadd.f32 v16, v14;
	v11 =	vmul.f32 $1.442695020e+00, v11;
	(erf) = vpow2.f32 v12  }
0x303: {  	v12 =	vld [tilespmem:s0+$0x80A0];
	v16 =	vpop (erf)  }
0x304: {  	v15 =	vmul.f32 $1.442695020e+00, v15;
	v14 =	vadd.f32 v16, v14;
	(erf) = vpow2.f32 v11  }
0x305: {  	v11 =	vld [tilespmem:s0+$0x80B0];
	v16 =	vpop (erf)  }
0x306: {  	v13 =	vmul.f32 $1.442695020e+00, v13;
	(erf) = vpow2.f32 v15;
	v14 =	vadd.f32 v16, v14  }
0x307: {  	v15 =	vld [tilespmem:s0+$0x80C0];
	v16 =	vpop (erf)  }
0x308: {  	v12 =	vmul.f32 $1.442695020e+00, v12;
	(erf) = vpow2.f32 v13;
	v13 =	vadd.f32 v16, v14  }
0x309: {  	v14 =	vld [tilespmem:s0+$0x80D0];
	v16 =	vpop (erf)  }
0x30a: {  	v11 =	vmul.f32 $1.442695020e+00, v11;
	(erf) = vpow2.f32 v12;
	v12 =	vadd.f32 v16, v13  }
0x30b: {  	v13 =	vld [tilespmem:s0+$0x80E0];
	v16 =	vpop (erf)  }
0x30c: {  	v15 =	vmul.f32 $1.442695020e+00, v15;
	(erf) = vpow2.f32 v11;
	v11 =	vadd.f32 v16, v12  }
0x30d: {  	v12 =	vld [tilespmem:s0+$0x80F0];
	v16 =	vpop (erf)  }
0x30e: {  	v14 =	vmul.f32 $1.442695020e+00, v14;
	(erf) = vpow2.f32 v15;
	v11 =	vadd.f32 v16, v11  }
0x30f: {  	v15 =	vld [tilespmem:s0+$0x8280];
	v16 =	vpop (erf)  }
0x310: {  	v13 =	vmul.f32 $1.442695020e+00, v13;
	(erf) = vpow2.f32 v14;
	v11 =	vadd.f32 v16, v11  }
0x311: {  	v14 =	vld [tilespmem:s0+$0x8290];
	v16 =	vpop (erf)  }
0x312: {  	v12 =	vmul.f32 $1.442695020e+00, v12;
	(erf) = vpow2.f32 v13;
	v11 =	vadd.f32 v16, v11  }
0x313: {  	v13 =	vld [tilespmem:s0+$0x82A0];
	v16 =	vpop (erf)  }
0x314: {  	v15 =	vmul.f32 $1.442695020e+00, v15;
	(erf) = vpow2.f32 v12;
	v11 =	vadd.f32 v16, v11  }
0x315: {  	v12 =	vld [tilespmem:s0+$0x82B0];
	v16 =	vpop (erf)  }
0x316: {  	v14 =	vmul.f32 $1.442695020e+00, v14;
	(erf) = vpow2.f32 v15;
	v15 =	vld [tilespmem:s0+$0x82C0];
	v11 =	vadd.f32 v16, v11  }
0x317: {  	v16 =	vpop (erf)  }
0x318: {  	v13 =	vmul.f32 $1.442695020e+00, v13;
	(erf) = vpow2.f32 v14;
	v14 =	vld [tilespmem:s0+$0x82D0];
	v11 =	vadd.f32 v16, v11  }
0x319: {  	v16 =	vpop (erf)  }
0x31a: {  	v12 =	vmul.f32 $1.442695020e+00, v12;
	(erf) = vpow2.f32 v13;
	v13 =	vld [tilespmem:s0+$0x82E0];
	v11 =	vadd.f32 v16, v11  }
0x31b: {  	v15 =	vmul.f32 $1.442695020e+00, v15;
	v16 =	vpop (erf)  }
0x31c: {  	(erf) = vpow2.f32 v12;
	v12 =	vld [tilespmem:s0+$0x82F0];
	v11 =	vadd.f32 v16, v11  }
0x31d: {  	v14 =	vmul.f32 $1.442695020e+00, v14;
	v16 =	vpop (erf)  }
0x31e: {  	(erf) = vpow2.f32 v15;
	v11 =	vadd.f32 v16, v11  }
0x31f: {  	v15 =	vpop (erf);
	v13 =	vmul.f32 $1.442695020e+00, v13  }
0x320: {  	(erf) = vpow2.f32 v14;
	v11 =	vadd.f32 v15, v11  }
0x321: {  	v14 =	vpop (erf);
	v12 =	vmul.f32 $1.442695020e+00, v12  }
0x322: {  	(erf) = vpow2.f32 v13;
	v11 =	vadd.f32 v14, v11  }
0x323: {  	v13 =	vpop (erf)  }
0x324: {  	(erf) = vpow2.f32 v12;
	v11 =	vadd.f32 v13, v11  }
0x325: {  	v12 =	vpop (erf)  }
0x326: {  	v11 =	vadd.f32 v12, v11  }
0x327: {  	v12 =	vpop (erf)  }
0x328: {  	v11 =	vadd.f32 v12, v11  }
0x329: {  	v12 =	vpop (erf)  }
0x32a: {  	v11 =	vadd.f32 v12, v11  }
0x32b: {  	v12 =	vpop (erf)  }
0x32c: {  	v11 =	vadd.f32 v12, v11  }
0x32d: {  	v12 =	vpop (erf)  }
0x32e: {  	v11 =	vadd.f32 v12, v11;
	_ =	sdelay $0x1  }
0x32f: {  	s30 =	simm.s32 $0x0;
	[tilespmem:s28+$0x121D0] =	vst v11  }
0x330: {  	v11 =	vld [tilespmem:s30+$0x8100]  }
0x331: {  	v12 =	vld [tilespmem:s30+$0x8110];
	_ =	sdelay $0x1  }
0x332: {  	v13 =	vld [tilespmem:s30+$0x8120];
	_ =	sdelay $0x1  }
0x333: {  	v14 =	vld [tilespmem:s30+$0x8130];
	v11 =	vmul.f32 $1.442695020e+00, v11  }
0x334: {  	v12 =	vmul.f32 $1.442695020e+00, v12  }
0x335: {  	(erf) = vpow2.f32 v11;
	v11 =	vld [tilespmem:s30+$0x8140]  }
0x336: {  	v13 =	vmul.f32 $1.442695020e+00, v13;
	(erf) = vpow2.f32 v12;
	v12 =	vld [tilespmem:s30+$0x8150];
	_ =	sdelay $0x1  }
0x337: {  	v14 =	vmul.f32 $1.442695020e+00, v14;
	(erf) = vpow2.f32 v13;
	v13 =	vld [tilespmem:s30+$0x8160];
	_ =	sdelay $0x1  }
0x338: {  	(erf) = vpow2.f32 v14  }
0x339: {  	(v2sf) =	vpush v4, $0x5;
	v11 =	vmul.f32 $1.442695020e+00, v11;
	v12 =	vmul.f32 $1.442695020e+00, v12  }
0x33a: {  	v14 =	vld [tilespmem:s30+$0x8170]  }
0x33b: {  	(erf) = vpow2.f32 v11;
	v13 =	vmul.f32 $1.442695020e+00, v13  }
0x33c: {  	v11 =	vimm.f32 $0.0e+00;
	(erf) = vpow2.f32 v12;
	v15 =	vpop (erf)  }
0x33d: {  	v11 =	vadd.f32 v15, v11;
	v12 =	vpop (erf);
	(erf) = vpow2.f32 v13;
	v13 =	vld [tilespmem:s30+$0x8300];
	_ =	sdelay $0x1  }
0x33e: {  	v15 =	vld [tilespmem:s30+$0x8310];
	v11 =	vadd.f32 v12, v11;
	v12 =	vmul.f32 $1.442695020e+00, v14  }
0x33f: {  	v14 =	vpop (erf)  }
0x340: {  	v11 =	vadd.f32 v14, v11;
	(erf) = vpow2.f32 v12;
	v12 =	vld [tilespmem:s30+$0x8320]  }
0x341: {  	v14 =	vpop (erf);
	v13 =	vmul.f32 $1.442695020e+00, v13  }
0x342: {  	v16 =	vld [tilespmem:s30+$0x8330];
	v11 =	vadd.f32 v14, v11  }
0x343: {  	v15 =	vmul.f32 $1.442695020e+00, v15;
	v17 =	vpop (erf);
	(erf) = vpow2.f32 v13  }
0x344: {  	v14 =	vld [tilespmem:s30+$0x8340];
	v11 =	vadd.f32 v17, v11  }
0x345: {  	v18 =	vpop (erf);
	(erf) = vpow2.f32 v15;
	v12 =	vmul.f32 $1.442695020e+00, v12  }
0x346: {  	v17 =	vld [tilespmem:s30+$0x8350];
	v13 =	vadd.f32 v18, v11  }
0x347: {  	s1 =	spop (v2sf);
	v15 =	vmul.f32 $1.442695020e+00, v16;
	v16 =	vpop (erf);
	(erf) = vpow2.f32 v12  }
0x348: {  	s2 =	sshll.u32 s1, $0x2;
	v16 =	vadd.f32 v16, v13;
	v13 =	vld [tilespmem:s30+$0x8360]  }
0x349: {  	s3 =	sand.u32 $0x70, s1;
	s2 =	sand.u32 $0xFFFFFE00, s2;
	v63 =	vmul.f32 $1.442695020e+00, v14;
	(erf) = vpow2.f32 v15  }
0x34a: {  	s2 =	sor.u32 s3, s2;
	v12 =	vld [tilespmem:s30+$0x8370];
	v14 =	vpop (erf)  }
0x34b: {  	s0 =	simm.s32 $0x400;
	v11 =	vld [tilespmem:s2+$0x8080];
	s2 =	simm.s32 $0x2000;
	(erf) = vpow2.f32 v63;
	v15 =	vadd.f32 v14, v16;
	v14 =	vmul.f32 $1.442695020e+00, v17  }
.LBB2_15:
0x34c: {  	p0 =	sne.s32 s2, $0x1F000;
	v16 =	vld [tilespmem:s0+$0x8100];
	v17 =	vpop (erf)  }
0x34d: {  	v15 =	vadd.f32 v17, v15;
	v13 =	vmul.f32 $1.442695020e+00, v13;
	(erf) = vpow2.f32 v14  }
0x34e: {  	v14 =	vld [tilespmem:s0+$0x8110];
	v17 =	vpop (erf)  }
0x34f: {  	v15 =	vadd.f32 v17, v15;
	v12 =	vmul.f32 $1.442695020e+00, v12;
	(erf) = vpow2.f32 v13  }
0x350: {  	v13 =	vld [tilespmem:s0+$0x8120];
	v17 =	vpop (erf)  }
0x351: {  	v16 =	vmul.f32 $1.442695020e+00, v16;
	v15 =	vadd.f32 v17, v15;
	(erf) = vpow2.f32 v12  }
0x352: {  	v12 =	vld [tilespmem:s0+$0x8130];
	v17 =	vpop (erf)  }
0x353: {  	v14 =	vmul.f32 $1.442695020e+00, v14;
	(erf) = vpow2.f32 v16;
	v15 =	vadd.f32 v17, v15  }
0x354: {  	v16 =	vld [tilespmem:s0+$0x8140];
	v17 =	vpop (erf)  }
0x355: {  	v13 =	vmul.f32 $1.442695020e+00, v13;
	(erf) = vpow2.f32 v14;
	v14 =	vadd.f32 v17, v15  }
0x356: {  	v15 =	vld [tilespmem:s0+$0x8150];
	v17 =	vpop (erf)  }
0x357: {  	v12 =	vmul.f32 $1.442695020e+00, v12;
	(erf) = vpow2.f32 v13;
	v13 =	vadd.f32 v17, v14  }
0x358: {  	v14 =	vld [tilespmem:s0+$0x8160];
	v17 =	vpop (erf)  }
0x359: {  	v16 =	vmul.f32 $1.442695020e+00, v16;
	(erf) = vpow2.f32 v12;
	v12 =	vadd.f32 v17, v13  }
0x35a: {  	v13 =	vld [tilespmem:s0+$0x8170];
	v17 =	vpop (erf)  }
0x35b: {  	v15 =	vmul.f32 $1.442695020e+00, v15;
	(erf) = vpow2.f32 v16;
	v12 =	vadd.f32 v17, v12  }
0x35c: {  	v16 =	vld [tilespmem:s0+$0x8300];
	v17 =	vpop (erf)  }
0x35d: {  	v12 =	vadd.f32 v17, v12;
	v14 =	vmul.f32 $1.442695020e+00, v14;
	(erf) = vpow2.f32 v15  }
0x35e: {  	v15 =	vld [tilespmem:s0+$0x8310];
	v17 =	vpop (erf)  }
0x35f: {  	v12 =	vadd.f32 v17, v12;
	v13 =	vmul.f32 $1.442695020e+00, v13;
	(erf) = vpow2.f32 v14  }
0x360: {  	v14 =	vld [tilespmem:s0+$0x8320];
	v17 =	vpop (erf)  }
0x361: {  	v12 =	vadd.f32 v17, v12;
	v16 =	vmul.f32 $1.442695020e+00, v16;
	(erf) = vpow2.f32 v13  }
0x362: {  	v13 =	vld [tilespmem:s0+$0x8330];
	v17 =	vpop (erf)  }
0x363: {  	v12 =	vadd.f32 v17, v12;
	v18 =	vmul.f32 $1.442695020e+00, v15;
	(erf) = vpow2.f32 v16  }
0x364: {  	v16 =	vld [tilespmem:s0+$0x8340];
	v17 =	vpop (erf)  }
0x365: {  	v12 =	vadd.f32 v17, v12;
	v19 =	vmul.f32 $1.442695020e+00, v14;
	(erf) = vpow2.f32 v18  }
0x366: {  	v17 =	vld [tilespmem:s0+$0x8350];
	v15 =	vpop (erf)  }
.Ltmp6:
0x367: {  	v12 =	vadd.f32 v15, v12;
	v18 =	vmul.f32 $1.442695020e+00, v13;
	(erf) = vpow2.f32 v19;
	(pc) =	sbr.rel @p0 .LBB2_15-.Ltmp6, $4  }
0x368: {  	v13 =	vld [tilespmem:s0+$0x8360];
	v14 =	vpop (erf)  }
0x369: {  	v14 =	vadd.f32 v14, v12;
	v16 =	vmul.f32 $1.442695020e+00, v16;
	(erf) = vpow2.f32 v18  }
0x36a: {  	v12 =	vld [tilespmem:s0+$0x8370];
	v15 =	vpop (erf)  }
0x36b: {  	s0 =	sshra.s32 s2, $0x2;
	s2 =	sadd.s32 $0x1000, s2;
	v15 =	vadd.f32 v15, v14;
	v14 =	vmul.f32 $1.442695020e+00, v17;
	(erf) = vpow2.f32 v16  }
0x36c: {  	v16 =	vld [tilespmem:s0+$0x8100];
	v17 =	vpop (erf)  }
0x36d: {  	v15 =	vadd.f32 v17, v15;
	v13 =	vmul.f32 $1.442695020e+00, v13;
	(erf) = vpow2.f32 v14  }
0x36e: {  	v14 =	vld [tilespmem:s0+$0x8110];
	v17 =	vpop (erf)  }
0x36f: {  	v15 =	vadd.f32 v17, v15;
	v12 =	vmul.f32 $1.442695020e+00, v12;
	(erf) = vpow2.f32 v13  }
0x370: {  	v13 =	vld [tilespmem:s0+$0x8120];
	v17 =	vpop (erf)  }
0x371: {  	v16 =	vmul.f32 $1.442695020e+00, v16;
	v15 =	vadd.f32 v17, v15;
	(erf) = vpow2.f32 v12  }
0x372: {  	v12 =	vld [tilespmem:s0+$0x8130];
	v17 =	vpop (erf)  }
0x373: {  	v14 =	vmul.f32 $1.442695020e+00, v14;
	(erf) = vpow2.f32 v16;
	v15 =	vadd.f32 v17, v15  }
0x374: {  	v16 =	vld [tilespmem:s0+$0x8140];
	v17 =	vpop (erf)  }
0x375: {  	v13 =	vmul.f32 $1.442695020e+00, v13;
	(erf) = vpow2.f32 v14;
	v14 =	vadd.f32 v17, v15  }
0x376: {  	v15 =	vld [tilespmem:s0+$0x8150];
	v17 =	vpop (erf)  }
0x377: {  	v12 =	vmul.f32 $1.442695020e+00, v12;
	(erf) = vpow2.f32 v13;
	v13 =	vadd.f32 v17, v14  }
0x378: {  	v14 =	vld [tilespmem:s0+$0x8160];
	v17 =	vpop (erf)  }
0x379: {  	v16 =	vmul.f32 $1.442695020e+00, v16;
	(erf) = vpow2.f32 v12;
	v12 =	vadd.f32 v17, v13  }
0x37a: {  	v13 =	vld [tilespmem:s0+$0x8170];
	v17 =	vpop (erf)  }
0x37b: {  	v15 =	vmul.f32 $1.442695020e+00, v15;
	(erf) = vpow2.f32 v16;
	v12 =	vadd.f32 v17, v12  }
0x37c: {  	v16 =	vld [tilespmem:s0+$0x8300];
	v17 =	vpop (erf)  }
0x37d: {  	v14 =	vmul.f32 $1.442695020e+00, v14;
	(erf) = vpow2.f32 v15;
	v12 =	vadd.f32 v17, v12  }
0x37e: {  	v15 =	vld [tilespmem:s0+$0x8310];
	v17 =	vpop (erf)  }
0x37f: {  	v13 =	vmul.f32 $1.442695020e+00, v13;
	(erf) = vpow2.f32 v14;
	v12 =	vadd.f32 v17, v12  }
0x380: {  	v14 =	vld [tilespmem:s0+$0x8320];
	v17 =	vpop (erf)  }
0x381: {  	v16 =	vmul.f32 $1.442695020e+00, v16;
	(erf) = vpow2.f32 v13;
	v12 =	vadd.f32 v17, v12  }
0x382: {  	v13 =	vld [tilespmem:s0+$0x8330];
	v17 =	vpop (erf)  }
0x383: {  	v15 =	vmul.f32 $1.442695020e+00, v15;
	(erf) = vpow2.f32 v16;
	v16 =	vld [tilespmem:s0+$0x8340];
	v12 =	vadd.f32 v17, v12  }
0x384: {  	v17 =	vpop (erf)  }
0x385: {  	v14 =	vmul.f32 $1.442695020e+00, v14;
	(erf) = vpow2.f32 v15;
	v15 =	vld [tilespmem:s0+$0x8350];
	v12 =	vadd.f32 v17, v12  }
0x386: {  	v17 =	vpop (erf)  }
0x387: {  	v13 =	vmul.f32 $1.442695020e+00, v13;
	(erf) = vpow2.f32 v14;
	v14 =	vld [tilespmem:s0+$0x8360];
	v12 =	vadd.f32 v17, v12  }
0x388: {  	v16 =	vmul.f32 $1.442695020e+00, v16;
	v17 =	vpop (erf)  }
0x389: {  	(erf) = vpow2.f32 v13;
	v13 =	vld [tilespmem:s0+$0x8370];
	v12 =	vadd.f32 v17, v12  }
0x38a: {  	v15 =	vmul.f32 $1.442695020e+00, v15;
	v17 =	vpop (erf)  }
0x38b: {  	(erf) = vpow2.f32 v16;
	v12 =	vadd.f32 v17, v12  }
0x38c: {  	v16 =	vpop (erf);
	v14 =	vmul.f32 $1.442695020e+00, v14  }
0x38d: {  	(erf) = vpow2.f32 v15;
	v12 =	vadd.f32 v16, v12  }
0x38e: {  	v15 =	vpop (erf);
	v13 =	vmul.f32 $1.442695020e+00, v13  }
0x38f: {  	(erf) = vpow2.f32 v14;
	v12 =	vadd.f32 v15, v12  }
0x390: {  	v14 =	vpop (erf)  }
0x391: {  	(erf) = vpow2.f32 v13;
	v12 =	vadd.f32 v14, v12  }
0x392: {  	v13 =	vpop (erf)  }
0x393: {  	v12 =	vadd.f32 v13, v12  }
0x394: {  	v13 =	vpop (erf)  }
0x395: {  	v12 =	vadd.f32 v13, v12  }
0x396: {  	v13 =	vpop (erf)  }
0x397: {  	v12 =	vadd.f32 v13, v12  }
0x398: {  	v13 =	vpop (erf)  }
0x399: {  	v12 =	vadd.f32 v13, v12  }
0x39a: {  	v13 =	vpop (erf)  }
0x39b: {  	v12 =	vadd.f32 v13, v12;
	_ =	sdelay $0x1  }
0x39c: {  	s30 =	simm.s32 $0x0;
	[tilespmem:s28+$0x121E0] =	vst v12  }
0x39d: {  	v12 =	vld [tilespmem:s30+$0x8180]  }
0x39e: {  	v13 =	vld [tilespmem:s30+$0x8190];
	_ =	sdelay $0x1  }
0x39f: {  	v14 =	vld [tilespmem:s30+$0x81A0];
	_ =	sdelay $0x1  }
0x3a0: {  	v15 =	vld [tilespmem:s30+$0x81B0];
	v12 =	vmul.f32 $1.442695020e+00, v12  }
0x3a1: {  	v13 =	vmul.f32 $1.442695020e+00, v13  }
0x3a2: {  	(erf) = vpow2.f32 v12;
	v12 =	vld [tilespmem:s30+$0x81C0]  }
0x3a3: {  	v14 =	vmul.f32 $1.442695020e+00, v14;
	(erf) = vpow2.f32 v13;
	v13 =	vld [tilespmem:s30+$0x81D0];
	_ =	sdelay $0x1  }
0x3a4: {  	v15 =	vmul.f32 $1.442695020e+00, v15;
	(erf) = vpow2.f32 v14;
	v14 =	vld [tilespmem:s30+$0x81E0];
	_ =	sdelay $0x1  }
0x3a5: {  	(erf) = vpow2.f32 v15  }
0x3a6: {  	(v2sf) =	vpush v4, $0x6;
	v12 =	vmul.f32 $1.442695020e+00, v12;
	v13 =	vmul.f32 $1.442695020e+00, v13  }
0x3a7: {  	v15 =	vld [tilespmem:s30+$0x81F0]  }
0x3a8: {  	(erf) = vpow2.f32 v12;
	v14 =	vmul.f32 $1.442695020e+00, v14  }
0x3a9: {  	v12 =	vimm.f32 $0.0e+00;
	(erf) = vpow2.f32 v13;
	v16 =	vpop (erf)  }
0x3aa: {  	v12 =	vadd.f32 v16, v12;
	v13 =	vpop (erf);
	(erf) = vpow2.f32 v14;
	v14 =	vld [tilespmem:s30+$0x8380];
	_ =	sdelay $0x1  }
0x3ab: {  	v16 =	vld [tilespmem:s30+$0x8390];
	v12 =	vadd.f32 v13, v12;
	v13 =	vmul.f32 $1.442695020e+00, v15  }
0x3ac: {  	v15 =	vpop (erf)  }
0x3ad: {  	v12 =	vadd.f32 v15, v12;
	(erf) = vpow2.f32 v13;
	v13 =	vld [tilespmem:s30+$0x83A0]  }
0x3ae: {  	v15 =	vpop (erf);
	v14 =	vmul.f32 $1.442695020e+00, v14  }
0x3af: {  	v17 =	vld [tilespmem:s30+$0x83B0];
	v12 =	vadd.f32 v15, v12  }
0x3b0: {  	v16 =	vmul.f32 $1.442695020e+00, v16;
	v18 =	vpop (erf);
	(erf) = vpow2.f32 v14  }
0x3b1: {  	v15 =	vld [tilespmem:s30+$0x83C0];
	v12 =	vadd.f32 v18, v12  }
0x3b2: {  	v19 =	vpop (erf);
	(erf) = vpow2.f32 v16;
	v13 =	vmul.f32 $1.442695020e+00, v13  }
0x3b3: {  	v18 =	vld [tilespmem:s30+$0x83D0];
	v14 =	vadd.f32 v19, v12  }
0x3b4: {  	s5 =	spop (v2sf);
	v16 =	vmul.f32 $1.442695020e+00, v17;
	v17 =	vpop (erf);
	(erf) = vpow2.f32 v13  }
0x3b5: {  	s2 =	sshll.u32 s5, $0x2;
	v17 =	vadd.f32 v17, v14;
	v14 =	vld [tilespmem:s30+$0x83E0]  }
0x3b6: {  	s3 =	sand.u32 $0x70, s5;
	s2 =	sand.u32 $0xFFFFFE00, s2;
	v19 =	vmul.f32 $1.442695020e+00, v15;
	(erf) = vpow2.f32 v16  }
0x3b7: {  	s2 =	sor.u32 s3, s2;
	v13 =	vld [tilespmem:s30+$0x83F0];
	v15 =	vpop (erf)  }
0x3b8: {  	s0 =	simm.s32 $0x400;
	v12 =	vld [tilespmem:s2+$0x8100];
	s2 =	simm.s32 $0x2000;
	(erf) = vpow2.f32 v19;
	v16 =	vadd.f32 v15, v17;
	v15 =	vmul.f32 $1.442695020e+00, v18  }
.LBB2_17:
0x3b9: {  	p0 =	sne.s32 s2, $0x1F000;
	v17 =	vld [tilespmem:s0+$0x8180];
	v18 =	vpop (erf)  }
0x3ba: {  	v16 =	vadd.f32 v18, v16;
	v14 =	vmul.f32 $1.442695020e+00, v14;
	(erf) = vpow2.f32 v15  }
0x3bb: {  	v15 =	vld [tilespmem:s0+$0x8190];
	v18 =	vpop (erf)  }
0x3bc: {  	v16 =	vadd.f32 v18, v16;
	v13 =	vmul.f32 $1.442695020e+00, v13;
	(erf) = vpow2.f32 v14  }
0x3bd: {  	v14 =	vld [tilespmem:s0+$0x81A0];
	v18 =	vpop (erf)  }
0x3be: {  	v17 =	vmul.f32 $1.442695020e+00, v17;
	v16 =	vadd.f32 v18, v16;
	(erf) = vpow2.f32 v13  }
0x3bf: {  	v13 =	vld [tilespmem:s0+$0x81B0];
	v18 =	vpop (erf)  }
0x3c0: {  	v15 =	vmul.f32 $1.442695020e+00, v15;
	(erf) = vpow2.f32 v17;
	v16 =	vadd.f32 v18, v16  }
0x3c1: {  	v17 =	vld [tilespmem:s0+$0x81C0];
	v18 =	vpop (erf)  }
0x3c2: {  	v14 =	vmul.f32 $1.442695020e+00, v14;
	(erf) = vpow2.f32 v15;
	v15 =	vadd.f32 v18, v16  }
0x3c3: {  	v16 =	vld [tilespmem:s0+$0x81D0];
	v18 =	vpop (erf)  }
0x3c4: {  	v13 =	vmul.f32 $1.442695020e+00, v13;
	(erf) = vpow2.f32 v14;
	v14 =	vadd.f32 v18, v15  }
0x3c5: {  	v15 =	vld [tilespmem:s0+$0x81E0];
	v18 =	vpop (erf)  }
0x3c6: {  	v17 =	vmul.f32 $1.442695020e+00, v17;
	(erf) = vpow2.f32 v13;
	v13 =	vadd.f32 v18, v14  }
0x3c7: {  	v14 =	vld [tilespmem:s0+$0x81F0];
	v18 =	vpop (erf)  }
0x3c8: {  	v16 =	vmul.f32 $1.442695020e+00, v16;
	(erf) = vpow2.f32 v17;
	v13 =	vadd.f32 v18, v13  }
0x3c9: {  	v17 =	vld [tilespmem:s0+$0x8380];
	v18 =	vpop (erf)  }
0x3ca: {  	v13 =	vadd.f32 v18, v13;
	v15 =	vmul.f32 $1.442695020e+00, v15;
	(erf) = vpow2.f32 v16  }
0x3cb: {  	v16 =	vld [tilespmem:s0+$0x8390];
	v18 =	vpop (erf)  }
0x3cc: {  	v13 =	vadd.f32 v18, v13;
	v14 =	vmul.f32 $1.442695020e+00, v14;
	(erf) = vpow2.f32 v15  }
0x3cd: {  	v15 =	vld [tilespmem:s0+$0x83A0];
	v18 =	vpop (erf)  }
0x3ce: {  	v13 =	vadd.f32 v18, v13;
	v17 =	vmul.f32 $1.442695020e+00, v17;
	(erf) = vpow2.f32 v14  }
0x3cf: {  	v14 =	vld [tilespmem:s0+$0x83B0];
	v18 =	vpop (erf)  }
0x3d0: {  	v13 =	vadd.f32 v18, v13;
	v19 =	vmul.f32 $1.442695020e+00, v16;
	(erf) = vpow2.f32 v17  }
0x3d1: {  	v17 =	vld [tilespmem:s0+$0x83C0];
	v18 =	vpop (erf)  }
0x3d2: {  	v13 =	vadd.f32 v18, v13;
	v20 =	vmul.f32 $1.442695020e+00, v15;
	(erf) = vpow2.f32 v19  }
0x3d3: {  	v18 =	vld [tilespmem:s0+$0x83D0];
	v16 =	vpop (erf)  }
.Ltmp7:
0x3d4: {  	v13 =	vadd.f32 v16, v13;
	v19 =	vmul.f32 $1.442695020e+00, v14;
	(erf) = vpow2.f32 v20;
	(pc) =	sbr.rel @p0 .LBB2_17-.Ltmp7, $4  }
0x3d5: {  	v14 =	vld [tilespmem:s0+$0x83E0];
	v15 =	vpop (erf)  }
0x3d6: {  	v15 =	vadd.f32 v15, v13;
	v17 =	vmul.f32 $1.442695020e+00, v17;
	(erf) = vpow2.f32 v19  }
0x3d7: {  	v13 =	vld [tilespmem:s0+$0x83F0];
	v16 =	vpop (erf)  }
0x3d8: {  	s0 =	sshra.s32 s2, $0x2;
	s2 =	sadd.s32 $0x1000, s2;
	v16 =	vadd.f32 v16, v15;
	v15 =	vmul.f32 $1.442695020e+00, v18;
	(erf) = vpow2.f32 v17  }
0x3d9: {  	v17 =	vld [tilespmem:s0+$0x8180];
	v18 =	vpop (erf)  }
0x3da: {  	v16 =	vadd.f32 v18, v16;
	v14 =	vmul.f32 $1.442695020e+00, v14;
	(erf) = vpow2.f32 v15  }
0x3db: {  	v15 =	vld [tilespmem:s0+$0x8190];
	v18 =	vpop (erf)  }
0x3dc: {  	v16 =	vadd.f32 v18, v16;
	v13 =	vmul.f32 $1.442695020e+00, v13;
	(erf) = vpow2.f32 v14  }
0x3dd: {  	v14 =	vld [tilespmem:s0+$0x81A0];
	v18 =	vpop (erf)  }
0x3de: {  	v17 =	vmul.f32 $1.442695020e+00, v17;
	v16 =	vadd.f32 v18, v16;
	(erf) = vpow2.f32 v13  }
0x3df: {  	v13 =	vld [tilespmem:s0+$0x81B0];
	v18 =	vpop (erf)  }
0x3e0: {  	v15 =	vmul.f32 $1.442695020e+00, v15;
	(erf) = vpow2.f32 v17;
	v16 =	vadd.f32 v18, v16;
	v17 =	vld [tilespmem:s0+$0x81C0]  }
0x3e1: {  	v18 =	vpop (erf)  }
0x3e2: {  	v14 =	vmul.f32 $1.442695020e+00, v14;
	(erf) = vpow2.f32 v15;
	v15 =	vadd.f32 v18, v16;
	v16 =	vld [tilespmem:s0+$0x81D0]  }
0x3e3: {  	v18 =	vpop (erf)  }
0x3e4: {  	v13 =	vmul.f32 $1.442695020e+00, v13;
	(erf) = vpow2.f32 v14;
	v14 =	vadd.f32 v18, v15;
	v15 =	vld [tilespmem:s0+$0x81E0]  }
0x3e5: {  	v18 =	vpop (erf);
	v17 =	vmul.f32 $1.442695020e+00, v17  }
0x3e6: {  	(erf) = vpow2.f32 v13;
	v13 =	vadd.f32 v18, v14;
	v14 =	vld [tilespmem:s0+$0x81F0]  }
0x3e7: {  	v18 =	vpop (erf);
	v16 =	vmul.f32 $1.442695020e+00, v16  }
0x3e8: {  	(erf) = vpow2.f32 v17;
	v13 =	vadd.f32 v18, v13;
	v18 =	vld [tilespmem:s0+$0x8380]  }
0x3e9: {  	v17 =	vpop (erf);
	v15 =	vmul.f32 $1.442695020e+00, v15  }
0x3ea: {  	v13 =	vadd.f32 v17, v13  }
0x3eb: {  	(erf) = vpow2.f32 v16;
	v17 =	vld [tilespmem:s0+$0x8390];
	v16 =	vpop (erf);
	v14 =	vmul.f32 $1.442695020e+00, v14  }
0x3ec: {  	(erf) = vpow2.f32 v15;
	v13 =	vadd.f32 v16, v13  }
0x3ed: {  	v16 =	vld [tilespmem:s0+$0x83A0];
	v15 =	vpop (erf);
	(erf) = vpow2.f32 v14;
	v14 =	vmul.f32 $1.442695020e+00, v18  }
0x3ee: {  	v13 =	vadd.f32 v15, v13  }
0x3ef: {  	v15 =	vpop (erf)  }
0x3f0: {  	v18 =	vld [tilespmem:s0+$0x83B0];
	v13 =	vadd.f32 v15, v13;
	v15 =	vmul.f32 $1.442695020e+00, v17  }
0x3f1: {  	(erf) = vpow2.f32 v14;
	v14 =	vpop (erf)  }
0x3f2: {  	v17 =	vld [tilespmem:s0+$0x83C0];
	v13 =	vadd.f32 v14, v13;
	v14 =	vmul.f32 $1.442695020e+00, v16;
	_ =	sdelay $0x1  }
0x3f3: {  	(erf) = vpow2.f32 v15;
	v15 =	vpop (erf)  }
0x3f4: {  	v16 =	vld [tilespmem:s0+$0x83D0];
	v13 =	vadd.f32 v15, v13;
	v15 =	vmul.f32 $1.442695020e+00, v18  }
0x3f5: {  	(erf) = vpow2.f32 v14;
	v14 =	vpop (erf)  }
0x3f6: {  	v18 =	vld [tilespmem:s0+$0x83E0];
	v13 =	vadd.f32 v14, v13;
	v14 =	vmul.f32 $1.442695020e+00, v17;
	_ =	sdelay $0x1  }
0x3f7: {  	(erf) = vpow2.f32 v15;
	v15 =	vpop (erf)  }
0x3f8: {  	v17 =	vld [tilespmem:s0+$0x83F0];
	v13 =	vadd.f32 v15, v13;
	v15 =	vmul.f32 $1.442695020e+00, v16  }
0x3f9: {  	(v2sf) =	vpush v4, $0x7;
	(erf) = vpow2.f32 v14;
	v14 =	vpop (erf)  }
0x3fa: {  	v13 =	vadd.f32 v14, v13;
	v14 =	vmul.f32 $1.442695020e+00, v18  }
0x3fb: {  	(erf) = vpow2.f32 v15  }
0x3fc: {  	v15 =	vpop (erf)  }
0x3fd: {  	(erf) = vpow2.f32 v14;
	v13 =	vadd.f32 v15, v13;
	v15 =	vmul.f32 $1.442695020e+00, v17  }
0x3fe: {  	v14 =	vpop (erf)  }
0x3ff: {  	v13 =	vadd.f32 v14, v13;
	(erf) = vpow2.f32 v15  }
0x400: {  	v14 =	vpop (erf)  }
0x401: {  	v13 =	vadd.f32 v14, v13  }
0x402: {  	v14 =	vpop (erf)  }
0x403: {  	v13 =	vadd.f32 v14, v13  }
0x404: {  	v14 =	vpop (erf)  }
0x405: {  	v13 =	vadd.f32 v14, v13  }
0x406: {  	v14 =	vpop (erf)  }
0x407: {  	v13 =	vadd.f32 v14, v13  }
0x408: {  	s30 =	spop (v2sf);
	v14 =	vpop (erf)  }
0x409: {  	s8 =	sshll.u32 s30, $0x2;
	v13 =	vadd.f32 v14, v13  }
0x40a: {  	s2 =	sand.u32 $0x70, s30;
	s0 =	sand.u32 $0xFFFFFE00, s8  }
0x40b: {  	s0 =	sor.u32 s2, s0;
	[tilespmem:s28+$0x121F0] =	vst v13  }
0x40c: {  	v13 =	vld [tilespmem:s0+$0x8180];
	_ =	swait.ge [sflag:s14], $0x8000  }
0x40d: {  	[sflag:s14] =	ssyncset.done $0x0  }
0x40e: {  	s3 =	simm.s32 $0x1;
	[sflag:s14] =	ssyncadd.s32 $0xFFFF8000  }
0x40f: {  	s4 =	sor.u32 $0x3, s4;
	_ =	swait.ge [sflag:s3], $0x8000  }
0x410: {  	s8 =	sshll.u32 s4, $0x7;
	[sflag:s3] =	ssyncset.done $0x0  }
0x411: {  	s0 =	sand.u32 $0x3FFFFF80, s8;
	[sflag:s3] =	ssyncadd.s32 $0xFFFF8000  }
0x412: {  	v14 =	vld.msk [tilespmem:s0+$0x10000], $0xf;
	_ =	sdelay $0x4  }
0x413: {  	v15 =	vshll.u32 v14, $0x6  }
0x414: {  	v14 =	vand.u32 $0x7, v14;
	v15 =	vand.u32 $0xFFFFFE00, v15  }
0x415: {  	v14 =	vor.u32 v14, v15  }
0x416: {  	v14 =	vperm.xlane v14, v1;
	_ =	sdelay $0x1  }
0x417: {  	v14 =	vadd.s32 v2, v14;
	_ =	sdelay $0x3  }
0x418: {  	s14 =	simm.s32 $0x8000;
	s0 =	simm.s32 $0x0  }
0x419: {  	[tilespmem:s14], [sflag:$0x2] =	stream.indirect_vreg.gather [hbm4b:s25+s0], $0x80, v14, vm0, $0xb8;
	[tilespmem:$0x13180] =	vst v63  }
0x41a: {  	s3 =	simm.s32 $0x8800  }
0x41b: {  	[tilespmem:s3], [sflag:$0x2] =	stream.indirect_vreg.gather [hbm4b:s9+s0], $0x80, v14, vm0, $0xb8;
	[tilespmem:$0x13180] =	vst v63  }
0x41c: {  	s8 =	simm.s32 $0x9000  }
0x41d: {  	[tilespmem:s8], [sflag:$0x2] =	stream.indirect_vreg.gather [hbm4b:s10+s0], $0x80, v14, vm0, $0xb8;
	[tilespmem:$0x13180] =	vst v63  }
0x41e: {  	s3 =	simm.s32 $0x9800  }
0x41f: {  	[tilespmem:s3], [sflag:$0x2] =	stream.indirect_vreg.gather [hbm4b:s7+s0], $0x80, v14, vm0, $0xb8;
	[tilespmem:$0x13180] =	vst v63  }
0x420: {  	s8 =	simm.s32 $0xA000  }
0x421: {  	[tilespmem:s8], [sflag:$0x2] =	stream.indirect_vreg.gather [hbm4b:s11+s0], $0x80, v14, vm0, $0xb8;
	[tilespmem:$0x13180] =	vst v63  }
0x422: {  	s14 =	smov.u32 s10;
	s10 =	simm.s32 $0xA800  }
0x423: {  	[tilespmem:s10], [sflag:$0x2] =	stream.indirect_vreg.gather [hbm4b:s12+s0], $0x80, v14, vm0, $0xb8;
	[tilespmem:$0x13180] =	vst v63  }
0x424: {  	s12 =	simm.s32 $0xB000  }
0x425: {  	[tilespmem:s12], [sflag:$0x2] =	stream.indirect_vreg.gather [hbm4b:s13+s0], $0x80, v14, vm0, $0xb8;
	[tilespmem:$0x13180] =	vst v63  }
0x426: {  	s3 =	simm.s32 $0xB800  }
0x427: {  	[tilespmem:s3], [sflag:$0x2] =	stream.indirect_vreg.gather [hbm4b:s15+s0], $0x80, v14, vm0, $0xb8;
	[tilespmem:$0x13180] =	vst v63  }
0x428: {  	s8 =	simm.s32 $0xC000  }
0x429: {  	[tilespmem:s8], [sflag:$0x2] =	stream.indirect_vreg.gather [hbm4b:s16+s0], $0x80, v14, vm0, $0xb8;
	[tilespmem:$0x13180] =	vst v63  }
0x42a: {  	s10 =	simm.s32 $0xC800  }
0x42b: {  	[tilespmem:s10], [sflag:$0x2] =	stream.indirect_vreg.gather [hbm4b:s17+s0], $0x80, v14, vm0, $0xb8;
	[tilespmem:$0x13180] =	vst v63  }
0x42c: {  	s12 =	simm.s32 $0xD000  }
0x42d: {  	[tilespmem:s12], [sflag:$0x2] =	stream.indirect_vreg.gather [hbm4b:s18+s0], $0x80, v14, vm0, $0xb8;
	[tilespmem:$0x13180] =	vst v63  }
0x42e: {  	s3 =	simm.s32 $0xD800  }
0x42f: {  	[tilespmem:s3], [sflag:$0x2] =	stream.indirect_vreg.gather [hbm4b:s19+s0], $0x80, v14, vm0, $0xb8;
	[tilespmem:$0x13180] =	vst v63  }
0x430: {  	s8 =	simm.s32 $0xE000  }
0x431: {  	[tilespmem:s8], [sflag:$0x2] =	stream.indirect_vreg.gather [hbm4b:s20+s0], $0x80, v14, vm0, $0xb8;
	[tilespmem:$0x13180] =	vst v63  }
0x432: {  	s10 =	simm.s32 $0xE800  }
0x433: {  	[tilespmem:s10], [sflag:$0x2] =	stream.indirect_vreg.gather [hbm4b:s21+s0], $0x80, v14, vm0, $0xb8;
	[tilespmem:$0x13180] =	vst v63  }
0x434: {  	s12 =	simm.s32 $0xF000  }
0x435: {  	[tilespmem:s12], [sflag:$0x2] =	stream.indirect_vreg.gather [hbm4b:s23+s0], $0x80, v14, vm0, $0xb8;
	[tilespmem:$0x13180] =	vst v63  }
0x436: {  	s3 =	simm.s32 $0xF800  }
0x437: {  	[tilespmem:s3], [sflag:$0x2] =	stream.indirect_vreg.gather [hbm4b:s24+s0], $0x80, v14, vm0, $0xb8;
	[tilespmem:$0x13180] =	vst v63  }
0x438: {  	s8 =	sshll.u32 s31, $0xC;
	s31 =	simm.s32 $0x0;
	s3 =	rddreg [dreg:$0xc]  }
0x439: {  	s10 =	simm.s32 $0x200;
	s12 =	simm.s32 $0x400;
	s2 =	sadd.s32 s8, s3  }
0x43a: {  	[hbm4b:s2+s10] =	stream.strided.scatter [tilespmem:s0], [sflag:$0x3], $0x8000, s12, s10, $0x38;
	[tilespmem:$0x13180] =	vst v63  }
0x43b: {  	v14 =	vld [tilespmem:s31+$0x0];
	_ =	sdelay $0x1  }
0x43c: {  	v15 =	vld [tilespmem:s31+$0x10]  }
0x43d: {  	v16 =	vld [tilespmem:s31+$0x20];
	_ =	sdelay $0x1  }
0x43e: {  	v14 =	vmul.f32 $1.442695020e+00, v14;
	_ =	sdelay $0x1  }
0x43f: {  	v17 =	vld [tilespmem:s31+$0x30];
	v15 =	vmul.f32 $1.442695020e+00, v15;
	(erf) = vpow2.f32 v14  }
0x440: {  	v16 =	vmul.f32 $1.442695020e+00, v16;
	v14 =	vld [tilespmem:s31+$0x40]  }
0x441: {  	(erf) = vpow2.f32 v15;
	v15 =	vld [tilespmem:s31+$0x50]  }
0x442: {  	(erf) = vpow2.f32 v16;
	v16 =	vld [tilespmem:s31+$0x60];
	_ =	sdelay $0x1  }
0x443: {  	v17 =	vmul.f32 $1.442695020e+00, v17  }
0x444: {  	v14 =	vmul.f32 $1.442695020e+00, v14  }
0x445: {  	(erf) = vpow2.f32 v17;
	v17 =	vld [tilespmem:s31+$0x70];
	v15 =	vmul.f32 $1.442695020e+00, v15  }
0x446: {  	(erf) = vpow2.f32 v14;
	v16 =	vmul.f32 $1.442695020e+00, v16  }
0x447: {  	v14 =	vimm.f32 $0.0e+00;
	(erf) = vpow2.f32 v15;
	v18 =	vpop (erf)  }
0x448: {  	(erf) = vpow2.f32 v16;
	v16 =	vld [tilespmem:s31+$0x200];
	v14 =	vadd.f32 v18, v14  }
0x449: {  	v15 =	vpop (erf)  }
0x44a: {  	v18 =	vld [tilespmem:s31+$0x210];
	v14 =	vadd.f32 v15, v14;
	v15 =	vmul.f32 $1.442695020e+00, v17;
	_ =	sdelay $0x1  }
0x44b: {  	v17 =	vpop (erf);
	(erf) = vpow2.f32 v15;
	v15 =	vld [tilespmem:s31+$0x220]  }
0x44c: {  	v19 =	vld [tilespmem:s31+$0x230];
	v14 =	vadd.f32 v17, v14;
	v16 =	vmul.f32 $1.442695020e+00, v16  }
0x44d: {  	v17 =	vpop (erf)  }
0x44e: {  	v18 =	vmul.f32 $1.442695020e+00, v18;
	v14 =	vadd.f32 v17, v14;
	v20 =	vpop (erf);
	(erf) = vpow2.f32 v16  }
0x44f: {  	v17 =	vld [tilespmem:s31+$0x240]  }
0x450: {  	(erf) = vpow2.f32 v18;
	v14 =	vadd.f32 v20, v14;
	v15 =	vmul.f32 $1.442695020e+00, v15  }
0x451: {  	v63 =	vld [tilespmem:s31+$0x250];
	v16 =	vmul.f32 $1.442695020e+00, v19;
	v21 =	vpop (erf)  }
0x452: {  	v18 =	vpop (erf);
	v14 =	vadd.f32 v21, v14;
	(erf) = vpow2.f32 v15  }
0x453: {  	v15 =	vld [tilespmem:s31+$0x260]  }
0x454: {  	v19 =	vmul.f32 $1.442695020e+00, v17;
	v18 =	vadd.f32 v18, v14;
	(erf) = vpow2.f32 v16  }
0x455: {  	v14 =	vld [tilespmem:s31+$0x270];
	v16 =	vpop (erf)  }
0x456: {  	s0 =	simm.s32 $0x400;
	s2 =	simm.s32 $0x2000;
	(erf) = vpow2.f32 v19;
	v17 =	vadd.f32 v16, v18;
	v16 =	vmul.f32 $1.442695020e+00, v63  }
.LBB2_19:
0x457: {  	p0 =	sne.s32 s2, $0x1F000;
	v18 =	vld [tilespmem:s0+$0x0];
	v19 =	vpop (erf)  }
0x458: {  	v17 =	vadd.f32 v19, v17;
	v15 =	vmul.f32 $1.442695020e+00, v15;
	(erf) = vpow2.f32 v16  }
0x459: {  	v16 =	vld [tilespmem:s0+$0x10];
	v19 =	vpop (erf)  }
0x45a: {  	v17 =	vadd.f32 v19, v17;
	v14 =	vmul.f32 $1.442695020e+00, v14;
	(erf) = vpow2.f32 v15  }
0x45b: {  	v15 =	vld [tilespmem:s0+$0x20];
	v19 =	vpop (erf)  }
0x45c: {  	v18 =	vmul.f32 $1.442695020e+00, v18;
	v17 =	vadd.f32 v19, v17;
	(erf) = vpow2.f32 v14  }
0x45d: {  	v14 =	vld [tilespmem:s0+$0x30];
	v19 =	vpop (erf)  }
0x45e: {  	v16 =	vmul.f32 $1.442695020e+00, v16;
	(erf) = vpow2.f32 v18;
	v17 =	vadd.f32 v19, v17  }
0x45f: {  	v18 =	vld [tilespmem:s0+$0x40];
	v19 =	vpop (erf)  }
0x460: {  	v15 =	vmul.f32 $1.442695020e+00, v15;
	(erf) = vpow2.f32 v16;
	v16 =	vadd.f32 v19, v17  }
0x461: {  	v17 =	vld [tilespmem:s0+$0x50];
	v19 =	vpop (erf)  }
0x462: {  	v14 =	vmul.f32 $1.442695020e+00, v14;
	(erf) = vpow2.f32 v15;
	v15 =	vadd.f32 v19, v16  }
0x463: {  	v16 =	vld [tilespmem:s0+$0x60];
	v19 =	vpop (erf)  }
0x464: {  	v18 =	vmul.f32 $1.442695020e+00, v18;
	(erf) = vpow2.f32 v14;
	v14 =	vadd.f32 v19, v15  }
0x465: {  	v15 =	vld [tilespmem:s0+$0x70];
	v19 =	vpop (erf)  }
0x466: {  	v17 =	vmul.f32 $1.442695020e+00, v17;
	(erf) = vpow2.f32 v18;
	v14 =	vadd.f32 v19, v14  }
0x467: {  	v18 =	vld [tilespmem:s0+$0x200];
	v19 =	vpop (erf)  }
0x468: {  	v14 =	vadd.f32 v19, v14;
	v16 =	vmul.f32 $1.442695020e+00, v16;
	(erf) = vpow2.f32 v17  }
0x469: {  	v17 =	vld [tilespmem:s0+$0x210];
	v19 =	vpop (erf)  }
0x46a: {  	v14 =	vadd.f32 v19, v14;
	v15 =	vmul.f32 $1.442695020e+00, v15;
	(erf) = vpow2.f32 v16  }
0x46b: {  	v16 =	vld [tilespmem:s0+$0x220];
	v19 =	vpop (erf)  }
0x46c: {  	v14 =	vadd.f32 v19, v14;
	v18 =	vmul.f32 $1.442695020e+00, v18;
	(erf) = vpow2.f32 v15  }
0x46d: {  	v15 =	vld [tilespmem:s0+$0x230];
	v19 =	vpop (erf)  }
0x46e: {  	v14 =	vadd.f32 v19, v14;
	v20 =	vmul.f32 $1.442695020e+00, v17;
	(erf) = vpow2.f32 v18  }
0x46f: {  	v18 =	vld [tilespmem:s0+$0x240];
	v19 =	vpop (erf)  }
0x470: {  	v14 =	vadd.f32 v19, v14;
	v21 =	vmul.f32 $1.442695020e+00, v16;
	(erf) = vpow2.f32 v20  }
0x471: {  	v19 =	vld [tilespmem:s0+$0x250];
	v17 =	vpop (erf)  }
.Ltmp8:
0x472: {  	v14 =	vadd.f32 v17, v14;
	v20 =	vmul.f32 $1.442695020e+00, v15;
	(erf) = vpow2.f32 v21;
	(pc) =	sbr.rel @p0 .LBB2_19-.Ltmp8, $4  }
0x473: {  	v15 =	vld [tilespmem:s0+$0x260];
	v16 =	vpop (erf)  }
0x474: {  	v16 =	vadd.f32 v16, v14;
	v18 =	vmul.f32 $1.442695020e+00, v18;
	(erf) = vpow2.f32 v20  }
0x475: {  	v14 =	vld [tilespmem:s0+$0x270];
	v17 =	vpop (erf)  }
0x476: {  	s0 =	sshra.s32 s2, $0x2;
	s2 =	sadd.s32 $0x1000, s2;
	v17 =	vadd.f32 v17, v16;
	v16 =	vmul.f32 $1.442695020e+00, v19;
	(erf) = vpow2.f32 v18  }
0x477: {  	v18 =	vld [tilespmem:s0+$0x0];
	v19 =	vpop (erf)  }
0x478: {  	v17 =	vadd.f32 v19, v17;
	v15 =	vmul.f32 $1.442695020e+00, v15;
	(erf) = vpow2.f32 v16  }
0x479: {  	v16 =	vld [tilespmem:s0+$0x10];
	v19 =	vpop (erf)  }
0x47a: {  	v17 =	vadd.f32 v19, v17;
	v14 =	vmul.f32 $1.442695020e+00, v14;
	(erf) = vpow2.f32 v15  }
0x47b: {  	v15 =	vld [tilespmem:s0+$0x20];
	v19 =	vpop (erf)  }
0x47c: {  	v18 =	vmul.f32 $1.442695020e+00, v18;
	v17 =	vadd.f32 v19, v17;
	(erf) = vpow2.f32 v14  }
0x47d: {  	v14 =	vld [tilespmem:s0+$0x30];
	v19 =	vpop (erf)  }
0x47e: {  	v16 =	vmul.f32 $1.442695020e+00, v16;
	(erf) = vpow2.f32 v18;
	v17 =	vadd.f32 v19, v17  }
0x47f: {  	v18 =	vld [tilespmem:s0+$0x40];
	v19 =	vpop (erf)  }
0x480: {  	v15 =	vmul.f32 $1.442695020e+00, v15;
	(erf) = vpow2.f32 v16;
	v16 =	vadd.f32 v19, v17  }
0x481: {  	v17 =	vld [tilespmem:s0+$0x50];
	v19 =	vpop (erf)  }
0x482: {  	v14 =	vmul.f32 $1.442695020e+00, v14;
	(erf) = vpow2.f32 v15;
	v15 =	vadd.f32 v19, v16  }
0x483: {  	v16 =	vld [tilespmem:s0+$0x60];
	v19 =	vpop (erf)  }
0x484: {  	v18 =	vmul.f32 $1.442695020e+00, v18;
	(erf) = vpow2.f32 v14;
	v14 =	vadd.f32 v19, v15  }
0x485: {  	v15 =	vld [tilespmem:s0+$0x70];
	v19 =	vpop (erf)  }
0x486: {  	v17 =	vmul.f32 $1.442695020e+00, v17;
	(erf) = vpow2.f32 v18;
	v14 =	vadd.f32 v19, v14  }
0x487: {  	v18 =	vld [tilespmem:s0+$0x200];
	v19 =	vpop (erf)  }
0x488: {  	v16 =	vmul.f32 $1.442695020e+00, v16;
	(erf) = vpow2.f32 v17;
	v14 =	vadd.f32 v19, v14  }
0x489: {  	v17 =	vld [tilespmem:s0+$0x210];
	v19 =	vpop (erf)  }
0x48a: {  	v15 =	vmul.f32 $1.442695020e+00, v15;
	(erf) = vpow2.f32 v16;
	v14 =	vadd.f32 v19, v14  }
0x48b: {  	v16 =	vld [tilespmem:s0+$0x220];
	v19 =	vpop (erf)  }
0x48c: {  	v18 =	vmul.f32 $1.442695020e+00, v18;
	(erf) = vpow2.f32 v15;
	v14 =	vadd.f32 v19, v14  }
0x48d: {  	v15 =	vld [tilespmem:s0+$0x230];
	v19 =	vpop (erf)  }
0x48e: {  	v17 =	vmul.f32 $1.442695020e+00, v17;
	(erf) = vpow2.f32 v18;
	v18 =	vld [tilespmem:s0+$0x240];
	v14 =	vadd.f32 v19, v14  }
0x48f: {  	v19 =	vpop (erf)  }
0x490: {  	v16 =	vmul.f32 $1.442695020e+00, v16;
	(erf) = vpow2.f32 v17;
	v17 =	vld [tilespmem:s0+$0x250];
	v14 =	vadd.f32 v19, v14  }
0x491: {  	v19 =	vpop (erf)  }
0x492: {  	v15 =	vmul.f32 $1.442695020e+00, v15;
	(erf) = vpow2.f32 v16;
	v16 =	vld [tilespmem:s0+$0x260];
	v14 =	vadd.f32 v19, v14  }
0x493: {  	v18 =	vmul.f32 $1.442695020e+00, v18;
	v19 =	vpop (erf)  }
0x494: {  	(erf) = vpow2.f32 v15;
	v15 =	vld [tilespmem:s0+$0x270];
	v14 =	vadd.f32 v19, v14  }
0x495: {  	v17 =	vmul.f32 $1.442695020e+00, v17;
	v19 =	vpop (erf)  }
0x496: {  	(erf) = vpow2.f32 v18;
	v14 =	vadd.f32 v19, v14  }
0x497: {  	v18 =	vpop (erf);
	v16 =	vmul.f32 $1.442695020e+00, v16  }
0x498: {  	(erf) = vpow2.f32 v17;
	v14 =	vadd.f32 v18, v14  }
0x499: {  	v17 =	vpop (erf);
	v15 =	vmul.f32 $1.442695020e+00, v15  }
0x49a: {  	(erf) = vpow2.f32 v16;
	v14 =	vadd.f32 v17, v14  }
0x49b: {  	v16 =	vpop (erf)  }
0x49c: {  	(erf) = vpow2.f32 v15;
	v14 =	vadd.f32 v16, v14  }
0x49d: {  	v15 =	vpop (erf)  }
0x49e: {  	v14 =	vadd.f32 v15, v14  }
0x49f: {  	v15 =	vpop (erf)  }
0x4a0: {  	v14 =	vadd.f32 v15, v14  }
0x4a1: {  	v15 =	vpop (erf)  }
0x4a2: {  	v14 =	vadd.f32 v15, v14  }
0x4a3: {  	v15 =	vpop (erf)  }
0x4a4: {  	v14 =	vadd.f32 v15, v14  }
0x4a5: {  	v15 =	vpop (erf)  }
0x4a6: {  	v14 =	vadd.f32 v15, v14;
	_ =	sdelay $0x1  }
0x4a7: {  	s10 =	smov.u32 s9;
	s9 =	simm.s32 $0x0;
	[tilespmem:s28+$0x12200] =	vst v14  }
0x4a8: {  	v14 =	vld [tilespmem:s9+$0x80]  }
0x4a9: {  	v15 =	vld [tilespmem:s9+$0x90];
	_ =	sdelay $0x1  }
0x4aa: {  	v16 =	vld [tilespmem:s9+$0xA0];
	_ =	sdelay $0x1  }
0x4ab: {  	v17 =	vld [tilespmem:s9+$0xB0];
	v14 =	vmul.f32 $1.442695020e+00, v14  }
0x4ac: {  	v15 =	vmul.f32 $1.442695020e+00, v15  }
0x4ad: {  	(erf) = vpow2.f32 v14;
	v14 =	vld [tilespmem:s9+$0xC0]  }
0x4ae: {  	v16 =	vmul.f32 $1.442695020e+00, v16;
	(erf) = vpow2.f32 v15;
	v15 =	vld [tilespmem:s9+$0xD0];
	_ =	sdelay $0x1  }
0x4af: {  	v17 =	vmul.f32 $1.442695020e+00, v17;
	(erf) = vpow2.f32 v16;
	v16 =	vld [tilespmem:s9+$0xE0];
	_ =	sdelay $0x1  }
0x4b0: {  	(erf) = vpow2.f32 v17  }
0x4b1: {  	(v2sf) =	vpush v4, $0x8;
	v14 =	vmul.f32 $1.442695020e+00, v14;
	v15 =	vmul.f32 $1.442695020e+00, v15  }
0x4b2: {  	v17 =	vld [tilespmem:s9+$0xF0]  }
0x4b3: {  	(erf) = vpow2.f32 v14;
	v16 =	vmul.f32 $1.442695020e+00, v16  }
0x4b4: {  	v14 =	vimm.f32 $0.0e+00;
	(erf) = vpow2.f32 v15;
	v18 =	vpop (erf)  }
0x4b5: {  	v14 =	vadd.f32 v18, v14;
	v15 =	vpop (erf);
	(erf) = vpow2.f32 v16;
	v16 =	vld [tilespmem:s9+$0x280];
	_ =	sdelay $0x1  }
0x4b6: {  	v18 =	vld [tilespmem:s9+$0x290];
	v14 =	vadd.f32 v15, v14;
	v15 =	vmul.f32 $1.442695020e+00, v17  }
0x4b7: {  	v17 =	vpop (erf)  }
0x4b8: {  	v14 =	vadd.f32 v17, v14;
	(erf) = vpow2.f32 v15;
	v15 =	vld [tilespmem:s9+$0x2A0]  }
0x4b9: {  	v17 =	vpop (erf);
	v16 =	vmul.f32 $1.442695020e+00, v16  }
0x4ba: {  	v19 =	vld [tilespmem:s9+$0x2B0];
	v14 =	vadd.f32 v17, v14  }
0x4bb: {  	v18 =	vmul.f32 $1.442695020e+00, v18;
	v20 =	vpop (erf);
	(erf) = vpow2.f32 v16  }
0x4bc: {  	v17 =	vld [tilespmem:s9+$0x2C0];
	v14 =	vadd.f32 v20, v14  }
0x4bd: {  	v21 =	vpop (erf);
	(erf) = vpow2.f32 v18;
	v15 =	vmul.f32 $1.442695020e+00, v15  }
0x4be: {  	v20 =	vld [tilespmem:s9+$0x2D0];
	v16 =	vadd.f32 v21, v14  }
0x4bf: {  	s31 =	spop (v2sf);
	v18 =	vmul.f32 $1.442695020e+00, v19;
	v19 =	vpop (erf);
	(erf) = vpow2.f32 v15  }
0x4c0: {  	s2 =	sshll.u32 s31, $0x2;
	v19 =	vadd.f32 v19, v16;
	v16 =	vld [tilespmem:s9+$0x2E0]  }
0x4c1: {  	s3 =	sand.u32 $0x70, s31;
	s2 =	sand.u32 $0xFFFFFE00, s2;
	v63 =	vmul.f32 $1.442695020e+00, v17;
	(erf) = vpow2.f32 v18  }
0x4c2: {  	s2 =	sor.u32 s3, s2;
	v15 =	vld [tilespmem:s9+$0x2F0];
	v17 =	vpop (erf)  }
0x4c3: {  	s12 =	smov.u32 s7;
	s0 =	simm.s32 $0x400;
	v14 =	vld [tilespmem:s2+$0x0];
	s2 =	simm.s32 $0x2000;
	(erf) = vpow2.f32 v63;
	v18 =	vadd.f32 v17, v19;
	v17 =	vmul.f32 $1.442695020e+00, v20  }
.LBB2_21:
0x4c4: {  	p0 =	sne.s32 s2, $0x1F000;
	v19 =	vld [tilespmem:s0+$0x80];
	v20 =	vpop (erf)  }
0x4c5: {  	v18 =	vadd.f32 v20, v18;
	v16 =	vmul.f32 $1.442695020e+00, v16;
	(erf) = vpow2.f32 v17  }
0x4c6: {  	v17 =	vld [tilespmem:s0+$0x90];
	v20 =	vpop (erf)  }
0x4c7: {  	v18 =	vadd.f32 v20, v18;
	v15 =	vmul.f32 $1.442695020e+00, v15;
	(erf) = vpow2.f32 v16  }
0x4c8: {  	v16 =	vld [tilespmem:s0+$0xA0];
	v20 =	vpop (erf)  }
0x4c9: {  	v19 =	vmul.f32 $1.442695020e+00, v19;
	v18 =	vadd.f32 v20, v18;
	(erf) = vpow2.f32 v15  }
0x4ca: {  	v15 =	vld [tilespmem:s0+$0xB0];
	v20 =	vpop (erf)  }
0x4cb: {  	v17 =	vmul.f32 $1.442695020e+00, v17;
	(erf) = vpow2.f32 v19;
	v18 =	vadd.f32 v20, v18  }
0x4cc: {  	v19 =	vld [tilespmem:s0+$0xC0];
	v20 =	vpop (erf)  }
0x4cd: {  	v16 =	vmul.f32 $1.442695020e+00, v16;
	(erf) = vpow2.f32 v17;
	v17 =	vadd.f32 v20, v18  }
0x4ce: {  	v18 =	vld [tilespmem:s0+$0xD0];
	v20 =	vpop (erf)  }
0x4cf: {  	v15 =	vmul.f32 $1.442695020e+00, v15;
	(erf) = vpow2.f32 v16;
	v16 =	vadd.f32 v20, v17  }
0x4d0: {  	v17 =	vld [tilespmem:s0+$0xE0];
	v20 =	vpop (erf)  }
0x4d1: {  	v19 =	vmul.f32 $1.442695020e+00, v19;
	(erf) = vpow2.f32 v15;
	v15 =	vadd.f32 v20, v16  }
0x4d2: {  	v16 =	vld [tilespmem:s0+$0xF0];
	v20 =	vpop (erf)  }
0x4d3: {  	v18 =	vmul.f32 $1.442695020e+00, v18;
	(erf) = vpow2.f32 v19;
	v15 =	vadd.f32 v20, v15  }
0x4d4: {  	v19 =	vld [tilespmem:s0+$0x280];
	v20 =	vpop (erf)  }
0x4d5: {  	v15 =	vadd.f32 v20, v15;
	v17 =	vmul.f32 $1.442695020e+00, v17;
	(erf) = vpow2.f32 v18  }
0x4d6: {  	v18 =	vld [tilespmem:s0+$0x290];
	v20 =	vpop (erf)  }
0x4d7: {  	v15 =	vadd.f32 v20, v15;
	v16 =	vmul.f32 $1.442695020e+00, v16;
	(erf) = vpow2.f32 v17  }
0x4d8: {  	v17 =	vld [tilespmem:s0+$0x2A0];
	v20 =	vpop (erf)  }
0x4d9: {  	v15 =	vadd.f32 v20, v15;
	v19 =	vmul.f32 $1.442695020e+00, v19;
	(erf) = vpow2.f32 v16  }
0x4da: {  	v16 =	vld [tilespmem:s0+$0x2B0];
	v20 =	vpop (erf)  }
0x4db: {  	v15 =	vadd.f32 v20, v15;
	v21 =	vmul.f32 $1.442695020e+00, v18;
	(erf) = vpow2.f32 v19  }
0x4dc: {  	v19 =	vld [tilespmem:s0+$0x2C0];
	v20 =	vpop (erf)  }
0x4dd: {  	v15 =	vadd.f32 v20, v15;
	v22 =	vmul.f32 $1.442695020e+00, v17;
	(erf) = vpow2.f32 v21  }
0x4de: {  	v20 =	vld [tilespmem:s0+$0x2D0];
	v18 =	vpop (erf)  }
.Ltmp9:
0x4df: {  	v15 =	vadd.f32 v18, v15;
	v21 =	vmul.f32 $1.442695020e+00, v16;
	(erf) = vpow2.f32 v22;
	(pc) =	sbr.rel @p0 .LBB2_21-.Ltmp9, $4  }
0x4e0: {  	v16 =	vld [tilespmem:s0+$0x2E0];
	v17 =	vpop (erf)  }
0x4e1: {  	v17 =	vadd.f32 v17, v15;
	v19 =	vmul.f32 $1.442695020e+00, v19;
	(erf) = vpow2.f32 v21  }
0x4e2: {  	v15 =	vld [tilespmem:s0+$0x2F0];
	v18 =	vpop (erf)  }
0x4e3: {  	s0 =	sshra.s32 s2, $0x2;
	s2 =	sadd.s32 $0x1000, s2;
	v18 =	vadd.f32 v18, v17;
	v17 =	vmul.f32 $1.442695020e+00, v20;
	(erf) = vpow2.f32 v19  }
0x4e4: {  	v19 =	vld [tilespmem:s0+$0x80];
	v20 =	vpop (erf)  }
0x4e5: {  	v18 =	vadd.f32 v20, v18;
	v16 =	vmul.f32 $1.442695020e+00, v16;
	(erf) = vpow2.f32 v17  }
0x4e6: {  	v17 =	vld [tilespmem:s0+$0x90];
	v20 =	vpop (erf)  }
0x4e7: {  	v18 =	vadd.f32 v20, v18;
	v15 =	vmul.f32 $1.442695020e+00, v15;
	(erf) = vpow2.f32 v16  }
0x4e8: {  	v16 =	vld [tilespmem:s0+$0xA0];
	v20 =	vpop (erf)  }
0x4e9: {  	v19 =	vmul.f32 $1.442695020e+00, v19;
	v18 =	vadd.f32 v20, v18;
	(erf) = vpow2.f32 v15  }
0x4ea: {  	v15 =	vld [tilespmem:s0+$0xB0];
	v20 =	vpop (erf)  }
0x4eb: {  	v17 =	vmul.f32 $1.442695020e+00, v17;
	(erf) = vpow2.f32 v19;
	v18 =	vadd.f32 v20, v18  }
0x4ec: {  	v19 =	vld [tilespmem:s0+$0xC0];
	v20 =	vpop (erf)  }
0x4ed: {  	v16 =	vmul.f32 $1.442695020e+00, v16;
	(erf) = vpow2.f32 v17;
	v17 =	vadd.f32 v20, v18  }
0x4ee: {  	v18 =	vld [tilespmem:s0+$0xD0];
	v20 =	vpop (erf)  }
0x4ef: {  	v15 =	vmul.f32 $1.442695020e+00, v15;
	(erf) = vpow2.f32 v16;
	v16 =	vadd.f32 v20, v17  }
0x4f0: {  	v17 =	vld [tilespmem:s0+$0xE0];
	v20 =	vpop (erf)  }
0x4f1: {  	v19 =	vmul.f32 $1.442695020e+00, v19;
	(erf) = vpow2.f32 v15;
	v15 =	vadd.f32 v20, v16  }
0x4f2: {  	v16 =	vld [tilespmem:s0+$0xF0];
	v20 =	vpop (erf)  }
0x4f3: {  	v18 =	vmul.f32 $1.442695020e+00, v18;
	(erf) = vpow2.f32 v19;
	v15 =	vadd.f32 v20, v15  }
0x4f4: {  	v19 =	vld [tilespmem:s0+$0x280];
	v20 =	vpop (erf)  }
0x4f5: {  	v17 =	vmul.f32 $1.442695020e+00, v17;
	(erf) = vpow2.f32 v18;
	v15 =	vadd.f32 v20, v15  }
0x4f6: {  	v18 =	vld [tilespmem:s0+$0x290];
	v20 =	vpop (erf)  }
0x4f7: {  	v16 =	vmul.f32 $1.442695020e+00, v16;
	(erf) = vpow2.f32 v17;
	v15 =	vadd.f32 v20, v15  }
0x4f8: {  	v17 =	vld [tilespmem:s0+$0x2A0];
	v20 =	vpop (erf)  }
0x4f9: {  	v19 =	vmul.f32 $1.442695020e+00, v19;
	(erf) = vpow2.f32 v16;
	v15 =	vadd.f32 v20, v15  }
0x4fa: {  	v16 =	vld [tilespmem:s0+$0x2B0];
	v20 =	vpop (erf)  }
0x4fb: {  	v18 =	vmul.f32 $1.442695020e+00, v18;
	(erf) = vpow2.f32 v19;
	v19 =	vld [tilespmem:s0+$0x2C0];
	v15 =	vadd.f32 v20, v15  }
0x4fc: {  	v20 =	vpop (erf)  }
0x4fd: {  	v17 =	vmul.f32 $1.442695020e+00, v17;
	(erf) = vpow2.f32 v18;
	v18 =	vld [tilespmem:s0+$0x2D0];
	v15 =	vadd.f32 v20, v15  }
0x4fe: {  	v20 =	vpop (erf)  }
0x4ff: {  	v16 =	vmul.f32 $1.442695020e+00, v16;
	(erf) = vpow2.f32 v17;
	v17 =	vld [tilespmem:s0+$0x2E0];
	v15 =	vadd.f32 v20, v15  }
0x500: {  	v19 =	vmul.f32 $1.442695020e+00, v19;
	v20 =	vpop (erf)  }
0x501: {  	(erf) = vpow2.f32 v16;
	v16 =	vld [tilespmem:s0+$0x2F0];
	v15 =	vadd.f32 v20, v15  }
0x502: {  	v18 =	vmul.f32 $1.442695020e+00, v18;
	v20 =	vpop (erf)  }
0x503: {  	(erf) = vpow2.f32 v19;
	v15 =	vadd.f32 v20, v15  }
0x504: {  	v19 =	vpop (erf);
	v17 =	vmul.f32 $1.442695020e+00, v17  }
0x505: {  	(erf) = vpow2.f32 v18;
	v15 =	vadd.f32 v19, v15  }
0x506: {  	v18 =	vpop (erf);
	v16 =	vmul.f32 $1.442695020e+00, v16  }
0x507: {  	(erf) = vpow2.f32 v17;
	v15 =	vadd.f32 v18, v15  }
0x508: {  	v17 =	vpop (erf)  }
0x509: {  	(erf) = vpow2.f32 v16;
	v15 =	vadd.f32 v17, v15  }
0x50a: {  	v16 =	vpop (erf)  }
0x50b: {  	v15 =	vadd.f32 v16, v15  }
0x50c: {  	v16 =	vpop (erf)  }
0x50d: {  	v15 =	vadd.f32 v16, v15  }
0x50e: {  	v16 =	vpop (erf)  }
0x50f: {  	v15 =	vadd.f32 v16, v15  }
0x510: {  	v16 =	vpop (erf)  }
0x511: {  	v15 =	vadd.f32 v16, v15  }
0x512: {  	v16 =	vpop (erf)  }
0x513: {  	v15 =	vadd.f32 v16, v15;
	_ =	sdelay $0x1  }
0x514: {  	s9 =	simm.s32 $0x0;
	[tilespmem:s28+$0x12210] =	vst v15  }
0x515: {  	v15 =	vld [tilespmem:s9+$0x100]  }
0x516: {  	v16 =	vld [tilespmem:s9+$0x110];
	_ =	sdelay $0x1  }
0x517: {  	v17 =	vld [tilespmem:s9+$0x120];
	_ =	sdelay $0x1  }
0x518: {  	v18 =	vld [tilespmem:s9+$0x130];
	v15 =	vmul.f32 $1.442695020e+00, v15  }
0x519: {  	v16 =	vmul.f32 $1.442695020e+00, v16  }
0x51a: {  	(erf) = vpow2.f32 v15;
	v15 =	vld [tilespmem:s9+$0x140]  }
0x51b: {  	v17 =	vmul.f32 $1.442695020e+00, v17;
	(erf) = vpow2.f32 v16;
	v16 =	vld [tilespmem:s9+$0x150];
	_ =	sdelay $0x1  }
0x51c: {  	v18 =	vmul.f32 $1.442695020e+00, v18;
	(erf) = vpow2.f32 v17;
	v17 =	vld [tilespmem:s9+$0x160];
	_ =	sdelay $0x1  }
0x51d: {  	(erf) = vpow2.f32 v18  }
0x51e: {  	(v2sf) =	vpush v4, $0x9;
	v15 =	vmul.f32 $1.442695020e+00, v15;
	v16 =	vmul.f32 $1.442695020e+00, v16  }
0x51f: {  	v18 =	vld [tilespmem:s9+$0x170]  }
0x520: {  	(erf) = vpow2.f32 v15;
	v17 =	vmul.f32 $1.442695020e+00, v17  }
0x521: {  	v15 =	vimm.f32 $0.0e+00;
	(erf) = vpow2.f32 v16;
	v19 =	vpop (erf)  }
0x522: {  	v15 =	vadd.f32 v19, v15;
	v16 =	vpop (erf);
	(erf) = vpow2.f32 v17;
	v17 =	vld [tilespmem:s9+$0x300];
	_ =	sdelay $0x1  }
0x523: {  	v19 =	vld [tilespmem:s9+$0x310];
	v15 =	vadd.f32 v16, v15;
	v16 =	vmul.f32 $1.442695020e+00, v18  }
0x524: {  	v18 =	vpop (erf)  }
0x525: {  	v15 =	vadd.f32 v18, v15;
	(erf) = vpow2.f32 v16;
	v16 =	vld [tilespmem:s9+$0x320]  }
0x526: {  	v18 =	vpop (erf);
	v17 =	vmul.f32 $1.442695020e+00, v17  }
0x527: {  	v20 =	vld [tilespmem:s9+$0x330];
	v15 =	vadd.f32 v18, v15  }
0x528: {  	v19 =	vmul.f32 $1.442695020e+00, v19;
	v21 =	vpop (erf);
	(erf) = vpow2.f32 v17  }
0x529: {  	v18 =	vld [tilespmem:s9+$0x340];
	v15 =	vadd.f32 v21, v15  }
0x52a: {  	v22 =	vpop (erf);
	(erf) = vpow2.f32 v19;
	v16 =	vmul.f32 $1.442695020e+00, v16  }
0x52b: {  	v62 =	vld [tilespmem:s9+$0x350];
	v17 =	vadd.f32 v22, v15  }
0x52c: {  	s3 =	spop (v2sf);
	v19 =	vmul.f32 $1.442695020e+00, v20;
	v20 =	vpop (erf);
	(erf) = vpow2.f32 v16  }
0x52d: {  	s2 =	sshll.u32 s3, $0x2;
	v20 =	vadd.f32 v20, v17;
	v17 =	vld [tilespmem:s9+$0x360]  }
0x52e: {  	s7 =	sand.u32 $0x70, s3;
	s2 =	sand.u32 $0xFFFFFE00, s2;
	v63 =	vmul.f32 $1.442695020e+00, v18;
	(erf) = vpow2.f32 v19  }
0x52f: {  	s2 =	sor.u32 s7, s2;
	v16 =	vld [tilespmem:s9+$0x370];
	v18 =	vpop (erf)  }
0x530: {  	s0 =	simm.s32 $0x400;
	v15 =	vld [tilespmem:s2+$0x80];
	s2 =	simm.s32 $0x2000;
	(erf) = vpow2.f32 v63;
	v19 =	vadd.f32 v18, v20;
	v18 =	vmul.f32 $1.442695020e+00, v62  }
.LBB2_23:
0x531: {  	p0 =	sne.s32 s2, $0x1F000;
	v20 =	vld [tilespmem:s0+$0x100];
	v21 =	vpop (erf)  }
0x532: {  	v19 =	vadd.f32 v21, v19;
	v17 =	vmul.f32 $1.442695020e+00, v17;
	(erf) = vpow2.f32 v18  }
0x533: {  	v18 =	vld [tilespmem:s0+$0x110];
	v21 =	vpop (erf)  }
0x534: {  	v19 =	vadd.f32 v21, v19;
	v16 =	vmul.f32 $1.442695020e+00, v16;
	(erf) = vpow2.f32 v17  }
0x535: {  	v17 =	vld [tilespmem:s0+$0x120];
	v21 =	vpop (erf)  }
0x536: {  	v20 =	vmul.f32 $1.442695020e+00, v20;
	v19 =	vadd.f32 v21, v19;
	(erf) = vpow2.f32 v16  }
0x537: {  	v16 =	vld [tilespmem:s0+$0x130];
	v21 =	vpop (erf)  }
0x538: {  	v18 =	vmul.f32 $1.442695020e+00, v18;
	(erf) = vpow2.f32 v20;
	v19 =	vadd.f32 v21, v19  }
0x539: {  	v20 =	vld [tilespmem:s0+$0x140];
	v21 =	vpop (erf)  }
0x53a: {  	v17 =	vmul.f32 $1.442695020e+00, v17;
	(erf) = vpow2.f32 v18;
	v18 =	vadd.f32 v21, v19  }
0x53b: {  	v19 =	vld [tilespmem:s0+$0x150];
	v21 =	vpop (erf)  }
0x53c: {  	v16 =	vmul.f32 $1.442695020e+00, v16;
	(erf) = vpow2.f32 v17;
	v17 =	vadd.f32 v21, v18  }
0x53d: {  	v18 =	vld [tilespmem:s0+$0x160];
	v21 =	vpop (erf)  }
0x53e: {  	v20 =	vmul.f32 $1.442695020e+00, v20;
	(erf) = vpow2.f32 v16;
	v16 =	vadd.f32 v21, v17  }
0x53f: {  	v17 =	vld [tilespmem:s0+$0x170];
	v21 =	vpop (erf)  }
0x540: {  	v19 =	vmul.f32 $1.442695020e+00, v19;
	(erf) = vpow2.f32 v20;
	v16 =	vadd.f32 v21, v16  }
0x541: {  	v20 =	vld [tilespmem:s0+$0x300];
	v21 =	vpop (erf)  }
0x542: {  	v16 =	vadd.f32 v21, v16;
	v18 =	vmul.f32 $1.442695020e+00, v18;
	(erf) = vpow2.f32 v19  }
0x543: {  	v19 =	vld [tilespmem:s0+$0x310];
	v21 =	vpop (erf)  }
0x544: {  	v16 =	vadd.f32 v21, v16;
	v17 =	vmul.f32 $1.442695020e+00, v17;
	(erf) = vpow2.f32 v18  }
0x545: {  	v18 =	vld [tilespmem:s0+$0x320];
	v21 =	vpop (erf)  }
0x546: {  	v16 =	vadd.f32 v21, v16;
	v20 =	vmul.f32 $1.442695020e+00, v20;
	(erf) = vpow2.f32 v17  }
0x547: {  	v17 =	vld [tilespmem:s0+$0x330];
	v21 =	vpop (erf)  }
0x548: {  	v16 =	vadd.f32 v21, v16;
	v22 =	vmul.f32 $1.442695020e+00, v19;
	(erf) = vpow2.f32 v20  }
0x549: {  	v20 =	vld [tilespmem:s0+$0x340];
	v21 =	vpop (erf)  }
0x54a: {  	v16 =	vadd.f32 v21, v16;
	v23 =	vmul.f32 $1.442695020e+00, v18;
	(erf) = vpow2.f32 v22  }
0x54b: {  	v21 =	vld [tilespmem:s0+$0x350];
	v19 =	vpop (erf)  }
.Ltmp10:
0x54c: {  	v16 =	vadd.f32 v19, v16;
	v22 =	vmul.f32 $1.442695020e+00, v17;
	(erf) = vpow2.f32 v23;
	(pc) =	sbr.rel @p0 .LBB2_23-.Ltmp10, $4  }
0x54d: {  	v17 =	vld [tilespmem:s0+$0x360];
	v18 =	vpop (erf)  }
0x54e: {  	v18 =	vadd.f32 v18, v16;
	v20 =	vmul.f32 $1.442695020e+00, v20;
	(erf) = vpow2.f32 v22  }
0x54f: {  	v16 =	vld [tilespmem:s0+$0x370];
	v19 =	vpop (erf)  }
0x550: {  	s0 =	sshra.s32 s2, $0x2;
	s2 =	sadd.s32 $0x1000, s2;
	v19 =	vadd.f32 v19, v18;
	v18 =	vmul.f32 $1.442695020e+00, v21;
	(erf) = vpow2.f32 v20  }
0x551: {  	v20 =	vld [tilespmem:s0+$0x100];
	v21 =	vpop (erf)  }
0x552: {  	v19 =	vadd.f32 v21, v19;
	v17 =	vmul.f32 $1.442695020e+00, v17;
	(erf) = vpow2.f32 v18  }
0x553: {  	v18 =	vld [tilespmem:s0+$0x110];
	v21 =	vpop (erf)  }
0x554: {  	v19 =	vadd.f32 v21, v19;
	v16 =	vmul.f32 $1.442695020e+00, v16;
	(erf) = vpow2.f32 v17  }
0x555: {  	v17 =	vld [tilespmem:s0+$0x120];
	v21 =	vpop (erf)  }
0x556: {  	v20 =	vmul.f32 $1.442695020e+00, v20;
	v19 =	vadd.f32 v21, v19;
	(erf) = vpow2.f32 v16  }
0x557: {  	v16 =	vld [tilespmem:s0+$0x130];
	v21 =	vpop (erf)  }
0x558: {  	v18 =	vmul.f32 $1.442695020e+00, v18;
	(erf) = vpow2.f32 v20;
	v19 =	vadd.f32 v21, v19  }
0x559: {  	v20 =	vld [tilespmem:s0+$0x140];
	v21 =	vpop (erf)  }
0x55a: {  	v17 =	vmul.f32 $1.442695020e+00, v17;
	(erf) = vpow2.f32 v18;
	v18 =	vadd.f32 v21, v19  }
0x55b: {  	v19 =	vld [tilespmem:s0+$0x150];
	v21 =	vpop (erf)  }
0x55c: {  	v16 =	vmul.f32 $1.442695020e+00, v16;
	(erf) = vpow2.f32 v17;
	v17 =	vadd.f32 v21, v18  }
0x55d: {  	v18 =	vld [tilespmem:s0+$0x160];
	v21 =	vpop (erf)  }
0x55e: {  	v20 =	vmul.f32 $1.442695020e+00, v20;
	(erf) = vpow2.f32 v16;
	v16 =	vadd.f32 v21, v17  }
0x55f: {  	v17 =	vld [tilespmem:s0+$0x170];
	v21 =	vpop (erf)  }
0x560: {  	v19 =	vmul.f32 $1.442695020e+00, v19;
	(erf) = vpow2.f32 v20;
	v16 =	vadd.f32 v21, v16  }
0x561: {  	v20 =	vld [tilespmem:s0+$0x300];
	v21 =	vpop (erf)  }
0x562: {  	v18 =	vmul.f32 $1.442695020e+00, v18;
	(erf) = vpow2.f32 v19;
	v16 =	vadd.f32 v21, v16  }
0x563: {  	v19 =	vld [tilespmem:s0+$0x310];
	v21 =	vpop (erf)  }
0x564: {  	v17 =	vmul.f32 $1.442695020e+00, v17;
	(erf) = vpow2.f32 v18;
	v16 =	vadd.f32 v21, v16  }
0x565: {  	v18 =	vld [tilespmem:s0+$0x320];
	v21 =	vpop (erf)  }
0x566: {  	v20 =	vmul.f32 $1.442695020e+00, v20;
	(erf) = vpow2.f32 v17;
	v16 =	vadd.f32 v21, v16  }
0x567: {  	v17 =	vld [tilespmem:s0+$0x330];
	v21 =	vpop (erf)  }
0x568: {  	v19 =	vmul.f32 $1.442695020e+00, v19;
	(erf) = vpow2.f32 v20;
	v20 =	vld [tilespmem:s0+$0x340];
	v16 =	vadd.f32 v21, v16  }
0x569: {  	v21 =	vpop (erf)  }
0x56a: {  	v18 =	vmul.f32 $1.442695020e+00, v18;
	(erf) = vpow2.f32 v19;
	v19 =	vld [tilespmem:s0+$0x350];
	v16 =	vadd.f32 v21, v16  }
0x56b: {  	v21 =	vpop (erf)  }
0x56c: {  	v17 =	vmul.f32 $1.442695020e+00, v17;
	(erf) = vpow2.f32 v18;
	v18 =	vld [tilespmem:s0+$0x360];
	v16 =	vadd.f32 v21, v16  }
0x56d: {  	v20 =	vmul.f32 $1.442695020e+00, v20;
	v21 =	vpop (erf)  }
0x56e: {  	(erf) = vpow2.f32 v17;
	v17 =	vld [tilespmem:s0+$0x370];
	v16 =	vadd.f32 v21, v16  }
0x56f: {  	v19 =	vmul.f32 $1.442695020e+00, v19;
	v21 =	vpop (erf)  }
0x570: {  	(erf) = vpow2.f32 v20;
	v16 =	vadd.f32 v21, v16  }
0x571: {  	v20 =	vpop (erf);
	v18 =	vmul.f32 $1.442695020e+00, v18  }
0x572: {  	(erf) = vpow2.f32 v19;
	v16 =	vadd.f32 v20, v16  }
0x573: {  	v19 =	vpop (erf);
	v17 =	vmul.f32 $1.442695020e+00, v17  }
0x574: {  	(erf) = vpow2.f32 v18;
	v16 =	vadd.f32 v19, v16  }
0x575: {  	v18 =	vpop (erf)  }
0x576: {  	(erf) = vpow2.f32 v17;
	v16 =	vadd.f32 v18, v16  }
0x577: {  	v17 =	vpop (erf)  }
0x578: {  	v16 =	vadd.f32 v17, v16  }
0x579: {  	v17 =	vpop (erf)  }
0x57a: {  	v16 =	vadd.f32 v17, v16  }
0x57b: {  	v17 =	vpop (erf)  }
0x57c: {  	v16 =	vadd.f32 v17, v16  }
0x57d: {  	v17 =	vpop (erf)  }
0x57e: {  	v16 =	vadd.f32 v17, v16  }
0x57f: {  	v17 =	vpop (erf)  }
0x580: {  	v16 =	vadd.f32 v17, v16;
	_ =	sdelay $0x1  }
0x581: {  	s2 =	simm.s32 $0x0;
	[tilespmem:s28+$0x12220] =	vst v16  }
0x582: {  	v16 =	vld [tilespmem:s2+$0x180]  }
0x583: {  	v17 =	vld [tilespmem:s2+$0x190];
	_ =	sdelay $0x1  }
0x584: {  	v18 =	vld [tilespmem:s2+$0x1A0];
	_ =	sdelay $0x1  }
0x585: {  	v19 =	vld [tilespmem:s2+$0x1B0];
	v16 =	vmul.f32 $1.442695020e+00, v16  }
0x586: {  	v17 =	vmul.f32 $1.442695020e+00, v17  }
0x587: {  	(erf) = vpow2.f32 v16;
	v16 =	vld [tilespmem:s2+$0x1C0]  }
0x588: {  	v18 =	vmul.f32 $1.442695020e+00, v18;
	(erf) = vpow2.f32 v17;
	v17 =	vld [tilespmem:s2+$0x1D0];
	_ =	sdelay $0x1  }
0x589: {  	v19 =	vmul.f32 $1.442695020e+00, v19;
	(erf) = vpow2.f32 v18;
	v18 =	vld [tilespmem:s2+$0x1E0];
	_ =	sdelay $0x1  }
0x58a: {  	(erf) = vpow2.f32 v19  }
0x58b: {  	(v2sf) =	vpush v4, $0xA;
	v16 =	vmul.f32 $1.442695020e+00, v16;
	v17 =	vmul.f32 $1.442695020e+00, v17  }
0x58c: {  	v19 =	vld [tilespmem:s2+$0x1F0]  }
0x58d: {  	(erf) = vpow2.f32 v16;
	v18 =	vmul.f32 $1.442695020e+00, v18  }
0x58e: {  	v16 =	vimm.f32 $0.0e+00;
	(erf) = vpow2.f32 v17;
	v20 =	vpop (erf)  }
0x58f: {  	v16 =	vadd.f32 v20, v16;
	v17 =	vpop (erf);
	(erf) = vpow2.f32 v18;
	v18 =	vld [tilespmem:s2+$0x380];
	_ =	sdelay $0x1  }
0x590: {  	v20 =	vld [tilespmem:s2+$0x390];
	v16 =	vadd.f32 v17, v16;
	v17 =	vmul.f32 $1.442695020e+00, v19  }
0x591: {  	v19 =	vpop (erf)  }
0x592: {  	v16 =	vadd.f32 v19, v16;
	(erf) = vpow2.f32 v17;
	v17 =	vld [tilespmem:s2+$0x3A0]  }
0x593: {  	v19 =	vpop (erf);
	v18 =	vmul.f32 $1.442695020e+00, v18  }
0x594: {  	v21 =	vld [tilespmem:s2+$0x3B0];
	v16 =	vadd.f32 v19, v16  }
0x595: {  	v20 =	vmul.f32 $1.442695020e+00, v20;
	v22 =	vpop (erf);
	(erf) = vpow2.f32 v18  }
0x596: {  	v19 =	vld [tilespmem:s2+$0x3C0];
	v16 =	vadd.f32 v22, v16  }
0x597: {  	v23 =	vpop (erf);
	(erf) = vpow2.f32 v20;
	v17 =	vmul.f32 $1.442695020e+00, v17  }
0x598: {  	v22 =	vld [tilespmem:s2+$0x3D0];
	v18 =	vadd.f32 v23, v16  }
0x599: {  	s0 =	spop (v2sf);
	v20 =	vmul.f32 $1.442695020e+00, v21;
	v21 =	vpop (erf);
	(erf) = vpow2.f32 v17  }
0x59a: {  	s7 =	sshll.u32 s0, $0x2;
	v21 =	vadd.f32 v21, v18;
	v18 =	vld [tilespmem:s2+$0x3E0]  }
0x59b: {  	s8 =	sand.u32 $0x70, s0;
	s7 =	sand.u32 $0xFFFFFE00, s7;
	v23 =	vmul.f32 $1.442695020e+00, v19;
	(erf) = vpow2.f32 v20  }
0x59c: {  	s7 =	sor.u32 s8, s7;
	v17 =	vld [tilespmem:s2+$0x3F0];
	v19 =	vpop (erf)  }
0x59d: {  	v16 =	vld [tilespmem:s7+$0x100];
	s7 =	simm.s32 $0x2000;
	s2 =	simm.s32 $0x400;
	(erf) = vpow2.f32 v23;
	v20 =	vadd.f32 v19, v21;
	v19 =	vmul.f32 $1.442695020e+00, v22  }
.LBB2_25:
0x59e: {  	p0 =	sne.s32 s7, $0x1F000;
	v21 =	vld [tilespmem:s2+$0x180];
	v22 =	vpop (erf)  }
0x59f: {  	v20 =	vadd.f32 v22, v20;
	v18 =	vmul.f32 $1.442695020e+00, v18;
	(erf) = vpow2.f32 v19  }
0x5a0: {  	v19 =	vld [tilespmem:s2+$0x190];
	v22 =	vpop (erf)  }
0x5a1: {  	v20 =	vadd.f32 v22, v20;
	v17 =	vmul.f32 $1.442695020e+00, v17;
	(erf) = vpow2.f32 v18  }
0x5a2: {  	v18 =	vld [tilespmem:s2+$0x1A0];
	v22 =	vpop (erf)  }
0x5a3: {  	v21 =	vmul.f32 $1.442695020e+00, v21;
	v20 =	vadd.f32 v22, v20;
	(erf) = vpow2.f32 v17  }
0x5a4: {  	v17 =	vld [tilespmem:s2+$0x1B0];
	v22 =	vpop (erf)  }
0x5a5: {  	v19 =	vmul.f32 $1.442695020e+00, v19;
	(erf) = vpow2.f32 v21;
	v20 =	vadd.f32 v22, v20  }
0x5a6: {  	v21 =	vld [tilespmem:s2+$0x1C0];
	v22 =	vpop (erf)  }
0x5a7: {  	v18 =	vmul.f32 $1.442695020e+00, v18;
	(erf) = vpow2.f32 v19;
	v19 =	vadd.f32 v22, v20  }
0x5a8: {  	v20 =	vld [tilespmem:s2+$0x1D0];
	v22 =	vpop (erf)  }
0x5a9: {  	v17 =	vmul.f32 $1.442695020e+00, v17;
	(erf) = vpow2.f32 v18;
	v18 =	vadd.f32 v22, v19  }
0x5aa: {  	v19 =	vld [tilespmem:s2+$0x1E0];
	v22 =	vpop (erf)  }
0x5ab: {  	v21 =	vmul.f32 $1.442695020e+00, v21;
	(erf) = vpow2.f32 v17;
	v17 =	vadd.f32 v22, v18  }
0x5ac: {  	v18 =	vld [tilespmem:s2+$0x1F0];
	v22 =	vpop (erf)  }
0x5ad: {  	v20 =	vmul.f32 $1.442695020e+00, v20;
	(erf) = vpow2.f32 v21;
	v17 =	vadd.f32 v22, v17  }
0x5ae: {  	v21 =	vld [tilespmem:s2+$0x380];
	v22 =	vpop (erf)  }
0x5af: {  	v17 =	vadd.f32 v22, v17;
	v19 =	vmul.f32 $1.442695020e+00, v19;
	(erf) = vpow2.f32 v20  }
0x5b0: {  	v20 =	vld [tilespmem:s2+$0x390];
	v22 =	vpop (erf)  }
0x5b1: {  	v17 =	vadd.f32 v22, v17;
	v18 =	vmul.f32 $1.442695020e+00, v18;
	(erf) = vpow2.f32 v19  }
0x5b2: {  	v19 =	vld [tilespmem:s2+$0x3A0];
	v22 =	vpop (erf)  }
0x5b3: {  	v17 =	vadd.f32 v22, v17;
	v21 =	vmul.f32 $1.442695020e+00, v21;
	(erf) = vpow2.f32 v18  }
0x5b4: {  	v18 =	vld [tilespmem:s2+$0x3B0];
	v22 =	vpop (erf)  }
0x5b5: {  	v17 =	vadd.f32 v22, v17;
	v23 =	vmul.f32 $1.442695020e+00, v20;
	(erf) = vpow2.f32 v21  }
0x5b6: {  	v21 =	vld [tilespmem:s2+$0x3C0];
	v22 =	vpop (erf)  }
0x5b7: {  	v17 =	vadd.f32 v22, v17;
	v24 =	vmul.f32 $1.442695020e+00, v19;
	(erf) = vpow2.f32 v23  }
0x5b8: {  	v22 =	vld [tilespmem:s2+$0x3D0];
	v20 =	vpop (erf)  }
.Ltmp11:
0x5b9: {  	v17 =	vadd.f32 v20, v17;
	v23 =	vmul.f32 $1.442695020e+00, v18;
	(erf) = vpow2.f32 v24;
	(pc) =	sbr.rel @p0 .LBB2_25-.Ltmp11, $4  }
0x5ba: {  	v18 =	vld [tilespmem:s2+$0x3E0];
	v19 =	vpop (erf)  }
0x5bb: {  	v19 =	vadd.f32 v19, v17;
	v21 =	vmul.f32 $1.442695020e+00, v21;
	(erf) = vpow2.f32 v23  }
0x5bc: {  	v17 =	vld [tilespmem:s2+$0x3F0];
	v20 =	vpop (erf)  }
0x5bd: {  	s2 =	sshra.s32 s7, $0x2;
	s7 =	sadd.s32 $0x1000, s7;
	v20 =	vadd.f32 v20, v19;
	v19 =	vmul.f32 $1.442695020e+00, v22;
	(erf) = vpow2.f32 v21  }
0x5be: {  	v21 =	vld [tilespmem:s2+$0x180];
	v22 =	vpop (erf)  }
0x5bf: {  	v20 =	vadd.f32 v22, v20;
	v18 =	vmul.f32 $1.442695020e+00, v18;
	(erf) = vpow2.f32 v19  }
0x5c0: {  	v43 =	vld [tilespmem:s2+$0x190];
	v44 =	vpop (erf)  }
0x5c1: {  	v20 =	vadd.f32 v44, v20;
	v17 =	vmul.f32 $1.442695020e+00, v17;
	(erf) = vpow2.f32 v18  }
0x5c2: {  	v45 =	vld [tilespmem:s2+$0x1A0];
	v46 =	vpop (erf)  }
0x5c3: {  	v21 =	vmul.f32 $1.442695020e+00, v21;
	v20 =	vadd.f32 v46, v20;
	(erf) = vpow2.f32 v17  }
0x5c4: {  	v47 =	vld [tilespmem:s2+$0x1B0];
	v48 =	vpop (erf)  }
0x5c5: {  	v19 =	vmul.f32 $1.442695020e+00, v43;
	(erf) = vpow2.f32 v21;
	v20 =	vadd.f32 v48, v20  }
0x5c6: {  	v49 =	vld [tilespmem:s2+$0x1C0];
	v50 =	vpop (erf)  }
0x5c7: {  	v18 =	vmul.f32 $1.442695020e+00, v45;
	(erf) = vpow2.f32 v19;
	v51 =	vadd.f32 v50, v20  }
0x5c8: {  	v52 =	vld [tilespmem:s2+$0x1D0];
	v53 =	vpop (erf)  }
0x5c9: {  	v17 =	vmul.f32 $1.442695020e+00, v47;
	(erf) = vpow2.f32 v18;
	v54 =	vadd.f32 v53, v51  }
0x5ca: {  	v55 =	vld [tilespmem:s2+$0x1E0];
	v56 =	vpop (erf)  }
0x5cb: {  	v21 =	vmul.f32 $1.442695020e+00, v49;
	(erf) = vpow2.f32 v17;
	v57 =	vadd.f32 v56, v54  }
0x5cc: {  	v58 =	vld [tilespmem:s2+$0x1F0];
	v59 =	vpop (erf)  }
0x5cd: {  	v20 =	vmul.f32 $1.442695020e+00, v52;
	(erf) = vpow2.f32 v21;
	v17 =	vadd.f32 v59, v57  }
0x5ce: {  	v61 =	vld [tilespmem:s2+$0x380];
	v60 =	vpop (erf)  }
0x5cf: {  	v19 =	vmul.f32 $1.442695020e+00, v55;
	(erf) = vpow2.f32 v20;
	v17 =	vadd.f32 v60, v17  }
0x5d0: {  	v63 =	vld [tilespmem:s2+$0x390];
	v62 =	vpop (erf)  }
0x5d1: {  	v18 =	vmul.f32 $1.442695020e+00, v58;
	(erf) = vpow2.f32 v19;
	v17 =	vadd.f32 v62, v17  }
0x5d2: {  	v25 =	vld [tilespmem:s2+$0x3A0];
	v24 =	vpop (erf)  }
0x5d3: {  	v26 =	vmul.f32 $1.442695020e+00, v61;
	(erf) = vpow2.f32 v18;
	v17 =	vadd.f32 v24, v17  }
0x5d4: {  	v28 =	vld [tilespmem:s2+$0x3B0];
	v27 =	vpop (erf)  }
0x5d5: {  	v29 =	vmul.f32 $1.442695020e+00, v63;
	(erf) = vpow2.f32 v26;
	v17 =	vadd.f32 v27, v17  }
0x5d6: {  	v31 =	vld [tilespmem:s2+$0x3C0];
	v30 =	vpop (erf)  }
0x5d7: {  	v32 =	vmul.f32 $1.442695020e+00, v25;
	(erf) = vpow2.f32 v29;
	v17 =	vadd.f32 v30, v17  }
0x5d8: {  	v34 =	vld [tilespmem:s2+$0x3D0];
	v33 =	vpop (erf)  }
0x5d9: {  	v35 =	vmul.f32 $1.442695020e+00, v28;
	(erf) = vpow2.f32 v32;
	v17 =	vadd.f32 v33, v17  }
0x5da: {  	v37 =	vld [tilespmem:s2+$0x3E0];
	v36 =	vpop (erf)  }
0x5db: {  	v38 =	vmul.f32 $1.442695020e+00, v31;
	(erf) = vpow2.f32 v35;
	v17 =	vadd.f32 v36, v17  }
0x5dc: {  	v40 =	vld [tilespmem:s2+$0x3F0];
	(v2sf) =	vpush v4, $0xB;
	v39 =	vpop (erf)  }
0x5dd: {  	v41 =	vmul.f32 $1.442695020e+00, v34;
	(erf) = vpow2.f32 v38;
	v17 =	vadd.f32 v39, v17  }
0x5de: {  	v42 =	vpop (erf)  }
0x5df: {  	v43 =	vmul.f32 $1.442695020e+00, v37;
	(erf) = vpow2.f32 v41;
	v17 =	vadd.f32 v42, v17  }
0x5e0: {  	v44 =	vpop (erf)  }
0x5e1: {  	v45 =	vmul.f32 $1.442695020e+00, v40;
	(erf) = vpow2.f32 v43;
	v17 =	vadd.f32 v44, v17  }
0x5e2: {  	v46 =	vpop (erf)  }
0x5e3: {  	(erf) = vpow2.f32 v45;
	v17 =	vadd.f32 v46, v17  }
0x5e4: {  	v47 =	vpop (erf)  }
0x5e5: {  	v17 =	vadd.f32 v47, v17  }
0x5e6: {  	v48 =	vpop (erf)  }
0x5e7: {  	v17 =	vadd.f32 v48, v17  }
0x5e8: {  	v49 =	vpop (erf)  }
0x5e9: {  	v17 =	vadd.f32 v49, v17  }
0x5ea: {  	v50 =	vpop (erf)  }
0x5eb: {  	v17 =	vadd.f32 v50, v17  }
0x5ec: {  	s2 =	spop (v2sf);
	v51 =	vpop (erf)  }
0x5ed: {  	s7 =	sshll.u32 s2, $0x2;
	v17 =	vadd.f32 v51, v17  }
0x5ee: {  	s8 =	sand.u32 $0x70, s2;
	s7 =	sand.u32 $0xFFFFFE00, s7  }
0x5ef: {  	s7 =	sor.u32 s8, s7;
	s8 =	simm.s32 $0x3;
	[tilespmem:s28+$0x12230] =	vst v17  }
0x5f0: {  	v17 =	vld [tilespmem:s7+$0x180];
	_ =	swait.ge [sflag:s8], $0x8000  }
0x5f1: {  	[sflag:s8] =	ssyncset.done $0x0  }
0x5f2: {  	s9 =	simm.s32 $0x2;
	[sflag:s8] =	ssyncadd.s32 $0xFFFF8000  }
0x5f3: {  	_ =	swait.ge [sflag:s9], $0x8000  }
0x5f4: {  	[sflag:s9] =	ssyncset.done $0x0  }
0x5f5: {  	p0 =	seq.s32 s29, $0xF;
	[sflag:s9] =	ssyncadd.s32 $0xFFFF8000  }
0x5f6: {  	v18 =	vld.msk @!p0 [tilespmem:s6+$0x10200], $0xf;
	_ =	sdelay $0x4  }
0x5f7: {  	v19 =	vshll.u32 @!p0 v18, $0x6  }
0x5f8: {  	v20 =	vlaneseq.u32 @!p0;
	v18 =	vand.u32 @!p0 $0x7, v18;
	v19 =	vand.u32 @!p0 $0xFFFFFE00, v19  }
0x5f9: {  	v18 =	vor.u32 @!p0 v18, v19;
	v19 =	vand.u32 @!p0 $0x3, v20;
	v20 =	vshrl.u32 @!p0 v20, $0x2  }
0x5fa: {  	v18 =	vperm.xlane @!p0 v18, v19;
	v19 =	vmul.u32 @!p0 $0x8, v20;
	_ =	sdelay $0x1  }
0x5fb: {  	v18 =	vadd.s32 @!p0 v19, v18;
	_ =	sdelay $0x3  }
0x5fc: {  	vm1 =	vmmov @!p0 $0xffff;
	s6 =	simm.s32 @!p0 $0x0  }
0x5fd: {  	[tilespmem:s6], [sflag:$0x1] =	stream.indirect_vreg.gather @!p0 [hbm4b:s25+s6], $0x80, v18, vm1, $0xb8;
	[tilespmem:$0x13180] =	vst v63  }
0x5fe: {  	s7 =	simm.s32 @!p0 $0x800  }
0x5ff: {  	[tilespmem:s7], [sflag:$0x1] =	stream.indirect_vreg.gather @!p0 [hbm4b:s10+s6], $0x80, v18, vm1, $0xb8;
	[tilespmem:$0x13180] =	vst v63  }
0x600: {  	s7 =	simm.s32 @!p0 $0x1000  }
0x601: {  	[tilespmem:s7], [sflag:$0x1] =	stream.indirect_vreg.gather @!p0 [hbm4b:s14+s6], $0x80, v18, vm1, $0xb8;
	[tilespmem:$0x13180] =	vst v63  }
0x602: {  	s7 =	simm.s32 @!p0 $0x1800  }
0x603: {  	[tilespmem:s7], [sflag:$0x1] =	stream.indirect_vreg.gather @!p0 [hbm4b:s12+s6], $0x80, v18, vm1, $0xb8;
	[tilespmem:$0x13180] =	vst v63  }
0x604: {  	s9 =	smov.u32 s10;
	s7 =	simm.s32 @!p0 $0x2000  }
0x605: {  	[tilespmem:s7], [sflag:$0x1] =	stream.indirect_vreg.gather @!p0 [hbm4b:s11+s6], $0x80, v18, vm1, $0xb8;
	[tilespmem:$0x13180] =	vst v63  }
0x606: {  	s10 =	smov.u32 s14;
	s14 =	rddreg [dreg:$0x6];
	s7 =	simm.s32 @!p0 $0x2800  }
0x607: {  	[tilespmem:s7], [sflag:$0x1] =	stream.indirect_vreg.gather @!p0 [hbm4b:s14+s6], $0x80, v18, vm1, $0xb8;
	[tilespmem:$0x13180] =	vst v63  }
0x608: {  	s7 =	simm.s32 @!p0 $0x3000  }
0x609: {  	[tilespmem:s7], [sflag:$0x1] =	stream.indirect_vreg.gather @!p0 [hbm4b:s13+s6], $0x80, v18, vm1, $0xb8;
	[tilespmem:$0x13180] =	vst v63  }
0x60a: {  	s7 =	simm.s32 @!p0 $0x3800  }
0x60b: {  	[tilespmem:s7], [sflag:$0x1] =	stream.indirect_vreg.gather @!p0 [hbm4b:s15+s6], $0x80, v18, vm1, $0xb8;
	[tilespmem:$0x13180] =	vst v63  }
0x60c: {  	s7 =	simm.s32 @!p0 $0x4000  }
0x60d: {  	[tilespmem:s7], [sflag:$0x1] =	stream.indirect_vreg.gather @!p0 [hbm4b:s16+s6], $0x80, v18, vm1, $0xb8;
	[tilespmem:$0x13180] =	vst v63  }
0x60e: {  	s7 =	simm.s32 @!p0 $0x4800  }
0x60f: {  	[tilespmem:s7], [sflag:$0x1] =	stream.indirect_vreg.gather @!p0 [hbm4b:s17+s6], $0x80, v18, vm1, $0xb8;
	[tilespmem:$0x13180] =	vst v63  }
0x610: {  	s7 =	simm.s32 @!p0 $0x5000  }
0x611: {  	[tilespmem:s7], [sflag:$0x1] =	stream.indirect_vreg.gather @!p0 [hbm4b:s18+s6], $0x80, v18, vm1, $0xb8;
	[tilespmem:$0x13180] =	vst v63  }
0x612: {  	s7 =	simm.s32 @!p0 $0x5800  }
0x613: {  	[tilespmem:s7], [sflag:$0x1] =	stream.indirect_vreg.gather @!p0 [hbm4b:s19+s6], $0x80, v18, vm1, $0xb8;
	[tilespmem:$0x13180] =	vst v63  }
0x614: {  	s7 =	simm.s32 @!p0 $0x6000  }
0x615: {  	[tilespmem:s7], [sflag:$0x1] =	stream.indirect_vreg.gather @!p0 [hbm4b:s20+s6], $0x80, v18, vm1, $0xb8;
	[tilespmem:$0x13180] =	vst v63  }
0x616: {  	s7 =	simm.s32 @!p0 $0x6800  }
0x617: {  	[tilespmem:s7], [sflag:$0x1] =	stream.indirect_vreg.gather @!p0 [hbm4b:s21+s6], $0x80, v18, vm1, $0xb8;
	[tilespmem:$0x13180] =	vst v63  }
0x618: {  	s4 =	sshll.u32 s4, $0xC;
	s14 =	rddreg [dreg:$0x7];
	s7 =	simm.s32 @!p0 $0x7000  }
0x619: {  	[tilespmem:s7], [sflag:$0x1] =	stream.indirect_vreg.gather @!p0 [hbm4b:s23+s6], $0x80, v18, vm1, $0xb8;
	[tilespmem:$0x13180] =	vst v63  }
0x61a: {  	s4 =	sand.u32 $0x3E000, s4;
	s8 =	smov.u32 s14;
	s7 =	simm.s32 @!p0 $0x7800  }
0x61b: {  	[tilespmem:s7], [sflag:$0x1] =	stream.indirect_vreg.gather @!p0 [hbm4b:s24+s6], $0x80, v18, vm1, $0xb8;
	[tilespmem:$0x13180] =	vst v63  }
0x61c: {  	s4 =	sor.u32 s4, s14;
	s14 =	simm.s32 $0x400;
	s7 =	rddreg [dreg:$0xb]  }
0x61d: {  	s6 =	simm.s32 $0x8000;
	s4 =	sadd.s32 s4, s7;
	s7 =	simm.s32 $0x200  }
0x61e: {  	[hbm4b:s4+s7] =	stream.strided.scatter [tilespmem:s6], [sflag:$0x4], $0x8000, s14, s7, $0x38;
	[tilespmem:$0x13180] =	vst v63  }
0x61f: {  	s14 =	rddreg [dreg:$0xe]  }
0x620: {  	s6 =	sand.u32 $0xF, s14  }
0x621: {  	s4 =	simm.s32 $0x0;
	s7 =	rddreg [dreg:$0xf];
	v52 =	vmov s6  }
0x622: {  	v18 =	vld [tilespmem:s4+$0x8000];
	s6 =	sand.u32 $0xF, s7;
	vm1 =	veq.s32 v52, v0  }
0x623: {  	s14 =	rddreg [dreg:$0x10];
	v54 =	vmov s6;
	v6 =	vnsel vm1, $0x0, v6  }
0x624: {  	v53 =	vld [tilespmem:s4+$0x8010];
	s6 =	sand.u32 $0xF, s14;
	vm1 =	veq.s32 v54, v0;
	v5 =	vadd.f32 v6, v5  }
0x625: {  	v55 =	vmov s6;
	v6 =	vld [tilespmem:s4+$0x8020];
	v7 =	vnsel vm1, $0x0, v7  }
0x626: {  	s22 =	sand.u32 $0xF, s22;
	vm1 =	veq.s32 v55, v0;
	v5 =	vadd.f32 v7, v5  }
0x627: {  	v56 =	vmov s22;
	s7 =	sand.u32 $0xF, s26;
	v18 =	vmul.f32 $1.442695020e+00, v18;
	v8 =	vnsel vm1, $0x0, v8;
	v7 =	vld [tilespmem:s4+$0x8030]  }
0x628: {  	v57 =	vmov s7;
	vm1 =	veq.s32 v56, v0;
	v5 =	vadd.f32 v8, v5  }
0x629: {  	v19 =	vmul.f32 $1.442695020e+00, v53;
	v9 =	vnsel vm1, $0x0, v9;
	(erf) = vpow2.f32 v18;
	v8 =	vld [tilespmem:s4+$0x8040]  }
0x62a: {  	s1 =	sand.u32 $0xF, s1;
	vm1 =	veq.s32 v57, v0;
	v6 =	vmul.f32 $1.442695020e+00, v6;
	v5 =	vadd.f32 v9, v5;
	v9 =	vld [tilespmem:s4+$0x8050]  }
0x62b: {  	v58 =	vmov s1;
	v10 =	vnsel vm1, $0x0, v10;
	(erf) = vpow2.f32 v19  }
0x62c: {  	s22 =	sand.u32 $0xF, s30;
	vm1 =	veq.s32 v58, v0;
	v7 =	vmul.f32 $1.442695020e+00, v7;
	(erf) = vpow2.f32 v6;
	v6 =	vld [tilespmem:s4+$0x8060]  }
0x62d: {  	s14 =	sand.u32 $0xF, s5;
	v5 =	vadd.f32 v10, v5;
	v10 =	vnsel vm1, $0x0, v11;
	v11 =	vmov s22  }
0x62e: {  	v8 =	vmul.f32 $1.442695020e+00, v8;
	(erf) = vpow2.f32 v7;
	v7 =	vmov s14  }
0x62f: {  	v5 =	vadd.f32 v10, v5;
	v10 =	vld [tilespmem:s4+$0x8070];
	vm1 =	veq.s32 v7, v0;
	v7 =	vmul.f32 $1.442695020e+00, v9  }
0x630: {  	(erf) = vpow2.f32 v8;
	v8 =	vnsel vm1, $0x0, v12;
	vm1 =	veq.s32 v11, v0  }
0x631: {  	s26 =	sand.u32 $0xF, s31;
	v9 =	vimm.f32 $0.0e+00;
	v6 =	vmul.f32 $1.442695020e+00, v6;
	v5 =	vadd.f32 v8, v5  }
0x632: {  	v11 =	vpop (erf);
	v8 =	vnsel vm1, $0x0, v13;
	(erf) = vpow2.f32 v7;
	v7 =	vmov s26  }
0x633: {  	s30 =	sand.u32 $0xF, s3;
	v9 =	vadd.f32 v11, v9;
	(erf) = vpow2.f32 v6;
	vm1 =	veq.s32 v7, v0;
	v7 =	vld [tilespmem:s4+$0x8200]  }
0x634: {  	v11 =	vpop (erf);
	v6 =	vmov s30;
	v5 =	vadd.f32 v8, v5;
	v10 =	vmul.f32 $1.442695020e+00, v10  }
0x635: {  	v59 =	vld [tilespmem:s4+$0x8210];
	v9 =	vadd.f32 v11, v9;
	v11 =	vnsel vm1, $0x0, v14;
	vm1 =	veq.s32 v6, v0  }
0x636: {  	s0 =	sand.u32 $0xF, s0;
	v8 =	vpop (erf);
	v5 =	vadd.f32 v11, v5;
	v11 =	vnsel vm1, $0x0, v15  }
0x637: {  	v6 =	vld [tilespmem:s4+$0x8220];
	v8 =	vadd.f32 v8, v9;
	(erf) = vpow2.f32 v10;
	v9 =	vmov s0  }
0x638: {  	vm1 =	veq.s32 v9, v0;
	v5 =	vadd.f32 v11, v5;
	v10 =	vpop (erf);
	v7 =	vmul.f32 $1.442695020e+00, v7  }
0x639: {  	v9 =	vld [tilespmem:s4+$0x8230];
	v8 =	vadd.f32 v10, v8;
	v10 =	vnsel vm1, $0x0, v16  }
0x63a: {  	v60 =	vpop (erf);
	v5 =	vadd.f32 v10, v5;
	v10 =	vmul.f32 $1.442695020e+00, v59;
	(erf) = vpow2.f32 v7  }
0x63b: {  	s31 =	sand.u32 $0xF, s2;
	v11 =	vld [tilespmem:s4+$0x8240];
	v8 =	vadd.f32 v60, v8  }
0x63c: {  	v61 =	vmov s31;
	v6 =	vmul.f32 $1.442695020e+00, v6;
	v63 =	vpop (erf);
	(erf) = vpow2.f32 v10  }
0x63d: {  	v62 =	vld [tilespmem:s4+$0x8250];
	vm1 =	veq.s32 v61, v0;
	v7 =	vadd.f32 v63, v8  }
0x63e: {  	v9 =	vmul.f32 $1.442695020e+00, v9;
	v8 =	vnsel vm1, $0x0, v17;
	(erf) = vpow2.f32 v6;
	v10 =	vpop (erf)  }
0x63f: {  	v10 =	vadd.f32 v10, v7;
	v7 =	vld [tilespmem:s4+$0x8260]  }
0x640: {  	v11 =	vmul.f32 $1.442695020e+00, v11;
	(erf) = vpow2.f32 v9  }
0x641: {  	v6 =	vld [tilespmem:s4+$0x8270];
	v5 =	vadd.f32 v8, v5;
	v8 =	vpop (erf)  }
0x642: {  	s1 =	simm.s32 $0x2000;
	s0 =	simm.s32 $0x400;
	(erf) = vpow2.f32 v11;
	v9 =	vadd.f32 v8, v10;
	v8 =	vmul.f32 $1.442695020e+00, v62  }
.LBB2_27:
0x643: {  	p0 =	sne.s32 s1, $0x1F000;
	v10 =	vld [tilespmem:s0+$0x8000];
	v11 =	vpop (erf)  }
0x644: {  	v9 =	vadd.f32 v11, v9;
	v7 =	vmul.f32 $1.442695020e+00, v7;
	(erf) = vpow2.f32 v8  }
0x645: {  	v8 =	vld [tilespmem:s0+$0x8010];
	v11 =	vpop (erf)  }
0x646: {  	v9 =	vadd.f32 v11, v9;
	v6 =	vmul.f32 $1.442695020e+00, v6;
	(erf) = vpow2.f32 v7  }
0x647: {  	v7 =	vld [tilespmem:s0+$0x8020];
	v11 =	vpop (erf)  }
0x648: {  	v10 =	vmul.f32 $1.442695020e+00, v10;
	v9 =	vadd.f32 v11, v9;
	(erf) = vpow2.f32 v6  }
0x649: {  	v6 =	vld [tilespmem:s0+$0x8030];
	v11 =	vpop (erf)  }
0x64a: {  	v8 =	vmul.f32 $1.442695020e+00, v8;
	(erf) = vpow2.f32 v10;
	v9 =	vadd.f32 v11, v9  }
0x64b: {  	v10 =	vld [tilespmem:s0+$0x8040];
	v11 =	vpop (erf)  }
0x64c: {  	v7 =	vmul.f32 $1.442695020e+00, v7;
	(erf) = vpow2.f32 v8;
	v8 =	vadd.f32 v11, v9  }
0x64d: {  	v9 =	vld [tilespmem:s0+$0x8050];
	v11 =	vpop (erf)  }
0x64e: {  	v6 =	vmul.f32 $1.442695020e+00, v6;
	(erf) = vpow2.f32 v7;
	v7 =	vadd.f32 v11, v8  }
0x64f: {  	v8 =	vld [tilespmem:s0+$0x8060];
	v11 =	vpop (erf)  }
0x650: {  	v10 =	vmul.f32 $1.442695020e+00, v10;
	(erf) = vpow2.f32 v6;
	v6 =	vadd.f32 v11, v7  }
0x651: {  	v7 =	vld [tilespmem:s0+$0x8070];
	v11 =	vpop (erf)  }
0x652: {  	v9 =	vmul.f32 $1.442695020e+00, v9;
	(erf) = vpow2.f32 v10;
	v6 =	vadd.f32 v11, v6  }
0x653: {  	v10 =	vld [tilespmem:s0+$0x8200];
	v11 =	vpop (erf)  }
0x654: {  	v6 =	vadd.f32 v11, v6;
	v8 =	vmul.f32 $1.442695020e+00, v8;
	(erf) = vpow2.f32 v9  }
0x655: {  	v9 =	vld [tilespmem:s0+$0x8210];
	v11 =	vpop (erf)  }
0x656: {  	v6 =	vadd.f32 v11, v6;
	v7 =	vmul.f32 $1.442695020e+00, v7;
	(erf) = vpow2.f32 v8  }
0x657: {  	v8 =	vld [tilespmem:s0+$0x8220];
	v11 =	vpop (erf)  }
0x658: {  	v6 =	vadd.f32 v11, v6;
	v10 =	vmul.f32 $1.442695020e+00, v10;
	(erf) = vpow2.f32 v7  }
0x659: {  	v7 =	vld [tilespmem:s0+$0x8230];
	v11 =	vpop (erf)  }
0x65a: {  	v6 =	vadd.f32 v11, v6;
	v12 =	vmul.f32 $1.442695020e+00, v9;
	(erf) = vpow2.f32 v10  }
0x65b: {  	v10 =	vld [tilespmem:s0+$0x8240];
	v11 =	vpop (erf)  }
0x65c: {  	v6 =	vadd.f32 v11, v6;
	v13 =	vmul.f32 $1.442695020e+00, v8;
	(erf) = vpow2.f32 v12  }
0x65d: {  	v11 =	vld [tilespmem:s0+$0x8250];
	v9 =	vpop (erf)  }
.Ltmp12:
0x65e: {  	v6 =	vadd.f32 v9, v6;
	v12 =	vmul.f32 $1.442695020e+00, v7;
	(erf) = vpow2.f32 v13;
	(pc) =	sbr.rel @p0 .LBB2_27-.Ltmp12, $4  }
0x65f: {  	v7 =	vld [tilespmem:s0+$0x8260];
	v8 =	vpop (erf)  }
0x660: {  	v8 =	vadd.f32 v8, v6;
	v10 =	vmul.f32 $1.442695020e+00, v10;
	(erf) = vpow2.f32 v12  }
0x661: {  	v6 =	vld [tilespmem:s0+$0x8270];
	v9 =	vpop (erf)  }
0x662: {  	s0 =	sshra.s32 s1, $0x2;
	s1 =	sadd.s32 $0x1000, s1;
	v9 =	vadd.f32 v9, v8;
	v8 =	vmul.f32 $1.442695020e+00, v11;
	(erf) = vpow2.f32 v10  }
0x663: {  	v10 =	vld [tilespmem:s0+$0x8000];
	v11 =	vpop (erf)  }
0x664: {  	v9 =	vadd.f32 v11, v9;
	v7 =	vmul.f32 $1.442695020e+00, v7;
	(erf) = vpow2.f32 v8  }
0x665: {  	v8 =	vld [tilespmem:s0+$0x8010];
	v11 =	vpop (erf)  }
0x666: {  	v9 =	vadd.f32 v11, v9;
	v6 =	vmul.f32 $1.442695020e+00, v6;
	(erf) = vpow2.f32 v7  }
0x667: {  	v7 =	vld [tilespmem:s0+$0x8020];
	v11 =	vpop (erf)  }
0x668: {  	v10 =	vmul.f32 $1.442695020e+00, v10;
	v9 =	vadd.f32 v11, v9;
	(erf) = vpow2.f32 v6  }
0x669: {  	v6 =	vld [tilespmem:s0+$0x8030];
	v11 =	vpop (erf)  }
0x66a: {  	v8 =	vmul.f32 $1.442695020e+00, v8;
	(erf) = vpow2.f32 v10;
	v9 =	vadd.f32 v11, v9  }
0x66b: {  	v10 =	vld [tilespmem:s0+$0x8040];
	v11 =	vpop (erf)  }
0x66c: {  	v7 =	vmul.f32 $1.442695020e+00, v7;
	(erf) = vpow2.f32 v8;
	v8 =	vadd.f32 v11, v9  }
0x66d: {  	v9 =	vld [tilespmem:s0+$0x8050];
	v11 =	vpop (erf)  }
0x66e: {  	v6 =	vmul.f32 $1.442695020e+00, v6;
	(erf) = vpow2.f32 v7;
	v7 =	vadd.f32 v11, v8  }
0x66f: {  	v8 =	vld [tilespmem:s0+$0x8060];
	v11 =	vpop (erf)  }
0x670: {  	v10 =	vmul.f32 $1.442695020e+00, v10;
	(erf) = vpow2.f32 v6;
	v6 =	vadd.f32 v11, v7  }
0x671: {  	v7 =	vld [tilespmem:s0+$0x8070];
	v11 =	vpop (erf)  }
0x672: {  	v9 =	vmul.f32 $1.442695020e+00, v9;
	(erf) = vpow2.f32 v10;
	v6 =	vadd.f32 v11, v6  }
0x673: {  	v10 =	vld [tilespmem:s0+$0x8200];
	v11 =	vpop (erf)  }
0x674: {  	v8 =	vmul.f32 $1.442695020e+00, v8;
	(erf) = vpow2.f32 v9;
	v6 =	vadd.f32 v11, v6  }
0x675: {  	v9 =	vld [tilespmem:s0+$0x8210];
	v11 =	vpop (erf)  }
0x676: {  	v7 =	vmul.f32 $1.442695020e+00, v7;
	(erf) = vpow2.f32 v8;
	v6 =	vadd.f32 v11, v6  }
0x677: {  	v8 =	vld [tilespmem:s0+$0x8220];
	v11 =	vpop (erf)  }
0x678: {  	v10 =	vmul.f32 $1.442695020e+00, v10;
	(erf) = vpow2.f32 v7;
	v6 =	vadd.f32 v11, v6  }
0x679: {  	v7 =	vld [tilespmem:s0+$0x8230];
	v11 =	vpop (erf)  }
0x67a: {  	v9 =	vmul.f32 $1.442695020e+00, v9;
	(erf) = vpow2.f32 v10;
	v10 =	vld [tilespmem:s0+$0x8240];
	v6 =	vadd.f32 v11, v6  }
0x67b: {  	v11 =	vpop (erf)  }
0x67c: {  	v8 =	vmul.f32 $1.442695020e+00, v8;
	(erf) = vpow2.f32 v9;
	v9 =	vld [tilespmem:s0+$0x8250];
	v6 =	vadd.f32 v11, v6  }
0x67d: {  	v11 =	vpop (erf)  }
0x67e: {  	v7 =	vmul.f32 $1.442695020e+00, v7;
	(erf) = vpow2.f32 v8;
	v8 =	vld [tilespmem:s0+$0x8260];
	v6 =	vadd.f32 v11, v6  }
0x67f: {  	v10 =	vmul.f32 $1.442695020e+00, v10;
	v11 =	vpop (erf)  }
0x680: {  	(erf) = vpow2.f32 v7;
	v7 =	vld [tilespmem:s0+$0x8270];
	v6 =	vadd.f32 v11, v6  }
0x681: {  	v9 =	vmul.f32 $1.442695020e+00, v9;
	v11 =	vpop (erf)  }
0x682: {  	(erf) = vpow2.f32 v10;
	v6 =	vadd.f32 v11, v6  }
0x683: {  	v10 =	vpop (erf);
	v8 =	vmul.f32 $1.442695020e+00, v8  }
0x684: {  	(erf) = vpow2.f32 v9;
	v6 =	vadd.f32 v10, v6  }
0x685: {  	v9 =	vpop (erf);
	v7 =	vmul.f32 $1.442695020e+00, v7  }
0x686: {  	(erf) = vpow2.f32 v8;
	v6 =	vadd.f32 v9, v6  }
0x687: {  	v8 =	vpop (erf)  }
0x688: {  	(erf) = vpow2.f32 v7;
	v6 =	vadd.f32 v8, v6  }
0x689: {  	v7 =	vpop (erf)  }
0x68a: {  	v6 =	vadd.f32 v7, v6  }
0x68b: {  	v7 =	vpop (erf)  }
0x68c: {  	v6 =	vadd.f32 v7, v6  }
0x68d: {  	v7 =	vpop (erf)  }
0x68e: {  	v6 =	vadd.f32 v7, v6  }
0x68f: {  	v7 =	vpop (erf)  }
0x690: {  	v6 =	vadd.f32 v7, v6  }
0x691: {  	v7 =	vpop (erf)  }
0x692: {  	v6 =	vadd.f32 v7, v6;
	_ =	sdelay $0x1  }
0x693: {  	s31 =	simm.s32 $0x0;
	[tilespmem:s28+$0x12240] =	vst v6  }
0x694: {  	v6 =	vld [tilespmem:s31+$0x8080]  }
0x695: {  	v7 =	vld [tilespmem:s31+$0x8090];
	_ =	sdelay $0x1  }
0x696: {  	v8 =	vld [tilespmem:s31+$0x80A0];
	_ =	sdelay $0x1  }
0x697: {  	v9 =	vld [tilespmem:s31+$0x80B0];
	v6 =	vmul.f32 $1.442695020e+00, v6  }
0x698: {  	v7 =	vmul.f32 $1.442695020e+00, v7  }
0x699: {  	(erf) = vpow2.f32 v6;
	v6 =	vld [tilespmem:s31+$0x80C0]  }
0x69a: {  	v8 =	vmul.f32 $1.442695020e+00, v8;
	(erf) = vpow2.f32 v7;
	v7 =	vld [tilespmem:s31+$0x80D0];
	_ =	sdelay $0x1  }
0x69b: {  	v9 =	vmul.f32 $1.442695020e+00, v9;
	(erf) = vpow2.f32 v8;
	v8 =	vld [tilespmem:s31+$0x80E0];
	_ =	sdelay $0x1  }
0x69c: {  	(erf) = vpow2.f32 v9  }
0x69d: {  	(v2sf) =	vpush v4, $0xC;
	v6 =	vmul.f32 $1.442695020e+00, v6;
	v7 =	vmul.f32 $1.442695020e+00, v7  }
0x69e: {  	v9 =	vld [tilespmem:s31+$0x80F0]  }
0x69f: {  	(erf) = vpow2.f32 v6;
	v8 =	vmul.f32 $1.442695020e+00, v8  }
0x6a0: {  	v6 =	vimm.f32 $0.0e+00;
	(erf) = vpow2.f32 v7;
	v10 =	vpop (erf)  }
0x6a1: {  	v6 =	vadd.f32 v10, v6;
	v7 =	vpop (erf);
	(erf) = vpow2.f32 v8;
	v8 =	vld [tilespmem:s31+$0x8280];
	_ =	sdelay $0x1  }
0x6a2: {  	v10 =	vld [tilespmem:s31+$0x8290];
	v6 =	vadd.f32 v7, v6;
	v7 =	vmul.f32 $1.442695020e+00, v9  }
0x6a3: {  	v9 =	vpop (erf)  }
0x6a4: {  	v6 =	vadd.f32 v9, v6;
	(erf) = vpow2.f32 v7;
	v7 =	vld [tilespmem:s31+$0x82A0]  }
0x6a5: {  	v9 =	vpop (erf);
	v8 =	vmul.f32 $1.442695020e+00, v8  }
0x6a6: {  	v11 =	vld [tilespmem:s31+$0x82B0];
	v6 =	vadd.f32 v9, v6  }
0x6a7: {  	v10 =	vmul.f32 $1.442695020e+00, v10;
	v12 =	vpop (erf);
	(erf) = vpow2.f32 v8  }
0x6a8: {  	v9 =	vld [tilespmem:s31+$0x82C0];
	v6 =	vadd.f32 v12, v6  }
0x6a9: {  	v13 =	vpop (erf);
	(erf) = vpow2.f32 v10;
	v7 =	vmul.f32 $1.442695020e+00, v7  }
0x6aa: {  	v62 =	vld [tilespmem:s31+$0x82D0];
	v8 =	vadd.f32 v13, v6  }
0x6ab: {  	s1 =	spop (v2sf);
	v10 =	vmul.f32 $1.442695020e+00, v11;
	v11 =	vpop (erf);
	(erf) = vpow2.f32 v7  }
0x6ac: {  	s2 =	sshll.u32 s1, $0x2;
	v11 =	vadd.f32 v11, v8;
	v8 =	vld [tilespmem:s31+$0x82E0]  }
0x6ad: {  	s3 =	sand.u32 $0x70, s1;
	s2 =	sand.u32 $0xFFFFFE00, s2;
	v63 =	vmul.f32 $1.442695020e+00, v9;
	(erf) = vpow2.f32 v10  }
0x6ae: {  	s2 =	sor.u32 s3, s2;
	v7 =	vld [tilespmem:s31+$0x82F0];
	v9 =	vpop (erf)  }
0x6af: {  	s14 =	simm.s32 $0x4;
	s0 =	simm.s32 $0x400;
	v6 =	vld [tilespmem:s2+$0x8000];
	s2 =	simm.s32 $0x2000;
	(erf) = vpow2.f32 v63;
	v10 =	vadd.f32 v9, v11;
	v9 =	vmul.f32 $1.442695020e+00, v62  }
.LBB2_29:
0x6b0: {  	p0 =	sne.s32 s2, $0x1F000;
	v11 =	vld [tilespmem:s0+$0x8080];
	v12 =	vpop (erf)  }
0x6b1: {  	v10 =	vadd.f32 v12, v10;
	v8 =	vmul.f32 $1.442695020e+00, v8;
	(erf) = vpow2.f32 v9  }
0x6b2: {  	v9 =	vld [tilespmem:s0+$0x8090];
	v12 =	vpop (erf)  }
0x6b3: {  	v10 =	vadd.f32 v12, v10;
	v7 =	vmul.f32 $1.442695020e+00, v7;
	(erf) = vpow2.f32 v8  }
0x6b4: {  	v8 =	vld [tilespmem:s0+$0x80A0];
	v12 =	vpop (erf)  }
0x6b5: {  	v11 =	vmul.f32 $1.442695020e+00, v11;
	v10 =	vadd.f32 v12, v10;
	(erf) = vpow2.f32 v7  }
0x6b6: {  	v7 =	vld [tilespmem:s0+$0x80B0];
	v12 =	vpop (erf)  }
0x6b7: {  	v9 =	vmul.f32 $1.442695020e+00, v9;
	(erf) = vpow2.f32 v11;
	v10 =	vadd.f32 v12, v10  }
0x6b8: {  	v11 =	vld [tilespmem:s0+$0x80C0];
	v12 =	vpop (erf)  }
0x6b9: {  	v8 =	vmul.f32 $1.442695020e+00, v8;
	(erf) = vpow2.f32 v9;
	v9 =	vadd.f32 v12, v10  }
0x6ba: {  	v10 =	vld [tilespmem:s0+$0x80D0];
	v12 =	vpop (erf)  }
0x6bb: {  	v7 =	vmul.f32 $1.442695020e+00, v7;
	(erf) = vpow2.f32 v8;
	v8 =	vadd.f32 v12, v9  }
0x6bc: {  	v9 =	vld [tilespmem:s0+$0x80E0];
	v12 =	vpop (erf)  }
0x6bd: {  	v11 =	vmul.f32 $1.442695020e+00, v11;
	(erf) = vpow2.f32 v7;
	v7 =	vadd.f32 v12, v8  }
0x6be: {  	v8 =	vld [tilespmem:s0+$0x80F0];
	v12 =	vpop (erf)  }
0x6bf: {  	v10 =	vmul.f32 $1.442695020e+00, v10;
	(erf) = vpow2.f32 v11;
	v7 =	vadd.f32 v12, v7  }
0x6c0: {  	v11 =	vld [tilespmem:s0+$0x8280];
	v12 =	vpop (erf)  }
0x6c1: {  	v7 =	vadd.f32 v12, v7;
	v9 =	vmul.f32 $1.442695020e+00, v9;
	(erf) = vpow2.f32 v10  }
0x6c2: {  	v10 =	vld [tilespmem:s0+$0x8290];
	v12 =	vpop (erf)  }
0x6c3: {  	v7 =	vadd.f32 v12, v7;
	v8 =	vmul.f32 $1.442695020e+00, v8;
	(erf) = vpow2.f32 v9  }
0x6c4: {  	v9 =	vld [tilespmem:s0+$0x82A0];
	v12 =	vpop (erf)  }
0x6c5: {  	v7 =	vadd.f32 v12, v7;
	v11 =	vmul.f32 $1.442695020e+00, v11;
	(erf) = vpow2.f32 v8  }
0x6c6: {  	v8 =	vld [tilespmem:s0+$0x82B0];
	v12 =	vpop (erf)  }
0x6c7: {  	v7 =	vadd.f32 v12, v7;
	v13 =	vmul.f32 $1.442695020e+00, v10;
	(erf) = vpow2.f32 v11  }
0x6c8: {  	v11 =	vld [tilespmem:s0+$0x82C0];
	v12 =	vpop (erf)  }
0x6c9: {  	v7 =	vadd.f32 v12, v7;
	v14 =	vmul.f32 $1.442695020e+00, v9;
	(erf) = vpow2.f32 v13  }
0x6ca: {  	v12 =	vld [tilespmem:s0+$0x82D0];
	v10 =	vpop (erf)  }
.Ltmp13:
0x6cb: {  	v7 =	vadd.f32 v10, v7;
	v13 =	vmul.f32 $1.442695020e+00, v8;
	(erf) = vpow2.f32 v14;
	(pc) =	sbr.rel @p0 .LBB2_29-.Ltmp13, $4  }
0x6cc: {  	v8 =	vld [tilespmem:s0+$0x82E0];
	v9 =	vpop (erf)  }
0x6cd: {  	v9 =	vadd.f32 v9, v7;
	v11 =	vmul.f32 $1.442695020e+00, v11;
	(erf) = vpow2.f32 v13  }
0x6ce: {  	v7 =	vld [tilespmem:s0+$0x82F0];
	v10 =	vpop (erf)  }
0x6cf: {  	s0 =	sshra.s32 s2, $0x2;
	s2 =	sadd.s32 $0x1000, s2;
	v10 =	vadd.f32 v10, v9;
	v9 =	vmul.f32 $1.442695020e+00, v12;
	(erf) = vpow2.f32 v11  }
0x6d0: {  	v11 =	vld [tilespmem:s0+$0x8080];
	v12 =	vpop (erf)  }
0x6d1: {  	v10 =	vadd.f32 v12, v10;
	v8 =	vmul.f32 $1.442695020e+00, v8;
	(erf) = vpow2.f32 v9  }
0x6d2: {  	v9 =	vld [tilespmem:s0+$0x8090];
	v45 =	vpop (erf)  }
0x6d3: {  	v10 =	vadd.f32 v45, v10;
	v7 =	vmul.f32 $1.442695020e+00, v7;
	(erf) = vpow2.f32 v8  }
0x6d4: {  	v8 =	vld [tilespmem:s0+$0x80A0];
	v46 =	vpop (erf)  }
0x6d5: {  	v11 =	vmul.f32 $1.442695020e+00, v11;
	v10 =	vadd.f32 v46, v10;
	(erf) = vpow2.f32 v7  }
0x6d6: {  	v7 =	vld [tilespmem:s0+$0x80B0];
	v47 =	vpop (erf)  }
0x6d7: {  	v9 =	vmul.f32 $1.442695020e+00, v9;
	(erf) = vpow2.f32 v11;
	v10 =	vadd.f32 v47, v10  }
0x6d8: {  	v11 =	vld [tilespmem:s0+$0x80C0];
	v48 =	vpop (erf)  }
0x6d9: {  	v8 =	vmul.f32 $1.442695020e+00, v8;
	(erf) = vpow2.f32 v9;
	v9 =	vadd.f32 v48, v10  }
0x6da: {  	v10 =	vld [tilespmem:s0+$0x80D0];
	v49 =	vpop (erf)  }
0x6db: {  	v7 =	vmul.f32 $1.442695020e+00, v7;
	(erf) = vpow2.f32 v8;
	v8 =	vadd.f32 v49, v9  }
0x6dc: {  	v9 =	vld [tilespmem:s0+$0x80E0];
	v50 =	vpop (erf)  }
0x6dd: {  	v11 =	vmul.f32 $1.442695020e+00, v11;
	(erf) = vpow2.f32 v7;
	v7 =	vadd.f32 v50, v8  }
0x6de: {  	v8 =	vld [tilespmem:s0+$0x80F0];
	v51 =	vpop (erf)  }
0x6df: {  	v10 =	vmul.f32 $1.442695020e+00, v10;
	(erf) = vpow2.f32 v11;
	v7 =	vadd.f32 v51, v7  }
0x6e0: {  	v11 =	vld [tilespmem:s0+$0x8280];
	v52 =	vpop (erf)  }
0x6e1: {  	v9 =	vmul.f32 $1.442695020e+00, v9;
	(erf) = vpow2.f32 v10;
	v7 =	vadd.f32 v52, v7  }
0x6e2: {  	v10 =	vld [tilespmem:s0+$0x8290];
	v53 =	vpop (erf)  }
0x6e3: {  	v8 =	vmul.f32 $1.442695020e+00, v8;
	(erf) = vpow2.f32 v9;
	v7 =	vadd.f32 v53, v7  }
0x6e4: {  	v9 =	vld [tilespmem:s0+$0x82A0];
	v54 =	vpop (erf)  }
0x6e5: {  	v11 =	vmul.f32 $1.442695020e+00, v11;
	(erf) = vpow2.f32 v8;
	v7 =	vadd.f32 v54, v7  }
0x6e6: {  	v8 =	vld [tilespmem:s0+$0x82B0];
	v55 =	vpop (erf)  }
0x6e7: {  	v10 =	vmul.f32 $1.442695020e+00, v10;
	(erf) = vpow2.f32 v11;
	v11 =	vld [tilespmem:s0+$0x82C0];
	v7 =	vadd.f32 v55, v7  }
0x6e8: {  	v56 =	vpop (erf)  }
0x6e9: {  	v9 =	vmul.f32 $1.442695020e+00, v9;
	(erf) = vpow2.f32 v10;
	v10 =	vld [tilespmem:s0+$0x82D0];
	v7 =	vadd.f32 v56, v7  }
0x6ea: {  	v57 =	vpop (erf)  }
0x6eb: {  	v8 =	vmul.f32 $1.442695020e+00, v8;
	(erf) = vpow2.f32 v9;
	v9 =	vld [tilespmem:s0+$0x82E0];
	v7 =	vadd.f32 v57, v7  }
0x6ec: {  	v11 =	vmul.f32 $1.442695020e+00, v11;
	v58 =	vpop (erf)  }
0x6ed: {  	(erf) = vpow2.f32 v8;
	v8 =	vld [tilespmem:s0+$0x82F0];
	v7 =	vadd.f32 v58, v7  }
0x6ee: {  	v10 =	vmul.f32 $1.442695020e+00, v10;
	v59 =	vpop (erf)  }
0x6ef: {  	(erf) = vpow2.f32 v11;
	v7 =	vadd.f32 v59, v7  }
0x6f0: {  	v11 =	vpop (erf);
	v9 =	vmul.f32 $1.442695020e+00, v9  }
0x6f1: {  	(erf) = vpow2.f32 v10;
	v7 =	vadd.f32 v11, v7  }
0x6f2: {  	v10 =	vpop (erf);
	v8 =	vmul.f32 $1.442695020e+00, v8  }
0x6f3: {  	(erf) = vpow2.f32 v9;
	v7 =	vadd.f32 v10, v7  }
0x6f4: {  	v9 =	vpop (erf)  }
0x6f5: {  	(erf) = vpow2.f32 v8;
	v7 =	vadd.f32 v9, v7  }
0x6f6: {  	v8 =	vpop (erf)  }
0x6f7: {  	v7 =	vadd.f32 v8, v7  }
0x6f8: {  	v8 =	vpop (erf)  }
0x6f9: {  	v7 =	vadd.f32 v8, v7  }
0x6fa: {  	v8 =	vpop (erf)  }
0x6fb: {  	v7 =	vadd.f32 v8, v7  }
0x6fc: {  	v8 =	vpop (erf)  }
0x6fd: {  	v7 =	vadd.f32 v8, v7  }
0x6fe: {  	v8 =	vpop (erf)  }
0x6ff: {  	v7 =	vadd.f32 v8, v7;
	_ =	sdelay $0x1  }
0x700: {  	s31 =	simm.s32 $0x0;
	[tilespmem:s28+$0x12250] =	vst v7  }
0x701: {  	v7 =	vld [tilespmem:s31+$0x8100]  }
0x702: {  	v8 =	vld [tilespmem:s31+$0x8110];
	_ =	sdelay $0x1  }
0x703: {  	v9 =	vld [tilespmem:s31+$0x8120];
	_ =	sdelay $0x1  }
0x704: {  	v10 =	vld [tilespmem:s31+$0x8130];
	v7 =	vmul.f32 $1.442695020e+00, v7  }
0x705: {  	v8 =	vmul.f32 $1.442695020e+00, v8  }
0x706: {  	(erf) = vpow2.f32 v7;
	v7 =	vld [tilespmem:s31+$0x8140]  }
0x707: {  	v9 =	vmul.f32 $1.442695020e+00, v9;
	(erf) = vpow2.f32 v8;
	v8 =	vld [tilespmem:s31+$0x8150];
	_ =	sdelay $0x1  }
0x708: {  	v10 =	vmul.f32 $1.442695020e+00, v10;
	(erf) = vpow2.f32 v9;
	v9 =	vld [tilespmem:s31+$0x8160];
	_ =	sdelay $0x1  }
0x709: {  	(erf) = vpow2.f32 v10  }
0x70a: {  	(v2sf) =	vpush v4, $0xD;
	v7 =	vmul.f32 $1.442695020e+00, v7;
	v8 =	vmul.f32 $1.442695020e+00, v8  }
0x70b: {  	v10 =	vld [tilespmem:s31+$0x8170]  }
0x70c: {  	(erf) = vpow2.f32 v7;
	v9 =	vmul.f32 $1.442695020e+00, v9  }
0x70d: {  	v7 =	vimm.f32 $0.0e+00;
	(erf) = vpow2.f32 v8;
	v11 =	vpop (erf)  }
0x70e: {  	v7 =	vadd.f32 v11, v7;
	v8 =	vpop (erf);
	(erf) = vpow2.f32 v9;
	v9 =	vld [tilespmem:s31+$0x8300];
	_ =	sdelay $0x1  }
0x70f: {  	v11 =	vld [tilespmem:s31+$0x8310];
	v7 =	vadd.f32 v8, v7;
	v8 =	vmul.f32 $1.442695020e+00, v10  }
0x710: {  	v10 =	vpop (erf)  }
0x711: {  	v7 =	vadd.f32 v10, v7;
	(erf) = vpow2.f32 v8;
	v8 =	vld [tilespmem:s31+$0x8320]  }
0x712: {  	v10 =	vpop (erf);
	v9 =	vmul.f32 $1.442695020e+00, v9  }
0x713: {  	v60 =	vld [tilespmem:s31+$0x8330];
	v7 =	vadd.f32 v10, v7  }
0x714: {  	v11 =	vmul.f32 $1.442695020e+00, v11;
	v13 =	vpop (erf);
	(erf) = vpow2.f32 v9  }
0x715: {  	v10 =	vld [tilespmem:s31+$0x8340];
	v7 =	vadd.f32 v13, v7  }
0x716: {  	v14 =	vpop (erf);
	(erf) = vpow2.f32 v11;
	v8 =	vmul.f32 $1.442695020e+00, v8  }
0x717: {  	v61 =	vld [tilespmem:s31+$0x8350];
	v9 =	vadd.f32 v14, v7  }
0x718: {  	s3 =	spop (v2sf);
	v11 =	vmul.f32 $1.442695020e+00, v60;
	v62 =	vpop (erf);
	(erf) = vpow2.f32 v8  }
0x719: {  	s2 =	sshll.u32 s3, $0x2;
	v12 =	vadd.f32 v62, v9;
	v9 =	vld [tilespmem:s31+$0x8360]  }
0x71a: {  	s4 =	sand.u32 $0x70, s3;
	s2 =	sand.u32 $0xFFFFFE00, s2;
	v63 =	vmul.f32 $1.442695020e+00, v10;
	(erf) = vpow2.f32 v11  }
0x71b: {  	s7 =	smov.u32 s12;
	s2 =	sor.u32 s4, s2;
	v8 =	vld [tilespmem:s31+$0x8370];
	v10 =	vpop (erf)  }
0x71c: {  	s30 =	smov.u32 s8;
	s0 =	simm.s32 $0x400;
	v7 =	vld [tilespmem:s2+$0x8080];
	s2 =	simm.s32 $0x2000;
	(erf) = vpow2.f32 v63;
	v11 =	vadd.f32 v10, v12;
	v10 =	vmul.f32 $1.442695020e+00, v61  }
.LBB2_31:
0x71d: {  	p0 =	sne.s32 s2, $0x1F000;
	v12 =	vld [tilespmem:s0+$0x8100];
	v13 =	vpop (erf)  }
0x71e: {  	v11 =	vadd.f32 v13, v11;
	v9 =	vmul.f32 $1.442695020e+00, v9;
	(erf) = vpow2.f32 v10  }
0x71f: {  	v10 =	vld [tilespmem:s0+$0x8110];
	v13 =	vpop (erf)  }
0x720: {  	v11 =	vadd.f32 v13, v11;
	v8 =	vmul.f32 $1.442695020e+00, v8;
	(erf) = vpow2.f32 v9  }
0x721: {  	v9 =	vld [tilespmem:s0+$0x8120];
	v13 =	vpop (erf)  }
0x722: {  	v12 =	vmul.f32 $1.442695020e+00, v12;
	v11 =	vadd.f32 v13, v11;
	(erf) = vpow2.f32 v8  }
0x723: {  	v8 =	vld [tilespmem:s0+$0x8130];
	v13 =	vpop (erf)  }
0x724: {  	v10 =	vmul.f32 $1.442695020e+00, v10;
	(erf) = vpow2.f32 v12;
	v11 =	vadd.f32 v13, v11  }
0x725: {  	v12 =	vld [tilespmem:s0+$0x8140];
	v13 =	vpop (erf)  }
0x726: {  	v9 =	vmul.f32 $1.442695020e+00, v9;
	(erf) = vpow2.f32 v10;
	v10 =	vadd.f32 v13, v11  }
0x727: {  	v11 =	vld [tilespmem:s0+$0x8150];
	v13 =	vpop (erf)  }
0x728: {  	v8 =	vmul.f32 $1.442695020e+00, v8;
	(erf) = vpow2.f32 v9;
	v9 =	vadd.f32 v13, v10  }
0x729: {  	v10 =	vld [tilespmem:s0+$0x8160];
	v13 =	vpop (erf)  }
0x72a: {  	v12 =	vmul.f32 $1.442695020e+00, v12;
	(erf) = vpow2.f32 v8;
	v8 =	vadd.f32 v13, v9  }
0x72b: {  	v9 =	vld [tilespmem:s0+$0x8170];
	v13 =	vpop (erf)  }
0x72c: {  	v11 =	vmul.f32 $1.442695020e+00, v11;
	(erf) = vpow2.f32 v12;
	v8 =	vadd.f32 v13, v8  }
0x72d: {  	v12 =	vld [tilespmem:s0+$0x8300];
	v13 =	vpop (erf)  }
0x72e: {  	v8 =	vadd.f32 v13, v8;
	v10 =	vmul.f32 $1.442695020e+00, v10;
	(erf) = vpow2.f32 v11  }
0x72f: {  	v11 =	vld [tilespmem:s0+$0x8310];
	v13 =	vpop (erf)  }
0x730: {  	v8 =	vadd.f32 v13, v8;
	v9 =	vmul.f32 $1.442695020e+00, v9;
	(erf) = vpow2.f32 v10  }
0x731: {  	v10 =	vld [tilespmem:s0+$0x8320];
	v13 =	vpop (erf)  }
0x732: {  	v8 =	vadd.f32 v13, v8;
	v12 =	vmul.f32 $1.442695020e+00, v12;
	(erf) = vpow2.f32 v9  }
0x733: {  	v9 =	vld [tilespmem:s0+$0x8330];
	v13 =	vpop (erf)  }
0x734: {  	v8 =	vadd.f32 v13, v8;
	v14 =	vmul.f32 $1.442695020e+00, v11;
	(erf) = vpow2.f32 v12  }
0x735: {  	v12 =	vld [tilespmem:s0+$0x8340];
	v13 =	vpop (erf)  }
0x736: {  	v8 =	vadd.f32 v13, v8;
	v15 =	vmul.f32 $1.442695020e+00, v10;
	(erf) = vpow2.f32 v14  }
0x737: {  	v13 =	vld [tilespmem:s0+$0x8350];
	v11 =	vpop (erf)  }
.Ltmp14:
0x738: {  	v8 =	vadd.f32 v11, v8;
	v14 =	vmul.f32 $1.442695020e+00, v9;
	(erf) = vpow2.f32 v15;
	(pc) =	sbr.rel @p0 .LBB2_31-.Ltmp14, $4  }
0x739: {  	v9 =	vld [tilespmem:s0+$0x8360];
	v10 =	vpop (erf)  }
0x73a: {  	v10 =	vadd.f32 v10, v8;
	v12 =	vmul.f32 $1.442695020e+00, v12;
	(erf) = vpow2.f32 v14  }
0x73b: {  	v8 =	vld [tilespmem:s0+$0x8370];
	v11 =	vpop (erf)  }
0x73c: {  	s0 =	sshra.s32 s2, $0x2;
	s2 =	sadd.s32 $0x1000, s2;
	v11 =	vadd.f32 v11, v10;
	v10 =	vmul.f32 $1.442695020e+00, v13;
	(erf) = vpow2.f32 v12  }
0x73d: {  	v12 =	vld [tilespmem:s0+$0x8100];
	v13 =	vpop (erf)  }
0x73e: {  	v11 =	vadd.f32 v13, v11;
	v9 =	vmul.f32 $1.442695020e+00, v9;
	(erf) = vpow2.f32 v10  }
0x73f: {  	v10 =	vld [tilespmem:s0+$0x8110];
	v13 =	vpop (erf)  }
0x740: {  	v11 =	vadd.f32 v13, v11;
	v8 =	vmul.f32 $1.442695020e+00, v8;
	(erf) = vpow2.f32 v9  }
0x741: {  	v9 =	vld [tilespmem:s0+$0x8120];
	v13 =	vpop (erf)  }
0x742: {  	v12 =	vmul.f32 $1.442695020e+00, v12;
	v11 =	vadd.f32 v13, v11;
	(erf) = vpow2.f32 v8  }
0x743: {  	v8 =	vld [tilespmem:s0+$0x8130];
	v13 =	vpop (erf)  }
0x744: {  	v10 =	vmul.f32 $1.442695020e+00, v10;
	(erf) = vpow2.f32 v12;
	v11 =	vadd.f32 v13, v11  }
0x745: {  	v12 =	vld [tilespmem:s0+$0x8140];
	v13 =	vpop (erf)  }
0x746: {  	v9 =	vmul.f32 $1.442695020e+00, v9;
	(erf) = vpow2.f32 v10;
	v10 =	vadd.f32 v13, v11  }
0x747: {  	v11 =	vld [tilespmem:s0+$0x8150];
	v13 =	vpop (erf)  }
0x748: {  	v8 =	vmul.f32 $1.442695020e+00, v8;
	(erf) = vpow2.f32 v9;
	v9 =	vadd.f32 v13, v10  }
0x749: {  	v10 =	vld [tilespmem:s0+$0x8160];
	v13 =	vpop (erf)  }
0x74a: {  	v12 =	vmul.f32 $1.442695020e+00, v12;
	(erf) = vpow2.f32 v8;
	v8 =	vadd.f32 v13, v9  }
0x74b: {  	v9 =	vld [tilespmem:s0+$0x8170];
	v13 =	vpop (erf)  }
0x74c: {  	v11 =	vmul.f32 $1.442695020e+00, v11;
	(erf) = vpow2.f32 v12;
	v8 =	vadd.f32 v13, v8  }
0x74d: {  	v12 =	vld [tilespmem:s0+$0x8300];
	v13 =	vpop (erf)  }
0x74e: {  	v10 =	vmul.f32 $1.442695020e+00, v10;
	(erf) = vpow2.f32 v11;
	v8 =	vadd.f32 v13, v8  }
0x74f: {  	v11 =	vld [tilespmem:s0+$0x8310];
	v13 =	vpop (erf)  }
0x750: {  	v9 =	vmul.f32 $1.442695020e+00, v9;
	(erf) = vpow2.f32 v10;
	v8 =	vadd.f32 v13, v8  }
0x751: {  	v10 =	vld [tilespmem:s0+$0x8320];
	v13 =	vpop (erf)  }
0x752: {  	v12 =	vmul.f32 $1.442695020e+00, v12;
	(erf) = vpow2.f32 v9;
	v8 =	vadd.f32 v13, v8  }
0x753: {  	v9 =	vld [tilespmem:s0+$0x8330];
	v13 =	vpop (erf)  }
0x754: {  	v11 =	vmul.f32 $1.442695020e+00, v11;
	(erf) = vpow2.f32 v12;
	v12 =	vld [tilespmem:s0+$0x8340];
	v8 =	vadd.f32 v13, v8  }
0x755: {  	v13 =	vpop (erf)  }
0x756: {  	v10 =	vmul.f32 $1.442695020e+00, v10;
	(erf) = vpow2.f32 v11;
	v11 =	vld [tilespmem:s0+$0x8350];
	v8 =	vadd.f32 v13, v8  }
0x757: {  	v13 =	vpop (erf)  }
0x758: {  	v9 =	vmul.f32 $1.442695020e+00, v9;
	(erf) = vpow2.f32 v10;
	v10 =	vld [tilespmem:s0+$0x8360];
	v8 =	vadd.f32 v13, v8  }
0x759: {  	v12 =	vmul.f32 $1.442695020e+00, v12;
	v13 =	vpop (erf)  }
0x75a: {  	(erf) = vpow2.f32 v9;
	v9 =	vld [tilespmem:s0+$0x8370];
	v8 =	vadd.f32 v13, v8  }
0x75b: {  	v11 =	vmul.f32 $1.442695020e+00, v11;
	v13 =	vpop (erf)  }
0x75c: {  	(erf) = vpow2.f32 v12;
	v8 =	vadd.f32 v13, v8  }
0x75d: {  	v12 =	vpop (erf);
	v10 =	vmul.f32 $1.442695020e+00, v10  }
0x75e: {  	(erf) = vpow2.f32 v11;
	v8 =	vadd.f32 v12, v8  }
0x75f: {  	v11 =	vpop (erf);
	v9 =	vmul.f32 $1.442695020e+00, v9  }
0x760: {  	(erf) = vpow2.f32 v10;
	v8 =	vadd.f32 v11, v8  }
0x761: {  	v10 =	vpop (erf)  }
0x762: {  	(erf) = vpow2.f32 v9;
	v8 =	vadd.f32 v10, v8  }
0x763: {  	v9 =	vpop (erf)  }
0x764: {  	v8 =	vadd.f32 v9, v8  }
0x765: {  	v9 =	vpop (erf)  }
0x766: {  	v8 =	vadd.f32 v9, v8  }
0x767: {  	v9 =	vpop (erf)  }
0x768: {  	v8 =	vadd.f32 v9, v8  }
0x769: {  	v9 =	vpop (erf)  }
0x76a: {  	v8 =	vadd.f32 v9, v8  }
0x76b: {  	v9 =	vpop (erf)  }
0x76c: {  	v8 =	vadd.f32 v9, v8;
	_ =	sdelay $0x1  }
0x76d: {  	s2 =	simm.s32 $0x0;
	[tilespmem:s28+$0x12260] =	vst v8  }
0x76e: {  	v8 =	vld [tilespmem:s2+$0x8180]  }
0x76f: {  	v9 =	vld [tilespmem:s2+$0x8190];
	_ =	sdelay $0x1  }
0x770: {  	v10 =	vld [tilespmem:s2+$0x81A0];
	_ =	sdelay $0x1  }
0x771: {  	v11 =	vld [tilespmem:s2+$0x81B0];
	v8 =	vmul.f32 $1.442695020e+00, v8  }
0x772: {  	v9 =	vmul.f32 $1.442695020e+00, v9  }
0x773: {  	(erf) = vpow2.f32 v8;
	v8 =	vld [tilespmem:s2+$0x81C0]  }
0x774: {  	v10 =	vmul.f32 $1.442695020e+00, v10;
	(erf) = vpow2.f32 v9;
	v9 =	vld [tilespmem:s2+$0x81D0];
	_ =	sdelay $0x1  }
0x775: {  	v11 =	vmul.f32 $1.442695020e+00, v11;
	(erf) = vpow2.f32 v10;
	v10 =	vld [tilespmem:s2+$0x81E0];
	_ =	sdelay $0x1  }
0x776: {  	(erf) = vpow2.f32 v11  }
0x777: {  	(v2sf) =	vpush v4, $0xE;
	v8 =	vmul.f32 $1.442695020e+00, v8;
	v9 =	vmul.f32 $1.442695020e+00, v9  }
0x778: {  	v11 =	vld [tilespmem:s2+$0x81F0]  }
0x779: {  	(erf) = vpow2.f32 v8;
	v10 =	vmul.f32 $1.442695020e+00, v10  }
0x77a: {  	v8 =	vimm.f32 $0.0e+00;
	(erf) = vpow2.f32 v9;
	v12 =	vpop (erf)  }
0x77b: {  	v8 =	vadd.f32 v12, v8;
	v9 =	vpop (erf);
	(erf) = vpow2.f32 v10;
	v10 =	vld [tilespmem:s2+$0x8380];
	_ =	sdelay $0x1  }
0x77c: {  	v12 =	vld [tilespmem:s2+$0x8390];
	v8 =	vadd.f32 v9, v8;
	v9 =	vmul.f32 $1.442695020e+00, v11  }
0x77d: {  	v11 =	vpop (erf)  }
0x77e: {  	v8 =	vadd.f32 v11, v8;
	(erf) = vpow2.f32 v9;
	v9 =	vld [tilespmem:s2+$0x83A0]  }
0x77f: {  	v11 =	vpop (erf);
	v10 =	vmul.f32 $1.442695020e+00, v10  }
0x780: {  	v13 =	vld [tilespmem:s2+$0x83B0];
	v8 =	vadd.f32 v11, v8  }
0x781: {  	v12 =	vmul.f32 $1.442695020e+00, v12;
	v14 =	vpop (erf);
	(erf) = vpow2.f32 v10  }
0x782: {  	v11 =	vld [tilespmem:s2+$0x83C0];
	v8 =	vadd.f32 v14, v8  }
0x783: {  	v15 =	vpop (erf);
	(erf) = vpow2.f32 v12;
	v9 =	vmul.f32 $1.442695020e+00, v9  }
0x784: {  	v14 =	vld [tilespmem:s2+$0x83D0];
	v10 =	vadd.f32 v15, v8  }
0x785: {  	s0 =	spop (v2sf);
	v12 =	vmul.f32 $1.442695020e+00, v13;
	v13 =	vpop (erf);
	(erf) = vpow2.f32 v9  }
0x786: {  	s4 =	sshll.u32 s0, $0x2;
	v13 =	vadd.f32 v13, v10;
	v10 =	vld [tilespmem:s2+$0x83E0]  }
0x787: {  	s5 =	sand.u32 $0x70, s0;
	s4 =	sand.u32 $0xFFFFFE00, s4;
	v15 =	vmul.f32 $1.442695020e+00, v11;
	(erf) = vpow2.f32 v12  }
0x788: {  	s4 =	sor.u32 s5, s4;
	v9 =	vld [tilespmem:s2+$0x83F0];
	v11 =	vpop (erf)  }
0x789: {  	s12 =	rddreg [dreg:$0x6];
	v8 =	vld [tilespmem:s4+$0x8100];
	s4 =	simm.s32 $0x2000;
	s2 =	simm.s32 $0x400;
	(erf) = vpow2.f32 v15;
	v12 =	vadd.f32 v11, v13;
	v11 =	vmul.f32 $1.442695020e+00, v14  }
.LBB2_33:
0x78a: {  	p0 =	sne.s32 s4, $0x1F000;
	v13 =	vld [tilespmem:s2+$0x8180];
	v14 =	vpop (erf)  }
0x78b: {  	v12 =	vadd.f32 v14, v12;
	v10 =	vmul.f32 $1.442695020e+00, v10;
	(erf) = vpow2.f32 v11  }
0x78c: {  	v11 =	vld [tilespmem:s2+$0x8190];
	v14 =	vpop (erf)  }
0x78d: {  	v12 =	vadd.f32 v14, v12;
	v9 =	vmul.f32 $1.442695020e+00, v9;
	(erf) = vpow2.f32 v10  }
0x78e: {  	v10 =	vld [tilespmem:s2+$0x81A0];
	v14 =	vpop (erf)  }
0x78f: {  	v13 =	vmul.f32 $1.442695020e+00, v13;
	v12 =	vadd.f32 v14, v12;
	(erf) = vpow2.f32 v9  }
0x790: {  	v9 =	vld [tilespmem:s2+$0x81B0];
	v14 =	vpop (erf)  }
0x791: {  	v11 =	vmul.f32 $1.442695020e+00, v11;
	(erf) = vpow2.f32 v13;
	v12 =	vadd.f32 v14, v12  }
0x792: {  	v13 =	vld [tilespmem:s2+$0x81C0];
	v14 =	vpop (erf)  }
0x793: {  	v10 =	vmul.f32 $1.442695020e+00, v10;
	(erf) = vpow2.f32 v11;
	v11 =	vadd.f32 v14, v12  }
0x794: {  	v12 =	vld [tilespmem:s2+$0x81D0];
	v14 =	vpop (erf)  }
0x795: {  	v9 =	vmul.f32 $1.442695020e+00, v9;
	(erf) = vpow2.f32 v10;
	v10 =	vadd.f32 v14, v11  }
0x796: {  	v11 =	vld [tilespmem:s2+$0x81E0];
	v14 =	vpop (erf)  }
0x797: {  	v13 =	vmul.f32 $1.442695020e+00, v13;
	(erf) = vpow2.f32 v9;
	v9 =	vadd.f32 v14, v10  }
0x798: {  	v10 =	vld [tilespmem:s2+$0x81F0];
	v14 =	vpop (erf)  }
0x799: {  	v12 =	vmul.f32 $1.442695020e+00, v12;
	(erf) = vpow2.f32 v13;
	v9 =	vadd.f32 v14, v9  }
0x79a: {  	v13 =	vld [tilespmem:s2+$0x8380];
	v14 =	vpop (erf)  }
0x79b: {  	v9 =	vadd.f32 v14, v9;
	v11 =	vmul.f32 $1.442695020e+00, v11;
	(erf) = vpow2.f32 v12  }
0x79c: {  	v12 =	vld [tilespmem:s2+$0x8390];
	v14 =	vpop (erf)  }
0x79d: {  	v9 =	vadd.f32 v14, v9;
	v10 =	vmul.f32 $1.442695020e+00, v10;
	(erf) = vpow2.f32 v11  }
0x79e: {  	v11 =	vld [tilespmem:s2+$0x83A0];
	v14 =	vpop (erf)  }
0x79f: {  	v9 =	vadd.f32 v14, v9;
	v13 =	vmul.f32 $1.442695020e+00, v13;
	(erf) = vpow2.f32 v10  }
0x7a0: {  	v10 =	vld [tilespmem:s2+$0x83B0];
	v14 =	vpop (erf)  }
0x7a1: {  	v9 =	vadd.f32 v14, v9;
	v15 =	vmul.f32 $1.442695020e+00, v12;
	(erf) = vpow2.f32 v13  }
0x7a2: {  	v13 =	vld [tilespmem:s2+$0x83C0];
	v14 =	vpop (erf)  }
0x7a3: {  	v9 =	vadd.f32 v14, v9;
	v16 =	vmul.f32 $1.442695020e+00, v11;
	(erf) = vpow2.f32 v15  }
0x7a4: {  	v14 =	vld [tilespmem:s2+$0x83D0];
	v12 =	vpop (erf)  }
.Ltmp15:
0x7a5: {  	v9 =	vadd.f32 v12, v9;
	v15 =	vmul.f32 $1.442695020e+00, v10;
	(erf) = vpow2.f32 v16;
	(pc) =	sbr.rel @p0 .LBB2_33-.Ltmp15, $4  }
0x7a6: {  	v10 =	vld [tilespmem:s2+$0x83E0];
	v11 =	vpop (erf)  }
0x7a7: {  	v11 =	vadd.f32 v11, v9;
	v13 =	vmul.f32 $1.442695020e+00, v13;
	(erf) = vpow2.f32 v15  }
0x7a8: {  	v9 =	vld [tilespmem:s2+$0x83F0];
	v12 =	vpop (erf)  }
0x7a9: {  	s2 =	sshra.s32 s4, $0x2;
	s4 =	sadd.s32 $0x1000, s4;
	v12 =	vadd.f32 v12, v11;
	v11 =	vmul.f32 $1.442695020e+00, v14;
	(erf) = vpow2.f32 v13  }
0x7aa: {  	v13 =	vld [tilespmem:s2+$0x8180];
	v14 =	vpop (erf)  }
0x7ab: {  	v12 =	vadd.f32 v14, v12;
	v10 =	vmul.f32 $1.442695020e+00, v10;
	(erf) = vpow2.f32 v11  }
0x7ac: {  	v62 =	vld [tilespmem:s2+$0x8190];
	v63 =	vpop (erf)  }
0x7ad: {  	v12 =	vadd.f32 v63, v12;
	v9 =	vmul.f32 $1.442695020e+00, v9;
	(erf) = vpow2.f32 v10  }
0x7ae: {  	v16 =	vld [tilespmem:s2+$0x81A0];
	v17 =	vpop (erf)  }
0x7af: {  	v13 =	vmul.f32 $1.442695020e+00, v13;
	v12 =	vadd.f32 v17, v12;
	(erf) = vpow2.f32 v9  }
0x7b0: {  	v18 =	vld [tilespmem:s2+$0x81B0];
	v19 =	vpop (erf)  }
0x7b1: {  	v11 =	vmul.f32 $1.442695020e+00, v62;
	(erf) = vpow2.f32 v13;
	v12 =	vadd.f32 v19, v12  }
0x7b2: {  	v20 =	vld [tilespmem:s2+$0x81C0];
	v21 =	vpop (erf)  }
0x7b3: {  	v10 =	vmul.f32 $1.442695020e+00, v16;
	(erf) = vpow2.f32 v11;
	v22 =	vadd.f32 v21, v12  }
0x7b4: {  	v23 =	vld [tilespmem:s2+$0x81D0];
	v24 =	vpop (erf)  }
0x7b5: {  	v9 =	vmul.f32 $1.442695020e+00, v18;
	(erf) = vpow2.f32 v10;
	v25 =	vadd.f32 v24, v22  }
0x7b6: {  	v26 =	vld [tilespmem:s2+$0x81E0];
	v27 =	vpop (erf)  }
0x7b7: {  	v13 =	vmul.f32 $1.442695020e+00, v20;
	(erf) = vpow2.f32 v9;
	v28 =	vadd.f32 v27, v25  }
0x7b8: {  	v29 =	vld [tilespmem:s2+$0x81F0];
	v30 =	vpop (erf)  }
0x7b9: {  	v12 =	vmul.f32 $1.442695020e+00, v23;
	(erf) = vpow2.f32 v13;
	v9 =	vadd.f32 v30, v28  }
0x7ba: {  	v32 =	vld [tilespmem:s2+$0x8380];
	v31 =	vpop (erf)  }
0x7bb: {  	v11 =	vmul.f32 $1.442695020e+00, v26;
	(erf) = vpow2.f32 v12;
	v9 =	vadd.f32 v31, v9  }
0x7bc: {  	v34 =	vld [tilespmem:s2+$0x8390];
	v33 =	vpop (erf)  }
0x7bd: {  	v10 =	vmul.f32 $1.442695020e+00, v29;
	(erf) = vpow2.f32 v11;
	v9 =	vadd.f32 v33, v9  }
0x7be: {  	v36 =	vld [tilespmem:s2+$0x83A0];
	v35 =	vpop (erf)  }
0x7bf: {  	v37 =	vmul.f32 $1.442695020e+00, v32;
	(erf) = vpow2.f32 v10;
	v9 =	vadd.f32 v35, v9  }
0x7c0: {  	v39 =	vld [tilespmem:s2+$0x83B0];
	v38 =	vpop (erf)  }
0x7c1: {  	v40 =	vmul.f32 $1.442695020e+00, v34;
	(erf) = vpow2.f32 v37;
	v9 =	vadd.f32 v38, v9  }
0x7c2: {  	v42 =	vld [tilespmem:s2+$0x83C0];
	v41 =	vpop (erf)  }
0x7c3: {  	v43 =	vmul.f32 $1.442695020e+00, v36;
	(erf) = vpow2.f32 v40;
	v9 =	vadd.f32 v41, v9  }
0x7c4: {  	v45 =	vld [tilespmem:s2+$0x83D0];
	v44 =	vpop (erf)  }
0x7c5: {  	v46 =	vmul.f32 $1.442695020e+00, v39;
	(erf) = vpow2.f32 v43;
	v9 =	vadd.f32 v44, v9  }
0x7c6: {  	v48 =	vld [tilespmem:s2+$0x83E0];
	v47 =	vpop (erf)  }
0x7c7: {  	v49 =	vmul.f32 $1.442695020e+00, v42;
	(erf) = vpow2.f32 v46;
	v9 =	vadd.f32 v47, v9  }
0x7c8: {  	v51 =	vld [tilespmem:s2+$0x83F0];
	(v2sf) =	vpush v4, $0xF;
	v50 =	vpop (erf)  }
0x7c9: {  	v52 =	vmul.f32 $1.442695020e+00, v45;
	(erf) = vpow2.f32 v49;
	v9 =	vadd.f32 v50, v9  }
0x7ca: {  	v4 =	vpop (erf)  }
0x7cb: {  	v53 =	vmul.f32 $1.442695020e+00, v48;
	(erf) = vpow2.f32 v52;
	v4 =	vadd.f32 v4, v9  }
0x7cc: {  	v54 =	vpop (erf)  }
0x7cd: {  	v55 =	vmul.f32 $1.442695020e+00, v51;
	(erf) = vpow2.f32 v53;
	v4 =	vadd.f32 v54, v4  }
0x7ce: {  	v56 =	vpop (erf)  }
0x7cf: {  	(erf) = vpow2.f32 v55;
	v4 =	vadd.f32 v56, v4  }
0x7d0: {  	v57 =	vpop (erf)  }
0x7d1: {  	v4 =	vadd.f32 v57, v4  }
0x7d2: {  	v58 =	vpop (erf)  }
0x7d3: {  	v4 =	vadd.f32 v58, v4  }
0x7d4: {  	v59 =	vpop (erf)  }
0x7d5: {  	v4 =	vadd.f32 v59, v4  }
0x7d6: {  	v60 =	vpop (erf)  }
0x7d7: {  	v4 =	vadd.f32 v60, v4  }
0x7d8: {  	s1 =	sand.u32 $0xF, s1;
	s22 =	spop (v2sf);
	v61 =	vpop (erf)  }
0x7d9: {  	v62 =	vmov s1;
	s26 =	sshll.u32 s22, $0x2;
	v4 =	vadd.f32 v61, v4  }
0x7da: {  	s3 =	sand.u32 $0xF, s3;
	vm1 =	veq.s32 v62, v0;
	s4 =	sand.u32 $0x70, s22;
	s1 =	sand.u32 $0xFFFFFE00, s26  }
0x7db: {  	v63 =	vmov s3;
	v6 =	vnsel vm1, $0x0, v6;
	s1 =	sor.u32 s4, s1;
	[tilespmem:s28+$0x12270] =	vst v4  }
0x7dc: {  	s0 =	sand.u32 $0xF, s0;
	s29 =	sadd.s32 $0x1, s29;
	vm1 =	veq.s32 v63, v0;
	v4 =	vadd.f32 v6, v5;
	v5 =	vld [tilespmem:s1+$0x8180]  }
0x7dd: {  	p0 =	sne.s32 s29, $0x10;
	v6 =	vnsel vm1, $0x0, v7;
	v7 =	vmov s0  }
.Ltmp16:
0x7de: {  	s31 =	sand.u32 $0xF, s22;
	vm1 =	veq.s32 v7, v0;
	v4 =	vadd.f32 v6, v4;
	(pc) =	sbr.rel @p0 .LBB2_2-.Ltmp16, $4  }
0x7df: {  	v7 =	vmov s31;
	v6 =	vnsel vm1, $0x0, v8  }
0x7e0: {  	_ =	swait.ge [sflag:s14], $0x8000;
	vm1 =	veq.s32 v7, v0;
	v4 =	vadd.f32 v6, v4  }
0x7e1: {  	[sflag:s14] =	ssyncset.done $0x0;
	v5 =	vnsel vm1, $0x0, v5  }
0x7e2: {  	[sflag:s14] =	ssyncadd.s32 $0xFFFF8000;
	v5 =	vadd.f32 v5, v4  }
0x7e3: {  	s22 =	simm.s32 $0x0  }
0x7e4: {  	s0 =	rddreg [dreg:$0x8];
	s1 =	simm.s32 $0x12100;
	s2 =	simm.s32 $0x5;
	[tilespmem:$0x12100] =	vst v5  }
0x7e5: {  	[hbm4b:s0+s22] =	stream.linear.scatter [tilespmem:s1], [sflag:$0x5], $0x10, $0x38;
	[tilespmem:$0x13180] =	vst v63  }
0x7e6: {  	_ =	swait.ge [sflag:s2], $0x10  }
0x7e7: {  	[sflag:s2] =	ssyncset.done $0x0  }
0x7e8: {  	s28 =	simm.s32 $0x12180;
	s26 =	rddreg [dreg:$0x9];
	[sflag:s2] =	ssyncadd.s32 $0xFFFFFFF0  }
0x7e9: {  	[hbm4b:s26+s22] =	stream.linear.scatter [tilespmem:s28], [sflag:$0x5], $0x1000, $0x38;
	[tilespmem:$0x13180] =	vst v63  }
0x7ea: {  	_ =	swait.ge [sflag:s2], $0x1000  }
0x7eb: {  	s29 =	rddreg [dreg:$0xd]  }
0x7ec: {  	s31 =	rddreg [dreg:$0xa];
	s1 =	sadd.s32 $0x1, s29  }
0x7ed: {  	p0 =	sne.s32 s1, s31  }
.Ltmp17:
0x7ee: {  	_ = 	snop;
	(pc) =	sbr.rel @p0 .LBB2_1-.Ltmp17, $3  }
0x7ef: {  	_ =	sdelay $0x1  }
0x7f0: {  	[sflag:s2] =	ssyncset.done $0x0  }
0x7f1: {  	[sflag:s2] =	ssyncadd.s32 $0xFFFFF000  }
0x7f2: {  	_ =	sfence.sel $0x180000  }
0x7f3: {  	[bflag:$0x0] =	sbarrier.arrive $0xFFFF  }
0x7f4: {  	_ =	strace $0x90000047  }
0x7f5: {  	s0 =	stileid.u32;
	[bflag:$0x2] =	sbarrier.arrive $0xFFFF  }
0x7f6: {  	p0 =	sne.s32 s0, $0x0;
	s0 =	rddreg [dreg:$0x3]  }
0x7f7: {  	s0 =	sadd.s32 @!p0 $0x100000, s0  }
0x7f8: {  	[sflag:s0] =	ssyncadd.tile.s32 @!p0 $0x1;
	_ =	shalt  }
.Lfunc_end2:
_tile_overlayer_lowered:
.L_overlay_start_2:
0x7f9: {  	(tag) =	ssettag $0x2  }
0x7fa: {  	s0 =	rddreg [dreg:$0x0];
	s2 =	stileid.u32  }
0x7fb: {  	s1 =	rddreg [dreg:$0x1];
	p0 =	sne.s32 s2, $0x0  }
0x7fc: {  	s3 =	rddreg [dreg:$0x2];
	[bflag:$0x3] =	sbarrier.arrive $0xFFFF;
	s2 =	simm.s32 @!p0 $0x1C05  }
0x7fd: {  	[timem:s3], [sflag:s2] =	dma.local @!p0 [hbm:s0], s1  }
0x7fe: {  	s0 =	simm.s32 @!p0 $0x5  }
0x7ff: {  	_ =	swait.ge @!p0 [sflag:s0], s1  }
0x800: {  	s1 =	ssub.s32 @!p0 $0x0, s1;
	[sflag:s0] =	ssyncset.done @!p0 $0x0  }
0x801: {  	[sflag:s0] =	ssyncadd.s32 @!p0 s1  }
0x802: {  	[bflag:$0x3] =	sbarrier.arrive $0xFFFF  }
0x803: {  	_ =	shalt  }

</sc_bundles>
